<compile_context>
chip_gen: v7x
topology: tpu7x:2x2x1
jax: 0.10.2.dev20260603
libtpu: 0.0.44.dev20260713+nightly
codegen_flags: <defaults>
</compile_context>

<pallas_src>
import functools

import jax
import jax.numpy as jnp
from jax import lax
from jax.experimental import pallas as pl
from jax.experimental.pallas import tpu as pltpu
from jax.experimental.pallas import tpu_sc as plsc

_N = 10000
_E = 320000
_D = 128
_G = 64

_NC = 2
_NS = 16
_NW = _NC * _NS
_EPT = _E // _NW
_CHUNK = 80
_NCHUNK = _EPT // _CHUNK
_WROWS = 80
_NWCH = _N // _WROWS


_NBUF = 4
_NIDX = 8


def _segment_sum_sc(x, src, dst):
    d = x.shape[1]
    mesh = plsc.VectorSubcoreMesh(core_axis_name="c", subcore_axis_name="s")

    @functools.partial(
        pl.kernel,
        out_type=jax.ShapeDtypeStruct((_NC, _N, d), jnp.float32),
        mesh=mesh,
        scratch_types=[
            pltpu.VMEM((_NIDX * _CHUNK,), jnp.int32),
            pltpu.VMEM((_NIDX * 8, _CHUNK), jnp.int32),
            [pltpu.VMEM((_CHUNK, d), jnp.float32) for _ in range(_NBUF)],
            pltpu.VMEM_SHARED((_N, d), jnp.float32),
            [pltpu.SemaphoreType.DMA for _ in range(_NIDX + 2 * _NBUF)],
        ],
    )
    def k(x_hbm, src_hbm, dst_hbm, out_hbm, sidx, didx, rows, acc, sems):
        c = lax.axis_index("c")
        s = lax.axis_index("s")
        wid = c * _NS + s
        isem = sems[:_NIDX]
        gsem = sems[_NIDX:_NIDX + _NBUF]
        ssem = sems[_NIDX + _NBUF:]

        zero = jnp.zeros((16,), jnp.float32)

        def zrow(r, carry):
            for j in range(d // 16):
                rows[2][r, pl.ds(j * 16, 16)] = zero
            return carry

        lax.fori_loop(0, _CHUNK, zrow, 0)

        def idx_start(j, ib):
            pltpu.async_copy(
                src_hbm.at[wid, j, 0],
                sidx.at[pl.ds(ib * _CHUNK, _CHUNK)], isem[ib])
            pltpu.async_copy(dst_hbm.at[wid, j, 0], didx.at[8 * ib],
                             isem[ib])

        def idx_wait(j, ib):
            pltpu.make_async_copy(
                src_hbm.at[wid, j, 0],
                sidx.at[pl.ds(ib * _CHUNK, _CHUNK)], isem[ib]).wait()
            pltpu.make_async_copy(
                dst_hbm.at[wid, j, 0], didx.at[8 * ib], isem[ib]).wait()

        def gather_start(b, ib):
            pltpu.async_copy(
                x_hbm.at[sidx.at[pl.ds(ib * _CHUNK, _CHUNK)]], rows[b],
                gsem[b])

        def gather_wait(b, ib):
            pltpu.make_async_copy(
                x_hbm.at[sidx.at[pl.ds(ib * _CHUNK, _CHUNK)]], rows[b],
                gsem[b]).wait()

        def scatter_start(b, ib):
            pltpu.async_copy(rows[b], acc.at[didx.at[8 * ib]], ssem[b],
                             add=True)

        def scatter_wait(b, ib):
            pltpu.make_async_copy(rows[b], acc.at[didx.at[8 * ib]],
                                  ssem[b]).wait()

        def emit(j, b, ib, swait_prev=True, idx_pf=True, g_pf=True):
            gather_wait(b, ib)
            scatter_start(b, ib)
            if swait_prev:
                scatter_wait((b + 2) % _NBUF, (ib + _NIDX - 2) % _NIDX)
            if idx_pf:
                idx_start(j + 3, (ib + 3) % _NIDX)
            if g_pf:
                idx_wait(j + 2, (ib + 2) % _NIDX)
                gather_start((b + 2) % _NBUF, (ib + 2) % _NIDX)

        idx_start(0, 0)
        idx_start(1, 1)
        idx_start(2, 2)
        idx_wait(0, 0)
        gather_start(0, 0)
        idx_wait(1, 1)
        gather_start(1, 1)

        nz = jnp.where(s < _NWCH - _NS * (_NWCH // _NS),
                       _NWCH // _NS + 1, _NWCH // _NS)

        def zloop(i, carry):
            pltpu.sync_copy(
                rows[2], acc.at[pl.ds((s + i * _NS) * _CHUNK, _CHUNK)])
            return carry

        lax.fori_loop(0, nz, zloop, 0)
        plsc.subcore_barrier()

        emit(0, 0, 0, swait_prev=False)
        emit(1, 1, 1, swait_prev=False)

        def body(kk, carry):
            j0 = 2 + 8 * kk
            for u in range(8):
                emit(j0 + u, (2 + u) % _NBUF, (2 + u) % _NIDX)
            return carry

        lax.fori_loop(0, (_NCHUNK - 5) // 8, body, 0)

        emit(_NCHUNK - 3, (_NCHUNK - 3) % _NBUF, (_NCHUNK - 3) % _NIDX,
             idx_pf=False)
        emit(_NCHUNK - 2, (_NCHUNK - 2) % _NBUF, (_NCHUNK - 2) % _NIDX,
             idx_pf=False, g_pf=False)
        emit(_NCHUNK - 1, (_NCHUNK - 1) % _NBUF, (_NCHUNK - 1) % _NIDX,
             idx_pf=False, g_pf=False)
        scatter_wait((_NCHUNK - 2) % _NBUF, (_NCHUNK - 2) % _NIDX)
        scatter_wait((_NCHUNK - 1) % _NBUF, (_NCHUNK - 1) % _NIDX)
        plsc.subcore_barrier()

        def wloop(i, carry):
            r0 = (s + i * _NS) * _WROWS
            pltpu.sync_copy(
                acc.at[pl.ds(r0, _WROWS)],
                out_hbm.at[c, pl.ds(r0, _WROWS)],
            )
            return carry

        lax.fori_loop(0, nz, wloop, 0)

    return k(x, src, dst)


_BLK = 2000


def _combine_tc(x, p, w_root, w_nei, b):
    d = p.shape[2]
    h = w_root.shape[1]

    def body(x_ref, p_ref, wr_ref, wn_ref, b_ref, o_ref):
        agg = p_ref[0] + p_ref[1]
        acc = jnp.dot(x_ref[...], wr_ref[...],
                      preferred_element_type=jnp.float32)
        acc = acc + jnp.dot(agg, wn_ref[...],
                            preferred_element_type=jnp.float32)
        o_ref[...] = jnp.maximum(acc + b_ref[...], 0.0)

    return pl.pallas_call(
        body,
        grid=(_N // _BLK,),
        in_specs=[
            pl.BlockSpec((_BLK, d), lambda i: (i, 0)),
            pl.BlockSpec((_NC, _BLK, d), lambda i: (0, i, 0)),
            pl.BlockSpec((d, h), lambda i: (0, 0)),
            pl.BlockSpec((d, h), lambda i: (0, 0)),
            pl.BlockSpec((1, h), lambda i: (0, 0)),
        ],
        out_specs=pl.BlockSpec((_BLK, h), lambda i: (i, 0)),
        out_shape=jax.ShapeDtypeStruct((_N, h), jnp.float32),
    )(x, p, w_root, w_nei, b.reshape(1, h))


def _combine2_pool_tc(x, p, w_root, w_nei, b, batch):
    d = p.shape[2]
    h = w_root.shape[1]
    nblk = _N // _BLK

    def body(x_ref, p_ref, wr_ref, wn_ref, b_ref, bat_ref, o_ref,
             acc_ref, cnt_ref):
        i = pl.program_id(0)
        agg = p_ref[0] + p_ref[1]
        hh = jnp.dot(x_ref[...], wr_ref[...],
                     preferred_element_type=jnp.float32)
        hh = hh + jnp.dot(agg, wn_ref[...],
                          preferred_element_type=jnp.float32)
        hh = jnp.maximum(hh + b_ref[...], 0.0)

        onehot = (bat_ref[...] ==
                  lax.broadcasted_iota(jnp.int32, (_BLK, _G), 1)
                  ).astype(jnp.float32)
        part = lax.dot_general(onehot, hh, (((0,), (0,)), ((), ())),
                               preferred_element_type=jnp.float32)
        ones = jnp.ones((_BLK, h), jnp.float32)
        pcnt = lax.dot_general(onehot, ones, (((0,), (0,)), ((), ())),
                               preferred_element_type=jnp.float32)

        @pl.when(i == 0)
        def _():
            acc_ref[...] = jnp.zeros_like(acc_ref)
            cnt_ref[...] = jnp.zeros_like(cnt_ref)

        acc_ref[...] += part
        cnt_ref[...] += pcnt

        @pl.when(i == nblk - 1)
        def _():
            o_ref[...] = acc_ref[...] / jnp.maximum(cnt_ref[...], 1.0)

    return pl.pallas_call(
        body,
        grid=(nblk,),
        in_specs=[
            pl.BlockSpec((_BLK, d), lambda i: (i, 0)),
            pl.BlockSpec((_NC, _BLK, d), lambda i: (0, i, 0)),
            pl.BlockSpec((d, h), lambda i: (0, 0)),
            pl.BlockSpec((d, h), lambda i: (0, 0)),
            pl.BlockSpec((1, h), lambda i: (0, 0)),
            pl.BlockSpec((_BLK, 1), lambda i: (i, 0)),
        ],
        out_specs=pl.BlockSpec((_G, h), lambda i: (0, 0)),
        out_shape=jax.ShapeDtypeStruct((_G, h), jnp.float32),
        scratch_shapes=[
            pltpu.VMEM((_G, h), jnp.float32),
            pltpu.VMEM((_G, h), jnp.float32),
        ],
    )(x, p, w_root, w_nei, b.reshape(1, h), batch.reshape(_N, 1))


def kernel(x, edge_index, batch, W1_root, W1_nei, b1, W2_root, W2_nei, b2):
    src = edge_index[0].reshape(_NW, _NCHUNK, 1, _CHUNK)
    dst = edge_index[1].reshape(_NW, _NCHUNK, 1, _CHUNK)
    p1 = _segment_sum_sc(x, src, dst)
    h = _combine_tc(x, p1, W1_root, W1_nei, b1)
    p2 = _segment_sum_sc(h, src, dst)
    return _combine2_pool_tc(h, p2, W2_root, W2_nei, b2, batch)

# --- scband reference (transcript-rebuilt; emitter-appended) ---
"""Pipeline reference for scband-node-convolution-13151189860864 (READ-ONLY COPY).

The authoritative reference and input builder live on the scoring server;
editing this copy changes nothing except your own understanding.
"""

import jax, jax.numpy as jnp
import numpy as np

N = 10000
E = 320000
D = 128
H = 128
G = 64


def setup_inputs(seed: int = 0) -> dict:
    key = jax.random.key(seed)
    ks = jax.random.split(key, 10)
    x = jax.random.normal(ks[0], (N, D), dtype=jnp.float32)
    edge_index = jax.random.randint(ks[1], (2, E), 0, N, dtype=jnp.int32)
    batch = jnp.sort(jax.random.randint(ks[2], (N,), 0, G, dtype=jnp.int32))
    # GraphConv layer 1: out_i = x_i @ W_root + (sum_{j->i} x_j) @ W_nei + b
    W1_root = jax.random.normal(ks[3], (D, H), dtype=jnp.float32) * 0.05
    W1_nei = jax.random.normal(ks[4], (D, H), dtype=jnp.float32) * 0.05
    b1 = jnp.zeros((H,), dtype=jnp.float32)
    # GraphConv layer 2
    W2_root = jax.random.normal(ks[5], (H, H), dtype=jnp.float32) * 0.05
    W2_nei = jax.random.normal(ks[6], (H, H), dtype=jnp.float32) * 0.05
    b2 = jnp.zeros((H,), dtype=jnp.float32)
    return {"x": x, "edge_index": edge_index, "batch": batch,
            "W1_root": W1_root, "W1_nei": W1_nei, "b1": b1,
            "W2_root": W2_root, "W2_nei": W2_nei, "b2": b2}


def reference(x, edge_index, batch, W1_root, W1_nei, b1, W2_root, W2_nei, b2):
    src = edge_index[0]
    dst = edge_index[1]
    # Layer 1: GraphConv (add aggregation), then ReLU
    agg1 = jax.ops.segment_sum(x[src], dst, num_segments=N)
    h = x @ W1_root + agg1 @ W1_nei + b1
    h = jax.nn.relu(h)
    # Layer 2: GraphConv, then ReLU (use_dropout=False)
    agg2 = jax.ops.segment_sum(h[src], dst, num_segments=N)
    h = h @ W2_root + agg2 @ W2_nei + b2
    h = jax.nn.relu(h)
    # global_mean_pool over graphs in batch
    s = jax.ops.segment_sum(h, batch, num_segments=G)
    cnt = jax.ops.segment_sum(jnp.ones((N, 1), dtype=jnp.float32), batch, num_segments=G)
    out = s / jnp.maximum(cnt, 1.0)
    return out

if __name__ == "__main__":
    import jax
    _d = setup_inputs()
    print(jax.jit(kernel)(*tuple(_d.values())))

</pallas_src>

<mosaic_0001>
#map = affine_map<(d0, d1) -> (0, 0)>
#map1 = affine_map<(d0, d1) -> (0, 0, 0, 0)>
#map2 = affine_map<(d0, d1) -> (0, 0, 0)>
module attributes {stable_mosaic.version = 14 : i64} {
  func.func @k(%arg0: i32, %arg1: i32, %arg2: memref<10000x128xf32, #tpu.memory_space<hbm>>, %arg3: memref<32x125x1x80xi32, #tpu.memory_space<hbm>>, %arg4: memref<32x125x1x80xi32, #tpu.memory_space<hbm>>, %arg5: memref<2x10000x128xf32, #tpu.memory_space<hbm>>, %arg6: memref<640xi32, #tpu.memory_space<vmem>>, %arg7: memref<64x80xi32, #tpu.memory_space<vmem>>, %arg8: memref<80x128xf32, #tpu.memory_space<vmem>>, %arg9: memref<80x128xf32, #tpu.memory_space<vmem>>, %arg10: memref<80x128xf32, #tpu.memory_space<vmem>>, %arg11: memref<80x128xf32, #tpu.memory_space<vmem>>, %arg12: memref<10000x128xf32, #tpu.memory_space<vmem_shared>>, %arg13: memref<!tpu.dma_semaphore, #tpu.memory_space<semaphore_mem>>, %arg14: memref<!tpu.dma_semaphore, #tpu.memory_space<semaphore_mem>>, %arg15: memref<!tpu.dma_semaphore, #tpu.memory_space<semaphore_mem>>, %arg16: memref<!tpu.dma_semaphore, #tpu.memory_space<semaphore_mem>>, %arg17: memref<!tpu.dma_semaphore, #tpu.memory_space<semaphore_mem>>, %arg18: memref<!tpu.dma_semaphore, #tpu.memory_space<semaphore_mem>>, %arg19: memref<!tpu.dma_semaphore, #tpu.memory_space<semaphore_mem>>, %arg20: memref<!tpu.dma_semaphore, #tpu.memory_space<semaphore_mem>>, %arg21: memref<!tpu.dma_semaphore, #tpu.memory_space<semaphore_mem>>, %arg22: memref<!tpu.dma_semaphore, #tpu.memory_space<semaphore_mem>>, %arg23: memref<!tpu.dma_semaphore, #tpu.memory_space<semaphore_mem>>, %arg24: memref<!tpu.dma_semaphore, #tpu.memory_space<semaphore_mem>>, %arg25: memref<!tpu.dma_semaphore, #tpu.memory_space<semaphore_mem>>, %arg26: memref<!tpu.dma_semaphore, #tpu.memory_space<semaphore_mem>>, %arg27: memref<!tpu.dma_semaphore, #tpu.memory_space<semaphore_mem>>, %arg28: memref<!tpu.dma_semaphore, #tpu.memory_space<semaphore_mem>>) attributes {dimension_semantics = [#tpu.dimension_semantics<core_parallel>, #tpu.dimension_semantics<subcore_parallel>], iteration_bounds = array<i64: 2, 16>, scalar_prefetch = 0 : i64, scratch_operands = 23 : i64, tpu.core_type = #tpu.core_type<sc_vector_subcore>, window_params = [{transform_indices = #map}, {transform_indices = #map1}, {transform_indices = #map1}, {transform_indices = #map2}]} {
    %mul3A = arith.constant 16 : i32
    %mul3A_0 = arith.muli %arg0, %mul3A : i32
    %add3A = arith.addi %mul3A_0, %arg1 : i32
    %broadcast_in_dim3A = arith.constant 0.000000e+00 : f32
    %broadcast_in_dim3A_1 = vector.broadcast %broadcast_in_dim3A : f32 to vector<16xf32>
    %scan3A = arith.constant 0 : i32
    %scan3A_2 = arith.constant 0 : i32
    %scan3A_3 = arith.constant 80 : i32
    %scan3A_4 = arith.addi %scan3A_2, %scan3A_3 : i32
    %scan3A_5 = arith.constant 1 : i32
    scf.for %scan3A_423 = %scan3A_2 to %scan3A_4 step %scan3A_5  : i32 {
      %swap3A = arith.index_cast %scan3A_423 : i32 to index
      %swap3A_424 = arith.constant 0 : index
      %swap3A_425 = tpu.vector_load %arg10[%swap3A, %swap3A_424] {strides = array<i32>} : memref<80x128xf32, #tpu.memory_space<vmem>>, vector<1x16xf32>,
      %swap3A_426 = vector.shape_cast %swap3A_425 : vector<1x16xf32> to vector<16xf32>
      %swap3A_427 = vector.shape_cast %broadcast_in_dim3A_1 : vector<16xf32> to vector<1x16xf32>
      tpu.vector_store %arg10[%swap3A, %swap3A_424], %swap3A_427 {strides = array<i32>} : memref<80x128xf32, #tpu.memory_space<vmem>>, vector<1x16xf32>,
      %swap3A_428 = arith.index_cast %scan3A_423 : i32 to index
      %swap3A_429 = arith.constant 16 : index
      %swap3A_430 = tpu.vector_load %arg10[%swap3A_428, %swap3A_429] {strides = array<i32>} : memref<80x128xf32, #tpu.memory_space<vmem>>, vector<1x16xf32>,
      %swap3A_431 = vector.shape_cast %swap3A_430 : vector<1x16xf32> to vector<16xf32>
      %swap3A_432 = vector.shape_cast %broadcast_in_dim3A_1 : vector<16xf32> to vector<1x16xf32>
      tpu.vector_store %arg10[%swap3A_428, %swap3A_429], %swap3A_432 {strides = array<i32>} : memref<80x128xf32, #tpu.memory_space<vmem>>, vector<1x16xf32>,
      %swap3A_433 = arith.index_cast %scan3A_423 : i32 to index
      %swap3A_434 = arith.constant 32 : index
      %swap3A_435 = tpu.vector_load %arg10[%swap3A_433, %swap3A_434] {strides = array<i32>} : memref<80x128xf32, #tpu.memory_space<vmem>>, vector<1x16xf32>,
      %swap3A_436 = vector.shape_cast %swap3A_435 : vector<1x16xf32> to vector<16xf32>
      %swap3A_437 = vector.shape_cast %broadcast_in_dim3A_1 : vector<16xf32> to vector<1x16xf32>
      tpu.vector_store %arg10[%swap3A_433, %swap3A_434], %swap3A_437 {strides = array<i32>} : memref<80x128xf32, #tpu.memory_space<vmem>>, vector<1x16xf32>,
      %swap3A_438 = arith.index_cast %scan3A_423 : i32 to index
      %swap3A_439 = arith.constant 48 : index
      %swap3A_440 = tpu.vector_load %arg10[%swap3A_438, %swap3A_439] {strides = array<i32>} : memref<80x128xf32, #tpu.memory_space<vmem>>, vector<1x16xf32>,
      %swap3A_441 = vector.shape_cast %swap3A_440 : vector<1x16xf32> to vector<16xf32>
      %swap3A_442 = vector.shape_cast %broadcast_in_dim3A_1 : vector<16xf32> to vector<1x16xf32>
      tpu.vector_store %arg10[%swap3A_438, %swap3A_439], %swap3A_442 {strides = array<i32>} : memref<80x128xf32, #tpu.memory_space<vmem>>, vector<1x16xf32>,
      %swap3A_443 = arith.index_cast %scan3A_423 : i32 to index
      %swap3A_444 = arith.constant 64 : index
      %swap3A_445 = tpu.vector_load %arg10[%swap3A_443, %swap3A_444] {strides = array<i32>} : memref<80x128xf32, #tpu.memory_space<vmem>>, vector<1x16xf32>,
      %swap3A_446 = vector.shape_cast %swap3A_445 : vector<1x16xf32> to vector<16xf32>
      %swap3A_447 = vector.shape_cast %broadcast_in_dim3A_1 : vector<16xf32> to vector<1x16xf32>
      tpu.vector_store %arg10[%swap3A_443, %swap3A_444], %swap3A_447 {strides = array<i32>} : memref<80x128xf32, #tpu.memory_space<vmem>>, vector<1x16xf32>,
      %swap3A_448 = arith.index_cast %scan3A_423 : i32 to index
      %swap3A_449 = arith.constant 80 : index
      %swap3A_450 = tpu.vector_load %arg10[%swap3A_448, %swap3A_449] {strides = array<i32>} : memref<80x128xf32, #tpu.memory_space<vmem>>, vector<1x16xf32>,
      %swap3A_451 = vector.shape_cast %swap3A_450 : vector<1x16xf32> to vector<16xf32>
      %swap3A_452 = vector.shape_cast %broadcast_in_dim3A_1 : vector<16xf32> to vector<1x16xf32>
      tpu.vector_store %arg10[%swap3A_448, %swap3A_449], %swap3A_452 {strides = array<i32>} : memref<80x128xf32, #tpu.memory_space<vmem>>, vector<1x16xf32>,
      %swap3A_453 = arith.index_cast %scan3A_423 : i32 to index
      %swap3A_454 = arith.constant 96 : index
      %swap3A_455 = tpu.vector_load %arg10[%swap3A_453, %swap3A_454] {strides = array<i32>} : memref<80x128xf32, #tpu.memory_space<vmem>>, vector<1x16xf32>,
      %swap3A_456 = vector.shape_cast %swap3A_455 : vector<1x16xf32> to vector<16xf32>
      %swap3A_457 = vector.shape_cast %broadcast_in_dim3A_1 : vector<16xf32> to vector<1x16xf32>
      tpu.vector_store %arg10[%swap3A_453, %swap3A_454], %swap3A_457 {strides = array<i32>} : memref<80x128xf32, #tpu.memory_space<vmem>>, vector<1x16xf32>,
      %swap3A_458 = arith.index_cast %scan3A_423 : i32 to index
      %swap3A_459 = arith.constant 112 : index
      %swap3A_460 = tpu.vector_load %arg10[%swap3A_458, %swap3A_459] {strides = array<i32>} : memref<80x128xf32, #tpu.memory_space<vmem>>, vector<1x16xf32>,
      %swap3A_461 = vector.shape_cast %swap3A_460 : vector<1x16xf32> to vector<16xf32>
      %swap3A_462 = vector.shape_cast %broadcast_in_dim3A_1 : vector<16xf32> to vector<1x16xf32>
      tpu.vector_store %arg10[%swap3A_458, %swap3A_459], %swap3A_462 {strides = array<i32>} : memref<80x128xf32, #tpu.memory_space<vmem>>, vector<1x16xf32>,
    }
    %scan3A_6 = arith.constant 80 : i32
    %dma_start3A = arith.constant 0 : i32
    %dma_start3A_7 = arith.constant 0 : i32
    %dma_start3A_8 = arith.constant 0 : i32
    %dma_start3A_9 = tpu.memref_slice %arg6[%dma_start3A_8] : memref<640xi32, #tpu.memory_space<vmem>> -> memref<80xi32, #tpu.memory_space<vmem>>
    %dma_start3A_10 = arith.constant 0 : i32
    %dma_start3A_11 = tpu.memref_slice %arg3[%add3A, %dma_start3A, %dma_start3A_7, %dma_start3A_10] : memref<32x125x1x80xi32, #tpu.memory_space<hbm>> -> memref<1x1x1x80xi32, #tpu.memory_space<hbm>>
    %dma_start3A_12 = tpu.memref_squeeze %dma_start3A_11 : memref<1x1x1x80xi32, #tpu.memory_space<hbm>> -> memref<80xi32, #tpu.memory_space<hbm>>
    %dma_start3A_13 = arith.constant 0 : i32
    %dma_start3A_14 = tpu.memref_slice %arg6[%dma_start3A_13] : memref<640xi32, #tpu.memory_space<vmem>> -> memref<80xi32, #tpu.memory_space<vmem>>
    %dma_start3A_15 = arith.constant 0 : i32
    %dma_start3A_16 = tpu.memref_slice %arg3[%add3A, %dma_start3A, %dma_start3A_7, %dma_start3A_15] : memref<32x125x1x80xi32, #tpu.memory_space<hbm>> -> memref<1x1x1x80xi32, #tpu.memory_space<hbm>>
    %dma_start3A_17 = tpu.memref_squeeze %dma_start3A_16 : memref<1x1x1x80xi32, #tpu.memory_space<hbm>> -> memref<80xi32, #tpu.memory_space<hbm>>
    tpu.enqueue_dma source(%dma_start3A_17 : memref<80xi32, #tpu.memory_space<hbm>>) target(%dma_start3A_14 : memref<80xi32, #tpu.memory_space<vmem>>) target_semaphore(%arg13 : memref<!tpu.dma_semaphore, #tpu.memory_space<semaphore_mem>>)
    %dma_start3A_18 = arith.constant 0 : i32
    %dma_start3A_19 = arith.constant 0 : i32
    %dma_start3A_20 = arith.constant 0 : i32
    %dma_start3A_21 = arith.constant 0 : i32
    %dma_start3A_22 = tpu.memref_slice %arg7[%dma_start3A_20, %dma_start3A_21] : memref<64x80xi32, #tpu.memory_space<vmem>> -> memref<1x80xi32, #tpu.memory_space<vmem>>
    %dma_start3A_23 = tpu.memref_squeeze %dma_start3A_22 : memref<1x80xi32, #tpu.memory_space<vmem>> -> memref<80xi32, #tpu.memory_space<vmem>>
    %dma_start3A_24 = arith.constant 0 : i32
    %dma_start3A_25 = tpu.memref_slice %arg4[%add3A, %dma_start3A_18, %dma_start3A_19, %dma_start3A_24] : memref<32x125x1x80xi32, #tpu.memory_space<hbm>> -> memref<1x1x1x80xi32, #tpu.memory_space<hbm>>
    %dma_start3A_26 = tpu.memref_squeeze %dma_start3A_25 : memref<1x1x1x80xi32, #tpu.memory_space<hbm>> -> memref<80xi32, #tpu.memory_space<hbm>>
    %dma_start3A_27 = arith.constant 0 : i32
    %dma_start3A_28 = tpu.memref_slice %arg7[%dma_start3A_20, %dma_start3A_27] : memref<64x80xi32, #tpu.memory_space<vmem>> -> memref<1x80xi32, #tpu.memory_space<vmem>>
    %dma_start3A_29 = tpu.memref_squeeze %dma_start3A_28 : memref<1x80xi32, #tpu.memory_space<vmem>> -> memref<80xi32, #tpu.memory_space<vmem>>
    %dma_start3A_30 = arith.constant 0 : i32
    %dma_start3A_31 = tpu.memref_slice %arg4[%add3A, %dma_start3A_18, %dma_start3A_19, %dma_start3A_30] : memref<32x125x1x80xi32, #tpu.memory_space<hbm>> -> memref<1x1x1x80xi32, #tpu.memory_space<hbm>>
    %dma_start3A_32 = tpu.memref_squeeze %dma_start3A_31 : memref<1x1x1x80xi32, #tpu.memory_space<hbm>> -> memref<80xi32, #tpu.memory_space<hbm>>
    tpu.enqueue_dma source(%dma_start3A_32 : memref<80xi32, #tpu.memory_space<hbm>>) target(%dma_start3A_29 : memref<80xi32, #tpu.memory_space<vmem>>) target_semaphore(%arg13 : memref<!tpu.dma_semaphore, #tpu.memory_space<semaphore_mem>>)
    %dma_start3A_33 = arith.constant 1 : i32
    %dma_start3A_34 = arith.constant 0 : i32
    %dma_start3A_35 = arith.constant 80 : i32
    %dma_start3A_36 = tpu.memref_slice %arg6[%dma_start3A_35] : memref<640xi32, #tpu.memory_space<vmem>> -> memref<80xi32, #tpu.memory_space<vmem>>
    %dma_start3A_37 = arith.constant 0 : i32
    %dma_start3A_38 = tpu.memref_slice %arg3[%add3A, %dma_start3A_33, %dma_start3A_34, %dma_start3A_37] : memref<32x125x1x80xi32, #tpu.memory_space<hbm>> -> memref<1x1x1x80xi32, #tpu.memory_space<hbm>>
    %dma_start3A_39 = tpu.memref_squeeze %dma_start3A_38 : memref<1x1x1x80xi32, #tpu.memory_space<hbm>> -> memref<80xi32, #tpu.memory_space<hbm>>
    %dma_start3A_40 = arith.constant 80 : i32
    %dma_start3A_41 = tpu.memref_slice %arg6[%dma_start3A_40] : memref<640xi32, #tpu.memory_space<vmem>> -> memref<80xi32, #tpu.memory_space<vmem>>
    %dma_start3A_42 = arith.constant 0 : i32
    %dma_start3A_43 = tpu.memref_slice %arg3[%add3A, %dma_start3A_33, %dma_start3A_34, %dma_start3A_42] : memref<32x125x1x80xi32, #tpu.memory_space<hbm>> -> memref<1x1x1x80xi32, #tpu.memory_space<hbm>>
    %dma_start3A_44 = tpu.memref_squeeze %dma_start3A_43 : memref<1x1x1x80xi32, #tpu.memory_space<hbm>> -> memref<80xi32, #tpu.memory_space<hbm>>
    tpu.enqueue_dma source(%dma_start3A_44 : memref<80xi32, #tpu.memory_space<hbm>>) target(%dma_start3A_41 : memref<80xi32, #tpu.memory_space<vmem>>) target_semaphore(%arg14 : memref<!tpu.dma_semaphore, #tpu.memory_space<semaphore_mem>>)
    %dma_start3A_45 = arith.constant 1 : i32
    %dma_start3A_46 = arith.constant 0 : i32
    %dma_start3A_47 = arith.constant 8 : i32
    %dma_start3A_48 = arith.constant 0 : i32
    %dma_start3A_49 = tpu.memref_slice %arg7[%dma_start3A_47, %dma_start3A_48] : memref<64x80xi32, #tpu.memory_space<vmem>> -> memref<1x80xi32, #tpu.memory_space<vmem>>
    %dma_start3A_50 = tpu.memref_squeeze %dma_start3A_49 : memref<1x80xi32, #tpu.memory_space<vmem>> -> memref<80xi32, #tpu.memory_space<vmem>>
    %dma_start3A_51 = arith.constant 0 : i32
    %dma_start3A_52 = tpu.memref_slice %arg4[%add3A, %dma_start3A_45, %dma_start3A_46, %dma_start3A_51] : memref<32x125x1x80xi32, #tpu.memory_space<hbm>> -> memref<1x1x1x80xi32, #tpu.memory_space<hbm>>
    %dma_start3A_53 = tpu.memref_squeeze %dma_start3A_52 : memref<1x1x1x80xi32, #tpu.memory_space<hbm>> -> memref<80xi32, #tpu.memory_space<hbm>>
    %dma_start3A_54 = arith.constant 0 : i32
    %dma_start3A_55 = tpu.memref_slice %arg7[%dma_start3A_47, %dma_start3A_54] : memref<64x80xi32, #tpu.memory_space<vmem>> -> memref<1x80xi32, #tpu.memory_space<vmem>>
    %dma_start3A_56 = tpu.memref_squeeze %dma_start3A_55 : memref<1x80xi32, #tpu.memory_space<vmem>> -> memref<80xi32, #tpu.memory_space<vmem>>
    %dma_start3A_57 = arith.constant 0 : i32
    %dma_start3A_58 = tpu.memref_slice %arg4[%add3A, %dma_start3A_45, %dma_start3A_46, %dma_start3A_57] : memref<32x125x1x80xi32, #tpu.memory_space<hbm>> -> memref<1x1x1x80xi32, #tpu.memory_space<hbm>>
    %dma_start3A_59 = tpu.memref_squeeze %dma_start3A_58 : memref<1x1x1x80xi32, #tpu.memory_space<hbm>> -> memref<80xi32, #tpu.memory_space<hbm>>
    tpu.enqueue_dma source(%dma_start3A_59 : memref<80xi32, #tpu.memory_space<hbm>>) target(%dma_start3A_56 : memref<80xi32, #tpu.memory_space<vmem>>) target_semaphore(%arg14 : memref<!tpu.dma_semaphore, #tpu.memory_space<semaphore_mem>>)
    %dma_start3A_60 = arith.constant 2 : i32
    %dma_start3A_61 = arith.constant 0 : i32
    %dma_start3A_62 = arith.constant 160 : i32
    %dma_start3A_63 = tpu.memref_slice %arg6[%dma_start3A_62] : memref<640xi32, #tpu.memory_space<vmem>> -> memref<80xi32, #tpu.memory_space<vmem>>
    %dma_start3A_64 = arith.constant 0 : i32
    %dma_start3A_65 = tpu.memref_slice %arg3[%add3A, %dma_start3A_60, %dma_start3A_61, %dma_start3A_64] : memref<32x125x1x80xi32, #tpu.memory_space<hbm>> -> memref<1x1x1x80xi32, #tpu.memory_space<hbm>>
    %dma_start3A_66 = tpu.memref_squeeze %dma_start3A_65 : memref<1x1x1x80xi32, #tpu.memory_space<hbm>> -> memref<80xi32, #tpu.memory_space<hbm>>
    %dma_start3A_67 = arith.constant 160 : i32
    %dma_start3A_68 = tpu.memref_slice %arg6[%dma_start3A_67] : memref<640xi32, #tpu.memory_space<vmem>> -> memref<80xi32, #tpu.memory_space<vmem>>
    %dma_start3A_69 = arith.constant 0 : i32
    %dma_start3A_70 = tpu.memref_slice %arg3[%add3A, %dma_start3A_60, %dma_start3A_61, %dma_start3A_69] : memref<32x125x1x80xi32, #tpu.memory_space<hbm>> -> memref<1x1x1x80xi32, #tpu.memory_space<hbm>>
    %dma_start3A_71 = tpu.memref_squeeze %dma_start3A_70 : memref<1x1x1x80xi32, #tpu.memory_space<hbm>> -> memref<80xi32, #tpu.memory_space<hbm>>
    tpu.enqueue_dma source(%dma_start3A_71 : memref<80xi32, #tpu.memory_space<hbm>>) target(%dma_start3A_68 : memref<80xi32, #tpu.memory_space<vmem>>) target_semaphore(%arg15 : memref<!tpu.dma_semaphore, #tpu.memory_space<semaphore_mem>>)
    %dma_start3A_72 = arith.constant 2 : i32
    %dma_start3A_73 = arith.constant 0 : i32
    %dma_start3A_74 = arith.constant 16 : i32
    %dma_start3A_75 = arith.constant 0 : i32
    %dma_start3A_76 = tpu.memref_slice %arg7[%dma_start3A_74, %dma_start3A_75] : memref<64x80xi32, #tpu.memory_space<vmem>> -> memref<1x80xi32, #tpu.memory_space<vmem>>
    %dma_start3A_77 = tpu.memref_squeeze %dma_start3A_76 : memref<1x80xi32, #tpu.memory_space<vmem>> -> memref<80xi32, #tpu.memory_space<vmem>>
    %dma_start3A_78 = arith.constant 0 : i32
    %dma_start3A_79 = tpu.memref_slice %arg4[%add3A, %dma_start3A_72, %dma_start3A_73, %dma_start3A_78] : memref<32x125x1x80xi32, #tpu.memory_space<hbm>> -> memref<1x1x1x80xi32, #tpu.memory_space<hbm>>
    %dma_start3A_80 = tpu.memref_squeeze %dma_start3A_79 : memref<1x1x1x80xi32, #tpu.memory_space<hbm>> -> memref<80xi32, #tpu.memory_space<hbm>>
    %dma_start3A_81 = arith.constant 0 : i32
    %dma_start3A_82 = tpu.memref_slice %arg7[%dma_start3A_74, %dma_start3A_81] : memref<64x80xi32, #tpu.memory_space<vmem>> -> memref<1x80xi32, #tpu.memory_space<vmem>>
    %dma_start3A_83 = tpu.memref_squeeze %dma_start3A_82 : memref<1x80xi32, #tpu.memory_space<vmem>> -> memref<80xi32, #tpu.memory_space<vmem>>
    %dma_start3A_84 = arith.constant 0 : i32
    %dma_start3A_85 = tpu.memref_slice %arg4[%add3A, %dma_start3A_72, %dma_start3A_73, %dma_start3A_84] : memref<32x125x1x80xi32, #tpu.memory_space<hbm>> -> memref<1x1x1x80xi32, #tpu.memory_space<hbm>>
    %dma_start3A_86 = tpu.memref_squeeze %dma_start3A_85 : memref<1x1x1x80xi32, #tpu.memory_space<hbm>> -> memref<80xi32, #tpu.memory_space<hbm>>
    tpu.enqueue_dma source(%dma_start3A_86 : memref<80xi32, #tpu.memory_space<hbm>>) target(%dma_start3A_83 : memref<80xi32, #tpu.memory_space<vmem>>) target_semaphore(%arg15 : memref<!tpu.dma_semaphore, #tpu.memory_space<semaphore_mem>>)
    %dma_wait3A = arith.constant 0 : i32
    %dma_wait3A_87 = arith.constant 0 : i32
    %dma_wait3A_88 = arith.constant 0 : i32
    %dma_wait3A_89 = tpu.memref_slice %arg6[%dma_wait3A_88] : memref<640xi32, #tpu.memory_space<vmem>> -> memref<80xi32, #tpu.memory_space<vmem>>
    %dma_wait3A_90 = arith.constant 0 : i32
    %dma_wait3A_91 = tpu.memref_slice %arg3[%add3A, %dma_wait3A, %dma_wait3A_87, %dma_wait3A_90] : memref<32x125x1x80xi32, #tpu.memory_space<hbm>> -> memref<1x1x1x80xi32, #tpu.memory_space<hbm>>
    %dma_wait3A_92 = tpu.memref_squeeze %dma_wait3A_91 : memref<1x1x1x80xi32, #tpu.memory_space<hbm>> -> memref<80xi32, #tpu.memory_space<hbm>>
    %dma_wait3A_93 = arith.constant 0 : i32
    %dma_wait3A_94 = tpu.memref_slice %arg6[%dma_wait3A_93] : memref<640xi32, #tpu.memory_space<vmem>> -> memref<80xi32, #tpu.memory_space<vmem>>
    %dma_wait3A_95 = arith.constant 0 : i32
    %dma_wait3A_96 = tpu.memref_slice %arg3[%add3A, %dma_wait3A, %dma_wait3A_87, %dma_wait3A_95] : memref<32x125x1x80xi32, #tpu.memory_space<hbm>> -> memref<1x1x1x80xi32, #tpu.memory_space<hbm>>
    %dma_wait3A_97 = tpu.memref_squeeze %dma_wait3A_96 : memref<1x1x1x80xi32, #tpu.memory_space<hbm>> -> memref<80xi32, #tpu.memory_space<hbm>>
    tpu.wait_dma2 semaphore(%arg13 : memref<!tpu.dma_semaphore, #tpu.memory_space<semaphore_mem>>) src(%dma_wait3A_97 : memref<80xi32, #tpu.memory_space<hbm>>) dst(%dma_wait3A_94 : memref<80xi32, #tpu.memory_space<vmem>>)
    %dma_wait3A_98 = arith.constant 0 : i32
    %dma_wait3A_99 = arith.constant 0 : i32
    %dma_wait3A_100 = arith.constant 0 : i32
    %dma_wait3A_101 = arith.constant 0 : i32
    %dma_wait3A_102 = tpu.memref_slice %arg7[%dma_wait3A_100, %dma_wait3A_101] : memref<64x80xi32, #tpu.memory_space<vmem>> -> memref<1x80xi32, #tpu.memory_space<vmem>>
    %dma_wait3A_103 = tpu.memref_squeeze %dma_wait3A_102 : memref<1x80xi32, #tpu.memory_space<vmem>> -> memref<80xi32, #tpu.memory_space<vmem>>
    %dma_wait3A_104 = arith.constant 0 : i32
    %dma_wait3A_105 = tpu.memref_slice %arg4[%add3A, %dma_wait3A_98, %dma_wait3A_99, %dma_wait3A_104] : memref<32x125x1x80xi32, #tpu.memory_space<hbm>> -> memref<1x1x1x80xi32, #tpu.memory_space<hbm>>
    %dma_wait3A_106 = tpu.memref_squeeze %dma_wait3A_105 : memref<1x1x1x80xi32, #tpu.memory_space<hbm>> -> memref<80xi32, #tpu.memory_space<hbm>>
    %dma_wait3A_107 = arith.constant 0 : i32
    %dma_wait3A_108 = tpu.memref_slice %arg7[%dma_wait3A_100, %dma_wait3A_107] : memref<64x80xi32, #tpu.memory_space<vmem>> -> memref<1x80xi32, #tpu.memory_space<vmem>>
    %dma_wait3A_109 = tpu.memref_squeeze %dma_wait3A_108 : memref<1x80xi32, #tpu.memory_space<vmem>> -> memref<80xi32, #tpu.memory_space<vmem>>
    %dma_wait3A_110 = arith.constant 0 : i32
    %dma_wait3A_111 = tpu.memref_slice %arg4[%add3A, %dma_wait3A_98, %dma_wait3A_99, %dma_wait3A_110] : memref<32x125x1x80xi32, #tpu.memory_space<hbm>> -> memref<1x1x1x80xi32, #tpu.memory_space<hbm>>
    %dma_wait3A_112 = tpu.memref_squeeze %dma_wait3A_111 : memref<1x1x1x80xi32, #tpu.memory_space<hbm>> -> memref<80xi32, #tpu.memory_space<hbm>>
    tpu.wait_dma2 semaphore(%arg13 : memref<!tpu.dma_semaphore, #tpu.memory_space<semaphore_mem>>) src(%dma_wait3A_112 : memref<80xi32, #tpu.memory_space<hbm>>) dst(%dma_wait3A_109 : memref<80xi32, #tpu.memory_space<vmem>>)
    %dma_start3A_113 = arith.constant 0 : i32
    %dma_start3A_114 = tpu.memref_slice %arg6[%dma_start3A_113] : memref<640xi32, #tpu.memory_space<vmem>> -> memref<80xi32, #tpu.memory_space<vmem>>
    %dma_start3A_115 = arith.constant 0 : i32
    %dma_start3A_116 = arith.constant 0 : i32
    %dma_start3A_117 = tpu.memref_slice %arg2[%dma_start3A_115, %dma_start3A_116] : memref<10000x128xf32, #tpu.memory_space<hbm>> -> memref<10000x128xf32, #tpu.memory_space<hbm>>
    tpu.enqueue_indirect_dma source(%dma_start3A_117 : memref<10000x128xf32, #tpu.memory_space<hbm>>) target(%arg8 : memref<80x128xf32, #tpu.memory_space<vmem>>) offsets(%dma_start3A_114 : memref<80xi32, #tpu.memory_space<vmem>>) semaphore(%arg21 : memref<!tpu.dma_semaphore, #tpu.memory_space<semaphore_mem>>)
    %dma_wait3A_118 = arith.constant 1 : i32
    %dma_wait3A_119 = arith.constant 0 : i32
    %dma_wait3A_120 = arith.constant 80 : i32
    %dma_wait3A_121 = tpu.memref_slice %arg6[%dma_wait3A_120] : memref<640xi32, #tpu.memory_space<vmem>> -> memref<80xi32, #tpu.memory_space<vmem>>
    %dma_wait3A_122 = arith.constant 0 : i32
    %dma_wait3A_123 = tpu.memref_slice %arg3[%add3A, %dma_wait3A_118, %dma_wait3A_119, %dma_wait3A_122] : memref<32x125x1x80xi32, #tpu.memory_space<hbm>> -> memref<1x1x1x80xi32, #tpu.memory_space<hbm>>
    %dma_wait3A_124 = tpu.memref_squeeze %dma_wait3A_123 : memref<1x1x1x80xi32, #tpu.memory_space<hbm>> -> memref<80xi32, #tpu.memory_space<hbm>>
    %dma_wait3A_125 = arith.constant 80 : i32
    %dma_wait3A_126 = tpu.memref_slice %arg6[%dma_wait3A_125] : memref<640xi32, #tpu.memory_space<vmem>> -> memref<80xi32, #tpu.memory_space<vmem>>
    %dma_wait3A_127 = arith.constant 0 : i32
    %dma_wait3A_128 = tpu.memref_slice %arg3[%add3A, %dma_wait3A_118, %dma_wait3A_119, %dma_wait3A_127] : memref<32x125x1x80xi32, #tpu.memory_space<hbm>> -> memref<1x1x1x80xi32, #tpu.memory_space<hbm>>
    %dma_wait3A_129 = tpu.memref_squeeze %dma_wait3A_128 : memref<1x1x1x80xi32, #tpu.memory_space<hbm>> -> memref<80xi32, #tpu.memory_space<hbm>>
    tpu.wait_dma2 semaphore(%arg14 : memref<!tpu.dma_semaphore, #tpu.memory_space<semaphore_mem>>) src(%dma_wait3A_129 : memref<80xi32, #tpu.memory_space<hbm>>) dst(%dma_wait3A_126 : memref<80xi32, #tpu.memory_space<vmem>>)
    %dma_wait3A_130 = arith.constant 1 : i32
    %dma_wait3A_131 = arith.constant 0 : i32
    %dma_wait3A_132 = arith.constant 8 : i32
    %dma_wait3A_133 = arith.constant 0 : i32
    %dma_wait3A_134 = tpu.memref_slice %arg7[%dma_wait3A_132, %dma_wait3A_133] : memref<64x80xi32, #tpu.memory_space<vmem>> -> memref<1x80xi32, #tpu.memory_space<vmem>>
    %dma_wait3A_135 = tpu.memref_squeeze %dma_wait3A_134 : memref<1x80xi32, #tpu.memory_space<vmem>> -> memref<80xi32, #tpu.memory_space<vmem>>
    %dma_wait3A_136 = arith.constant 0 : i32
    %dma_wait3A_137 = tpu.memref_slice %arg4[%add3A, %dma_wait3A_130, %dma_wait3A_131, %dma_wait3A_136] : memref<32x125x1x80xi32, #tpu.memory_space<hbm>> -> memref<1x1x1x80xi32, #tpu.memory_space<hbm>>
    %dma_wait3A_138 = tpu.memref_squeeze %dma_wait3A_137 : memref<1x1x1x80xi32, #tpu.memory_space<hbm>> -> memref<80xi32, #tpu.memory_space<hbm>>
    %dma_wait3A_139 = arith.constant 0 : i32
    %dma_wait3A_140 = tpu.memref_slice %arg7[%dma_wait3A_132, %dma_wait3A_139] : memref<64x80xi32, #tpu.memory_space<vmem>> -> memref<1x80xi32, #tpu.memory_space<vmem>>
    %dma_wait3A_141 = tpu.memref_squeeze %dma_wait3A_140 : memref<1x80xi32, #tpu.memory_space<vmem>> -> memref<80xi32, #tpu.memory_space<vmem>>
    %dma_wait3A_142 = arith.constant 0 : i32
    %dma_wait3A_143 = tpu.memref_slice %arg4[%add3A, %dma_wait3A_130, %dma_wait3A_131, %dma_wait3A_142] : memref<32x125x1x80xi32, #tpu.memory_space<hbm>> -> memref<1x1x1x80xi32, #tpu.memory_space<hbm>>
    %dma_wait3A_144 = tpu.memref_squeeze %dma_wait3A_143 : memref<1x1x1x80xi32, #tpu.memory_space<hbm>> -> memref<80xi32, #tpu.memory_space<hbm>>
    tpu.wait_dma2 semaphore(%arg14 : memref<!tpu.dma_semaphore, #tpu.memory_space<semaphore_mem>>) src(%dma_wait3A_144 : memref<80xi32, #tpu.memory_space<hbm>>) dst(%dma_wait3A_141 : memref<80xi32, #tpu.memory_space<vmem>>)
    %dma_start3A_145 = arith.constant 80 : i32
    %dma_start3A_146 = tpu.memref_slice %arg6[%dma_start3A_145] : memref<640xi32, #tpu.memory_space<vmem>> -> memref<80xi32, #tpu.memory_space<vmem>>
    %dma_start3A_147 = arith.constant 0 : i32
    %dma_start3A_148 = arith.constant 0 : i32
    %dma_start3A_149 = tpu.memref_slice %arg2[%dma_start3A_147, %dma_start3A_148] : memref<10000x128xf32, #tpu.memory_space<hbm>> -> memref<10000x128xf32, #tpu.memory_space<hbm>>
    tpu.enqueue_indirect_dma source(%dma_start3A_149 : memref<10000x128xf32, #tpu.memory_space<hbm>>) target(%arg9 : memref<80x128xf32, #tpu.memory_space<vmem>>) offsets(%dma_start3A_146 : memref<80xi32, #tpu.memory_space<vmem>>) semaphore(%arg22 : memref<!tpu.dma_semaphore, #tpu.memory_space<semaphore_mem>>)
    %lt3A = arith.constant 13 : i32
    %lt3A_150 = arith.cmpi slt, %arg1, %lt3A : i32
    %jit3A = arith.constant 8 : i32
    %jit3A_151 = arith.constant 7 : i32
    %select_n3A = arith.select %lt3A_150, %jit3A, %jit3A_151 : i32
    %while3A = arith.constant 0 : i32
    %while3A_152 = arith.constant 0 : i32
    %while3A_153 = arith.subi %select_n3A, %while3A_152 : i32
    %while3A_154 = arith.addi %while3A_152, %while3A_153 : i32
    %while3A_155 = arith.constant 1 : i32
    %while3A_156 = arith.divsi %while3A_153, %while3A_155 : i32
    %while3A_157 = arith.muli %while3A_156, %while3A_155 : i32
    %while3A_158 = arith.addi %while3A_152, %while3A_157 : i32
    %while3A_159 = arith.constant 1 : i32
    scf.for %while3A_423 = %while3A_152 to %while3A_158 step %while3A_159  : i32 {
      %mul3A_424 = arith.constant 16 : i32
      %mul3A_425 = arith.muli %while3A_423, %mul3A_424 : i32
      %add3A_426 = arith.addi %arg1, %mul3A_425 : i32
      %mul3A_427 = arith.constant 80 : i32
      %mul3A_428 = arith.muli %add3A_426, %mul3A_427 : i32
      "tpu.region"() ({
        %run_scoped3A = tpu.sem_alloc : memref<!tpu.dma_semaphore, #tpu.memory_space<semaphore_mem>>
        %dma_start3A_429 = arith.constant 0 : i32
        %dma_start3A_430 = tpu.memref_slice %arg12[%mul3A_428, %dma_start3A_429] : memref<10000x128xf32, #tpu.memory_space<vmem_shared>> -> memref<80x128xf32, #tpu.memory_space<vmem_shared>>
        %dma_start3A_431 = arith.constant 0 : i32
        %dma_start3A_432 = tpu.memref_slice %arg12[%mul3A_428, %dma_start3A_431] : memref<10000x128xf32, #tpu.memory_space<vmem_shared>> -> memref<80x128xf32, #tpu.memory_space<vmem_shared>>
        tpu.enqueue_dma source(%arg10 : memref<80x128xf32, #tpu.memory_space<vmem>>) target(%dma_start3A_432 : memref<80x128xf32, #tpu.memory_space<vmem_shared>>) target_semaphore(%run_scoped3A : memref<!tpu.dma_semaphore, #tpu.memory_space<semaphore_mem>>)
        %dma_wait3A_433 = arith.constant 0 : i32
        %dma_wait3A_434 = tpu.memref_slice %arg12[%mul3A_428, %dma_wait3A_433] : memref<10000x128xf32, #tpu.memory_space<vmem_shared>> -> memref<80x128xf32, #tpu.memory_space<vmem_shared>>
        %dma_wait3A_435 = arith.constant 0 : i32
        %dma_wait3A_436 = tpu.memref_slice %arg12[%mul3A_428, %dma_wait3A_435] : memref<10000x128xf32, #tpu.memory_space<vmem_shared>> -> memref<80x128xf32, #tpu.memory_space<vmem_shared>>
        tpu.wait_dma2 semaphore(%run_scoped3A : memref<!tpu.dma_semaphore, #tpu.memory_space<semaphore_mem>>) src(%arg10 : memref<80x128xf32, #tpu.memory_space<vmem>>) dst(%dma_wait3A_436 : memref<80x128xf32, #tpu.memory_space<vmem_shared>>)
        tpu.yield
      }) : () -> ()
    }
    %while3A_160 = arith.constant 1 : i32
    scf.for %while3A_423 = %while3A_158 to %while3A_154 step %while3A_160  : i32 {
      %mul3A_424 = arith.constant 16 : i32
      %mul3A_425 = arith.muli %while3A_423, %mul3A_424 : i32
      %add3A_426 = arith.addi %arg1, %mul3A_425 : i32
      %mul3A_427 = arith.constant 80 : i32
      %mul3A_428 = arith.muli %add3A_426, %mul3A_427 : i32
      "tpu.region"() ({
        %run_scoped3A = tpu.sem_alloc : memref<!tpu.dma_semaphore, #tpu.memory_space<semaphore_mem>>
        %dma_start3A_429 = arith.constant 0 : i32
        %dma_start3A_430 = tpu.memref_slice %arg12[%mul3A_428, %dma_start3A_429] : memref<10000x128xf32, #tpu.memory_space<vmem_shared>> -> memref<80x128xf32, #tpu.memory_space<vmem_shared>>
        %dma_start3A_431 = arith.constant 0 : i32
        %dma_start3A_432 = tpu.memref_slice %arg12[%mul3A_428, %dma_start3A_431] : memref<10000x128xf32, #tpu.memory_space<vmem_shared>> -> memref<80x128xf32, #tpu.memory_space<vmem_shared>>
        tpu.enqueue_dma source(%arg10 : memref<80x128xf32, #tpu.memory_space<vmem>>) target(%dma_start3A_432 : memref<80x128xf32, #tpu.memory_space<vmem_shared>>) target_semaphore(%run_scoped3A : memref<!tpu.dma_semaphore, #tpu.memory_space<semaphore_mem>>)
        %dma_wait3A_433 = arith.constant 0 : i32
        %dma_wait3A_434 = tpu.memref_slice %arg12[%mul3A_428, %dma_wait3A_433] : memref<10000x128xf32, #tpu.memory_space<vmem_shared>> -> memref<80x128xf32, #tpu.memory_space<vmem_shared>>
        %dma_wait3A_435 = arith.constant 0 : i32
        %dma_wait3A_436 = tpu.memref_slice %arg12[%mul3A_428, %dma_wait3A_435] : memref<10000x128xf32, #tpu.memory_space<vmem_shared>> -> memref<80x128xf32, #tpu.memory_space<vmem_shared>>
        tpu.wait_dma2 semaphore(%run_scoped3A : memref<!tpu.dma_semaphore, #tpu.memory_space<semaphore_mem>>) src(%arg10 : memref<80x128xf32, #tpu.memory_space<vmem>>) dst(%dma_wait3A_436 : memref<80x128xf32, #tpu.memory_space<vmem_shared>>)
        tpu.yield
      }) : () -> ()
    }
    %barrier3A = arith.constant 0 : index
    tpu.barrier barrier_id(%barrier3A)
    %dma_wait3A_161 = arith.constant 0 : i32
    %dma_wait3A_162 = tpu.memref_slice %arg6[%dma_wait3A_161] : memref<640xi32, #tpu.memory_space<vmem>> -> memref<80xi32, #tpu.memory_space<vmem>>
    %dma_wait3A_163 = arith.constant 0 : i32
    %dma_wait3A_164 = arith.constant 0 : i32
    %dma_wait3A_165 = tpu.memref_slice %arg2[%dma_wait3A_163, %dma_wait3A_164] : memref<10000x128xf32, #tpu.memory_space<hbm>> -> memref<10000x128xf32, #tpu.memory_space<hbm>>
    tpu.wait_indirect_dma semaphore(%arg21 : memref<!tpu.dma_semaphore, #tpu.memory_space<semaphore_mem>>) src(%dma_wait3A_165 : memref<10000x128xf32, #tpu.memory_space<hbm>>) dst(%arg8 : memref<80x128xf32, #tpu.memory_space<vmem>>)
    %dma_start3A_166 = arith.constant 0 : i32
    %dma_start3A_167 = arith.constant 0 : i32
    %dma_start3A_168 = tpu.memref_slice %arg7[%dma_start3A_166, %dma_start3A_167] : memref<64x80xi32, #tpu.memory_space<vmem>> -> memref<1x80xi32, #tpu.memory_space<vmem>>
    %dma_start3A_169 = tpu.memref_squeeze %dma_start3A_168 : memref<1x80xi32, #tpu.memory_space<vmem>> -> memref<80xi32, #tpu.memory_space<vmem>>
    %dma_start3A_170 = arith.constant 0 : i32
    %dma_start3A_171 = arith.constant 0 : i32
    %dma_start3A_172 = tpu.memref_slice %arg12[%dma_start3A_170, %dma_start3A_171] : memref<10000x128xf32, #tpu.memory_space<vmem_shared>> -> memref<10000x128xf32, #tpu.memory_space<vmem_shared>>
    tpu.enqueue_indirect_dma source(%arg8 : memref<80x128xf32, #tpu.memory_space<vmem>>) target(%dma_start3A_172 : memref<10000x128xf32, #tpu.memory_space<vmem_shared>>) offsets(%dma_start3A_169 : memref<80xi32, #tpu.memory_space<vmem>>) semaphore(%arg25 : memref<!tpu.dma_semaphore, #tpu.memory_space<semaphore_mem>>) {add = true}
    %dma_start3A_173 = arith.constant 3 : i32
    %dma_start3A_174 = arith.constant 0 : i32
    %dma_start3A_175 = arith.constant 240 : i32
    %dma_start3A_176 = tpu.memref_slice %arg6[%dma_start3A_175] : memref<640xi32, #tpu.memory_space<vmem>> -> memref<80xi32, #tpu.memory_space<vmem>>
    %dma_start3A_177 = arith.constant 0 : i32
    %dma_start3A_178 = tpu.memref_slice %arg3[%add3A, %dma_start3A_173, %dma_start3A_174, %dma_start3A_177] : memref<32x125x1x80xi32, #tpu.memory_space<hbm>> -> memref<1x1x1x80xi32, #tpu.memory_space<hbm>>
    %dma_start3A_179 = tpu.memref_squeeze %dma_start3A_178 : memref<1x1x1x80xi32, #tpu.memory_space<hbm>> -> memref<80xi32, #tpu.memory_space<hbm>>
    %dma_start3A_180 = arith.constant 240 : i32
    %dma_start3A_181 = tpu.memref_slice %arg6[%dma_start3A_180] : memref<640xi32, #tpu.memory_space<vmem>> -> memref<80xi32, #tpu.memory_space<vmem>>
    %dma_start3A_182 = arith.constant 0 : i32
    %dma_start3A_183 = tpu.memref_slice %arg3[%add3A, %dma_start3A_173, %dma_start3A_174, %dma_start3A_182] : memref<32x125x1x80xi32, #tpu.memory_space<hbm>> -> memref<1x1x1x80xi32, #tpu.memory_space<hbm>>
    %dma_start3A_184 = tpu.memref_squeeze %dma_start3A_183 : memref<1x1x1x80xi32, #tpu.memory_space<hbm>> -> memref<80xi32, #tpu.memory_space<hbm>>
    tpu.enqueue_dma source(%dma_start3A_184 : memref<80xi32, #tpu.memory_space<hbm>>) target(%dma_start3A_181 : memref<80xi32, #tpu.memory_space<vmem>>) target_semaphore(%arg16 : memref<!tpu.dma_semaphore, #tpu.memory_space<semaphore_mem>>)
    %dma_start3A_185 = arith.constant 3 : i32
    %dma_start3A_186 = arith.constant 0 : i32
    %dma_start3A_187 = arith.constant 24 : i32
    %dma_start3A_188 = arith.constant 0 : i32
    %dma_start3A_189 = tpu.memref_slice %arg7[%dma_start3A_187, %dma_start3A_188] : memref<64x80xi32, #tpu.memory_space<vmem>> -> memref<1x80xi32, #tpu.memory_space<vmem>>
    %dma_start3A_190 = tpu.memref_squeeze %dma_start3A_189 : memref<1x80xi32, #tpu.memory_space<vmem>> -> memref<80xi32, #tpu.memory_space<vmem>>
    %dma_start3A_191 = arith.constant 0 : i32
    %dma_start3A_192 = tpu.memref_slice %arg4[%add3A, %dma_start3A_185, %dma_start3A_186, %dma_start3A_191] : memref<32x125x1x80xi32, #tpu.memory_space<hbm>> -> memref<1x1x1x80xi32, #tpu.memory_space<hbm>>
    %dma_start3A_193 = tpu.memref_squeeze %dma_start3A_192 : memref<1x1x1x80xi32, #tpu.memory_space<hbm>> -> memref<80xi32, #tpu.memory_space<hbm>>
    %dma_start3A_194 = arith.constant 0 : i32
    %dma_start3A_195 = tpu.memref_slice %arg7[%dma_start3A_187, %dma_start3A_194] : memref<64x80xi32, #tpu.memory_space<vmem>> -> memref<1x80xi32, #tpu.memory_space<vmem>>
    %dma_start3A_196 = tpu.memref_squeeze %dma_start3A_195 : memref<1x80xi32, #tpu.memory_space<vmem>> -> memref<80xi32, #tpu.memory_space<vmem>>
    %dma_start3A_197 = arith.constant 0 : i32
    %dma_start3A_198 = tpu.memref_slice %arg4[%add3A, %dma_start3A_185, %dma_start3A_186, %dma_start3A_197] : memref<32x125x1x80xi32, #tpu.memory_space<hbm>> -> memref<1x1x1x80xi32, #tpu.memory_space<hbm>>
    %dma_start3A_199 = tpu.memref_squeeze %dma_start3A_198 : memref<1x1x1x80xi32, #tpu.memory_space<hbm>> -> memref<80xi32, #tpu.memory_space<hbm>>
    tpu.enqueue_dma source(%dma_start3A_199 : memref<80xi32, #tpu.memory_space<hbm>>) target(%dma_start3A_196 : memref<80xi32, #tpu.memory_space<vmem>>) target_semaphore(%arg16 : memref<!tpu.dma_semaphore, #tpu.memory_space<semaphore_mem>>)
    %dma_wait3A_200 = arith.constant 2 : i32
    %dma_wait3A_201 = arith.constant 0 : i32
    %dma_wait3A_202 = arith.constant 160 : i32
    %dma_wait3A_203 = tpu.memref_slice %arg6[%dma_wait3A_202] : memref<640xi32, #tpu.memory_space<vmem>> -> memref<80xi32, #tpu.memory_space<vmem>>
    %dma_wait3A_204 = arith.constant 0 : i32
    %dma_wait3A_205 = tpu.memref_slice %arg3[%add3A, %dma_wait3A_200, %dma_wait3A_201, %dma_wait3A_204] : memref<32x125x1x80xi32, #tpu.memory_space<hbm>> -> memref<1x1x1x80xi32, #tpu.memory_space<hbm>>
    %dma_wait3A_206 = tpu.memref_squeeze %dma_wait3A_205 : memref<1x1x1x80xi32, #tpu.memory_space<hbm>> -> memref<80xi32, #tpu.memory_space<hbm>>
    %dma_wait3A_207 = arith.constant 160 : i32
    %dma_wait3A_208 = tpu.memref_slice %arg6[%dma_wait3A_207] : memref<640xi32, #tpu.memory_space<vmem>> -> memref<80xi32, #tpu.memory_space<vmem>>
    %dma_wait3A_209 = arith.constant 0 : i32
    %dma_wait3A_210 = tpu.memref_slice %arg3[%add3A, %dma_wait3A_200, %dma_wait3A_201, %dma_wait3A_209] : memref<32x125x1x80xi32, #tpu.memory_space<hbm>> -> memref<1x1x1x80xi32, #tpu.memory_space<hbm>>
    %dma_wait3A_211 = tpu.memref_squeeze %dma_wait3A_210 : memref<1x1x1x80xi32, #tpu.memory_space<hbm>> -> memref<80xi32, #tpu.memory_space<hbm>>
    tpu.wait_dma2 semaphore(%arg15 : memref<!tpu.dma_semaphore, #tpu.memory_space<semaphore_mem>>) src(%dma_wait3A_211 : memref<80xi32, #tpu.memory_space<hbm>>) dst(%dma_wait3A_208 : memref<80xi32, #tpu.memory_space<vmem>>)
    %dma_wait3A_212 = arith.constant 2 : i32
    %dma_wait3A_213 = arith.constant 0 : i32
    %dma_wait3A_214 = arith.constant 16 : i32
    %dma_wait3A_215 = arith.constant 0 : i32
    %dma_wait3A_216 = tpu.memref_slice %arg7[%dma_wait3A_214, %dma_wait3A_215] : memref<64x80xi32, #tpu.memory_space<vmem>> -> memref<1x80xi32, #tpu.memory_space<vmem>>
    %dma_wait3A_217 = tpu.memref_squeeze %dma_wait3A_216 : memref<1x80xi32, #tpu.memory_space<vmem>> -> memref<80xi32, #tpu.memory_space<vmem>>
    %dma_wait3A_218 = arith.constant 0 : i32
    %dma_wait3A_219 = tpu.memref_slice %arg4[%add3A, %dma_wait3A_212, %dma_wait3A_213, %dma_wait3A_218] : memref<32x125x1x80xi32, #tpu.memory_space<hbm>> -> memref<1x1x1x80xi32, #tpu.memory_space<hbm>>
    %dma_wait3A_220 = tpu.memref_squeeze %dma_wait3A_219 : memref<1x1x1x80xi32, #tpu.memory_space<hbm>> -> memref<80xi32, #tpu.memory_space<hbm>>
    %dma_wait3A_221 = arith.constant 0 : i32
    %dma_wait3A_222 = tpu.memref_slice %arg7[%dma_wait3A_214, %dma_wait3A_221] : memref<64x80xi32, #tpu.memory_space<vmem>> -> memref<1x80xi32, #tpu.memory_space<vmem>>
    %dma_wait3A_223 = tpu.memref_squeeze %dma_wait3A_222 : memref<1x80xi32, #tpu.memory_space<vmem>> -> memref<80xi32, #tpu.memory_space<vmem>>
    %dma_wait3A_224 = arith.constant 0 : i32
    %dma_wait3A_225 = tpu.memref_slice %arg4[%add3A, %dma_wait3A_212, %dma_wait3A_213, %dma_wait3A_224] : memref<32x125x1x80xi32, #tpu.memory_space<hbm>> -> memref<1x1x1x80xi32, #tpu.memory_space<hbm>>
    %dma_wait3A_226 = tpu.memref_squeeze %dma_wait3A_225 : memref<1x1x1x80xi32, #tpu.memory_space<hbm>> -> memref<80xi32, #tpu.memory_space<hbm>>
    tpu.wait_dma2 semaphore(%arg15 : memref<!tpu.dma_semaphore, #tpu.memory_space<semaphore_mem>>) src(%dma_wait3A_226 : memref<80xi32, #tpu.memory_space<hbm>>) dst(%dma_wait3A_223 : memref<80xi32, #tpu.memory_space<vmem>>)
    %dma_start3A_227 = arith.constant 160 : i32
    %dma_start3A_228 = tpu.memref_slice %arg6[%dma_start3A_227] : memref<640xi32, #tpu.memory_space<vmem>> -> memref<80xi32, #tpu.memory_space<vmem>>
    %dma_start3A_229 = arith.constant 0 : i32
    %dma_start3A_230 = arith.constant 0 : i32
    %dma_start3A_231 = tpu.memref_slice %arg2[%dma_start3A_229, %dma_start3A_230] : memref<10000x128xf32, #tpu.memory_space<hbm>> -> memref<10000x128xf32, #tpu.memory_space<hbm>>
    tpu.enqueue_indirect_dma source(%dma_start3A_231 : memref<10000x128xf32, #tpu.memory_space<hbm>>) target(%arg10 : memref<80x128xf32, #tpu.memory_space<vmem>>) offsets(%dma_start3A_228 : memref<80xi32, #tpu.memory_space<vmem>>) semaphore(%arg23 : memref<!tpu.dma_semaphore, #tpu.memory_space<semaphore_mem>>)
    %dma_wait3A_232 = arith.constant 80 : i32
    %dma_wait3A_233 = tpu.memref_slice %arg6[%dma_wait3A_232] : memref<640xi32, #tpu.memory_space<vmem>> -> memref<80xi32, #tpu.memory_space<vmem>>
    %dma_wait3A_234 = arith.constant 0 : i32
    %dma_wait3A_235 = arith.constant 0 : i32
    %dma_wait3A_236 = tpu.memref_slice %arg2[%dma_wait3A_234, %dma_wait3A_235] : memref<10000x128xf32, #tpu.memory_space<hbm>> -> memref<10000x128xf32, #tpu.memory_space<hbm>>
    tpu.wait_indirect_dma semaphore(%arg22 : memref<!tpu.dma_semaphore, #tpu.memory_space<semaphore_mem>>) src(%dma_wait3A_236 : memref<10000x128xf32, #tpu.memory_space<hbm>>) dst(%arg9 : memref<80x128xf32, #tpu.memory_space<vmem>>)
    %dma_start3A_237 = arith.constant 8 : i32
    %dma_start3A_238 = arith.constant 0 : i32
    %dma_start3A_239 = tpu.memref_slice %arg7[%dma_start3A_237, %dma_start3A_238] : memref<64x80xi32, #tpu.memory_space<vmem>> -> memref<1x80xi32, #tpu.memory_space<vmem>>
    %dma_start3A_240 = tpu.memref_squeeze %dma_start3A_239 : memref<1x80xi32, #tpu.memory_space<vmem>> -> memref<80xi32, #tpu.memory_space<vmem>>
    %dma_start3A_241 = arith.constant 0 : i32
    %dma_start3A_242 = arith.constant 0 : i32
    %dma_start3A_243 = tpu.memref_slice %arg12[%dma_start3A_241, %dma_start3A_242] : memref<10000x128xf32, #tpu.memory_space<vmem_shared>> -> memref<10000x128xf32, #tpu.memory_space<vmem_shared>>
    tpu.enqueue_indirect_dma source(%arg9 : memref<80x128xf32, #tpu.memory_space<vmem>>) target(%dma_start3A_243 : memref<10000x128xf32, #tpu.memory_space<vmem_shared>>) offsets(%dma_start3A_240 : memref<80xi32, #tpu.memory_space<vmem>>) semaphore(%arg26 : memref<!tpu.dma_semaphore, #tpu.memory_space<semaphore_mem>>) {add = true}
    %dma_start3A_244 = arith.constant 4 : i32
    %dma_start3A_245 = arith.constant 0 : i32
    %dma_start3A_246 = arith.constant 320 : i32
    %dma_start3A_247 = tpu.memref_slice %arg6[%dma_start3A_246] : memref<640xi32, #tpu.memory_space<vmem>> -> memref<80xi32, #tpu.memory_space<vmem>>
    %dma_start3A_248 = arith.constant 0 : i32
    %dma_start3A_249 = tpu.memref_slice %arg3[%add3A, %dma_start3A_244, %dma_start3A_245, %dma_start3A_248] : memref<32x125x1x80xi32, #tpu.memory_space<hbm>> -> memref<1x1x1x80xi32, #tpu.memory_space<hbm>>
    %dma_start3A_250 = tpu.memref_squeeze %dma_start3A_249 : memref<1x1x1x80xi32, #tpu.memory_space<hbm>> -> memref<80xi32, #tpu.memory_space<hbm>>
    %dma_start3A_251 = arith.constant 320 : i32
    %dma_start3A_252 = tpu.memref_slice %arg6[%dma_start3A_251] : memref<640xi32, #tpu.memory_space<vmem>> -> memref<80xi32, #tpu.memory_space<vmem>>
    %dma_start3A_253 = arith.constant 0 : i32
    %dma_start3A_254 = tpu.memref_slice %arg3[%add3A, %dma_start3A_244, %dma_start3A_245, %dma_start3A_253] : memref<32x125x1x80xi32, #tpu.memory_space<hbm>> -> memref<1x1x1x80xi32, #tpu.memory_space<hbm>>
    %dma_start3A_255 = tpu.memref_squeeze %dma_start3A_254 : memref<1x1x1x80xi32, #tpu.memory_space<hbm>> -> memref<80xi32, #tpu.memory_space<hbm>>
    tpu.enqueue_dma source(%dma_start3A_255 : memref<80xi32, #tpu.memory_space<hbm>>) target(%dma_start3A_252 : memref<80xi32, #tpu.memory_space<vmem>>) target_semaphore(%arg17 : memref<!tpu.dma_semaphore, #tpu.memory_space<semaphore_mem>>)
    %dma_start3A_256 = arith.constant 4 : i32
    %dma_start3A_257 = arith.constant 0 : i32
    %dma_start3A_258 = arith.constant 32 : i32
    %dma_start3A_259 = arith.constant 0 : i32
    %dma_start3A_260 = tpu.memref_slice %arg7[%dma_start3A_258, %dma_start3A_259] : memref<64x80xi32, #tpu.memory_space<vmem>> -> memref<1x80xi32, #tpu.memory_space<vmem>>
    %dma_start3A_261 = tpu.memref_squeeze %dma_start3A_260 : memref<1x80xi32, #tpu.memory_space<vmem>> -> memref<80xi32, #tpu.memory_space<vmem>>
    %dma_start3A_262 = arith.constant 0 : i32
    %dma_start3A_263 = tpu.memref_slice %arg4[%add3A, %dma_start3A_256, %dma_start3A_257, %dma_start3A_262] : memref<32x125x1x80xi32, #tpu.memory_space<hbm>> -> memref<1x1x1x80xi32, #tpu.memory_space<hbm>>
    %dma_start3A_264 = tpu.memref_squeeze %dma_start3A_263 : memref<1x1x1x80xi32, #tpu.memory_space<hbm>> -> memref<80xi32, #tpu.memory_space<hbm>>
    %dma_start3A_265 = arith.constant 0 : i32
    %dma_start3A_266 = tpu.memref_slice %arg7[%dma_start3A_258, %dma_start3A_265] : memref<64x80xi32, #tpu.memory_space<vmem>> -> memref<1x80xi32, #tpu.memory_space<vmem>>
    %dma_start3A_267 = tpu.memref_squeeze %dma_start3A_266 : memref<1x80xi32, #tpu.memory_space<vmem>> -> memref<80xi32, #tpu.memory_space<vmem>>
    %dma_start3A_268 = arith.constant 0 : i32
    %dma_start3A_269 = tpu.memref_slice %arg4[%add3A, %dma_start3A_256, %dma_start3A_257, %dma_start3A_268] : memref<32x125x1x80xi32, #tpu.memory_space<hbm>> -> memref<1x1x1x80xi32, #tpu.memory_space<hbm>>
    %dma_start3A_270 = tpu.memref_squeeze %dma_start3A_269 : memref<1x1x1x80xi32, #tpu.memory_space<hbm>> -> memref<80xi32, #tpu.memory_space<hbm>>
    tpu.enqueue_dma source(%dma_start3A_270 : memref<80xi32, #tpu.memory_space<hbm>>) target(%dma_start3A_267 : memref<80xi32, #tpu.memory_space<vmem>>) target_semaphore(%arg17 : memref<!tpu.dma_semaphore, #tpu.memory_space<semaphore_mem>>)
    %dma_wait3A_271 = arith.constant 3 : i32
    %dma_wait3A_272 = arith.constant 0 : i32
    %dma_wait3A_273 = arith.constant 240 : i32
    %dma_wait3A_274 = tpu.memref_slice %arg6[%dma_wait3A_273] : memref<640xi32, #tpu.memory_space<vmem>> -> memref<80xi32, #tpu.memory_space<vmem>>
    %dma_wait3A_275 = arith.constant 0 : i32
    %dma_wait3A_276 = tpu.memref_slice %arg3[%add3A, %dma_wait3A_271, %dma_wait3A_272, %dma_wait3A_275] : memref<32x125x1x80xi32, #tpu.memory_space<hbm>> -> memref<1x1x1x80xi32, #tpu.memory_space<hbm>>
    %dma_wait3A_277 = tpu.memref_squeeze %dma_wait3A_276 : memref<1x1x1x80xi32, #tpu.memory_space<hbm>> -> memref<80xi32, #tpu.memory_space<hbm>>
    %dma_wait3A_278 = arith.constant 240 : i32
    %dma_wait3A_279 = tpu.memref_slice %arg6[%dma_wait3A_278] : memref<640xi32, #tpu.memory_space<vmem>> -> memref<80xi32, #tpu.memory_space<vmem>>
    %dma_wait3A_280 = arith.constant 0 : i32
    %dma_wait3A_281 = tpu.memref_slice %arg3[%add3A, %dma_wait3A_271, %dma_wait3A_272, %dma_wait3A_280] : memref<32x125x1x80xi32, #tpu.memory_space<hbm>> -> memref<1x1x1x80xi32, #tpu.memory_space<hbm>>
    %dma_wait3A_282 = tpu.memref_squeeze %dma_wait3A_281 : memref<1x1x1x80xi32, #tpu.memory_space<hbm>> -> memref<80xi32, #tpu.memory_space<hbm>>
    tpu.wait_dma2 semaphore(%arg16 : memref<!tpu.dma_semaphore, #tpu.memory_space<semaphore_mem>>) src(%dma_wait3A_282 : memref<80xi32, #tpu.memory_space<hbm>>) dst(%dma_wait3A_279 : memref<80xi32, #tpu.memory_space<vmem>>)
    %dma_wait3A_283 = arith.constant 3 : i32
    %dma_wait3A_284 = arith.constant 0 : i32
    %dma_wait3A_285 = arith.constant 24 : i32
    %dma_wait3A_286 = arith.constant 0 : i32
    %dma_wait3A_287 = tpu.memref_slice %arg7[%dma_wait3A_285, %dma_wait3A_286] : memref<64x80xi32, #tpu.memory_space<vmem>> -> memref<1x80xi32, #tpu.memory_space<vmem>>
    %dma_wait3A_288 = tpu.memref_squeeze %dma_wait3A_287 : memref<1x80xi32, #tpu.memory_space<vmem>> -> memref<80xi32, #tpu.memory_space<vmem>>
    %dma_wait3A_289 = arith.constant 0 : i32
    %dma_wait3A_290 = tpu.memref_slice %arg4[%add3A, %dma_wait3A_283, %dma_wait3A_284, %dma_wait3A_289] : memref<32x125x1x80xi32, #tpu.memory_space<hbm>> -> memref<1x1x1x80xi32, #tpu.memory_space<hbm>>
    %dma_wait3A_291 = tpu.memref_squeeze %dma_wait3A_290 : memref<1x1x1x80xi32, #tpu.memory_space<hbm>> -> memref<80xi32, #tpu.memory_space<hbm>>
    %dma_wait3A_292 = arith.constant 0 : i32
    %dma_wait3A_293 = tpu.memref_slice %arg7[%dma_wait3A_285, %dma_wait3A_292] : memref<64x80xi32, #tpu.memory_space<vmem>> -> memref<1x80xi32, #tpu.memory_space<vmem>>
    %dma_wait3A_294 = tpu.memref_squeeze %dma_wait3A_293 : memref<1x80xi32, #tpu.memory_space<vmem>> -> memref<80xi32, #tpu.memory_space<vmem>>
    %dma_wait3A_295 = arith.constant 0 : i32
    %dma_wait3A_296 = tpu.memref_slice %arg4[%add3A, %dma_wait3A_283, %dma_wait3A_284, %dma_wait3A_295] : memref<32x125x1x80xi32, #tpu.memory_space<hbm>> -> memref<1x1x1x80xi32, #tpu.memory_space<hbm>>
    %dma_wait3A_297 = tpu.memref_squeeze %dma_wait3A_296 : memref<1x1x1x80xi32, #tpu.memory_space<hbm>> -> memref<80xi32, #tpu.memory_space<hbm>>
    tpu.wait_dma2 semaphore(%arg16 : memref<!tpu.dma_semaphore, #tpu.memory_space<semaphore_mem>>) src(%dma_wait3A_297 : memref<80xi32, #tpu.memory_space<hbm>>) dst(%dma_wait3A_294 : memref<80xi32, #tpu.memory_space<vmem>>)
    %dma_start3A_298 = arith.constant 240 : i32
    %dma_start3A_299 = tpu.memref_slice %arg6[%dma_start3A_298] : memref<640xi32, #tpu.memory_space<vmem>> -> memref<80xi32, #tpu.memory_space<vmem>>
    %dma_start3A_300 = arith.constant 0 : i32
    %dma_start3A_301 = arith.constant 0 : i32
    %dma_start3A_302 = tpu.memref_slice %arg2[%dma_start3A_300, %dma_start3A_301] : memref<10000x128xf32, #tpu.memory_space<hbm>> -> memref<10000x128xf32, #tpu.memory_space<hbm>>
    tpu.enqueue_indirect_dma source(%dma_start3A_302 : memref<10000x128xf32, #tpu.memory_space<hbm>>) target(%arg11 : memref<80x128xf32, #tpu.memory_space<vmem>>) offsets(%dma_start3A_299 : memref<80xi32, #tpu.memory_space<vmem>>) semaphore(%arg24 : memref<!tpu.dma_semaphore, #tpu.memory_space<semaphore_mem>>)
    %scan3A_303 = arith.constant 0 : i32
    %scan3A_304 = arith.constant 0 : i32
    %scan3A_305 = arith.constant 15 : i32
    %scan3A_306 = arith.addi %scan3A_304, %scan3A_305 : i32
    %scan3A_307 = arith.constant 1 : i32
    scf.for %scan3A_423 = %scan3A_304 to %scan3A_306 step %scan3A_307  : i32 {
      %mul3A_424 = arith.constant 8 : i32
      %mul3A_425 = arith.muli %mul3A_424, %scan3A_423 : i32
      %add3A_426 = arith.constant 2 : i32
      %add3A_427 = arith.addi %add3A_426, %mul3A_425 : i32
      %add3A_428 = arith.constant 0 : i32
      %add3A_429 = arith.addi %add3A_427, %add3A_428 : i32
      %dma_wait3A_430 = arith.constant 160 : i32
      %dma_wait3A_431 = tpu.memref_slice %arg6[%dma_wait3A_430] : memref<640xi32, #tpu.memory_space<vmem>> -> memref<80xi32, #tpu.memory_space<vmem>>
      %dma_wait3A_432 = arith.constant 0 : i32
      %dma_wait3A_433 = arith.constant 0 : i32
      %dma_wait3A_434 = tpu.memref_slice %arg2[%dma_wait3A_432, %dma_wait3A_433] : memref<10000x128xf32, #tpu.memory_space<hbm>> -> memref<10000x128xf32, #tpu.memory_space<hbm>>
      tpu.wait_indirect_dma semaphore(%arg23 : memref<!tpu.dma_semaphore, #tpu.memory_space<semaphore_mem>>) src(%dma_wait3A_434 : memref<10000x128xf32, #tpu.memory_space<hbm>>) dst(%arg10 : memref<80x128xf32, #tpu.memory_space<vmem>>)
      %dma_start3A_435 = arith.constant 16 : i32
      %dma_start3A_436 = arith.constant 0 : i32
      %dma_start3A_437 = tpu.memref_slice %arg7[%dma_start3A_435, %dma_start3A_436] : memref<64x80xi32, #tpu.memory_space<vmem>> -> memref<1x80xi32, #tpu.memory_space<vmem>>
      %dma_start3A_438 = tpu.memref_squeeze %dma_start3A_437 : memref<1x80xi32, #tpu.memory_space<vmem>> -> memref<80xi32, #tpu.memory_space<vmem>>
      %dma_start3A_439 = arith.constant 0 : i32
      %dma_start3A_440 = arith.constant 0 : i32
      %dma_start3A_441 = tpu.memref_slice %arg12[%dma_start3A_439, %dma_start3A_440] : memref<10000x128xf32, #tpu.memory_space<vmem_shared>> -> memref<10000x128xf32, #tpu.memory_space<vmem_shared>>
      tpu.enqueue_indirect_dma source(%arg10 : memref<80x128xf32, #tpu.memory_space<vmem>>) target(%dma_start3A_441 : memref<10000x128xf32, #tpu.memory_space<vmem_shared>>) offsets(%dma_start3A_438 : memref<80xi32, #tpu.memory_space<vmem>>) semaphore(%arg27 : memref<!tpu.dma_semaphore, #tpu.memory_space<semaphore_mem>>) {add = true}
      %dma_wait3A_442 = arith.constant 0 : i32
      %dma_wait3A_443 = arith.constant 0 : i32
      %dma_wait3A_444 = tpu.memref_slice %arg7[%dma_wait3A_442, %dma_wait3A_443] : memref<64x80xi32, #tpu.memory_space<vmem>> -> memref<1x80xi32, #tpu.memory_space<vmem>>
      %dma_wait3A_445 = tpu.memref_squeeze %dma_wait3A_444 : memref<1x80xi32, #tpu.memory_space<vmem>> -> memref<80xi32, #tpu.memory_space<vmem>>
      %dma_wait3A_446 = arith.constant 0 : i32
      %dma_wait3A_447 = arith.constant 0 : i32
      %dma_wait3A_448 = tpu.memref_slice %arg12[%dma_wait3A_446, %dma_wait3A_447] : memref<10000x128xf32, #tpu.memory_space<vmem_shared>> -> memref<10000x128xf32, #tpu.memory_space<vmem_shared>>
      tpu.wait_indirect_dma semaphore(%arg25 : memref<!tpu.dma_semaphore, #tpu.memory_space<semaphore_mem>>) src(%arg8 : memref<80x128xf32, #tpu.memory_space<vmem>>) dst(%dma_wait3A_448 : memref<10000x128xf32, #tpu.memory_space<vmem_shared>>)
      %add3A_449 = arith.constant 3 : i32
      %add3A_450 = arith.addi %add3A_429, %add3A_449 : i32
      %dma_start3A_451 = arith.constant 0 : i32
      %dma_start3A_452 = arith.constant 400 : i32
      %dma_start3A_453 = tpu.memref_slice %arg6[%dma_start3A_452] : memref<640xi32, #tpu.memory_space<vmem>> -> memref<80xi32, #tpu.memory_space<vmem>>
      %dma_start3A_454 = arith.constant 0 : i32
      %dma_start3A_455 = tpu.memref_slice %arg3[%add3A, %add3A_450, %dma_start3A_451, %dma_start3A_454] : memref<32x125x1x80xi32, #tpu.memory_space<hbm>> -> memref<1x1x1x80xi32, #tpu.memory_space<hbm>>
      %dma_start3A_456 = tpu.memref_squeeze %dma_start3A_455 : memref<1x1x1x80xi32, #tpu.memory_space<hbm>> -> memref<80xi32, #tpu.memory_space<hbm>>
      %dma_start3A_457 = arith.constant 400 : i32
      %dma_start3A_458 = tpu.memref_slice %arg6[%dma_start3A_457] : memref<640xi32, #tpu.memory_space<vmem>> -> memref<80xi32, #tpu.memory_space<vmem>>
      %dma_start3A_459 = arith.constant 0 : i32
      %dma_start3A_460 = tpu.memref_slice %arg3[%add3A, %add3A_450, %dma_start3A_451, %dma_start3A_459] : memref<32x125x1x80xi32, #tpu.memory_space<hbm>> -> memref<1x1x1x80xi32, #tpu.memory_space<hbm>>
      %dma_start3A_461 = tpu.memref_squeeze %dma_start3A_460 : memref<1x1x1x80xi32, #tpu.memory_space<hbm>> -> memref<80xi32, #tpu.memory_space<hbm>>
      tpu.enqueue_dma source(%dma_start3A_461 : memref<80xi32, #tpu.memory_space<hbm>>) target(%dma_start3A_458 : memref<80xi32, #tpu.memory_space<vmem>>) target_semaphore(%arg18 : memref<!tpu.dma_semaphore, #tpu.memory_space<semaphore_mem>>)
      %dma_start3A_462 = arith.constant 0 : i32
      %dma_start3A_463 = arith.constant 40 : i32
      %dma_start3A_464 = arith.constant 0 : i32
      %dma_start3A_465 = tpu.memref_slice %arg7[%dma_start3A_463, %dma_start3A_464] : memref<64x80xi32, #tpu.memory_space<vmem>> -> memref<1x80xi32, #tpu.memory_space<vmem>>
      %dma_start3A_466 = tpu.memref_squeeze %dma_start3A_465 : memref<1x80xi32, #tpu.memory_space<vmem>> -> memref<80xi32, #tpu.memory_space<vmem>>
      %dma_start3A_467 = arith.constant 0 : i32
      %dma_start3A_468 = tpu.memref_slice %arg4[%add3A, %add3A_450, %dma_start3A_462, %dma_start3A_467] : memref<32x125x1x80xi32, #tpu.memory_space<hbm>> -> memref<1x1x1x80xi32, #tpu.memory_space<hbm>>
      %dma_start3A_469 = tpu.memref_squeeze %dma_start3A_468 : memref<1x1x1x80xi32, #tpu.memory_space<hbm>> -> memref<80xi32, #tpu.memory_space<hbm>>
      %dma_start3A_470 = arith.constant 0 : i32
      %dma_start3A_471 = tpu.memref_slice %arg7[%dma_start3A_463, %dma_start3A_470] : memref<64x80xi32, #tpu.memory_space<vmem>> -> memref<1x80xi32, #tpu.memory_space<vmem>>
      %dma_start3A_472 = tpu.memref_squeeze %dma_start3A_471 : memref<1x80xi32, #tpu.memory_space<vmem>> -> memref<80xi32, #tpu.memory_space<vmem>>
      %dma_start3A_473 = arith.constant 0 : i32
      %dma_start3A_474 = tpu.memref_slice %arg4[%add3A, %add3A_450, %dma_start3A_462, %dma_start3A_473] : memref<32x125x1x80xi32, #tpu.memory_space<hbm>> -> memref<1x1x1x80xi32, #tpu.memory_space<hbm>>
      %dma_start3A_475 = tpu.memref_squeeze %dma_start3A_474 : memref<1x1x1x80xi32, #tpu.memory_space<hbm>> -> memref<80xi32, #tpu.memory_space<hbm>>
      tpu.enqueue_dma source(%dma_start3A_475 : memref<80xi32, #tpu.memory_space<hbm>>) target(%dma_start3A_472 : memref<80xi32, #tpu.memory_space<vmem>>) target_semaphore(%arg18 : memref<!tpu.dma_semaphore, #tpu.memory_space<semaphore_mem>>)
      %add3A_476 = arith.constant 2 : i32
      %add3A_477 = arith.addi %add3A_429, %add3A_476 : i32
      %dma_wait3A_478 = arith.constant 0 : i32
      %dma_wait3A_479 = arith.constant 320 : i32
      %dma_wait3A_480 = tpu.memref_slice %arg6[%dma_wait3A_479] : memref<640xi32, #tpu.memory_space<vmem>> -> memref<80xi32, #tpu.memory_space<vmem>>
      %dma_wait3A_481 = arith.constant 0 : i32
      %dma_wait3A_482 = tpu.memref_slice %arg3[%add3A, %add3A_477, %dma_wait3A_478, %dma_wait3A_481] : memref<32x125x1x80xi32, #tpu.memory_space<hbm>> -> memref<1x1x1x80xi32, #tpu.memory_space<hbm>>
      %dma_wait3A_483 = tpu.memref_squeeze %dma_wait3A_482 : memref<1x1x1x80xi32, #tpu.memory_space<hbm>> -> memref<80xi32, #tpu.memory_space<hbm>>
      %dma_wait3A_484 = arith.constant 320 : i32
      %dma_wait3A_485 = tpu.memref_slice %arg6[%dma_wait3A_484] : memref<640xi32, #tpu.memory_space<vmem>> -> memref<80xi32, #tpu.memory_space<vmem>>
      %dma_wait3A_486 = arith.constant 0 : i32
      %dma_wait3A_487 = tpu.memref_slice %arg3[%add3A, %add3A_477, %dma_wait3A_478, %dma_wait3A_486] : memref<32x125x1x80xi32, #tpu.memory_space<hbm>> -> memref<1x1x1x80xi32, #tpu.memory_space<hbm>>
      %dma_wait3A_488 = tpu.memref_squeeze %dma_wait3A_487 : memref<1x1x1x80xi32, #tpu.memory_space<hbm>> -> memref<80xi32, #tpu.memory_space<hbm>>
      tpu.wait_dma2 semaphore(%arg17 : memref<!tpu.dma_semaphore, #tpu.memory_space<semaphore_mem>>) src(%dma_wait3A_488 : memref<80xi32, #tpu.memory_space<hbm>>) dst(%dma_wait3A_485 : memref<80xi32, #tpu.memory_space<vmem>>)
      %dma_wait3A_489 = arith.constant 0 : i32
      %dma_wait3A_490 = arith.constant 32 : i32
      %dma_wait3A_491 = arith.constant 0 : i32
      %dma_wait3A_492 = tpu.memref_slice %arg7[%dma_wait3A_490, %dma_wait3A_491] : memref<64x80xi32, #tpu.memory_space<vmem>> -> memref<1x80xi32, #tpu.memory_space<vmem>>
      %dma_wait3A_493 = tpu.memref_squeeze %dma_wait3A_492 : memref<1x80xi32, #tpu.memory_space<vmem>> -> memref<80xi32, #tpu.memory_space<vmem>>
      %dma_wait3A_494 = arith.constant 0 : i32
      %dma_wait3A_495 = tpu.memref_slice %arg4[%add3A, %add3A_477, %dma_wait3A_489, %dma_wait3A_494] : memref<32x125x1x80xi32, #tpu.memory_space<hbm>> -> memref<1x1x1x80xi32, #tpu.memory_space<hbm>>
      %dma_wait3A_496 = tpu.memref_squeeze %dma_wait3A_495 : memref<1x1x1x80xi32, #tpu.memory_space<hbm>> -> memref<80xi32, #tpu.memory_space<hbm>>
      %dma_wait3A_497 = arith.constant 0 : i32
      %dma_wait3A_498 = tpu.memref_slice %arg7[%dma_wait3A_490, %dma_wait3A_497] : memref<64x80xi32, #tpu.memory_space<vmem>> -> memref<1x80xi32, #tpu.memory_space<vmem>>
      %dma_wait3A_499 = tpu.memref_squeeze %dma_wait3A_498 : memref<1x80xi32, #tpu.memory_space<vmem>> -> memref<80xi32, #tpu.memory_space<vmem>>
      %dma_wait3A_500 = arith.constant 0 : i32
      %dma_wait3A_501 = tpu.memref_slice %arg4[%add3A, %add3A_477, %dma_wait3A_489, %dma_wait3A_500] : memref<32x125x1x80xi32, #tpu.memory_space<hbm>> -> memref<1x1x1x80xi32, #tpu.memory_space<hbm>>
      %dma_wait3A_502 = tpu.memref_squeeze %dma_wait3A_501 : memref<1x1x1x80xi32, #tpu.memory_space<hbm>> -> memref<80xi32, #tpu.memory_space<hbm>>
      tpu.wait_dma2 semaphore(%arg17 : memref<!tpu.dma_semaphore, #tpu.memory_space<semaphore_mem>>) src(%dma_wait3A_502 : memref<80xi32, #tpu.memory_space<hbm>>) dst(%dma_wait3A_499 : memref<80xi32, #tpu.memory_space<vmem>>)
      %dma_start3A_503 = arith.constant 320 : i32
      %dma_start3A_504 = tpu.memref_slice %arg6[%dma_start3A_503] : memref<640xi32, #tpu.memory_space<vmem>> -> memref<80xi32, #tpu.memory_space<vmem>>
      %dma_start3A_505 = arith.constant 0 : i32
      %dma_start3A_506 = arith.constant 0 : i32
      %dma_start3A_507 = tpu.memref_slice %arg2[%dma_start3A_505, %dma_start3A_506] : memref<10000x128xf32, #tpu.memory_space<hbm>> -> memref<10000x128xf32, #tpu.memory_space<hbm>>
      tpu.enqueue_indirect_dma source(%dma_start3A_507 : memref<10000x128xf32, #tpu.memory_space<hbm>>) target(%arg8 : memref<80x128xf32, #tpu.memory_space<vmem>>) offsets(%dma_start3A_504 : memref<80xi32, #tpu.memory_space<vmem>>) semaphore(%arg21 : memref<!tpu.dma_semaphore, #tpu.memory_space<semaphore_mem>>)
      %add3A_508 = arith.constant 1 : i32
      %add3A_509 = arith.addi %add3A_427, %add3A_508 : i32
      %dma_wait3A_510 = arith.constant 240 : i32
      %dma_wait3A_511 = tpu.memref_slice %arg6[%dma_wait3A_510] : memref<640xi32, #tpu.memory_space<vmem>> -> memref<80xi32, #tpu.memory_space<vmem>>
      %dma_wait3A_512 = arith.constant 0 : i32
      %dma_wait3A_513 = arith.constant 0 : i32
      %dma_wait3A_514 = tpu.memref_slice %arg2[%dma_wait3A_512, %dma_wait3A_513] : memref<10000x128xf32, #tpu.memory_space<hbm>> -> memref<10000x128xf32, #tpu.memory_space<hbm>>
      tpu.wait_indirect_dma semaphore(%arg24 : memref<!tpu.dma_semaphore, #tpu.memory_space<semaphore_mem>>) src(%dma_wait3A_514 : memref<10000x128xf32, #tpu.memory_space<hbm>>) dst(%arg11 : memref<80x128xf32, #tpu.memory_space<vmem>>)
      %dma_start3A_515 = arith.constant 24 : i32
      %dma_start3A_516 = arith.constant 0 : i32
      %dma_start3A_517 = tpu.memref_slice %arg7[%dma_start3A_515, %dma_start3A_516] : memref<64x80xi32, #tpu.memory_space<vmem>> -> memref<1x80xi32, #tpu.memory_space<vmem>>
      %dma_start3A_518 = tpu.memref_squeeze %dma_start3A_517 : memref<1x80xi32, #tpu.memory_space<vmem>> -> memref<80xi32, #tpu.memory_space<vmem>>
      %dma_start3A_519 = arith.constant 0 : i32
      %dma_start3A_520 = arith.constant 0 : i32
      %dma_start3A_521 = tpu.memref_slice %arg12[%dma_start3A_519, %dma_start3A_520] : memref<10000x128xf32, #tpu.memory_space<vmem_shared>> -> memref<10000x128xf32, #tpu.memory_space<vmem_shared>>
      tpu.enqueue_indirect_dma source(%arg11 : memref<80x128xf32, #tpu.memory_space<vmem>>) target(%dma_start3A_521 : memref<10000x128xf32, #tpu.memory_space<vmem_shared>>) offsets(%dma_start3A_518 : memref<80xi32, #tpu.memory_space<vmem>>) semaphore(%arg28 : memref<!tpu.dma_semaphore, #tpu.memory_space<semaphore_mem>>) {add = true}
      %dma_wait3A_522 = arith.constant 8 : i32
      %dma_wait3A_523 = arith.constant 0 : i32
      %dma_wait3A_524 = tpu.memref_slice %arg7[%dma_wait3A_522, %dma_wait3A_523] : memref<64x80xi32, #tpu.memory_space<vmem>> -> memref<1x80xi32, #tpu.memory_space<vmem>>
      %dma_wait3A_525 = tpu.memref_squeeze %dma_wait3A_524 : memref<1x80xi32, #tpu.memory_space<vmem>> -> memref<80xi32, #tpu.memory_space<vmem>>
      %dma_wait3A_526 = arith.constant 0 : i32
      %dma_wait3A_527 = arith.constant 0 : i32
      %dma_wait3A_528 = tpu.memref_slice %arg12[%dma_wait3A_526, %dma_wait3A_527] : memref<10000x128xf32, #tpu.memory_space<vmem_shared>> -> memref<10000x128xf32, #tpu.memory_space<vmem_shared>>
      tpu.wait_indirect_dma semaphore(%arg26 : memref<!tpu.dma_semaphore, #tpu.memory_space<semaphore_mem>>) src(%arg9 : memref<80x128xf32, #tpu.memory_space<vmem>>) dst(%dma_wait3A_528 : memref<10000x128xf32, #tpu.memory_space<vmem_shared>>)
      %add3A_529 = arith.constant 3 : i32
      %add3A_530 = arith.addi %add3A_509, %add3A_529 : i32
      %dma_start3A_531 = arith.constant 0 : i32
      %dma_start3A_532 = arith.constant 480 : i32
      %dma_start3A_533 = tpu.memref_slice %arg6[%dma_start3A_532] : memref<640xi32, #tpu.memory_space<vmem>> -> memref<80xi32, #tpu.memory_space<vmem>>
      %dma_start3A_534 = arith.constant 0 : i32
      %dma_start3A_535 = tpu.memref_slice %arg3[%add3A, %add3A_530, %dma_start3A_531, %dma_start3A_534] : memref<32x125x1x80xi32, #tpu.memory_space<hbm>> -> memref<1x1x1x80xi32, #tpu.memory_space<hbm>>
      %dma_start3A_536 = tpu.memref_squeeze %dma_start3A_535 : memref<1x1x1x80xi32, #tpu.memory_space<hbm>> -> memref<80xi32, #tpu.memory_space<hbm>>
      %dma_start3A_537 = arith.constant 480 : i32
      %dma_start3A_538 = tpu.memref_slice %arg6[%dma_start3A_537] : memref<640xi32, #tpu.memory_space<vmem>> -> memref<80xi32, #tpu.memory_space<vmem>>
      %dma_start3A_539 = arith.constant 0 : i32
      %dma_start3A_540 = tpu.memref_slice %arg3[%add3A, %add3A_530, %dma_start3A_531, %dma_start3A_539] : memref<32x125x1x80xi32, #tpu.memory_space<hbm>> -> memref<1x1x1x80xi32, #tpu.memory_space<hbm>>
      %dma_start3A_541 = tpu.memref_squeeze %dma_start3A_540 : memref<1x1x1x80xi32, #tpu.memory_space<hbm>> -> memref<80xi32, #tpu.memory_space<hbm>>
      tpu.enqueue_dma source(%dma_start3A_541 : memref<80xi32, #tpu.memory_space<hbm>>) target(%dma_start3A_538 : memref<80xi32, #tpu.memory_space<vmem>>) target_semaphore(%arg19 : memref<!tpu.dma_semaphore, #tpu.memory_space<semaphore_mem>>)
      %dma_start3A_542 = arith.constant 0 : i32
      %dma_start3A_543 = arith.constant 48 : i32
      %dma_start3A_544 = arith.constant 0 : i32
      %dma_start3A_545 = tpu.memref_slice %arg7[%dma_start3A_543, %dma_start3A_544] : memref<64x80xi32, #tpu.memory_space<vmem>> -> memref<1x80xi32, #tpu.memory_space<vmem>>
      %dma_start3A_546 = tpu.memref_squeeze %dma_start3A_545 : memref<1x80xi32, #tpu.memory_space<vmem>> -> memref<80xi32, #tpu.memory_space<vmem>>
      %dma_start3A_547 = arith.constant 0 : i32
      %dma_start3A_548 = tpu.memref_slice %arg4[%add3A, %add3A_530, %dma_start3A_542, %dma_start3A_547] : memref<32x125x1x80xi32, #tpu.memory_space<hbm>> -> memref<1x1x1x80xi32, #tpu.memory_space<hbm>>
      %dma_start3A_549 = tpu.memref_squeeze %dma_start3A_548 : memref<1x1x1x80xi32, #tpu.memory_space<hbm>> -> memref<80xi32, #tpu.memory_space<hbm>>
      %dma_start3A_550 = arith.constant 0 : i32
      %dma_start3A_551 = tpu.memref_slice %arg7[%dma_start3A_543, %dma_start3A_550] : memref<64x80xi32, #tpu.memory_space<vmem>> -> memref<1x80xi32, #tpu.memory_space<vmem>>
      %dma_start3A_552 = tpu.memref_squeeze %dma_start3A_551 : memref<1x80xi32, #tpu.memory_space<vmem>> -> memref<80xi32, #tpu.memory_space<vmem>>
      %dma_start3A_553 = arith.constant 0 : i32
      %dma_start3A_554 = tpu.memref_slice %arg4[%add3A, %add3A_530, %dma_start3A_542, %dma_start3A_553] : memref<32x125x1x80xi32, #tpu.memory_space<hbm>> -> memref<1x1x1x80xi32, #tpu.memory_space<hbm>>
      %dma_start3A_555 = tpu.memref_squeeze %dma_start3A_554 : memref<1x1x1x80xi32, #tpu.memory_space<hbm>> -> memref<80xi32, #tpu.memory_space<hbm>>
      tpu.enqueue_dma source(%dma_start3A_555 : memref<80xi32, #tpu.memory_space<hbm>>) target(%dma_start3A_552 : memref<80xi32, #tpu.memory_space<vmem>>) target_semaphore(%arg19 : memref<!tpu.dma_semaphore, #tpu.memory_space<semaphore_mem>>)
      %add3A_556 = arith.constant 2 : i32
      %add3A_557 = arith.addi %add3A_509, %add3A_556 : i32
      %dma_wait3A_558 = arith.constant 0 : i32
      %dma_wait3A_559 = arith.constant 400 : i32
      %dma_wait3A_560 = tpu.memref_slice %arg6[%dma_wait3A_559] : memref<640xi32, #tpu.memory_space<vmem>> -> memref<80xi32, #tpu.memory_space<vmem>>
      %dma_wait3A_561 = arith.constant 0 : i32
      %dma_wait3A_562 = tpu.memref_slice %arg3[%add3A, %add3A_557, %dma_wait3A_558, %dma_wait3A_561] : memref<32x125x1x80xi32, #tpu.memory_space<hbm>> -> memref<1x1x1x80xi32, #tpu.memory_space<hbm>>
      %dma_wait3A_563 = tpu.memref_squeeze %dma_wait3A_562 : memref<1x1x1x80xi32, #tpu.memory_space<hbm>> -> memref<80xi32, #tpu.memory_space<hbm>>
      %dma_wait3A_564 = arith.constant 400 : i32
      %dma_wait3A_565 = tpu.memref_slice %arg6[%dma_wait3A_564] : memref<640xi32, #tpu.memory_space<vmem>> -> memref<80xi32, #tpu.memory_space<vmem>>
      %dma_wait3A_566 = arith.constant 0 : i32
      %dma_wait3A_567 = tpu.memref_slice %arg3[%add3A, %add3A_557, %dma_wait3A_558, %dma_wait3A_566] : memref<32x125x1x80xi32, #tpu.memory_space<hbm>> -> memref<1x1x1x80xi32, #tpu.memory_space<hbm>>
      %dma_wait3A_568 = tpu.memref_squeeze %dma_wait3A_567 : memref<1x1x1x80xi32, #tpu.memory_space<hbm>> -> memref<80xi32, #tpu.memory_space<hbm>>
      tpu.wait_dma2 semaphore(%arg18 : memref<!tpu.dma_semaphore, #tpu.memory_space<semaphore_mem>>) src(%dma_wait3A_568 : memref<80xi32, #tpu.memory_space<hbm>>) dst(%dma_wait3A_565 : memref<80xi32, #tpu.memory_space<vmem>>)
      %dma_wait3A_569 = arith.constant 0 : i32
      %dma_wait3A_570 = arith.constant 40 : i32
      %dma_wait3A_571 = arith.constant 0 : i32
      %dma_wait3A_572 = tpu.memref_slice %arg7[%dma_wait3A_570, %dma_wait3A_571] : memref<64x80xi32, #tpu.memory_space<vmem>> -> memref<1x80xi32, #tpu.memory_space<vmem>>
      %dma_wait3A_573 = tpu.memref_squeeze %dma_wait3A_572 : memref<1x80xi32, #tpu.memory_space<vmem>> -> memref<80xi32, #tpu.memory_space<vmem>>
      %dma_wait3A_574 = arith.constant 0 : i32
      %dma_wait3A_575 = tpu.memref_slice %arg4[%add3A, %add3A_557, %dma_wait3A_569, %dma_wait3A_574] : memref<32x125x1x80xi32, #tpu.memory_space<hbm>> -> memref<1x1x1x80xi32, #tpu.memory_space<hbm>>
      %dma_wait3A_576 = tpu.memref_squeeze %dma_wait3A_575 : memref<1x1x1x80xi32, #tpu.memory_space<hbm>> -> memref<80xi32, #tpu.memory_space<hbm>>
      %dma_wait3A_577 = arith.constant 0 : i32
      %dma_wait3A_578 = tpu.memref_slice %arg7[%dma_wait3A_570, %dma_wait3A_577] : memref<64x80xi32, #tpu.memory_space<vmem>> -> memref<1x80xi32, #tpu.memory_space<vmem>>
      %dma_wait3A_579 = tpu.memref_squeeze %dma_wait3A_578 : memref<1x80xi32, #tpu.memory_space<vmem>> -> memref<80xi32, #tpu.memory_space<vmem>>
      %dma_wait3A_580 = arith.constant 0 : i32
      %dma_wait3A_581 = tpu.memref_slice %arg4[%add3A, %add3A_557, %dma_wait3A_569, %dma_wait3A_580] : memref<32x125x1x80xi32, #tpu.memory_space<hbm>> -> memref<1x1x1x80xi32, #tpu.memory_space<hbm>>
      %dma_wait3A_582 = tpu.memref_squeeze %dma_wait3A_581 : memref<1x1x1x80xi32, #tpu.memory_space<hbm>> -> memref<80xi32, #tpu.memory_space<hbm>>
      tpu.wait_dma2 semaphore(%arg18 : memref<!tpu.dma_semaphore, #tpu.memory_space<semaphore_mem>>) src(%dma_wait3A_582 : memref<80xi32, #tpu.memory_space<hbm>>) dst(%dma_wait3A_579 : memref<80xi32, #tpu.memory_space<vmem>>)
      %dma_start3A_583 = arith.constant 400 : i32
      %dma_start3A_584 = tpu.memref_slice %arg6[%dma_start3A_583] : memref<640xi32, #tpu.memory_space<vmem>> -> memref<80xi32, #tpu.memory_space<vmem>>
      %dma_start3A_585 = arith.constant 0 : i32
      %dma_start3A_586 = arith.constant 0 : i32
      %dma_start3A_587 = tpu.memref_slice %arg2[%dma_start3A_585, %dma_start3A_586] : memref<10000x128xf32, #tpu.memory_space<hbm>> -> memref<10000x128xf32, #tpu.memory_space<hbm>>
      tpu.enqueue_indirect_dma source(%dma_start3A_587 : memref<10000x128xf32, #tpu.memory_space<hbm>>) target(%arg9 : memref<80x128xf32, #tpu.memory_space<vmem>>) offsets(%dma_start3A_584 : memref<80xi32, #tpu.memory_space<vmem>>) semaphore(%arg22 : memref<!tpu.dma_semaphore, #tpu.memory_space<semaphore_mem>>)
      %add3A_588 = arith.constant 2 : i32
      %add3A_589 = arith.addi %add3A_427, %add3A_588 : i32
      %dma_wait3A_590 = arith.constant 320 : i32
      %dma_wait3A_591 = tpu.memref_slice %arg6[%dma_wait3A_590] : memref<640xi32, #tpu.memory_space<vmem>> -> memref<80xi32, #tpu.memory_space<vmem>>
      %dma_wait3A_592 = arith.constant 0 : i32
      %dma_wait3A_593 = arith.constant 0 : i32
      %dma_wait3A_594 = tpu.memref_slice %arg2[%dma_wait3A_592, %dma_wait3A_593] : memref<10000x128xf32, #tpu.memory_space<hbm>> -> memref<10000x128xf32, #tpu.memory_space<hbm>>
      tpu.wait_indirect_dma semaphore(%arg21 : memref<!tpu.dma_semaphore, #tpu.memory_space<semaphore_mem>>) src(%dma_wait3A_594 : memref<10000x128xf32, #tpu.memory_space<hbm>>) dst(%arg8 : memref<80x128xf32, #tpu.memory_space<vmem>>)
      %dma_start3A_595 = arith.constant 32 : i32
      %dma_start3A_596 = arith.constant 0 : i32
      %dma_start3A_597 = tpu.memref_slice %arg7[%dma_start3A_595, %dma_start3A_596] : memref<64x80xi32, #tpu.memory_space<vmem>> -> memref<1x80xi32, #tpu.memory_space<vmem>>
      %dma_start3A_598 = tpu.memref_squeeze %dma_start3A_597 : memref<1x80xi32, #tpu.memory_space<vmem>> -> memref<80xi32, #tpu.memory_space<vmem>>
      %dma_start3A_599 = arith.constant 0 : i32
      %dma_start3A_600 = arith.constant 0 : i32
      %dma_start3A_601 = tpu.memref_slice %arg12[%dma_start3A_599, %dma_start3A_600] : memref<10000x128xf32, #tpu.memory_space<vmem_shared>> -> memref<10000x128xf32, #tpu.memory_space<vmem_shared>>
      tpu.enqueue_indirect_dma source(%arg8 : memref<80x128xf32, #tpu.memory_space<vmem>>) target(%dma_start3A_601 : memref<10000x128xf32, #tpu.memory_space<vmem_shared>>) offsets(%dma_start3A_598 : memref<80xi32, #tpu.memory_space<vmem>>) semaphore(%arg25 : memref<!tpu.dma_semaphore, #tpu.memory_space<semaphore_mem>>) {add = true}
      %dma_wait3A_602 = arith.constant 16 : i32
      %dma_wait3A_603 = arith.constant 0 : i32
      %dma_wait3A_604 = tpu.memref_slice %arg7[%dma_wait3A_602, %dma_wait3A_603] : memref<64x80xi32, #tpu.memory_space<vmem>> -> memref<1x80xi32, #tpu.memory_space<vmem>>
      %dma_wait3A_605 = tpu.memref_squeeze %dma_wait3A_604 : memref<1x80xi32, #tpu.memory_space<vmem>> -> memref<80xi32, #tpu.memory_space<vmem>>
      %dma_wait3A_606 = arith.constant 0 : i32
      %dma_wait3A_607 = arith.constant 0 : i32
      %dma_wait3A_608 = tpu.memref_slice %arg12[%dma_wait3A_606, %dma_wait3A_607] : memref<10000x128xf32, #tpu.memory_space<vmem_shared>> -> memref<10000x128xf32, #tpu.memory_space<vmem_shared>>
      tpu.wait_indirect_dma semaphore(%arg27 : memref<!tpu.dma_semaphore, #tpu.memory_space<semaphore_mem>>) src(%arg10 : memref<80x128xf32, #tpu.memory_space<vmem>>) dst(%dma_wait3A_608 : memref<10000x128xf32, #tpu.memory_space<vmem_shared>>)
      %add3A_609 = arith.constant 3 : i32
      %add3A_610 = arith.addi %add3A_589, %add3A_609 : i32
      %dma_start3A_611 = arith.constant 0 : i32
      %dma_start3A_612 = arith.constant 560 : i32
      %dma_start3A_613 = tpu.memref_slice %arg6[%dma_start3A_612] : memref<640xi32, #tpu.memory_space<vmem>> -> memref<80xi32, #tpu.memory_space<vmem>>
      %dma_start3A_614 = arith.constant 0 : i32
      %dma_start3A_615 = tpu.memref_slice %arg3[%add3A, %add3A_610, %dma_start3A_611, %dma_start3A_614] : memref<32x125x1x80xi32, #tpu.memory_space<hbm>> -> memref<1x1x1x80xi32, #tpu.memory_space<hbm>>
      %dma_start3A_616 = tpu.memref_squeeze %dma_start3A_615 : memref<1x1x1x80xi32, #tpu.memory_space<hbm>> -> memref<80xi32, #tpu.memory_space<hbm>>
      %dma_start3A_617 = arith.constant 560 : i32
      %dma_start3A_618 = tpu.memref_slice %arg6[%dma_start3A_617] : memref<640xi32, #tpu.memory_space<vmem>> -> memref<80xi32, #tpu.memory_space<vmem>>
      %dma_start3A_619 = arith.constant 0 : i32
      %dma_start3A_620 = tpu.memref_slice %arg3[%add3A, %add3A_610, %dma_start3A_611, %dma_start3A_619] : memref<32x125x1x80xi32, #tpu.memory_space<hbm>> -> memref<1x1x1x80xi32, #tpu.memory_space<hbm>>
      %dma_start3A_621 = tpu.memref_squeeze %dma_start3A_620 : memref<1x1x1x80xi32, #tpu.memory_space<hbm>> -> memref<80xi32, #tpu.memory_space<hbm>>
      tpu.enqueue_dma source(%dma_start3A_621 : memref<80xi32, #tpu.memory_space<hbm>>) target(%dma_start3A_618 : memref<80xi32, #tpu.memory_space<vmem>>) target_semaphore(%arg20 : memref<!tpu.dma_semaphore, #tpu.memory_space<semaphore_mem>>)
      %dma_start3A_622 = arith.constant 0 : i32
      %dma_start3A_623 = arith.constant 56 : i32
      %dma_start3A_624 = arith.constant 0 : i32
      %dma_start3A_625 = tpu.memref_slice %arg7[%dma_start3A_623, %dma_start3A_624] : memref<64x80xi32, #tpu.memory_space<vmem>> -> memref<1x80xi32, #tpu.memory_space<vmem>>
      %dma_start3A_626 = tpu.memref_squeeze %dma_start3A_625 : memref<1x80xi32, #tpu.memory_space<vmem>> -> memref<80xi32, #tpu.memory_space<vmem>>
      %dma_start3A_627 = arith.constant 0 : i32
      %dma_start3A_628 = tpu.memref_slice %arg4[%add3A, %add3A_610, %dma_start3A_622, %dma_start3A_627] : memref<32x125x1x80xi32, #tpu.memory_space<hbm>> -> memref<1x1x1x80xi32, #tpu.memory_space<hbm>>
      %dma_start3A_629 = tpu.memref_squeeze %dma_start3A_628 : memref<1x1x1x80xi32, #tpu.memory_space<hbm>> -> memref<80xi32, #tpu.memory_space<hbm>>
      %dma_start3A_630 = arith.constant 0 : i32
      %dma_start3A_631 = tpu.memref_slice %arg7[%dma_start3A_623, %dma_start3A_630] : memref<64x80xi32, #tpu.memory_space<vmem>> -> memref<1x80xi32, #tpu.memory_space<vmem>>
      %dma_start3A_632 = tpu.memref_squeeze %dma_start3A_631 : memref<1x80xi32, #tpu.memory_space<vmem>> -> memref<80xi32, #tpu.memory_space<vmem>>
      %dma_start3A_633 = arith.constant 0 : i32
      %dma_start3A_634 = tpu.memref_slice %arg4[%add3A, %add3A_610, %dma_start3A_622, %dma_start3A_633] : memref<32x125x1x80xi32, #tpu.memory_space<hbm>> -> memref<1x1x1x80xi32, #tpu.memory_space<hbm>>
      %dma_start3A_635 = tpu.memref_squeeze %dma_start3A_634 : memref<1x1x1x80xi32, #tpu.memory_space<hbm>> -> memref<80xi32, #tpu.memory_space<hbm>>
      tpu.enqueue_dma source(%dma_start3A_635 : memref<80xi32, #tpu.memory_space<hbm>>) target(%dma_start3A_632 : memref<80xi32, #tpu.memory_space<vmem>>) target_semaphore(%arg20 : memref<!tpu.dma_semaphore, #tpu.memory_space<semaphore_mem>>)
      %add3A_636 = arith.constant 2 : i32
      %add3A_637 = arith.addi %add3A_589, %add3A_636 : i32
      %dma_wait3A_638 = arith.constant 0 : i32
      %dma_wait3A_639 = arith.constant 480 : i32
      %dma_wait3A_640 = tpu.memref_slice %arg6[%dma_wait3A_639] : memref<640xi32, #tpu.memory_space<vmem>> -> memref<80xi32, #tpu.memory_space<vmem>>
      %dma_wait3A_641 = arith.constant 0 : i32
      %dma_wait3A_642 = tpu.memref_slice %arg3[%add3A, %add3A_637, %dma_wait3A_638, %dma_wait3A_641] : memref<32x125x1x80xi32, #tpu.memory_space<hbm>> -> memref<1x1x1x80xi32, #tpu.memory_space<hbm>>
      %dma_wait3A_643 = tpu.memref_squeeze %dma_wait3A_642 : memref<1x1x1x80xi32, #tpu.memory_space<hbm>> -> memref<80xi32, #tpu.memory_space<hbm>>
      %dma_wait3A_644 = arith.constant 480 : i32
      %dma_wait3A_645 = tpu.memref_slice %arg6[%dma_wait3A_644] : memref<640xi32, #tpu.memory_space<vmem>> -> memref<80xi32, #tpu.memory_space<vmem>>
      %dma_wait3A_646 = arith.constant 0 : i32
      %dma_wait3A_647 = tpu.memref_slice %arg3[%add3A, %add3A_637, %dma_wait3A_638, %dma_wait3A_646] : memref<32x125x1x80xi32, #tpu.memory_space<hbm>> -> memref<1x1x1x80xi32, #tpu.memory_space<hbm>>
      %dma_wait3A_648 = tpu.memref_squeeze %dma_wait3A_647 : memref<1x1x1x80xi32, #tpu.memory_space<hbm>> -> memref<80xi32, #tpu.memory_space<hbm>>
      tpu.wait_dma2 semaphore(%arg19 : memref<!tpu.dma_semaphore, #tpu.memory_space<semaphore_mem>>) src(%dma_wait3A_648 : memref<80xi32, #tpu.memory_space<hbm>>) dst(%dma_wait3A_645 : memref<80xi32, #tpu.memory_space<vmem>>)
      %dma_wait3A_649 = arith.constant 0 : i32
      %dma_wait3A_650 = arith.constant 48 : i32
      %dma_wait3A_651 = arith.constant 0 : i32
      %dma_wait3A_652 = tpu.memref_slice %arg7[%dma_wait3A_650, %dma_wait3A_651] : memref<64x80xi32, #tpu.memory_space<vmem>> -> memref<1x80xi32, #tpu.memory_space<vmem>>
      %dma_wait3A_653 = tpu.memref_squeeze %dma_wait3A_652 : memref<1x80xi32, #tpu.memory_space<vmem>> -> memref<80xi32, #tpu.memory_space<vmem>>
      %dma_wait3A_654 = arith.constant 0 : i32
      %dma_wait3A_655 = tpu.memref_slice %arg4[%add3A, %add3A_637, %dma_wait3A_649, %dma_wait3A_654] : memref<32x125x1x80xi32, #tpu.memory_space<hbm>> -> memref<1x1x1x80xi32, #tpu.memory_space<hbm>>
      %dma_wait3A_656 = tpu.memref_squeeze %dma_wait3A_655 : memref<1x1x1x80xi32, #tpu.memory_space<hbm>> -> memref<80xi32, #tpu.memory_space<hbm>>
      %dma_wait3A_657 = arith.constant 0 : i32
      %dma_wait3A_658 = tpu.memref_slice %arg7[%dma_wait3A_650, %dma_wait3A_657] : memref<64x80xi32, #tpu.memory_space<vmem>> -> memref<1x80xi32, #tpu.memory_space<vmem>>
      %dma_wait3A_659 = tpu.memref_squeeze %dma_wait3A_658 : memref<1x80xi32, #tpu.memory_space<vmem>> -> memref<80xi32, #tpu.memory_space<vmem>>
      %dma_wait3A_660 = arith.constant 0 : i32
      %dma_wait3A_661 = tpu.memref_slice %arg4[%add3A, %add3A_637, %dma_wait3A_649, %dma_wait3A_660] : memref<32x125x1x80xi32, #tpu.memory_space<hbm>> -> memref<1x1x1x80xi32, #tpu.memory_space<hbm>>
      %dma_wait3A_662 = tpu.memref_squeeze %dma_wait3A_661 : memref<1x1x1x80xi32, #tpu.memory_space<hbm>> -> memref<80xi32, #tpu.memory_space<hbm>>
      tpu.wait_dma2 semaphore(%arg19 : memref<!tpu.dma_semaphore, #tpu.memory_space<semaphore_mem>>) src(%dma_wait3A_662 : memref<80xi32, #tpu.memory_space<hbm>>) dst(%dma_wait3A_659 : memref<80xi32, #tpu.memory_space<vmem>>)
      %dma_start3A_663 = arith.constant 480 : i32
      %dma_start3A_664 = tpu.memref_slice %arg6[%dma_start3A_663] : memref<640xi32, #tpu.memory_space<vmem>> -> memref<80xi32, #tpu.memory_space<vmem>>
      %dma_start3A_665 = arith.constant 0 : i32
      %dma_start3A_666 = arith.constant 0 : i32
      %dma_start3A_667 = tpu.memref_slice %arg2[%dma_start3A_665, %dma_start3A_666] : memref<10000x128xf32, #tpu.memory_space<hbm>> -> memref<10000x128xf32, #tpu.memory_space<hbm>>
      tpu.enqueue_indirect_dma source(%dma_start3A_667 : memref<10000x128xf32, #tpu.memory_space<hbm>>) target(%arg10 : memref<80x128xf32, #tpu.memory_space<vmem>>) offsets(%dma_start3A_664 : memref<80xi32, #tpu.memory_space<vmem>>) semaphore(%arg23 : memref<!tpu.dma_semaphore, #tpu.memory_space<semaphore_mem>>)
      %add3A_668 = arith.constant 3 : i32
      %add3A_669 = arith.addi %add3A_427, %add3A_668 : i32
      %dma_wait3A_670 = arith.constant 400 : i32
      %dma_wait3A_671 = tpu.memref_slice %arg6[%dma_wait3A_670] : memref<640xi32, #tpu.memory_space<vmem>> -> memref<80xi32, #tpu.memory_space<vmem>>
      %dma_wait3A_672 = arith.constant 0 : i32
      %dma_wait3A_673 = arith.constant 0 : i32
      %dma_wait3A_674 = tpu.memref_slice %arg2[%dma_wait3A_672, %dma_wait3A_673] : memref<10000x128xf32, #tpu.memory_space<hbm>> -> memref<10000x128xf32, #tpu.memory_space<hbm>>
      tpu.wait_indirect_dma semaphore(%arg22 : memref<!tpu.dma_semaphore, #tpu.memory_space<semaphore_mem>>) src(%dma_wait3A_674 : memref<10000x128xf32, #tpu.memory_space<hbm>>) dst(%arg9 : memref<80x128xf32, #tpu.memory_space<vmem>>)
      %dma_start3A_675 = arith.constant 40 : i32
      %dma_start3A_676 = arith.constant 0 : i32
      %dma_start3A_677 = tpu.memref_slice %arg7[%dma_start3A_675, %dma_start3A_676] : memref<64x80xi32, #tpu.memory_space<vmem>> -> memref<1x80xi32, #tpu.memory_space<vmem>>
      %dma_start3A_678 = tpu.memref_squeeze %dma_start3A_677 : memref<1x80xi32, #tpu.memory_space<vmem>> -> memref<80xi32, #tpu.memory_space<vmem>>
      %dma_start3A_679 = arith.constant 0 : i32
      %dma_start3A_680 = arith.constant 0 : i32
      %dma_start3A_681 = tpu.memref_slice %arg12[%dma_start3A_679, %dma_start3A_680] : memref<10000x128xf32, #tpu.memory_space<vmem_shared>> -> memref<10000x128xf32, #tpu.memory_space<vmem_shared>>
      tpu.enqueue_indirect_dma source(%arg9 : memref<80x128xf32, #tpu.memory_space<vmem>>) target(%dma_start3A_681 : memref<10000x128xf32, #tpu.memory_space<vmem_shared>>) offsets(%dma_start3A_678 : memref<80xi32, #tpu.memory_space<vmem>>) semaphore(%arg26 : memref<!tpu.dma_semaphore, #tpu.memory_space<semaphore_mem>>) {add = true}
      %dma_wait3A_682 = arith.constant 24 : i32
      %dma_wait3A_683 = arith.constant 0 : i32
      %dma_wait3A_684 = tpu.memref_slice %arg7[%dma_wait3A_682, %dma_wait3A_683] : memref<64x80xi32, #tpu.memory_space<vmem>> -> memref<1x80xi32, #tpu.memory_space<vmem>>
      %dma_wait3A_685 = tpu.memref_squeeze %dma_wait3A_684 : memref<1x80xi32, #tpu.memory_space<vmem>> -> memref<80xi32, #tpu.memory_space<vmem>>
      %dma_wait3A_686 = arith.constant 0 : i32
      %dma_wait3A_687 = arith.constant 0 : i32
      %dma_wait3A_688 = tpu.memref_slice %arg12[%dma_wait3A_686, %dma_wait3A_687] : memref<10000x128xf32, #tpu.memory_space<vmem_shared>> -> memref<10000x128xf32, #tpu.memory_space<vmem_shared>>
      tpu.wait_indirect_dma semaphore(%arg28 : memref<!tpu.dma_semaphore, #tpu.memory_space<semaphore_mem>>) src(%arg11 : memref<80x128xf32, #tpu.memory_space<vmem>>) dst(%dma_wait3A_688 : memref<10000x128xf32, #tpu.memory_space<vmem_shared>>)
      %add3A_689 = arith.constant 3 : i32
      %add3A_690 = arith.addi %add3A_669, %add3A_689 : i32
      %dma_start3A_691 = arith.constant 0 : i32
      %dma_start3A_692 = arith.constant 0 : i32
      %dma_start3A_693 = tpu.memref_slice %arg6[%dma_start3A_692] : memref<640xi32, #tpu.memory_space<vmem>> -> memref<80xi32, #tpu.memory_space<vmem>>
      %dma_start3A_694 = arith.constant 0 : i32
      %dma_start3A_695 = tpu.memref_slice %arg3[%add3A, %add3A_690, %dma_start3A_691, %dma_start3A_694] : memref<32x125x1x80xi32, #tpu.memory_space<hbm>> -> memref<1x1x1x80xi32, #tpu.memory_space<hbm>>
      %dma_start3A_696 = tpu.memref_squeeze %dma_start3A_695 : memref<1x1x1x80xi32, #tpu.memory_space<hbm>> -> memref<80xi32, #tpu.memory_space<hbm>>
      %dma_start3A_697 = arith.constant 0 : i32
      %dma_start3A_698 = tpu.memref_slice %arg6[%dma_start3A_697] : memref<640xi32, #tpu.memory_space<vmem>> -> memref<80xi32, #tpu.memory_space<vmem>>
      %dma_start3A_699 = arith.constant 0 : i32
      %dma_start3A_700 = tpu.memref_slice %arg3[%add3A, %add3A_690, %dma_start3A_691, %dma_start3A_699] : memref<32x125x1x80xi32, #tpu.memory_space<hbm>> -> memref<1x1x1x80xi32, #tpu.memory_space<hbm>>
      %dma_start3A_701 = tpu.memref_squeeze %dma_start3A_700 : memref<1x1x1x80xi32, #tpu.memory_space<hbm>> -> memref<80xi32, #tpu.memory_space<hbm>>
      tpu.enqueue_dma source(%dma_start3A_701 : memref<80xi32, #tpu.memory_space<hbm>>) target(%dma_start3A_698 : memref<80xi32, #tpu.memory_space<vmem>>) target_semaphore(%arg13 : memref<!tpu.dma_semaphore, #tpu.memory_space<semaphore_mem>>)
      %dma_start3A_702 = arith.constant 0 : i32
      %dma_start3A_703 = arith.constant 0 : i32
      %dma_start3A_704 = arith.constant 0 : i32
      %dma_start3A_705 = tpu.memref_slice %arg7[%dma_start3A_703, %dma_start3A_704] : memref<64x80xi32, #tpu.memory_space<vmem>> -> memref<1x80xi32, #tpu.memory_space<vmem>>
      %dma_start3A_706 = tpu.memref_squeeze %dma_start3A_705 : memref<1x80xi32, #tpu.memory_space<vmem>> -> memref<80xi32, #tpu.memory_space<vmem>>
      %dma_start3A_707 = arith.constant 0 : i32
      %dma_start3A_708 = tpu.memref_slice %arg4[%add3A, %add3A_690, %dma_start3A_702, %dma_start3A_707] : memref<32x125x1x80xi32, #tpu.memory_space<hbm>> -> memref<1x1x1x80xi32, #tpu.memory_space<hbm>>
      %dma_start3A_709 = tpu.memref_squeeze %dma_start3A_708 : memref<1x1x1x80xi32, #tpu.memory_space<hbm>> -> memref<80xi32, #tpu.memory_space<hbm>>
      %dma_start3A_710 = arith.constant 0 : i32
      %dma_start3A_711 = tpu.memref_slice %arg7[%dma_start3A_703, %dma_start3A_710] : memref<64x80xi32, #tpu.memory_space<vmem>> -> memref<1x80xi32, #tpu.memory_space<vmem>>
      %dma_start3A_712 = tpu.memref_squeeze %dma_start3A_711 : memref<1x80xi32, #tpu.memory_space<vmem>> -> memref<80xi32, #tpu.memory_space<vmem>>
      %dma_start3A_713 = arith.constant 0 : i32
      %dma_start3A_714 = tpu.memref_slice %arg4[%add3A, %add3A_690, %dma_start3A_702, %dma_start3A_713] : memref<32x125x1x80xi32, #tpu.memory_space<hbm>> -> memref<1x1x1x80xi32, #tpu.memory_space<hbm>>
      %dma_start3A_715 = tpu.memref_squeeze %dma_start3A_714 : memref<1x1x1x80xi32, #tpu.memory_space<hbm>> -> memref<80xi32, #tpu.memory_space<hbm>>
      tpu.enqueue_dma source(%dma_start3A_715 : memref<80xi32, #tpu.memory_space<hbm>>) target(%dma_start3A_712 : memref<80xi32, #tpu.memory_space<vmem>>) target_semaphore(%arg13 : memref<!tpu.dma_semaphore, #tpu.memory_space<semaphore_mem>>)
      %add3A_716 = arith.constant 2 : i32
      %add3A_717 = arith.addi %add3A_669, %add3A_716 : i32
      %dma_wait3A_718 = arith.constant 0 : i32
      %dma_wait3A_719 = arith.constant 560 : i32
      %dma_wait3A_720 = tpu.memref_slice %arg6[%dma_wait3A_719] : memref<640xi32, #tpu.memory_space<vmem>> -> memref<80xi32, #tpu.memory_space<vmem>>
      %dma_wait3A_721 = arith.constant 0 : i32
      %dma_wait3A_722 = tpu.memref_slice %arg3[%add3A, %add3A_717, %dma_wait3A_718, %dma_wait3A_721] : memref<32x125x1x80xi32, #tpu.memory_space<hbm>> -> memref<1x1x1x80xi32, #tpu.memory_space<hbm>>
      %dma_wait3A_723 = tpu.memref_squeeze %dma_wait3A_722 : memref<1x1x1x80xi32, #tpu.memory_space<hbm>> -> memref<80xi32, #tpu.memory_space<hbm>>
      %dma_wait3A_724 = arith.constant 560 : i32
      %dma_wait3A_725 = tpu.memref_slice %arg6[%dma_wait3A_724] : memref<640xi32, #tpu.memory_space<vmem>> -> memref<80xi32, #tpu.memory_space<vmem>>
      %dma_wait3A_726 = arith.constant 0 : i32
      %dma_wait3A_727 = tpu.memref_slice %arg3[%add3A, %add3A_717, %dma_wait3A_718, %dma_wait3A_726] : memref<32x125x1x80xi32, #tpu.memory_space<hbm>> -> memref<1x1x1x80xi32, #tpu.memory_space<hbm>>
      %dma_wait3A_728 = tpu.memref_squeeze %dma_wait3A_727 : memref<1x1x1x80xi32, #tpu.memory_space<hbm>> -> memref<80xi32, #tpu.memory_space<hbm>>
      tpu.wait_dma2 semaphore(%arg20 : memref<!tpu.dma_semaphore, #tpu.memory_space<semaphore_mem>>) src(%dma_wait3A_728 : memref<80xi32, #tpu.memory_space<hbm>>) dst(%dma_wait3A_725 : memref<80xi32, #tpu.memory_space<vmem>>)
      %dma_wait3A_729 = arith.constant 0 : i32
      %dma_wait3A_730 = arith.constant 56 : i32
      %dma_wait3A_731 = arith.constant 0 : i32
      %dma_wait3A_732 = tpu.memref_slice %arg7[%dma_wait3A_730, %dma_wait3A_731] : memref<64x80xi32, #tpu.memory_space<vmem>> -> memref<1x80xi32, #tpu.memory_space<vmem>>
      %dma_wait3A_733 = tpu.memref_squeeze %dma_wait3A_732 : memref<1x80xi32, #tpu.memory_space<vmem>> -> memref<80xi32, #tpu.memory_space<vmem>>
      %dma_wait3A_734 = arith.constant 0 : i32
      %dma_wait3A_735 = tpu.memref_slice %arg4[%add3A, %add3A_717, %dma_wait3A_729, %dma_wait3A_734] : memref<32x125x1x80xi32, #tpu.memory_space<hbm>> -> memref<1x1x1x80xi32, #tpu.memory_space<hbm>>
      %dma_wait3A_736 = tpu.memref_squeeze %dma_wait3A_735 : memref<1x1x1x80xi32, #tpu.memory_space<hbm>> -> memref<80xi32, #tpu.memory_space<hbm>>
      %dma_wait3A_737 = arith.constant 0 : i32
      %dma_wait3A_738 = tpu.memref_slice %arg7[%dma_wait3A_730, %dma_wait3A_737] : memref<64x80xi32, #tpu.memory_space<vmem>> -> memref<1x80xi32, #tpu.memory_space<vmem>>
      %dma_wait3A_739 = tpu.memref_squeeze %dma_wait3A_738 : memref<1x80xi32, #tpu.memory_space<vmem>> -> memref<80xi32, #tpu.memory_space<vmem>>
      %dma_wait3A_740 = arith.constant 0 : i32
      %dma_wait3A_741 = tpu.memref_slice %arg4[%add3A, %add3A_717, %dma_wait3A_729, %dma_wait3A_740] : memref<32x125x1x80xi32, #tpu.memory_space<hbm>> -> memref<1x1x1x80xi32, #tpu.memory_space<hbm>>
      %dma_wait3A_742 = tpu.memref_squeeze %dma_wait3A_741 : memref<1x1x1x80xi32, #tpu.memory_space<hbm>> -> memref<80xi32, #tpu.memory_space<hbm>>
      tpu.wait_dma2 semaphore(%arg20 : memref<!tpu.dma_semaphore, #tpu.memory_space<semaphore_mem>>) src(%dma_wait3A_742 : memref<80xi32, #tpu.memory_space<hbm>>) dst(%dma_wait3A_739 : memref<80xi32, #tpu.memory_space<vmem>>)
      %dma_start3A_743 = arith.constant 560 : i32
      %dma_start3A_744 = tpu.memref_slice %arg6[%dma_start3A_743] : memref<640xi32, #tpu.memory_space<vmem>> -> memref<80xi32, #tpu.memory_space<vmem>>
      %dma_start3A_745 = arith.constant 0 : i32
      %dma_start3A_746 = arith.constant 0 : i32
      %dma_start3A_747 = tpu.memref_slice %arg2[%dma_start3A_745, %dma_start3A_746] : memref<10000x128xf32, #tpu.memory_space<hbm>> -> memref<10000x128xf32, #tpu.memory_space<hbm>>
      tpu.enqueue_indirect_dma source(%dma_start3A_747 : memref<10000x128xf32, #tpu.memory_space<hbm>>) target(%arg11 : memref<80x128xf32, #tpu.memory_space<vmem>>) offsets(%dma_start3A_744 : memref<80xi32, #tpu.memory_space<vmem>>) semaphore(%arg24 : memref<!tpu.dma_semaphore, #tpu.memory_space<semaphore_mem>>)
      %add3A_748 = arith.constant 4 : i32
      %add3A_749 = arith.addi %add3A_427, %add3A_748 : i32
      %dma_wait3A_750 = arith.constant 480 : i32
      %dma_wait3A_751 = tpu.memref_slice %arg6[%dma_wait3A_750] : memref<640xi32, #tpu.memory_space<vmem>> -> memref<80xi32, #tpu.memory_space<vmem>>
      %dma_wait3A_752 = arith.constant 0 : i32
      %dma_wait3A_753 = arith.constant 0 : i32
      %dma_wait3A_754 = tpu.memref_slice %arg2[%dma_wait3A_752, %dma_wait3A_753] : memref<10000x128xf32, #tpu.memory_space<hbm>> -> memref<10000x128xf32, #tpu.memory_space<hbm>>
      tpu.wait_indirect_dma semaphore(%arg23 : memref<!tpu.dma_semaphore, #tpu.memory_space<semaphore_mem>>) src(%dma_wait3A_754 : memref<10000x128xf32, #tpu.memory_space<hbm>>) dst(%arg10 : memref<80x128xf32, #tpu.memory_space<vmem>>)
      %dma_start3A_755 = arith.constant 48 : i32
      %dma_start3A_756 = arith.constant 0 : i32
      %dma_start3A_757 = tpu.memref_slice %arg7[%dma_start3A_755, %dma_start3A_756] : memref<64x80xi32, #tpu.memory_space<vmem>> -> memref<1x80xi32, #tpu.memory_space<vmem>>
      %dma_start3A_758 = tpu.memref_squeeze %dma_start3A_757 : memref<1x80xi32, #tpu.memory_space<vmem>> -> memref<80xi32, #tpu.memory_space<vmem>>
      %dma_start3A_759 = arith.constant 0 : i32
      %dma_start3A_760 = arith.constant 0 : i32
      %dma_start3A_761 = tpu.memref_slice %arg12[%dma_start3A_759, %dma_start3A_760] : memref<10000x128xf32, #tpu.memory_space<vmem_shared>> -> memref<10000x128xf32, #tpu.memory_space<vmem_shared>>
      tpu.enqueue_indirect_dma source(%arg10 : memref<80x128xf32, #tpu.memory_space<vmem>>) target(%dma_start3A_761 : memref<10000x128xf32, #tpu.memory_space<vmem_shared>>) offsets(%dma_start3A_758 : memref<80xi32, #tpu.memory_space<vmem>>) semaphore(%arg27 : memref<!tpu.dma_semaphore, #tpu.memory_space<semaphore_mem>>) {add = true}
      %dma_wait3A_762 = arith.constant 32 : i32
      %dma_wait3A_763 = arith.constant 0 : i32
      %dma_wait3A_764 = tpu.memref_slice %arg7[%dma_wait3A_762, %dma_wait3A_763] : memref<64x80xi32, #tpu.memory_space<vmem>> -> memref<1x80xi32, #tpu.memory_space<vmem>>
      %dma_wait3A_765 = tpu.memref_squeeze %dma_wait3A_764 : memref<1x80xi32, #tpu.memory_space<vmem>> -> memref<80xi32, #tpu.memory_space<vmem>>
      %dma_wait3A_766 = arith.constant 0 : i32
      %dma_wait3A_767 = arith.constant 0 : i32
      %dma_wait3A_768 = tpu.memref_slice %arg12[%dma_wait3A_766, %dma_wait3A_767] : memref<10000x128xf32, #tpu.memory_space<vmem_shared>> -> memref<10000x128xf32, #tpu.memory_space<vmem_shared>>
      tpu.wait_indirect_dma semaphore(%arg25 : memref<!tpu.dma_semaphore, #tpu.memory_space<semaphore_mem>>) src(%arg8 : memref<80x128xf32, #tpu.memory_space<vmem>>) dst(%dma_wait3A_768 : memref<10000x128xf32, #tpu.memory_space<vmem_shared>>)
      %add3A_769 = arith.constant 3 : i32
      %add3A_770 = arith.addi %add3A_749, %add3A_769 : i32
      %dma_start3A_771 = arith.constant 0 : i32
      %dma_start3A_772 = arith.constant 80 : i32
      %dma_start3A_773 = tpu.memref_slice %arg6[%dma_start3A_772] : memref<640xi32, #tpu.memory_space<vmem>> -> memref<80xi32, #tpu.memory_space<vmem>>
      %dma_start3A_774 = arith.constant 0 : i32
      %dma_start3A_775 = tpu.memref_slice %arg3[%add3A, %add3A_770, %dma_start3A_771, %dma_start3A_774] : memref<32x125x1x80xi32, #tpu.memory_space<hbm>> -> memref<1x1x1x80xi32, #tpu.memory_space<hbm>>
      %dma_start3A_776 = tpu.memref_squeeze %dma_start3A_775 : memref<1x1x1x80xi32, #tpu.memory_space<hbm>> -> memref<80xi32, #tpu.memory_space<hbm>>
      %dma_start3A_777 = arith.constant 80 : i32
      %dma_start3A_778 = tpu.memref_slice %arg6[%dma_start3A_777] : memref<640xi32, #tpu.memory_space<vmem>> -> memref<80xi32, #tpu.memory_space<vmem>>
      %dma_start3A_779 = arith.constant 0 : i32
      %dma_start3A_780 = tpu.memref_slice %arg3[%add3A, %add3A_770, %dma_start3A_771, %dma_start3A_779] : memref<32x125x1x80xi32, #tpu.memory_space<hbm>> -> memref<1x1x1x80xi32, #tpu.memory_space<hbm>>
      %dma_start3A_781 = tpu.memref_squeeze %dma_start3A_780 : memref<1x1x1x80xi32, #tpu.memory_space<hbm>> -> memref<80xi32, #tpu.memory_space<hbm>>
      tpu.enqueue_dma source(%dma_start3A_781 : memref<80xi32, #tpu.memory_space<hbm>>) target(%dma_start3A_778 : memref<80xi32, #tpu.memory_space<vmem>>) target_semaphore(%arg14 : memref<!tpu.dma_semaphore, #tpu.memory_space<semaphore_mem>>)
      %dma_start3A_782 = arith.constant 0 : i32
      %dma_start3A_783 = arith.constant 8 : i32
      %dma_start3A_784 = arith.constant 0 : i32
      %dma_start3A_785 = tpu.memref_slice %arg7[%dma_start3A_783, %dma_start3A_784] : memref<64x80xi32, #tpu.memory_space<vmem>> -> memref<1x80xi32, #tpu.memory_space<vmem>>
      %dma_start3A_786 = tpu.memref_squeeze %dma_start3A_785 : memref<1x80xi32, #tpu.memory_space<vmem>> -> memref<80xi32, #tpu.memory_space<vmem>>
      %dma_start3A_787 = arith.constant 0 : i32
      %dma_start3A_788 = tpu.memref_slice %arg4[%add3A, %add3A_770, %dma_start3A_782, %dma_start3A_787] : memref<32x125x1x80xi32, #tpu.memory_space<hbm>> -> memref<1x1x1x80xi32, #tpu.memory_space<hbm>>
      %dma_start3A_789 = tpu.memref_squeeze %dma_start3A_788 : memref<1x1x1x80xi32, #tpu.memory_space<hbm>> -> memref<80xi32, #tpu.memory_space<hbm>>
      %dma_start3A_790 = arith.constant 0 : i32
      %dma_start3A_791 = tpu.memref_slice %arg7[%dma_start3A_783, %dma_start3A_790] : memref<64x80xi32, #tpu.memory_space<vmem>> -> memref<1x80xi32, #tpu.memory_space<vmem>>
      %dma_start3A_792 = tpu.memref_squeeze %dma_start3A_791 : memref<1x80xi32, #tpu.memory_space<vmem>> -> memref<80xi32, #tpu.memory_space<vmem>>
      %dma_start3A_793 = arith.constant 0 : i32
      %dma_start3A_794 = tpu.memref_slice %arg4[%add3A, %add3A_770, %dma_start3A_782, %dma_start3A_793] : memref<32x125x1x80xi32, #tpu.memory_space<hbm>> -> memref<1x1x1x80xi32, #tpu.memory_space<hbm>>
      %dma_start3A_795 = tpu.memref_squeeze %dma_start3A_794 : memref<1x1x1x80xi32, #tpu.memory_space<hbm>> -> memref<80xi32, #tpu.memory_space<hbm>>
      tpu.enqueue_dma source(%dma_start3A_795 : memref<80xi32, #tpu.memory_space<hbm>>) target(%dma_start3A_792 : memref<80xi32, #tpu.memory_space<vmem>>) target_semaphore(%arg14 : memref<!tpu.dma_semaphore, #tpu.memory_space<semaphore_mem>>)
      %add3A_796 = arith.constant 2 : i32
      %add3A_797 = arith.addi %add3A_749, %add3A_796 : i32
      %dma_wait3A_798 = arith.constant 0 : i32
      %dma_wait3A_799 = arith.constant 0 : i32
      %dma_wait3A_800 = tpu.memref_slice %arg6[%dma_wait3A_799] : memref<640xi32, #tpu.memory_space<vmem>> -> memref<80xi32, #tpu.memory_space<vmem>>
      %dma_wait3A_801 = arith.constant 0 : i32
      %dma_wait3A_802 = tpu.memref_slice %arg3[%add3A, %add3A_797, %dma_wait3A_798, %dma_wait3A_801] : memref<32x125x1x80xi32, #tpu.memory_space<hbm>> -> memref<1x1x1x80xi32, #tpu.memory_space<hbm>>
      %dma_wait3A_803 = tpu.memref_squeeze %dma_wait3A_802 : memref<1x1x1x80xi32, #tpu.memory_space<hbm>> -> memref<80xi32, #tpu.memory_space<hbm>>
      %dma_wait3A_804 = arith.constant 0 : i32
      %dma_wait3A_805 = tpu.memref_slice %arg6[%dma_wait3A_804] : memref<640xi32, #tpu.memory_space<vmem>> -> memref<80xi32, #tpu.memory_space<vmem>>
      %dma_wait3A_806 = arith.constant 0 : i32
      %dma_wait3A_807 = tpu.memref_slice %arg3[%add3A, %add3A_797, %dma_wait3A_798, %dma_wait3A_806] : memref<32x125x1x80xi32, #tpu.memory_space<hbm>> -> memref<1x1x1x80xi32, #tpu.memory_space<hbm>>
      %dma_wait3A_808 = tpu.memref_squeeze %dma_wait3A_807 : memref<1x1x1x80xi32, #tpu.memory_space<hbm>> -> memref<80xi32, #tpu.memory_space<hbm>>
      tpu.wait_dma2 semaphore(%arg13 : memref<!tpu.dma_semaphore, #tpu.memory_space<semaphore_mem>>) src(%dma_wait3A_808 : memref<80xi32, #tpu.memory_space<hbm>>) dst(%dma_wait3A_805 : memref<80xi32, #tpu.memory_space<vmem>>)
      %dma_wait3A_809 = arith.constant 0 : i32
      %dma_wait3A_810 = arith.constant 0 : i32
      %dma_wait3A_811 = arith.constant 0 : i32
      %dma_wait3A_812 = tpu.memref_slice %arg7[%dma_wait3A_810, %dma_wait3A_811] : memref<64x80xi32, #tpu.memory_space<vmem>> -> memref<1x80xi32, #tpu.memory_space<vmem>>
      %dma_wait3A_813 = tpu.memref_squeeze %dma_wait3A_812 : memref<1x80xi32, #tpu.memory_space<vmem>> -> memref<80xi32, #tpu.memory_space<vmem>>
      %dma_wait3A_814 = arith.constant 0 : i32
      %dma_wait3A_815 = tpu.memref_slice %arg4[%add3A, %add3A_797, %dma_wait3A_809, %dma_wait3A_814] : memref<32x125x1x80xi32, #tpu.memory_space<hbm>> -> memref<1x1x1x80xi32, #tpu.memory_space<hbm>>
      %dma_wait3A_816 = tpu.memref_squeeze %dma_wait3A_815 : memref<1x1x1x80xi32, #tpu.memory_space<hbm>> -> memref<80xi32, #tpu.memory_space<hbm>>
      %dma_wait3A_817 = arith.constant 0 : i32
      %dma_wait3A_818 = tpu.memref_slice %arg7[%dma_wait3A_810, %dma_wait3A_817] : memref<64x80xi32, #tpu.memory_space<vmem>> -> memref<1x80xi32, #tpu.memory_space<vmem>>
      %dma_wait3A_819 = tpu.memref_squeeze %dma_wait3A_818 : memref<1x80xi32, #tpu.memory_space<vmem>> -> memref<80xi32, #tpu.memory_space<vmem>>
      %dma_wait3A_820 = arith.constant 0 : i32
      %dma_wait3A_821 = tpu.memref_slice %arg4[%add3A, %add3A_797, %dma_wait3A_809, %dma_wait3A_820] : memref<32x125x1x80xi32, #tpu.memory_space<hbm>> -> memref<1x1x1x80xi32, #tpu.memory_space<hbm>>
      %dma_wait3A_822 = tpu.memref_squeeze %dma_wait3A_821 : memref<1x1x1x80xi32, #tpu.memory_space<hbm>> -> memref<80xi32, #tpu.memory_space<hbm>>
      tpu.wait_dma2 semaphore(%arg13 : memref<!tpu.dma_semaphore, #tpu.memory_space<semaphore_mem>>) src(%dma_wait3A_822 : memref<80xi32, #tpu.memory_space<hbm>>) dst(%dma_wait3A_819 : memref<80xi32, #tpu.memory_space<vmem>>)
      %dma_start3A_823 = arith.constant 0 : i32
      %dma_start3A_824 = tpu.memref_slice %arg6[%dma_start3A_823] : memref<640xi32, #tpu.memory_space<vmem>> -> memref<80xi32, #tpu.memory_space<vmem>>
      %dma_start3A_825 = arith.constant 0 : i32
      %dma_start3A_826 = arith.constant 0 : i32
      %dma_start3A_827 = tpu.memref_slice %arg2[%dma_start3A_825, %dma_start3A_826] : memref<10000x128xf32, #tpu.memory_space<hbm>> -> memref<10000x128xf32, #tpu.memory_space<hbm>>
      tpu.enqueue_indirect_dma source(%dma_start3A_827 : memref<10000x128xf32, #tpu.memory_space<hbm>>) target(%arg8 : memref<80x128xf32, #tpu.memory_space<vmem>>) offsets(%dma_start3A_824 : memref<80xi32, #tpu.memory_space<vmem>>) semaphore(%arg21 : memref<!tpu.dma_semaphore, #tpu.memory_space<semaphore_mem>>)
      %add3A_828 = arith.constant 5 : i32
      %add3A_829 = arith.addi %add3A_427, %add3A_828 : i32
      %dma_wait3A_830 = arith.constant 560 : i32
      %dma_wait3A_831 = tpu.memref_slice %arg6[%dma_wait3A_830] : memref<640xi32, #tpu.memory_space<vmem>> -> memref<80xi32, #tpu.memory_space<vmem>>
      %dma_wait3A_832 = arith.constant 0 : i32
      %dma_wait3A_833 = arith.constant 0 : i32
      %dma_wait3A_834 = tpu.memref_slice %arg2[%dma_wait3A_832, %dma_wait3A_833] : memref<10000x128xf32, #tpu.memory_space<hbm>> -> memref<10000x128xf32, #tpu.memory_space<hbm>>
      tpu.wait_indirect_dma semaphore(%arg24 : memref<!tpu.dma_semaphore, #tpu.memory_space<semaphore_mem>>) src(%dma_wait3A_834 : memref<10000x128xf32, #tpu.memory_space<hbm>>) dst(%arg11 : memref<80x128xf32, #tpu.memory_space<vmem>>)
      %dma_start3A_835 = arith.constant 56 : i32
      %dma_start3A_836 = arith.constant 0 : i32
      %dma_start3A_837 = tpu.memref_slice %arg7[%dma_start3A_835, %dma_start3A_836] : memref<64x80xi32, #tpu.memory_space<vmem>> -> memref<1x80xi32, #tpu.memory_space<vmem>>
      %dma_start3A_838 = tpu.memref_squeeze %dma_start3A_837 : memref<1x80xi32, #tpu.memory_space<vmem>> -> memref<80xi32, #tpu.memory_space<vmem>>
      %dma_start3A_839 = arith.constant 0 : i32
      %dma_start3A_840 = arith.constant 0 : i32
      %dma_start3A_841 = tpu.memref_slice %arg12[%dma_start3A_839, %dma_start3A_840] : memref<10000x128xf32, #tpu.memory_space<vmem_shared>> -> memref<10000x128xf32, #tpu.memory_space<vmem_shared>>
      tpu.enqueue_indirect_dma source(%arg11 : memref<80x128xf32, #tpu.memory_space<vmem>>) target(%dma_start3A_841 : memref<10000x128xf32, #tpu.memory_space<vmem_shared>>) offsets(%dma_start3A_838 : memref<80xi32, #tpu.memory_space<vmem>>) semaphore(%arg28 : memref<!tpu.dma_semaphore, #tpu.memory_space<semaphore_mem>>) {add = true}
      %dma_wait3A_842 = arith.constant 40 : i32
      %dma_wait3A_843 = arith.constant 0 : i32
      %dma_wait3A_844 = tpu.memref_slice %arg7[%dma_wait3A_842, %dma_wait3A_843] : memref<64x80xi32, #tpu.memory_space<vmem>> -> memref<1x80xi32, #tpu.memory_space<vmem>>
      %dma_wait3A_845 = tpu.memref_squeeze %dma_wait3A_844 : memref<1x80xi32, #tpu.memory_space<vmem>> -> memref<80xi32, #tpu.memory_space<vmem>>
      %dma_wait3A_846 = arith.constant 0 : i32
      %dma_wait3A_847 = arith.constant 0 : i32
      %dma_wait3A_848 = tpu.memref_slice %arg12[%dma_wait3A_846, %dma_wait3A_847] : memref<10000x128xf32, #tpu.memory_space<vmem_shared>> -> memref<10000x128xf32, #tpu.memory_space<vmem_shared>>
      tpu.wait_indirect_dma semaphore(%arg26 : memref<!tpu.dma_semaphore, #tpu.memory_space<semaphore_mem>>) src(%arg9 : memref<80x128xf32, #tpu.memory_space<vmem>>) dst(%dma_wait3A_848 : memref<10000x128xf32, #tpu.memory_space<vmem_shared>>)
      %add3A_849 = arith.constant 3 : i32
      %add3A_850 = arith.addi %add3A_829, %add3A_849 : i32
      %dma_start3A_851 = arith.constant 0 : i32
      %dma_start3A_852 = arith.constant 160 : i32
      %dma_start3A_853 = tpu.memref_slice %arg6[%dma_start3A_852] : memref<640xi32, #tpu.memory_space<vmem>> -> memref<80xi32, #tpu.memory_space<vmem>>
      %dma_start3A_854 = arith.constant 0 : i32
      %dma_start3A_855 = tpu.memref_slice %arg3[%add3A, %add3A_850, %dma_start3A_851, %dma_start3A_854] : memref<32x125x1x80xi32, #tpu.memory_space<hbm>> -> memref<1x1x1x80xi32, #tpu.memory_space<hbm>>
      %dma_start3A_856 = tpu.memref_squeeze %dma_start3A_855 : memref<1x1x1x80xi32, #tpu.memory_space<hbm>> -> memref<80xi32, #tpu.memory_space<hbm>>
      %dma_start3A_857 = arith.constant 160 : i32
      %dma_start3A_858 = tpu.memref_slice %arg6[%dma_start3A_857] : memref<640xi32, #tpu.memory_space<vmem>> -> memref<80xi32, #tpu.memory_space<vmem>>
      %dma_start3A_859 = arith.constant 0 : i32
      %dma_start3A_860 = tpu.memref_slice %arg3[%add3A, %add3A_850, %dma_start3A_851, %dma_start3A_859] : memref<32x125x1x80xi32, #tpu.memory_space<hbm>> -> memref<1x1x1x80xi32, #tpu.memory_space<hbm>>
      %dma_start3A_861 = tpu.memref_squeeze %dma_start3A_860 : memref<1x1x1x80xi32, #tpu.memory_space<hbm>> -> memref<80xi32, #tpu.memory_space<hbm>>
      tpu.enqueue_dma source(%dma_start3A_861 : memref<80xi32, #tpu.memory_space<hbm>>) target(%dma_start3A_858 : memref<80xi32, #tpu.memory_space<vmem>>) target_semaphore(%arg15 : memref<!tpu.dma_semaphore, #tpu.memory_space<semaphore_mem>>)
      %dma_start3A_862 = arith.constant 0 : i32
      %dma_start3A_863 = arith.constant 16 : i32
      %dma_start3A_864 = arith.constant 0 : i32
      %dma_start3A_865 = tpu.memref_slice %arg7[%dma_start3A_863, %dma_start3A_864] : memref<64x80xi32, #tpu.memory_space<vmem>> -> memref<1x80xi32, #tpu.memory_space<vmem>>
      %dma_start3A_866 = tpu.memref_squeeze %dma_start3A_865 : memref<1x80xi32, #tpu.memory_space<vmem>> -> memref<80xi32, #tpu.memory_space<vmem>>
      %dma_start3A_867 = arith.constant 0 : i32
      %dma_start3A_868 = tpu.memref_slice %arg4[%add3A, %add3A_850, %dma_start3A_862, %dma_start3A_867] : memref<32x125x1x80xi32, #tpu.memory_space<hbm>> -> memref<1x1x1x80xi32, #tpu.memory_space<hbm>>
      %dma_start3A_869 = tpu.memref_squeeze %dma_start3A_868 : memref<1x1x1x80xi32, #tpu.memory_space<hbm>> -> memref<80xi32, #tpu.memory_space<hbm>>
      %dma_start3A_870 = arith.constant 0 : i32
      %dma_start3A_871 = tpu.memref_slice %arg7[%dma_start3A_863, %dma_start3A_870] : memref<64x80xi32, #tpu.memory_space<vmem>> -> memref<1x80xi32, #tpu.memory_space<vmem>>
      %dma_start3A_872 = tpu.memref_squeeze %dma_start3A_871 : memref<1x80xi32, #tpu.memory_space<vmem>> -> memref<80xi32, #tpu.memory_space<vmem>>
      %dma_start3A_873 = arith.constant 0 : i32
      %dma_start3A_874 = tpu.memref_slice %arg4[%add3A, %add3A_850, %dma_start3A_862, %dma_start3A_873] : memref<32x125x1x80xi32, #tpu.memory_space<hbm>> -> memref<1x1x1x80xi32, #tpu.memory_space<hbm>>
      %dma_start3A_875 = tpu.memref_squeeze %dma_start3A_874 : memref<1x1x1x80xi32, #tpu.memory_space<hbm>> -> memref<80xi32, #tpu.memory_space<hbm>>
      tpu.enqueue_dma source(%dma_start3A_875 : memref<80xi32, #tpu.memory_space<hbm>>) target(%dma_start3A_872 : memref<80xi32, #tpu.memory_space<vmem>>) target_semaphore(%arg15 : memref<!tpu.dma_semaphore, #tpu.memory_space<semaphore_mem>>)
      %add3A_876 = arith.constant 2 : i32
      %add3A_877 = arith.addi %add3A_829, %add3A_876 : i32
      %dma_wait3A_878 = arith.constant 0 : i32
      %dma_wait3A_879 = arith.constant 80 : i32
      %dma_wait3A_880 = tpu.memref_slice %arg6[%dma_wait3A_879] : memref<640xi32, #tpu.memory_space<vmem>> -> memref<80xi32, #tpu.memory_space<vmem>>
      %dma_wait3A_881 = arith.constant 0 : i32
      %dma_wait3A_882 = tpu.memref_slice %arg3[%add3A, %add3A_877, %dma_wait3A_878, %dma_wait3A_881] : memref<32x125x1x80xi32, #tpu.memory_space<hbm>> -> memref<1x1x1x80xi32, #tpu.memory_space<hbm>>
      %dma_wait3A_883 = tpu.memref_squeeze %dma_wait3A_882 : memref<1x1x1x80xi32, #tpu.memory_space<hbm>> -> memref<80xi32, #tpu.memory_space<hbm>>
      %dma_wait3A_884 = arith.constant 80 : i32
      %dma_wait3A_885 = tpu.memref_slice %arg6[%dma_wait3A_884] : memref<640xi32, #tpu.memory_space<vmem>> -> memref<80xi32, #tpu.memory_space<vmem>>
      %dma_wait3A_886 = arith.constant 0 : i32
      %dma_wait3A_887 = tpu.memref_slice %arg3[%add3A, %add3A_877, %dma_wait3A_878, %dma_wait3A_886] : memref<32x125x1x80xi32, #tpu.memory_space<hbm>> -> memref<1x1x1x80xi32, #tpu.memory_space<hbm>>
      %dma_wait3A_888 = tpu.memref_squeeze %dma_wait3A_887 : memref<1x1x1x80xi32, #tpu.memory_space<hbm>> -> memref<80xi32, #tpu.memory_space<hbm>>
      tpu.wait_dma2 semaphore(%arg14 : memref<!tpu.dma_semaphore, #tpu.memory_space<semaphore_mem>>) src(%dma_wait3A_888 : memref<80xi32, #tpu.memory_space<hbm>>) dst(%dma_wait3A_885 : memref<80xi32, #tpu.memory_space<vmem>>)
      %dma_wait3A_889 = arith.constant 0 : i32
      %dma_wait3A_890 = arith.constant 8 : i32
      %dma_wait3A_891 = arith.constant 0 : i32
      %dma_wait3A_892 = tpu.memref_slice %arg7[%dma_wait3A_890, %dma_wait3A_891] : memref<64x80xi32, #tpu.memory_space<vmem>> -> memref<1x80xi32, #tpu.memory_space<vmem>>
      %dma_wait3A_893 = tpu.memref_squeeze %dma_wait3A_892 : memref<1x80xi32, #tpu.memory_space<vmem>> -> memref<80xi32, #tpu.memory_space<vmem>>
      %dma_wait3A_894 = arith.constant 0 : i32
      %dma_wait3A_895 = tpu.memref_slice %arg4[%add3A, %add3A_877, %dma_wait3A_889, %dma_wait3A_894] : memref<32x125x1x80xi32, #tpu.memory_space<hbm>> -> memref<1x1x1x80xi32, #tpu.memory_space<hbm>>
      %dma_wait3A_896 = tpu.memref_squeeze %dma_wait3A_895 : memref<1x1x1x80xi32, #tpu.memory_space<hbm>> -> memref<80xi32, #tpu.memory_space<hbm>>
      %dma_wait3A_897 = arith.constant 0 : i32
      %dma_wait3A_898 = tpu.memref_slice %arg7[%dma_wait3A_890, %dma_wait3A_897] : memref<64x80xi32, #tpu.memory_space<vmem>> -> memref<1x80xi32, #tpu.memory_space<vmem>>
      %dma_wait3A_899 = tpu.memref_squeeze %dma_wait3A_898 : memref<1x80xi32, #tpu.memory_space<vmem>> -> memref<80xi32, #tpu.memory_space<vmem>>
      %dma_wait3A_900 = arith.constant 0 : i32
      %dma_wait3A_901 = tpu.memref_slice %arg4[%add3A, %add3A_877, %dma_wait3A_889, %dma_wait3A_900] : memref<32x125x1x80xi32, #tpu.memory_space<hbm>> -> memref<1x1x1x80xi32, #tpu.memory_space<hbm>>
      %dma_wait3A_902 = tpu.memref_squeeze %dma_wait3A_901 : memref<1x1x1x80xi32, #tpu.memory_space<hbm>> -> memref<80xi32, #tpu.memory_space<hbm>>
      tpu.wait_dma2 semaphore(%arg14 : memref<!tpu.dma_semaphore, #tpu.memory_space<semaphore_mem>>) src(%dma_wait3A_902 : memref<80xi32, #tpu.memory_space<hbm>>) dst(%dma_wait3A_899 : memref<80xi32, #tpu.memory_space<vmem>>)
      %dma_start3A_903 = arith.constant 80 : i32
      %dma_start3A_904 = tpu.memref_slice %arg6[%dma_start3A_903] : memref<640xi32, #tpu.memory_space<vmem>> -> memref<80xi32, #tpu.memory_space<vmem>>
      %dma_start3A_905 = arith.constant 0 : i32
      %dma_start3A_906 = arith.constant 0 : i32
      %dma_start3A_907 = tpu.memref_slice %arg2[%dma_start3A_905, %dma_start3A_906] : memref<10000x128xf32, #tpu.memory_space<hbm>> -> memref<10000x128xf32, #tpu.memory_space<hbm>>
      tpu.enqueue_indirect_dma source(%dma_start3A_907 : memref<10000x128xf32, #tpu.memory_space<hbm>>) target(%arg9 : memref<80x128xf32, #tpu.memory_space<vmem>>) offsets(%dma_start3A_904 : memref<80xi32, #tpu.memory_space<vmem>>) semaphore(%arg22 : memref<!tpu.dma_semaphore, #tpu.memory_space<semaphore_mem>>)
      %add3A_908 = arith.constant 6 : i32
      %add3A_909 = arith.addi %add3A_427, %add3A_908 : i32
      %dma_wait3A_910 = arith.constant 0 : i32
      %dma_wait3A_911 = tpu.memref_slice %arg6[%dma_wait3A_910] : memref<640xi32, #tpu.memory_space<vmem>> -> memref<80xi32, #tpu.memory_space<vmem>>
      %dma_wait3A_912 = arith.constant 0 : i32
      %dma_wait3A_913 = arith.constant 0 : i32
      %dma_wait3A_914 = tpu.memref_slice %arg2[%dma_wait3A_912, %dma_wait3A_913] : memref<10000x128xf32, #tpu.memory_space<hbm>> -> memref<10000x128xf32, #tpu.memory_space<hbm>>
      tpu.wait_indirect_dma semaphore(%arg21 : memref<!tpu.dma_semaphore, #tpu.memory_space<semaphore_mem>>) src(%dma_wait3A_914 : memref<10000x128xf32, #tpu.memory_space<hbm>>) dst(%arg8 : memref<80x128xf32, #tpu.memory_space<vmem>>)
      %dma_start3A_915 = arith.constant 0 : i32
      %dma_start3A_916 = arith.constant 0 : i32
      %dma_start3A_917 = tpu.memref_slice %arg7[%dma_start3A_915, %dma_start3A_916] : memref<64x80xi32, #tpu.memory_space<vmem>> -> memref<1x80xi32, #tpu.memory_space<vmem>>
      %dma_start3A_918 = tpu.memref_squeeze %dma_start3A_917 : memref<1x80xi32, #tpu.memory_space<vmem>> -> memref<80xi32, #tpu.memory_space<vmem>>
      %dma_start3A_919 = arith.constant 0 : i32
      %dma_start3A_920 = arith.constant 0 : i32
      %dma_start3A_921 = tpu.memref_slice %arg12[%dma_start3A_919, %dma_start3A_920] : memref<10000x128xf32, #tpu.memory_space<vmem_shared>> -> memref<10000x128xf32, #tpu.memory_space<vmem_shared>>
      tpu.enqueue_indirect_dma source(%arg8 : memref<80x128xf32, #tpu.memory_space<vmem>>) target(%dma_start3A_921 : memref<10000x128xf32, #tpu.memory_space<vmem_shared>>) offsets(%dma_start3A_918 : memref<80xi32, #tpu.memory_space<vmem>>) semaphore(%arg25 : memref<!tpu.dma_semaphore, #tpu.memory_space<semaphore_mem>>) {add = true}
      %dma_wait3A_922 = arith.constant 48 : i32
      %dma_wait3A_923 = arith.constant 0 : i32
      %dma_wait3A_924 = tpu.memref_slice %arg7[%dma_wait3A_922, %dma_wait3A_923] : memref<64x80xi32, #tpu.memory_space<vmem>> -> memref<1x80xi32, #tpu.memory_space<vmem>>
      %dma_wait3A_925 = tpu.memref_squeeze %dma_wait3A_924 : memref<1x80xi32, #tpu.memory_space<vmem>> -> memref<80xi32, #tpu.memory_space<vmem>>
      %dma_wait3A_926 = arith.constant 0 : i32
      %dma_wait3A_927 = arith.constant 0 : i32
      %dma_wait3A_928 = tpu.memref_slice %arg12[%dma_wait3A_926, %dma_wait3A_927] : memref<10000x128xf32, #tpu.memory_space<vmem_shared>> -> memref<10000x128xf32, #tpu.memory_space<vmem_shared>>
      tpu.wait_indirect_dma semaphore(%arg27 : memref<!tpu.dma_semaphore, #tpu.memory_space<semaphore_mem>>) src(%arg10 : memref<80x128xf32, #tpu.memory_space<vmem>>) dst(%dma_wait3A_928 : memref<10000x128xf32, #tpu.memory_space<vmem_shared>>)
      %add3A_929 = arith.constant 3 : i32
      %add3A_930 = arith.addi %add3A_909, %add3A_929 : i32
      %dma_start3A_931 = arith.constant 0 : i32
      %dma_start3A_932 = arith.constant 240 : i32
      %dma_start3A_933 = tpu.memref_slice %arg6[%dma_start3A_932] : memref<640xi32, #tpu.memory_space<vmem>> -> memref<80xi32, #tpu.memory_space<vmem>>
      %dma_start3A_934 = arith.constant 0 : i32
      %dma_start3A_935 = tpu.memref_slice %arg3[%add3A, %add3A_930, %dma_start3A_931, %dma_start3A_934] : memref<32x125x1x80xi32, #tpu.memory_space<hbm>> -> memref<1x1x1x80xi32, #tpu.memory_space<hbm>>
      %dma_start3A_936 = tpu.memref_squeeze %dma_start3A_935 : memref<1x1x1x80xi32, #tpu.memory_space<hbm>> -> memref<80xi32, #tpu.memory_space<hbm>>
      %dma_start3A_937 = arith.constant 240 : i32
      %dma_start3A_938 = tpu.memref_slice %arg6[%dma_start3A_937] : memref<640xi32, #tpu.memory_space<vmem>> -> memref<80xi32, #tpu.memory_space<vmem>>
      %dma_start3A_939 = arith.constant 0 : i32
      %dma_start3A_940 = tpu.memref_slice %arg3[%add3A, %add3A_930, %dma_start3A_931, %dma_start3A_939] : memref<32x125x1x80xi32, #tpu.memory_space<hbm>> -> memref<1x1x1x80xi32, #tpu.memory_space<hbm>>
      %dma_start3A_941 = tpu.memref_squeeze %dma_start3A_940 : memref<1x1x1x80xi32, #tpu.memory_space<hbm>> -> memref<80xi32, #tpu.memory_space<hbm>>
      tpu.enqueue_dma source(%dma_start3A_941 : memref<80xi32, #tpu.memory_space<hbm>>) target(%dma_start3A_938 : memref<80xi32, #tpu.memory_space<vmem>>) target_semaphore(%arg16 : memref<!tpu.dma_semaphore, #tpu.memory_space<semaphore_mem>>)
      %dma_start3A_942 = arith.constant 0 : i32
      %dma_start3A_943 = arith.constant 24 : i32
      %dma_start3A_944 = arith.constant 0 : i32
      %dma_start3A_945 = tpu.memref_slice %arg7[%dma_start3A_943, %dma_start3A_944] : memref<64x80xi32, #tpu.memory_space<vmem>> -> memref<1x80xi32, #tpu.memory_space<vmem>>
      %dma_start3A_946 = tpu.memref_squeeze %dma_start3A_945 : memref<1x80xi32, #tpu.memory_space<vmem>> -> memref<80xi32, #tpu.memory_space<vmem>>
      %dma_start3A_947 = arith.constant 0 : i32
      %dma_start3A_948 = tpu.memref_slice %arg4[%add3A, %add3A_930, %dma_start3A_942, %dma_start3A_947] : memref<32x125x1x80xi32, #tpu.memory_space<hbm>> -> memref<1x1x1x80xi32, #tpu.memory_space<hbm>>
      %dma_start3A_949 = tpu.memref_squeeze %dma_start3A_948 : memref<1x1x1x80xi32, #tpu.memory_space<hbm>> -> memref<80xi32, #tpu.memory_space<hbm>>
      %dma_start3A_950 = arith.constant 0 : i32
      %dma_start3A_951 = tpu.memref_slice %arg7[%dma_start3A_943, %dma_start3A_950] : memref<64x80xi32, #tpu.memory_space<vmem>> -> memref<1x80xi32, #tpu.memory_space<vmem>>
      %dma_start3A_952 = tpu.memref_squeeze %dma_start3A_951 : memref<1x80xi32, #tpu.memory_space<vmem>> -> memref<80xi32, #tpu.memory_space<vmem>>
      %dma_start3A_953 = arith.constant 0 : i32
      %dma_start3A_954 = tpu.memref_slice %arg4[%add3A, %add3A_930, %dma_start3A_942, %dma_start3A_953] : memref<32x125x1x80xi32, #tpu.memory_space<hbm>> -> memref<1x1x1x80xi32, #tpu.memory_space<hbm>>
      %dma_start3A_955 = tpu.memref_squeeze %dma_start3A_954 : memref<1x1x1x80xi32, #tpu.memory_space<hbm>> -> memref<80xi32, #tpu.memory_space<hbm>>
      tpu.enqueue_dma source(%dma_start3A_955 : memref<80xi32, #tpu.memory_space<hbm>>) target(%dma_start3A_952 : memref<80xi32, #tpu.memory_space<vmem>>) target_semaphore(%arg16 : memref<!tpu.dma_semaphore, #tpu.memory_space<semaphore_mem>>)
      %add3A_956 = arith.constant 2 : i32
      %add3A_957 = arith.addi %add3A_909, %add3A_956 : i32
      %dma_wait3A_958 = arith.constant 0 : i32
      %dma_wait3A_959 = arith.constant 160 : i32
      %dma_wait3A_960 = tpu.memref_slice %arg6[%dma_wait3A_959] : memref<640xi32, #tpu.memory_space<vmem>> -> memref<80xi32, #tpu.memory_space<vmem>>
      %dma_wait3A_961 = arith.constant 0 : i32
      %dma_wait3A_962 = tpu.memref_slice %arg3[%add3A, %add3A_957, %dma_wait3A_958, %dma_wait3A_961] : memref<32x125x1x80xi32, #tpu.memory_space<hbm>> -> memref<1x1x1x80xi32, #tpu.memory_space<hbm>>
      %dma_wait3A_963 = tpu.memref_squeeze %dma_wait3A_962 : memref<1x1x1x80xi32, #tpu.memory_space<hbm>> -> memref<80xi32, #tpu.memory_space<hbm>>
      %dma_wait3A_964 = arith.constant 160 : i32
      %dma_wait3A_965 = tpu.memref_slice %arg6[%dma_wait3A_964] : memref<640xi32, #tpu.memory_space<vmem>> -> memref<80xi32, #tpu.memory_space<vmem>>
      %dma_wait3A_966 = arith.constant 0 : i32
      %dma_wait3A_967 = tpu.memref_slice %arg3[%add3A, %add3A_957, %dma_wait3A_958, %dma_wait3A_966] : memref<32x125x1x80xi32, #tpu.memory_space<hbm>> -> memref<1x1x1x80xi32, #tpu.memory_space<hbm>>
      %dma_wait3A_968 = tpu.memref_squeeze %dma_wait3A_967 : memref<1x1x1x80xi32, #tpu.memory_space<hbm>> -> memref<80xi32, #tpu.memory_space<hbm>>
      tpu.wait_dma2 semaphore(%arg15 : memref<!tpu.dma_semaphore, #tpu.memory_space<semaphore_mem>>) src(%dma_wait3A_968 : memref<80xi32, #tpu.memory_space<hbm>>) dst(%dma_wait3A_965 : memref<80xi32, #tpu.memory_space<vmem>>)
      %dma_wait3A_969 = arith.constant 0 : i32
      %dma_wait3A_970 = arith.constant 16 : i32
      %dma_wait3A_971 = arith.constant 0 : i32
      %dma_wait3A_972 = tpu.memref_slice %arg7[%dma_wait3A_970, %dma_wait3A_971] : memref<64x80xi32, #tpu.memory_space<vmem>> -> memref<1x80xi32, #tpu.memory_space<vmem>>
      %dma_wait3A_973 = tpu.memref_squeeze %dma_wait3A_972 : memref<1x80xi32, #tpu.memory_space<vmem>> -> memref<80xi32, #tpu.memory_space<vmem>>
      %dma_wait3A_974 = arith.constant 0 : i32
      %dma_wait3A_975 = tpu.memref_slice %arg4[%add3A, %add3A_957, %dma_wait3A_969, %dma_wait3A_974] : memref<32x125x1x80xi32, #tpu.memory_space<hbm>> -> memref<1x1x1x80xi32, #tpu.memory_space<hbm>>
      %dma_wait3A_976 = tpu.memref_squeeze %dma_wait3A_975 : memref<1x1x1x80xi32, #tpu.memory_space<hbm>> -> memref<80xi32, #tpu.memory_space<hbm>>
      %dma_wait3A_977 = arith.constant 0 : i32
      %dma_wait3A_978 = tpu.memref_slice %arg7[%dma_wait3A_970, %dma_wait3A_977] : memref<64x80xi32, #tpu.memory_space<vmem>> -> memref<1x80xi32, #tpu.memory_space<vmem>>
      %dma_wait3A_979 = tpu.memref_squeeze %dma_wait3A_978 : memref<1x80xi32, #tpu.memory_space<vmem>> -> memref<80xi32, #tpu.memory_space<vmem>>
      %dma_wait3A_980 = arith.constant 0 : i32
      %dma_wait3A_981 = tpu.memref_slice %arg4[%add3A, %add3A_957, %dma_wait3A_969, %dma_wait3A_980] : memref<32x125x1x80xi32, #tpu.memory_space<hbm>> -> memref<1x1x1x80xi32, #tpu.memory_space<hbm>>
      %dma_wait3A_982 = tpu.memref_squeeze %dma_wait3A_981 : memref<1x1x1x80xi32, #tpu.memory_space<hbm>> -> memref<80xi32, #tpu.memory_space<hbm>>
      tpu.wait_dma2 semaphore(%arg15 : memref<!tpu.dma_semaphore, #tpu.memory_space<semaphore_mem>>) src(%dma_wait3A_982 : memref<80xi32, #tpu.memory_space<hbm>>) dst(%dma_wait3A_979 : memref<80xi32, #tpu.memory_space<vmem>>)
      %dma_start3A_983 = arith.constant 160 : i32
      %dma_start3A_984 = tpu.memref_slice %arg6[%dma_start3A_983] : memref<640xi32, #tpu.memory_space<vmem>> -> memref<80xi32, #tpu.memory_space<vmem>>
      %dma_start3A_985 = arith.constant 0 : i32
      %dma_start3A_986 = arith.constant 0 : i32
      %dma_start3A_987 = tpu.memref_slice %arg2[%dma_start3A_985, %dma_start3A_986] : memref<10000x128xf32, #tpu.memory_space<hbm>> -> memref<10000x128xf32, #tpu.memory_space<hbm>>
      tpu.enqueue_indirect_dma source(%dma_start3A_987 : memref<10000x128xf32, #tpu.memory_space<hbm>>) target(%arg10 : memref<80x128xf32, #tpu.memory_space<vmem>>) offsets(%dma_start3A_984 : memref<80xi32, #tpu.memory_space<vmem>>) semaphore(%arg23 : memref<!tpu.dma_semaphore, #tpu.memory_space<semaphore_mem>>)
      %add3A_988 = arith.constant 7 : i32
      %add3A_989 = arith.addi %add3A_427, %add3A_988 : i32
      %dma_wait3A_990 = arith.constant 80 : i32
      %dma_wait3A_991 = tpu.memref_slice %arg6[%dma_wait3A_990] : memref<640xi32, #tpu.memory_space<vmem>> -> memref<80xi32, #tpu.memory_space<vmem>>
      %dma_wait3A_992 = arith.constant 0 : i32
      %dma_wait3A_993 = arith.constant 0 : i32
      %dma_wait3A_994 = tpu.memref_slice %arg2[%dma_wait3A_992, %dma_wait3A_993] : memref<10000x128xf32, #tpu.memory_space<hbm>> -> memref<10000x128xf32, #tpu.memory_space<hbm>>
      tpu.wait_indirect_dma semaphore(%arg22 : memref<!tpu.dma_semaphore, #tpu.memory_space<semaphore_mem>>) src(%dma_wait3A_994 : memref<10000x128xf32, #tpu.memory_space<hbm>>) dst(%arg9 : memref<80x128xf32, #tpu.memory_space<vmem>>)
      %dma_start3A_995 = arith.constant 8 : i32
      %dma_start3A_996 = arith.constant 0 : i32
      %dma_start3A_997 = tpu.memref_slice %arg7[%dma_start3A_995, %dma_start3A_996] : memref<64x80xi32, #tpu.memory_space<vmem>> -> memref<1x80xi32, #tpu.memory_space<vmem>>
      %dma_start3A_998 = tpu.memref_squeeze %dma_start3A_997 : memref<1x80xi32, #tpu.memory_space<vmem>> -> memref<80xi32, #tpu.memory_space<vmem>>
      %dma_start3A_999 = arith.constant 0 : i32
      %dma_start3A_1000 = arith.constant 0 : i32
      %dma_start3A_1001 = tpu.memref_slice %arg12[%dma_start3A_999, %dma_start3A_1000] : memref<10000x128xf32, #tpu.memory_space<vmem_shared>> -> memref<10000x128xf32, #tpu.memory_space<vmem_shared>>
      tpu.enqueue_indirect_dma source(%arg9 : memref<80x128xf32, #tpu.memory_space<vmem>>) target(%dma_start3A_1001 : memref<10000x128xf32, #tpu.memory_space<vmem_shared>>) offsets(%dma_start3A_998 : memref<80xi32, #tpu.memory_space<vmem>>) semaphore(%arg26 : memref<!tpu.dma_semaphore, #tpu.memory_space<semaphore_mem>>) {add = true}
      %dma_wait3A_1002 = arith.constant 56 : i32
      %dma_wait3A_1003 = arith.constant 0 : i32
      %dma_wait3A_1004 = tpu.memref_slice %arg7[%dma_wait3A_1002, %dma_wait3A_1003] : memref<64x80xi32, #tpu.memory_space<vmem>> -> memref<1x80xi32, #tpu.memory_space<vmem>>
      %dma_wait3A_1005 = tpu.memref_squeeze %dma_wait3A_1004 : memref<1x80xi32, #tpu.memory_space<vmem>> -> memref<80xi32, #tpu.memory_space<vmem>>
      %dma_wait3A_1006 = arith.constant 0 : i32
      %dma_wait3A_1007 = arith.constant 0 : i32
      %dma_wait3A_1008 = tpu.memref_slice %arg12[%dma_wait3A_1006, %dma_wait3A_1007] : memref<10000x128xf32, #tpu.memory_space<vmem_shared>> -> memref<10000x128xf32, #tpu.memory_space<vmem_shared>>
      tpu.wait_indirect_dma semaphore(%arg28 : memref<!tpu.dma_semaphore, #tpu.memory_space<semaphore_mem>>) src(%arg11 : memref<80x128xf32, #tpu.memory_space<vmem>>) dst(%dma_wait3A_1008 : memref<10000x128xf32, #tpu.memory_space<vmem_shared>>)
      %add3A_1009 = arith.constant 3 : i32
      %add3A_1010 = arith.addi %add3A_989, %add3A_1009 : i32
      %dma_start3A_1011 = arith.constant 0 : i32
      %dma_start3A_1012 = arith.constant 320 : i32
      %dma_start3A_1013 = tpu.memref_slice %arg6[%dma_start3A_1012] : memref<640xi32, #tpu.memory_space<vmem>> -> memref<80xi32, #tpu.memory_space<vmem>>
      %dma_start3A_1014 = arith.constant 0 : i32
      %dma_start3A_1015 = tpu.memref_slice %arg3[%add3A, %add3A_1010, %dma_start3A_1011, %dma_start3A_1014] : memref<32x125x1x80xi32, #tpu.memory_space<hbm>> -> memref<1x1x1x80xi32, #tpu.memory_space<hbm>>
      %dma_start3A_1016 = tpu.memref_squeeze %dma_start3A_1015 : memref<1x1x1x80xi32, #tpu.memory_space<hbm>> -> memref<80xi32, #tpu.memory_space<hbm>>
      %dma_start3A_1017 = arith.constant 320 : i32
      %dma_start3A_1018 = tpu.memref_slice %arg6[%dma_start3A_1017] : memref<640xi32, #tpu.memory_space<vmem>> -> memref<80xi32, #tpu.memory_space<vmem>>
      %dma_start3A_1019 = arith.constant 0 : i32
      %dma_start3A_1020 = tpu.memref_slice %arg3[%add3A, %add3A_1010, %dma_start3A_1011, %dma_start3A_1019] : memref<32x125x1x80xi32, #tpu.memory_space<hbm>> -> memref<1x1x1x80xi32, #tpu.memory_space<hbm>>
      %dma_start3A_1021 = tpu.memref_squeeze %dma_start3A_1020 : memref<1x1x1x80xi32, #tpu.memory_space<hbm>> -> memref<80xi32, #tpu.memory_space<hbm>>
      tpu.enqueue_dma source(%dma_start3A_1021 : memref<80xi32, #tpu.memory_space<hbm>>) target(%dma_start3A_1018 : memref<80xi32, #tpu.memory_space<vmem>>) target_semaphore(%arg17 : memref<!tpu.dma_semaphore, #tpu.memory_space<semaphore_mem>>)
      %dma_start3A_1022 = arith.constant 0 : i32
      %dma_start3A_1023 = arith.constant 32 : i32
      %dma_start3A_1024 = arith.constant 0 : i32
      %dma_start3A_1025 = tpu.memref_slice %arg7[%dma_start3A_1023, %dma_start3A_1024] : memref<64x80xi32, #tpu.memory_space<vmem>> -> memref<1x80xi32, #tpu.memory_space<vmem>>
      %dma_start3A_1026 = tpu.memref_squeeze %dma_start3A_1025 : memref<1x80xi32, #tpu.memory_space<vmem>> -> memref<80xi32, #tpu.memory_space<vmem>>
      %dma_start3A_1027 = arith.constant 0 : i32
      %dma_start3A_1028 = tpu.memref_slice %arg4[%add3A, %add3A_1010, %dma_start3A_1022, %dma_start3A_1027] : memref<32x125x1x80xi32, #tpu.memory_space<hbm>> -> memref<1x1x1x80xi32, #tpu.memory_space<hbm>>
      %dma_start3A_1029 = tpu.memref_squeeze %dma_start3A_1028 : memref<1x1x1x80xi32, #tpu.memory_space<hbm>> -> memref<80xi32, #tpu.memory_space<hbm>>
      %dma_start3A_1030 = arith.constant 0 : i32
      %dma_start3A_1031 = tpu.memref_slice %arg7[%dma_start3A_1023, %dma_start3A_1030] : memref<64x80xi32, #tpu.memory_space<vmem>> -> memref<1x80xi32, #tpu.memory_space<vmem>>
      %dma_start3A_1032 = tpu.memref_squeeze %dma_start3A_1031 : memref<1x80xi32, #tpu.memory_space<vmem>> -> memref<80xi32, #tpu.memory_space<vmem>>
      %dma_start3A_1033 = arith.constant 0 : i32
      %dma_start3A_1034 = tpu.memref_slice %arg4[%add3A, %add3A_1010, %dma_start3A_1022, %dma_start3A_1033] : memref<32x125x1x80xi32, #tpu.memory_space<hbm>> -> memref<1x1x1x80xi32, #tpu.memory_space<hbm>>
      %dma_start3A_1035 = tpu.memref_squeeze %dma_start3A_1034 : memref<1x1x1x80xi32, #tpu.memory_space<hbm>> -> memref<80xi32, #tpu.memory_space<hbm>>
      tpu.enqueue_dma source(%dma_start3A_1035 : memref<80xi32, #tpu.memory_space<hbm>>) target(%dma_start3A_1032 : memref<80xi32, #tpu.memory_space<vmem>>) target_semaphore(%arg17 : memref<!tpu.dma_semaphore, #tpu.memory_space<semaphore_mem>>)
      %add3A_1036 = arith.constant 2 : i32
      %add3A_1037 = arith.addi %add3A_989, %add3A_1036 : i32
      %dma_wait3A_1038 = arith.constant 0 : i32
      %dma_wait3A_1039 = arith.constant 240 : i32
      %dma_wait3A_1040 = tpu.memref_slice %arg6[%dma_wait3A_1039] : memref<640xi32, #tpu.memory_space<vmem>> -> memref<80xi32, #tpu.memory_space<vmem>>
      %dma_wait3A_1041 = arith.constant 0 : i32
      %dma_wait3A_1042 = tpu.memref_slice %arg3[%add3A, %add3A_1037, %dma_wait3A_1038, %dma_wait3A_1041] : memref<32x125x1x80xi32, #tpu.memory_space<hbm>> -> memref<1x1x1x80xi32, #tpu.memory_space<hbm>>
      %dma_wait3A_1043 = tpu.memref_squeeze %dma_wait3A_1042 : memref<1x1x1x80xi32, #tpu.memory_space<hbm>> -> memref<80xi32, #tpu.memory_space<hbm>>
      %dma_wait3A_1044 = arith.constant 240 : i32
      %dma_wait3A_1045 = tpu.memref_slice %arg6[%dma_wait3A_1044] : memref<640xi32, #tpu.memory_space<vmem>> -> memref<80xi32, #tpu.memory_space<vmem>>
      %dma_wait3A_1046 = arith.constant 0 : i32
      %dma_wait3A_1047 = tpu.memref_slice %arg3[%add3A, %add3A_1037, %dma_wait3A_1038, %dma_wait3A_1046] : memref<32x125x1x80xi32, #tpu.memory_space<hbm>> -> memref<1x1x1x80xi32, #tpu.memory_space<hbm>>
      %dma_wait3A_1048 = tpu.memref_squeeze %dma_wait3A_1047 : memref<1x1x1x80xi32, #tpu.memory_space<hbm>> -> memref<80xi32, #tpu.memory_space<hbm>>
      tpu.wait_dma2 semaphore(%arg16 : memref<!tpu.dma_semaphore, #tpu.memory_space<semaphore_mem>>) src(%dma_wait3A_1048 : memref<80xi32, #tpu.memory_space<hbm>>) dst(%dma_wait3A_1045 : memref<80xi32, #tpu.memory_space<vmem>>)
      %dma_wait3A_1049 = arith.constant 0 : i32
      %dma_wait3A_1050 = arith.constant 24 : i32
      %dma_wait3A_1051 = arith.constant 0 : i32
      %dma_wait3A_1052 = tpu.memref_slice %arg7[%dma_wait3A_1050, %dma_wait3A_1051] : memref<64x80xi32, #tpu.memory_space<vmem>> -> memref<1x80xi32, #tpu.memory_space<vmem>>
      %dma_wait3A_1053 = tpu.memref_squeeze %dma_wait3A_1052 : memref<1x80xi32, #tpu.memory_space<vmem>> -> memref<80xi32, #tpu.memory_space<vmem>>
      %dma_wait3A_1054 = arith.constant 0 : i32
      %dma_wait3A_1055 = tpu.memref_slice %arg4[%add3A, %add3A_1037, %dma_wait3A_1049, %dma_wait3A_1054] : memref<32x125x1x80xi32, #tpu.memory_space<hbm>> -> memref<1x1x1x80xi32, #tpu.memory_space<hbm>>
      %dma_wait3A_1056 = tpu.memref_squeeze %dma_wait3A_1055 : memref<1x1x1x80xi32, #tpu.memory_space<hbm>> -> memref<80xi32, #tpu.memory_space<hbm>>
      %dma_wait3A_1057 = arith.constant 0 : i32
      %dma_wait3A_1058 = tpu.memref_slice %arg7[%dma_wait3A_1050, %dma_wait3A_1057] : memref<64x80xi32, #tpu.memory_space<vmem>> -> memref<1x80xi32, #tpu.memory_space<vmem>>
      %dma_wait3A_1059 = tpu.memref_squeeze %dma_wait3A_1058 : memref<1x80xi32, #tpu.memory_space<vmem>> -> memref<80xi32, #tpu.memory_space<vmem>>
      %dma_wait3A_1060 = arith.constant 0 : i32
      %dma_wait3A_1061 = tpu.memref_slice %arg4[%add3A, %add3A_1037, %dma_wait3A_1049, %dma_wait3A_1060] : memref<32x125x1x80xi32, #tpu.memory_space<hbm>> -> memref<1x1x1x80xi32, #tpu.memory_space<hbm>>
      %dma_wait3A_1062 = tpu.memref_squeeze %dma_wait3A_1061 : memref<1x1x1x80xi32, #tpu.memory_space<hbm>> -> memref<80xi32, #tpu.memory_space<hbm>>
      tpu.wait_dma2 semaphore(%arg16 : memref<!tpu.dma_semaphore, #tpu.memory_space<semaphore_mem>>) src(%dma_wait3A_1062 : memref<80xi32, #tpu.memory_space<hbm>>) dst(%dma_wait3A_1059 : memref<80xi32, #tpu.memory_space<vmem>>)
      %dma_start3A_1063 = arith.constant 240 : i32
      %dma_start3A_1064 = tpu.memref_slice %arg6[%dma_start3A_1063] : memref<640xi32, #tpu.memory_space<vmem>> -> memref<80xi32, #tpu.memory_space<vmem>>
      %dma_start3A_1065 = arith.constant 0 : i32
      %dma_start3A_1066 = arith.constant 0 : i32
      %dma_start3A_1067 = tpu.memref_slice %arg2[%dma_start3A_1065, %dma_start3A_1066] : memref<10000x128xf32, #tpu.memory_space<hbm>> -> memref<10000x128xf32, #tpu.memory_space<hbm>>
      tpu.enqueue_indirect_dma source(%dma_start3A_1067 : memref<10000x128xf32, #tpu.memory_space<hbm>>) target(%arg11 : memref<80x128xf32, #tpu.memory_space<vmem>>) offsets(%dma_start3A_1064 : memref<80xi32, #tpu.memory_space<vmem>>) semaphore(%arg24 : memref<!tpu.dma_semaphore, #tpu.memory_space<semaphore_mem>>)
    }
    %scan3A_308 = arith.constant 15 : i32
    %dma_wait3A_309 = arith.constant 160 : i32
    %dma_wait3A_310 = tpu.memref_slice %arg6[%dma_wait3A_309] : memref<640xi32, #tpu.memory_space<vmem>> -> memref<80xi32, #tpu.memory_space<vmem>>
    %dma_wait3A_311 = arith.constant 0 : i32
    %dma_wait3A_312 = arith.constant 0 : i32
    %dma_wait3A_313 = tpu.memref_slice %arg2[%dma_wait3A_311, %dma_wait3A_312] : memref<10000x128xf32, #tpu.memory_space<hbm>> -> memref<10000x128xf32, #tpu.memory_space<hbm>>
    tpu.wait_indirect_dma semaphore(%arg23 : memref<!tpu.dma_semaphore, #tpu.memory_space<semaphore_mem>>) src(%dma_wait3A_313 : memref<10000x128xf32, #tpu.memory_space<hbm>>) dst(%arg10 : memref<80x128xf32, #tpu.memory_space<vmem>>)
    %dma_start3A_314 = arith.constant 16 : i32
    %dma_start3A_315 = arith.constant 0 : i32
    %dma_start3A_316 = tpu.memref_slice %arg7[%dma_start3A_314, %dma_start3A_315] : memref<64x80xi32, #tpu.memory_space<vmem>> -> memref<1x80xi32, #tpu.memory_space<vmem>>
    %dma_start3A_317 = tpu.memref_squeeze %dma_start3A_316 : memref<1x80xi32, #tpu.memory_space<vmem>> -> memref<80xi32, #tpu.memory_space<vmem>>
    %dma_start3A_318 = arith.constant 0 : i32
    %dma_start3A_319 = arith.constant 0 : i32
    %dma_start3A_320 = tpu.memref_slice %arg12[%dma_start3A_318, %dma_start3A_319] : memref<10000x128xf32, #tpu.memory_space<vmem_shared>> -> memref<10000x128xf32, #tpu.memory_space<vmem_shared>>
    tpu.enqueue_indirect_dma source(%arg10 : memref<80x128xf32, #tpu.memory_space<vmem>>) target(%dma_start3A_320 : memref<10000x128xf32, #tpu.memory_space<vmem_shared>>) offsets(%dma_start3A_317 : memref<80xi32, #tpu.memory_space<vmem>>) semaphore(%arg27 : memref<!tpu.dma_semaphore, #tpu.memory_space<semaphore_mem>>) {add = true}
    %dma_wait3A_321 = arith.constant 0 : i32
    %dma_wait3A_322 = arith.constant 0 : i32
    %dma_wait3A_323 = tpu.memref_slice %arg7[%dma_wait3A_321, %dma_wait3A_322] : memref<64x80xi32, #tpu.memory_space<vmem>> -> memref<1x80xi32, #tpu.memory_space<vmem>>
    %dma_wait3A_324 = tpu.memref_squeeze %dma_wait3A_323 : memref<1x80xi32, #tpu.memory_space<vmem>> -> memref<80xi32, #tpu.memory_space<vmem>>
    %dma_wait3A_325 = arith.constant 0 : i32
    %dma_wait3A_326 = arith.constant 0 : i32
    %dma_wait3A_327 = tpu.memref_slice %arg12[%dma_wait3A_325, %dma_wait3A_326] : memref<10000x128xf32, #tpu.memory_space<vmem_shared>> -> memref<10000x128xf32, #tpu.memory_space<vmem_shared>>
    tpu.wait_indirect_dma semaphore(%arg25 : memref<!tpu.dma_semaphore, #tpu.memory_space<semaphore_mem>>) src(%arg8 : memref<80x128xf32, #tpu.memory_space<vmem>>) dst(%dma_wait3A_327 : memref<10000x128xf32, #tpu.memory_space<vmem_shared>>)
    %dma_wait3A_328 = arith.constant 124 : i32
    %dma_wait3A_329 = arith.constant 0 : i32
    %dma_wait3A_330 = arith.constant 320 : i32
    %dma_wait3A_331 = tpu.memref_slice %arg6[%dma_wait3A_330] : memref<640xi32, #tpu.memory_space<vmem>> -> memref<80xi32, #tpu.memory_space<vmem>>
    %dma_wait3A_332 = arith.constant 0 : i32
    %dma_wait3A_333 = tpu.memref_slice %arg3[%add3A, %dma_wait3A_328, %dma_wait3A_329, %dma_wait3A_332] : memref<32x125x1x80xi32, #tpu.memory_space<hbm>> -> memref<1x1x1x80xi32, #tpu.memory_space<hbm>>
    %dma_wait3A_334 = tpu.memref_squeeze %dma_wait3A_333 : memref<1x1x1x80xi32, #tpu.memory_space<hbm>> -> memref<80xi32, #tpu.memory_space<hbm>>
    %dma_wait3A_335 = arith.constant 320 : i32
    %dma_wait3A_336 = tpu.memref_slice %arg6[%dma_wait3A_335] : memref<640xi32, #tpu.memory_space<vmem>> -> memref<80xi32, #tpu.memory_space<vmem>>
    %dma_wait3A_337 = arith.constant 0 : i32
    %dma_wait3A_338 = tpu.memref_slice %arg3[%add3A, %dma_wait3A_328, %dma_wait3A_329, %dma_wait3A_337] : memref<32x125x1x80xi32, #tpu.memory_space<hbm>> -> memref<1x1x1x80xi32, #tpu.memory_space<hbm>>
    %dma_wait3A_339 = tpu.memref_squeeze %dma_wait3A_338 : memref<1x1x1x80xi32, #tpu.memory_space<hbm>> -> memref<80xi32, #tpu.memory_space<hbm>>
    tpu.wait_dma2 semaphore(%arg17 : memref<!tpu.dma_semaphore, #tpu.memory_space<semaphore_mem>>) src(%dma_wait3A_339 : memref<80xi32, #tpu.memory_space<hbm>>) dst(%dma_wait3A_336 : memref<80xi32, #tpu.memory_space<vmem>>)
    %dma_wait3A_340 = arith.constant 124 : i32
    %dma_wait3A_341 = arith.constant 0 : i32
    %dma_wait3A_342 = arith.constant 32 : i32
    %dma_wait3A_343 = arith.constant 0 : i32
    %dma_wait3A_344 = tpu.memref_slice %arg7[%dma_wait3A_342, %dma_wait3A_343] : memref<64x80xi32, #tpu.memory_space<vmem>> -> memref<1x80xi32, #tpu.memory_space<vmem>>
    %dma_wait3A_345 = tpu.memref_squeeze %dma_wait3A_344 : memref<1x80xi32, #tpu.memory_space<vmem>> -> memref<80xi32, #tpu.memory_space<vmem>>
    %dma_wait3A_346 = arith.constant 0 : i32
    %dma_wait3A_347 = tpu.memref_slice %arg4[%add3A, %dma_wait3A_340, %dma_wait3A_341, %dma_wait3A_346] : memref<32x125x1x80xi32, #tpu.memory_space<hbm>> -> memref<1x1x1x80xi32, #tpu.memory_space<hbm>>
    %dma_wait3A_348 = tpu.memref_squeeze %dma_wait3A_347 : memref<1x1x1x80xi32, #tpu.memory_space<hbm>> -> memref<80xi32, #tpu.memory_space<hbm>>
    %dma_wait3A_349 = arith.constant 0 : i32
    %dma_wait3A_350 = tpu.memref_slice %arg7[%dma_wait3A_342, %dma_wait3A_349] : memref<64x80xi32, #tpu.memory_space<vmem>> -> memref<1x80xi32, #tpu.memory_space<vmem>>
    %dma_wait3A_351 = tpu.memref_squeeze %dma_wait3A_350 : memref<1x80xi32, #tpu.memory_space<vmem>> -> memref<80xi32, #tpu.memory_space<vmem>>
    %dma_wait3A_352 = arith.constant 0 : i32
    %dma_wait3A_353 = tpu.memref_slice %arg4[%add3A, %dma_wait3A_340, %dma_wait3A_341, %dma_wait3A_352] : memref<32x125x1x80xi32, #tpu.memory_space<hbm>> -> memref<1x1x1x80xi32, #tpu.memory_space<hbm>>
    %dma_wait3A_354 = tpu.memref_squeeze %dma_wait3A_353 : memref<1x1x1x80xi32, #tpu.memory_space<hbm>> -> memref<80xi32, #tpu.memory_space<hbm>>
    tpu.wait_dma2 semaphore(%arg17 : memref<!tpu.dma_semaphore, #tpu.memory_space<semaphore_mem>>) src(%dma_wait3A_354 : memref<80xi32, #tpu.memory_space<hbm>>) dst(%dma_wait3A_351 : memref<80xi32, #tpu.memory_space<vmem>>)
    %dma_start3A_355 = arith.constant 320 : i32
    %dma_start3A_356 = tpu.memref_slice %arg6[%dma_start3A_355] : memref<640xi32, #tpu.memory_space<vmem>> -> memref<80xi32, #tpu.memory_space<vmem>>
    %dma_start3A_357 = arith.constant 0 : i32
    %dma_start3A_358 = arith.constant 0 : i32
    %dma_start3A_359 = tpu.memref_slice %arg2[%dma_start3A_357, %dma_start3A_358] : memref<10000x128xf32, #tpu.memory_space<hbm>> -> memref<10000x128xf32, #tpu.memory_space<hbm>>
    tpu.enqueue_indirect_dma source(%dma_start3A_359 : memref<10000x128xf32, #tpu.memory_space<hbm>>) target(%arg8 : memref<80x128xf32, #tpu.memory_space<vmem>>) offsets(%dma_start3A_356 : memref<80xi32, #tpu.memory_space<vmem>>) semaphore(%arg21 : memref<!tpu.dma_semaphore, #tpu.memory_space<semaphore_mem>>)
    %dma_wait3A_360 = arith.constant 240 : i32
    %dma_wait3A_361 = tpu.memref_slice %arg6[%dma_wait3A_360] : memref<640xi32, #tpu.memory_space<vmem>> -> memref<80xi32, #tpu.memory_space<vmem>>
    %dma_wait3A_362 = arith.constant 0 : i32
    %dma_wait3A_363 = arith.constant 0 : i32
    %dma_wait3A_364 = tpu.memref_slice %arg2[%dma_wait3A_362, %dma_wait3A_363] : memref<10000x128xf32, #tpu.memory_space<hbm>> -> memref<10000x128xf32, #tpu.memory_space<hbm>>
    tpu.wait_indirect_dma semaphore(%arg24 : memref<!tpu.dma_semaphore, #tpu.memory_space<semaphore_mem>>) src(%dma_wait3A_364 : memref<10000x128xf32, #tpu.memory_space<hbm>>) dst(%arg11 : memref<80x128xf32, #tpu.memory_space<vmem>>)
    %dma_start3A_365 = arith.constant 24 : i32
    %dma_start3A_366 = arith.constant 0 : i32
    %dma_start3A_367 = tpu.memref_slice %arg7[%dma_start3A_365, %dma_start3A_366] : memref<64x80xi32, #tpu.memory_space<vmem>> -> memref<1x80xi32, #tpu.memory_space<vmem>>
    %dma_start3A_368 = tpu.memref_squeeze %dma_start3A_367 : memref<1x80xi32, #tpu.memory_space<vmem>> -> memref<80xi32, #tpu.memory_space<vmem>>
    %dma_start3A_369 = arith.constant 0 : i32
    %dma_start3A_370 = arith.constant 0 : i32
    %dma_start3A_371 = tpu.memref_slice %arg12[%dma_start3A_369, %dma_start3A_370] : memref<10000x128xf32, #tpu.memory_space<vmem_shared>> -> memref<10000x128xf32, #tpu.memory_space<vmem_shared>>
    tpu.enqueue_indirect_dma source(%arg11 : memref<80x128xf32, #tpu.memory_space<vmem>>) target(%dma_start3A_371 : memref<10000x128xf32, #tpu.memory_space<vmem_shared>>) offsets(%dma_start3A_368 : memref<80xi32, #tpu.memory_space<vmem>>) semaphore(%arg28 : memref<!tpu.dma_semaphore, #tpu.memory_space<semaphore_mem>>) {add = true}
    %dma_wait3A_372 = arith.constant 8 : i32
    %dma_wait3A_373 = arith.constant 0 : i32
    %dma_wait3A_374 = tpu.memref_slice %arg7[%dma_wait3A_372, %dma_wait3A_373] : memref<64x80xi32, #tpu.memory_space<vmem>> -> memref<1x80xi32, #tpu.memory_space<vmem>>
    %dma_wait3A_375 = tpu.memref_squeeze %dma_wait3A_374 : memref<1x80xi32, #tpu.memory_space<vmem>> -> memref<80xi32, #tpu.memory_space<vmem>>
    %dma_wait3A_376 = arith.constant 0 : i32
    %dma_wait3A_377 = arith.constant 0 : i32
    %dma_wait3A_378 = tpu.memref_slice %arg12[%dma_wait3A_376, %dma_wait3A_377] : memref<10000x128xf32, #tpu.memory_space<vmem_shared>> -> memref<10000x128xf32, #tpu.memory_space<vmem_shared>>
    tpu.wait_indirect_dma semaphore(%arg26 : memref<!tpu.dma_semaphore, #tpu.memory_space<semaphore_mem>>) src(%arg9 : memref<80x128xf32, #tpu.memory_space<vmem>>) dst(%dma_wait3A_378 : memref<10000x128xf32, #tpu.memory_space<vmem_shared>>)
    %dma_wait3A_379 = arith.constant 320 : i32
    %dma_wait3A_380 = tpu.memref_slice %arg6[%dma_wait3A_379] : memref<640xi32, #tpu.memory_space<vmem>> -> memref<80xi32, #tpu.memory_space<vmem>>
    %dma_wait3A_381 = arith.constant 0 : i32
    %dma_wait3A_382 = arith.constant 0 : i32
    %dma_wait3A_383 = tpu.memref_slice %arg2[%dma_wait3A_381, %dma_wait3A_382] : memref<10000x128xf32, #tpu.memory_space<hbm>> -> memref<10000x128xf32, #tpu.memory_space<hbm>>
    tpu.wait_indirect_dma semaphore(%arg21 : memref<!tpu.dma_semaphore, #tpu.memory_space<semaphore_mem>>) src(%dma_wait3A_383 : memref<10000x128xf32, #tpu.memory_space<hbm>>) dst(%arg8 : memref<80x128xf32, #tpu.memory_space<vmem>>)
    %dma_start3A_384 = arith.constant 32 : i32
    %dma_start3A_385 = arith.constant 0 : i32
    %dma_start3A_386 = tpu.memref_slice %arg7[%dma_start3A_384, %dma_start3A_385] : memref<64x80xi32, #tpu.memory_space<vmem>> -> memref<1x80xi32, #tpu.memory_space<vmem>>
    %dma_start3A_387 = tpu.memref_squeeze %dma_start3A_386 : memref<1x80xi32, #tpu.memory_space<vmem>> -> memref<80xi32, #tpu.memory_space<vmem>>
    %dma_start3A_388 = arith.constant 0 : i32
    %dma_start3A_389 = arith.constant 0 : i32
    %dma_start3A_390 = tpu.memref_slice %arg12[%dma_start3A_388, %dma_start3A_389] : memref<10000x128xf32, #tpu.memory_space<vmem_shared>> -> memref<10000x128xf32, #tpu.memory_space<vmem_shared>>
    tpu.enqueue_indirect_dma source(%arg8 : memref<80x128xf32, #tpu.memory_space<vmem>>) target(%dma_start3A_390 : memref<10000x128xf32, #tpu.memory_space<vmem_shared>>) offsets(%dma_start3A_387 : memref<80xi32, #tpu.memory_space<vmem>>) semaphore(%arg25 : memref<!tpu.dma_semaphore, #tpu.memory_space<semaphore_mem>>) {add = true}
    %dma_wait3A_391 = arith.constant 16 : i32
    %dma_wait3A_392 = arith.constant 0 : i32
    %dma_wait3A_393 = tpu.memref_slice %arg7[%dma_wait3A_391, %dma_wait3A_392] : memref<64x80xi32, #tpu.memory_space<vmem>> -> memref<1x80xi32, #tpu.memory_space<vmem>>
    %dma_wait3A_394 = tpu.memref_squeeze %dma_wait3A_393 : memref<1x80xi32, #tpu.memory_space<vmem>> -> memref<80xi32, #tpu.memory_space<vmem>>
    %dma_wait3A_395 = arith.constant 0 : i32
    %dma_wait3A_396 = arith.constant 0 : i32
    %dma_wait3A_397 = tpu.memref_slice %arg12[%dma_wait3A_395, %dma_wait3A_396] : memref<10000x128xf32, #tpu.memory_space<vmem_shared>> -> memref<10000x128xf32, #tpu.memory_space<vmem_shared>>
    tpu.wait_indirect_dma semaphore(%arg27 : memref<!tpu.dma_semaphore, #tpu.memory_space<semaphore_mem>>) src(%arg10 : memref<80x128xf32, #tpu.memory_space<vmem>>) dst(%dma_wait3A_397 : memref<10000x128xf32, #tpu.memory_space<vmem_shared>>)
    %dma_wait3A_398 = arith.constant 24 : i32
    %dma_wait3A_399 = arith.constant 0 : i32
    %dma_wait3A_400 = tpu.memref_slice %arg7[%dma_wait3A_398, %dma_wait3A_399] : memref<64x80xi32, #tpu.memory_space<vmem>> -> memref<1x80xi32, #tpu.memory_space<vmem>>
    %dma_wait3A_401 = tpu.memref_squeeze %dma_wait3A_400 : memref<1x80xi32, #tpu.memory_space<vmem>> -> memref<80xi32, #tpu.memory_space<vmem>>
    %dma_wait3A_402 = arith.constant 0 : i32
    %dma_wait3A_403 = arith.constant 0 : i32
    %dma_wait3A_404 = tpu.memref_slice %arg12[%dma_wait3A_402, %dma_wait3A_403] : memref<10000x128xf32, #tpu.memory_space<vmem_shared>> -> memref<10000x128xf32, #tpu.memory_space<vmem_shared>>
    tpu.wait_indirect_dma semaphore(%arg28 : memref<!tpu.dma_semaphore, #tpu.memory_space<semaphore_mem>>) src(%arg11 : memref<80x128xf32, #tpu.memory_space<vmem>>) dst(%dma_wait3A_404 : memref<10000x128xf32, #tpu.memory_space<vmem_shared>>)
    %dma_wait3A_405 = arith.constant 32 : i32
    %dma_wait3A_406 = arith.constant 0 : i32
    %dma_wait3A_407 = tpu.memref_slice %arg7[%dma_wait3A_405, %dma_wait3A_406] : memref<64x80xi32, #tpu.memory_space<vmem>> -> memref<1x80xi32, #tpu.memory_space<vmem>>
    %dma_wait3A_408 = tpu.memref_squeeze %dma_wait3A_407 : memref<1x80xi32, #tpu.memory_space<vmem>> -> memref<80xi32, #tpu.memory_space<vmem>>
    %dma_wait3A_409 = arith.constant 0 : i32
    %dma_wait3A_410 = arith.constant 0 : i32
    %dma_wait3A_411 = tpu.memref_slice %arg12[%dma_wait3A_409, %dma_wait3A_410] : memref<10000x128xf32, #tpu.memory_space<vmem_shared>> -> memref<10000x128xf32, #tpu.memory_space<vmem_shared>>
    tpu.wait_indirect_dma semaphore(%arg25 : memref<!tpu.dma_semaphore, #tpu.memory_space<semaphore_mem>>) src(%arg8 : memref<80x128xf32, #tpu.memory_space<vmem>>) dst(%dma_wait3A_411 : memref<10000x128xf32, #tpu.memory_space<vmem_shared>>)
    %barrier3A_412 = arith.constant 0 : index
    tpu.barrier barrier_id(%barrier3A_412)
    %while3A_413 = arith.constant 0 : i32
    %while3A_414 = arith.constant 0 : i32
    %while3A_415 = arith.subi %select_n3A, %while3A_414 : i32
    %while3A_416 = arith.addi %while3A_414, %while3A_415 : i32
    %while3A_417 = arith.constant 1 : i32
    %while3A_418 = arith.divsi %while3A_415, %while3A_417 : i32
    %while3A_419 = arith.muli %while3A_418, %while3A_417 : i32
    %while3A_420 = arith.addi %while3A_414, %while3A_419 : i32
    %while3A_421 = arith.constant 1 : i32
    scf.for %while3A_423 = %while3A_414 to %while3A_420 step %while3A_421  : i32 {
      %mul3A_424 = arith.constant 16 : i32
      %mul3A_425 = arith.muli %while3A_423, %mul3A_424 : i32
      %add3A_426 = arith.addi %arg1, %mul3A_425 : i32
      %mul3A_427 = arith.constant 80 : i32
      %mul3A_428 = arith.muli %add3A_426, %mul3A_427 : i32
      "tpu.region"() ({
        %run_scoped3A = tpu.sem_alloc : memref<!tpu.dma_semaphore, #tpu.memory_space<semaphore_mem>>
        %dma_start3A_429 = arith.constant 0 : i32
        %dma_start3A_430 = tpu.memref_slice %arg5[%arg0, %mul3A_428, %dma_start3A_429] : memref<2x10000x128xf32, #tpu.memory_space<hbm>> -> memref<1x80x128xf32, #tpu.memory_space<hbm>>
        %dma_start3A_431 = tpu.memref_squeeze %dma_start3A_430 : memref<1x80x128xf32, #tpu.memory_space<hbm>> -> memref<80x128xf32, #tpu.memory_space<hbm>>
        %dma_start3A_432 = arith.constant 0 : i32
        %dma_start3A_433 = tpu.memref_slice %arg12[%mul3A_428, %dma_start3A_432] : memref<10000x128xf32, #tpu.memory_space<vmem_shared>> -> memref<80x128xf32, #tpu.memory_space<vmem_shared>>
        tpu.enqueue_dma source(%dma_start3A_433 : memref<80x128xf32, #tpu.memory_space<vmem_shared>>) target(%dma_start3A_431 : memref<80x128xf32, #tpu.memory_space<hbm>>) target_semaphore(%run_scoped3A : memref<!tpu.dma_semaphore, #tpu.memory_space<semaphore_mem>>)
        %dma_wait3A_434 = arith.constant 0 : i32
        %dma_wait3A_435 = tpu.memref_slice %arg5[%arg0, %mul3A_428, %dma_wait3A_434] : memref<2x10000x128xf32, #tpu.memory_space<hbm>> -> memref<1x80x128xf32, #tpu.memory_space<hbm>>
        %dma_wait3A_436 = tpu.memref_squeeze %dma_wait3A_435 : memref<1x80x128xf32, #tpu.memory_space<hbm>> -> memref<80x128xf32, #tpu.memory_space<hbm>>
        %dma_wait3A_437 = arith.constant 0 : i32
        %dma_wait3A_438 = tpu.memref_slice %arg12[%mul3A_428, %dma_wait3A_437] : memref<10000x128xf32, #tpu.memory_space<vmem_shared>> -> memref<80x128xf32, #tpu.memory_space<vmem_shared>>
        tpu.wait_dma2 semaphore(%run_scoped3A : memref<!tpu.dma_semaphore, #tpu.memory_space<semaphore_mem>>) src(%dma_wait3A_438 : memref<80x128xf32, #tpu.memory_space<vmem_shared>>) dst(%dma_wait3A_436 : memref<80x128xf32, #tpu.memory_space<hbm>>)
        tpu.yield
      }) : () -> ()
    }
    %while3A_422 = arith.constant 1 : i32
    scf.for %while3A_423 = %while3A_420 to %while3A_416 step %while3A_422  : i32 {
      %mul3A_424 = arith.constant 16 : i32
      %mul3A_425 = arith.muli %while3A_423, %mul3A_424 : i32
      %add3A_426 = arith.addi %arg1, %mul3A_425 : i32
      %mul3A_427 = arith.constant 80 : i32
      %mul3A_428 = arith.muli %add3A_426, %mul3A_427 : i32
      "tpu.region"() ({
        %run_scoped3A = tpu.sem_alloc : memref<!tpu.dma_semaphore, #tpu.memory_space<semaphore_mem>>
        %dma_start3A_429 = arith.constant 0 : i32
        %dma_start3A_430 = tpu.memref_slice %arg5[%arg0, %mul3A_428, %dma_start3A_429] : memref<2x10000x128xf32, #tpu.memory_space<hbm>> -> memref<1x80x128xf32, #tpu.memory_space<hbm>>
        %dma_start3A_431 = tpu.memref_squeeze %dma_start3A_430 : memref<1x80x128xf32, #tpu.memory_space<hbm>> -> memref<80x128xf32, #tpu.memory_space<hbm>>
        %dma_start3A_432 = arith.constant 0 : i32
        %dma_start3A_433 = tpu.memref_slice %arg12[%mul3A_428, %dma_start3A_432] : memref<10000x128xf32, #tpu.memory_space<vmem_shared>> -> memref<80x128xf32, #tpu.memory_space<vmem_shared>>
        tpu.enqueue_dma source(%dma_start3A_433 : memref<80x128xf32, #tpu.memory_space<vmem_shared>>) target(%dma_start3A_431 : memref<80x128xf32, #tpu.memory_space<hbm>>) target_semaphore(%run_scoped3A : memref<!tpu.dma_semaphore, #tpu.memory_space<semaphore_mem>>)
        %dma_wait3A_434 = arith.constant 0 : i32
        %dma_wait3A_435 = tpu.memref_slice %arg5[%arg0, %mul3A_428, %dma_wait3A_434] : memref<2x10000x128xf32, #tpu.memory_space<hbm>> -> memref<1x80x128xf32, #tpu.memory_space<hbm>>
        %dma_wait3A_436 = tpu.memref_squeeze %dma_wait3A_435 : memref<1x80x128xf32, #tpu.memory_space<hbm>> -> memref<80x128xf32, #tpu.memory_space<hbm>>
        %dma_wait3A_437 = arith.constant 0 : i32
        %dma_wait3A_438 = tpu.memref_slice %arg12[%mul3A_428, %dma_wait3A_437] : memref<10000x128xf32, #tpu.memory_space<vmem_shared>> -> memref<80x128xf32, #tpu.memory_space<vmem_shared>>
        tpu.wait_dma2 semaphore(%run_scoped3A : memref<!tpu.dma_semaphore, #tpu.memory_space<semaphore_mem>>) src(%dma_wait3A_438 : memref<80x128xf32, #tpu.memory_space<vmem_shared>>) dst(%dma_wait3A_436 : memref<80x128xf32, #tpu.memory_space<hbm>>)
        tpu.yield
      }) : () -> ()
    }
    return
  }
}

#map = affine_map<(d0, d1) -> (0, 0)>
#map1 = affine_map<(d0, d1) -> (0, 0, 0, 0)>
#map2 = affine_map<(d0, d1) -> (0, 0, 0)>
module attributes {stable_mosaic.version = 14 : i64} {
  func.func @k(%arg0: i32, %arg1: i32, %arg2: memref<10000x128xf32, #tpu.memory_space<hbm>>, %arg3: memref<32x125x1x80xi32, #tpu.memory_space<hbm>>, %arg4: memref<32x125x1x80xi32, #tpu.memory_space<hbm>>, %arg5: memref<2x10000x128xf32, #tpu.memory_space<hbm>>, %arg6: memref<640xi32, #tpu.memory_space<vmem>>, %arg7: memref<64x80xi32, #tpu.memory_space<vmem>>, %arg8: memref<80x128xf32, #tpu.memory_space<vmem>>, %arg9: memref<80x128xf32, #tpu.memory_space<vmem>>, %arg10: memref<80x128xf32, #tpu.memory_space<vmem>>, %arg11: memref<80x128xf32, #tpu.memory_space<vmem>>, %arg12: memref<10000x128xf32, #tpu.memory_space<vmem_shared>>, %arg13: memref<!tpu.dma_semaphore, #tpu.memory_space<semaphore_mem>>, %arg14: memref<!tpu.dma_semaphore, #tpu.memory_space<semaphore_mem>>, %arg15: memref<!tpu.dma_semaphore, #tpu.memory_space<semaphore_mem>>, %arg16: memref<!tpu.dma_semaphore, #tpu.memory_space<semaphore_mem>>, %arg17: memref<!tpu.dma_semaphore, #tpu.memory_space<semaphore_mem>>, %arg18: memref<!tpu.dma_semaphore, #tpu.memory_space<semaphore_mem>>, %arg19: memref<!tpu.dma_semaphore, #tpu.memory_space<semaphore_mem>>, %arg20: memref<!tpu.dma_semaphore, #tpu.memory_space<semaphore_mem>>, %arg21: memref<!tpu.dma_semaphore, #tpu.memory_space<semaphore_mem>>, %arg22: memref<!tpu.dma_semaphore, #tpu.memory_space<semaphore_mem>>, %arg23: memref<!tpu.dma_semaphore, #tpu.memory_space<semaphore_mem>>, %arg24: memref<!tpu.dma_semaphore, #tpu.memory_space<semaphore_mem>>, %arg25: memref<!tpu.dma_semaphore, #tpu.memory_space<semaphore_mem>>, %arg26: memref<!tpu.dma_semaphore, #tpu.memory_space<semaphore_mem>>, %arg27: memref<!tpu.dma_semaphore, #tpu.memory_space<semaphore_mem>>, %arg28: memref<!tpu.dma_semaphore, #tpu.memory_space<semaphore_mem>>) attributes {dimension_semantics = [#tpu.dimension_semantics<core_parallel>, #tpu.dimension_semantics<subcore_parallel>], iteration_bounds = array<i64: 2, 16>, scalar_prefetch = 0 : i64, scratch_operands = 23 : i64, tpu.core_type = #tpu.core_type<sc_vector_subcore>, window_params = [{transform_indices = #map}, {transform_indices = #map1}, {transform_indices = #map1}, {transform_indices = #map2}]} {
    %mul3A = arith.constant 16 : i32
    %mul3A_0 = arith.muli %arg0, %mul3A : i32
    %add3A = arith.addi %mul3A_0, %arg1 : i32
    %broadcast_in_dim3A = arith.constant 0.000000e+00 : f32
    %broadcast_in_dim3A_1 = vector.broadcast %broadcast_in_dim3A : f32 to vector<16xf32>
    %scan3A = arith.constant 0 : i32
    %scan3A_2 = arith.constant 0 : i32
    %scan3A_3 = arith.constant 80 : i32
    %scan3A_4 = arith.addi %scan3A_2, %scan3A_3 : i32
    %scan3A_5 = arith.constant 1 : i32
    scf.for %scan3A_423 = %scan3A_2 to %scan3A_4 step %scan3A_5  : i32 {
      %swap3A = arith.index_cast %scan3A_423 : i32 to index
      %swap3A_424 = arith.constant 0 : index
      %swap3A_425 = tpu.vector_load %arg10[%swap3A, %swap3A_424] {strides = array<i32>} : memref<80x128xf32, #tpu.memory_space<vmem>>, vector<1x16xf32>,
      %swap3A_426 = vector.shape_cast %swap3A_425 : vector<1x16xf32> to vector<16xf32>
      %swap3A_427 = vector.shape_cast %broadcast_in_dim3A_1 : vector<16xf32> to vector<1x16xf32>
      tpu.vector_store %arg10[%swap3A, %swap3A_424], %swap3A_427 {strides = array<i32>} : memref<80x128xf32, #tpu.memory_space<vmem>>, vector<1x16xf32>,
      %swap3A_428 = arith.index_cast %scan3A_423 : i32 to index
      %swap3A_429 = arith.constant 16 : index
      %swap3A_430 = tpu.vector_load %arg10[%swap3A_428, %swap3A_429] {strides = array<i32>} : memref<80x128xf32, #tpu.memory_space<vmem>>, vector<1x16xf32>,
      %swap3A_431 = vector.shape_cast %swap3A_430 : vector<1x16xf32> to vector<16xf32>
      %swap3A_432 = vector.shape_cast %broadcast_in_dim3A_1 : vector<16xf32> to vector<1x16xf32>
      tpu.vector_store %arg10[%swap3A_428, %swap3A_429], %swap3A_432 {strides = array<i32>} : memref<80x128xf32, #tpu.memory_space<vmem>>, vector<1x16xf32>,
      %swap3A_433 = arith.index_cast %scan3A_423 : i32 to index
      %swap3A_434 = arith.constant 32 : index
      %swap3A_435 = tpu.vector_load %arg10[%swap3A_433, %swap3A_434] {strides = array<i32>} : memref<80x128xf32, #tpu.memory_space<vmem>>, vector<1x16xf32>,
      %swap3A_436 = vector.shape_cast %swap3A_435 : vector<1x16xf32> to vector<16xf32>
      %swap3A_437 = vector.shape_cast %broadcast_in_dim3A_1 : vector<16xf32> to vector<1x16xf32>
      tpu.vector_store %arg10[%swap3A_433, %swap3A_434], %swap3A_437 {strides = array<i32>} : memref<80x128xf32, #tpu.memory_space<vmem>>, vector<1x16xf32>,
      %swap3A_438 = arith.index_cast %scan3A_423 : i32 to index
      %swap3A_439 = arith.constant 48 : index
      %swap3A_440 = tpu.vector_load %arg10[%swap3A_438, %swap3A_439] {strides = array<i32>} : memref<80x128xf32, #tpu.memory_space<vmem>>, vector<1x16xf32>,
      %swap3A_441 = vector.shape_cast %swap3A_440 : vector<1x16xf32> to vector<16xf32>
      %swap3A_442 = vector.shape_cast %broadcast_in_dim3A_1 : vector<16xf32> to vector<1x16xf32>
      tpu.vector_store %arg10[%swap3A_438, %swap3A_439], %swap3A_442 {strides = array<i32>} : memref<80x128xf32, #tpu.memory_space<vmem>>, vector<1x16xf32>,
      %swap3A_443 = arith.index_cast %scan3A_423 : i32 to index
      %swap3A_444 = arith.constant 64 : index
      %swap3A_445 = tpu.vector_load %arg10[%swap3A_443, %swap3A_444] {strides = array<i32>} : memref<80x128xf32, #tpu.memory_space<vmem>>, vector<1x16xf32>,
      %swap3A_446 = vector.shape_cast %swap3A_445 : vector<1x16xf32> to vector<16xf32>
      %swap3A_447 = vector.shape_cast %broadcast_in_dim3A_1 : vector<16xf32> to vector<1x16xf32>
      tpu.vector_store %arg10[%swap3A_443, %swap3A_444], %swap3A_447 {strides = array<i32>} : memref<80x128xf32, #tpu.memory_space<vmem>>, vector<1x16xf32>,
      %swap3A_448 = arith.index_cast %scan3A_423 : i32 to index
      %swap3A_449 = arith.constant 80 : index
      %swap3A_450 = tpu.vector_load %arg10[%swap3A_448, %swap3A_449] {strides = array<i32>} : memref<80x128xf32, #tpu.memory_space<vmem>>, vector<1x16xf32>,
      %swap3A_451 = vector.shape_cast %swap3A_450 : vector<1x16xf32> to vector<16xf32>
      %swap3A_452 = vector.shape_cast %broadcast_in_dim3A_1 : vector<16xf32> to vector<1x16xf32>
      tpu.vector_store %arg10[%swap3A_448, %swap3A_449], %swap3A_452 {strides = array<i32>} : memref<80x128xf32, #tpu.memory_space<vmem>>, vector<1x16xf32>,
      %swap3A_453 = arith.index_cast %scan3A_423 : i32 to index
      %swap3A_454 = arith.constant 96 : index
      %swap3A_455 = tpu.vector_load %arg10[%swap3A_453, %swap3A_454] {strides = array<i32>} : memref<80x128xf32, #tpu.memory_space<vmem>>, vector<1x16xf32>,
      %swap3A_456 = vector.shape_cast %swap3A_455 : vector<1x16xf32> to vector<16xf32>
      %swap3A_457 = vector.shape_cast %broadcast_in_dim3A_1 : vector<16xf32> to vector<1x16xf32>
      tpu.vector_store %arg10[%swap3A_453, %swap3A_454], %swap3A_457 {strides = array<i32>} : memref<80x128xf32, #tpu.memory_space<vmem>>, vector<1x16xf32>,
      %swap3A_458 = arith.index_cast %scan3A_423 : i32 to index
      %swap3A_459 = arith.constant 112 : index
      %swap3A_460 = tpu.vector_load %arg10[%swap3A_458, %swap3A_459] {strides = array<i32>} : memref<80x128xf32, #tpu.memory_space<vmem>>, vector<1x16xf32>,
      %swap3A_461 = vector.shape_cast %swap3A_460 : vector<1x16xf32> to vector<16xf32>
      %swap3A_462 = vector.shape_cast %broadcast_in_dim3A_1 : vector<16xf32> to vector<1x16xf32>
      tpu.vector_store %arg10[%swap3A_458, %swap3A_459], %swap3A_462 {strides = array<i32>} : memref<80x128xf32, #tpu.memory_space<vmem>>, vector<1x16xf32>,
    }
    %scan3A_6 = arith.constant 80 : i32
    %dma_start3A = arith.constant 0 : i32
    %dma_start3A_7 = arith.constant 0 : i32
    %dma_start3A_8 = arith.constant 0 : i32
    %dma_start3A_9 = tpu.memref_slice %arg6[%dma_start3A_8] : memref<640xi32, #tpu.memory_space<vmem>> -> memref<80xi32, #tpu.memory_space<vmem>>
    %dma_start3A_10 = arith.constant 0 : i32
    %dma_start3A_11 = tpu.memref_slice %arg3[%add3A, %dma_start3A, %dma_start3A_7, %dma_start3A_10] : memref<32x125x1x80xi32, #tpu.memory_space<hbm>> -> memref<1x1x1x80xi32, #tpu.memory_space<hbm>>
    %dma_start3A_12 = tpu.memref_squeeze %dma_start3A_11 : memref<1x1x1x80xi32, #tpu.memory_space<hbm>> -> memref<80xi32, #tpu.memory_space<hbm>>
    %dma_start3A_13 = arith.constant 0 : i32
    %dma_start3A_14 = tpu.memref_slice %arg6[%dma_start3A_13] : memref<640xi32, #tpu.memory_space<vmem>> -> memref<80xi32, #tpu.memory_space<vmem>>
    %dma_start3A_15 = arith.constant 0 : i32
    %dma_start3A_16 = tpu.memref_slice %arg3[%add3A, %dma_start3A, %dma_start3A_7, %dma_start3A_15] : memref<32x125x1x80xi32, #tpu.memory_space<hbm>> -> memref<1x1x1x80xi32, #tpu.memory_space<hbm>>
    %dma_start3A_17 = tpu.memref_squeeze %dma_start3A_16 : memref<1x1x1x80xi32, #tpu.memory_space<hbm>> -> memref<80xi32, #tpu.memory_space<hbm>>
    tpu.enqueue_dma source(%dma_start3A_17 : memref<80xi32, #tpu.memory_space<hbm>>) target(%dma_start3A_14 : memref<80xi32, #tpu.memory_space<vmem>>) target_semaphore(%arg13 : memref<!tpu.dma_semaphore, #tpu.memory_space<semaphore_mem>>)
    %dma_start3A_18 = arith.constant 0 : i32
    %dma_start3A_19 = arith.constant 0 : i32
    %dma_start3A_20 = arith.constant 0 : i32
    %dma_start3A_21 = arith.constant 0 : i32
    %dma_start3A_22 = tpu.memref_slice %arg7[%dma_start3A_20, %dma_start3A_21] : memref<64x80xi32, #tpu.memory_space<vmem>> -> memref<1x80xi32, #tpu.memory_space<vmem>>
    %dma_start3A_23 = tpu.memref_squeeze %dma_start3A_22 : memref<1x80xi32, #tpu.memory_space<vmem>> -> memref<80xi32, #tpu.memory_space<vmem>>
    %dma_start3A_24 = arith.constant 0 : i32
    %dma_start3A_25 = tpu.memref_slice %arg4[%add3A, %dma_start3A_18, %dma_start3A_19, %dma_start3A_24] : memref<32x125x1x80xi32, #tpu.memory_space<hbm>> -> memref<1x1x1x80xi32, #tpu.memory_space<hbm>>
    %dma_start3A_26 = tpu.memref_squeeze %dma_start3A_25 : memref<1x1x1x80xi32, #tpu.memory_space<hbm>> -> memref<80xi32, #tpu.memory_space<hbm>>
    %dma_start3A_27 = arith.constant 0 : i32
    %dma_start3A_28 = tpu.memref_slice %arg7[%dma_start3A_20, %dma_start3A_27] : memref<64x80xi32, #tpu.memory_space<vmem>> -> memref<1x80xi32, #tpu.memory_space<vmem>>
    %dma_start3A_29 = tpu.memref_squeeze %dma_start3A_28 : memref<1x80xi32, #tpu.memory_space<vmem>> -> memref<80xi32, #tpu.memory_space<vmem>>
    %dma_start3A_30 = arith.constant 0 : i32
    %dma_start3A_31 = tpu.memref_slice %arg4[%add3A, %dma_start3A_18, %dma_start3A_19, %dma_start3A_30] : memref<32x125x1x80xi32, #tpu.memory_space<hbm>> -> memref<1x1x1x80xi32, #tpu.memory_space<hbm>>
    %dma_start3A_32 = tpu.memref_squeeze %dma_start3A_31 : memref<1x1x1x80xi32, #tpu.memory_space<hbm>> -> memref<80xi32, #tpu.memory_space<hbm>>
    tpu.enqueue_dma source(%dma_start3A_32 : memref<80xi32, #tpu.memory_space<hbm>>) target(%dma_start3A_29 : memref<80xi32, #tpu.memory_space<vmem>>) target_semaphore(%arg13 : memref<!tpu.dma_semaphore, #tpu.memory_space<semaphore_mem>>)
    %dma_start3A_33 = arith.constant 1 : i32
    %dma_start3A_34 = arith.constant 0 : i32
    %dma_start3A_35 = arith.constant 80 : i32
    %dma_start3A_36 = tpu.memref_slice %arg6[%dma_start3A_35] : memref<640xi32, #tpu.memory_space<vmem>> -> memref<80xi32, #tpu.memory_space<vmem>>
    %dma_start3A_37 = arith.constant 0 : i32
    %dma_start3A_38 = tpu.memref_slice %arg3[%add3A, %dma_start3A_33, %dma_start3A_34, %dma_start3A_37] : memref<32x125x1x80xi32, #tpu.memory_space<hbm>> -> memref<1x1x1x80xi32, #tpu.memory_space<hbm>>
    %dma_start3A_39 = tpu.memref_squeeze %dma_start3A_38 : memref<1x1x1x80xi32, #tpu.memory_space<hbm>> -> memref<80xi32, #tpu.memory_space<hbm>>
    %dma_start3A_40 = arith.constant 80 : i32
    %dma_start3A_41 = tpu.memref_slice %arg6[%dma_start3A_40] : memref<640xi32, #tpu.memory_space<vmem>> -> memref<80xi32, #tpu.memory_space<vmem>>
    %dma_start3A_42 = arith.constant 0 : i32
    %dma_start3A_43 = tpu.memref_slice %arg3[%add3A, %dma_start3A_33, %dma_start3A_34, %dma_start3A_42] : memref<32x125x1x80xi32, #tpu.memory_space<hbm>> -> memref<1x1x1x80xi32, #tpu.memory_space<hbm>>
    %dma_start3A_44 = tpu.memref_squeeze %dma_start3A_43 : memref<1x1x1x80xi32, #tpu.memory_space<hbm>> -> memref<80xi32, #tpu.memory_space<hbm>>
    tpu.enqueue_dma source(%dma_start3A_44 : memref<80xi32, #tpu.memory_space<hbm>>) target(%dma_start3A_41 : memref<80xi32, #tpu.memory_space<vmem>>) target_semaphore(%arg14 : memref<!tpu.dma_semaphore, #tpu.memory_space<semaphore_mem>>)
    %dma_start3A_45 = arith.constant 1 : i32
    %dma_start3A_46 = arith.constant 0 : i32
    %dma_start3A_47 = arith.constant 8 : i32
    %dma_start3A_48 = arith.constant 0 : i32
    %dma_start3A_49 = tpu.memref_slice %arg7[%dma_start3A_47, %dma_start3A_48] : memref<64x80xi32, #tpu.memory_space<vmem>> -> memref<1x80xi32, #tpu.memory_space<vmem>>
    %dma_start3A_50 = tpu.memref_squeeze %dma_start3A_49 : memref<1x80xi32, #tpu.memory_space<vmem>> -> memref<80xi32, #tpu.memory_space<vmem>>
    %dma_start3A_51 = arith.constant 0 : i32
    %dma_start3A_52 = tpu.memref_slice %arg4[%add3A, %dma_start3A_45, %dma_start3A_46, %dma_start3A_51] : memref<32x125x1x80xi32, #tpu.memory_space<hbm>> -> memref<1x1x1x80xi32, #tpu.memory_space<hbm>>
    %dma_start3A_53 = tpu.memref_squeeze %dma_start3A_52 : memref<1x1x1x80xi32, #tpu.memory_space<hbm>> -> memref<80xi32, #tpu.memory_space<hbm>>
    %dma_start3A_54 = arith.constant 0 : i32
    %dma_start3A_55 = tpu.memref_slice %arg7[%dma_start3A_47, %dma_start3A_54] : memref<64x80xi32, #tpu.memory_space<vmem>> -> memref<1x80xi32, #tpu.memory_space<vmem>>
    %dma_start3A_56 = tpu.memref_squeeze %dma_start3A_55 : memref<1x80xi32, #tpu.memory_space<vmem>> -> memref<80xi32, #tpu.memory_space<vmem>>
    %dma_start3A_57 = arith.constant 0 : i32
    %dma_start3A_58 = tpu.memref_slice %arg4[%add3A, %dma_start3A_45, %dma_start3A_46, %dma_start3A_57] : memref<32x125x1x80xi32, #tpu.memory_space<hbm>> -> memref<1x1x1x80xi32, #tpu.memory_space<hbm>>
    %dma_start3A_59 = tpu.memref_squeeze %dma_start3A_58 : memref<1x1x1x80xi32, #tpu.memory_space<hbm>> -> memref<80xi32, #tpu.memory_space<hbm>>
    tpu.enqueue_dma source(%dma_start3A_59 : memref<80xi32, #tpu.memory_space<hbm>>) target(%dma_start3A_56 : memref<80xi32, #tpu.memory_space<vmem>>) target_semaphore(%arg14 : memref<!tpu.dma_semaphore, #tpu.memory_space<semaphore_mem>>)
    %dma_start3A_60 = arith.constant 2 : i32
    %dma_start3A_61 = arith.constant 0 : i32
    %dma_start3A_62 = arith.constant 160 : i32
    %dma_start3A_63 = tpu.memref_slice %arg6[%dma_start3A_62] : memref<640xi32, #tpu.memory_space<vmem>> -> memref<80xi32, #tpu.memory_space<vmem>>
    %dma_start3A_64 = arith.constant 0 : i32
    %dma_start3A_65 = tpu.memref_slice %arg3[%add3A, %dma_start3A_60, %dma_start3A_61, %dma_start3A_64] : memref<32x125x1x80xi32, #tpu.memory_space<hbm>> -> memref<1x1x1x80xi32, #tpu.memory_space<hbm>>
    %dma_start3A_66 = tpu.memref_squeeze %dma_start3A_65 : memref<1x1x1x80xi32, #tpu.memory_space<hbm>> -> memref<80xi32, #tpu.memory_space<hbm>>
    %dma_start3A_67 = arith.constant 160 : i32
    %dma_start3A_68 = tpu.memref_slice %arg6[%dma_start3A_67] : memref<640xi32, #tpu.memory_space<vmem>> -> memref<80xi32, #tpu.memory_space<vmem>>
    %dma_start3A_69 = arith.constant 0 : i32
    %dma_start3A_70 = tpu.memref_slice %arg3[%add3A, %dma_start3A_60, %dma_start3A_61, %dma_start3A_69] : memref<32x125x1x80xi32, #tpu.memory_space<hbm>> -> memref<1x1x1x80xi32, #tpu.memory_space<hbm>>
    %dma_start3A_71 = tpu.memref_squeeze %dma_start3A_70 : memref<1x1x1x80xi32, #tpu.memory_space<hbm>> -> memref<80xi32, #tpu.memory_space<hbm>>
    tpu.enqueue_dma source(%dma_start3A_71 : memref<80xi32, #tpu.memory_space<hbm>>) target(%dma_start3A_68 : memref<80xi32, #tpu.memory_space<vmem>>) target_semaphore(%arg15 : memref<!tpu.dma_semaphore, #tpu.memory_space<semaphore_mem>>)
    %dma_start3A_72 = arith.constant 2 : i32
    %dma_start3A_73 = arith.constant 0 : i32
    %dma_start3A_74 = arith.constant 16 : i32
    %dma_start3A_75 = arith.constant 0 : i32
    %dma_start3A_76 = tpu.memref_slice %arg7[%dma_start3A_74, %dma_start3A_75] : memref<64x80xi32, #tpu.memory_space<vmem>> -> memref<1x80xi32, #tpu.memory_space<vmem>>
    %dma_start3A_77 = tpu.memref_squeeze %dma_start3A_76 : memref<1x80xi32, #tpu.memory_space<vmem>> -> memref<80xi32, #tpu.memory_space<vmem>>
    %dma_start3A_78 = arith.constant 0 : i32
    %dma_start3A_79 = tpu.memref_slice %arg4[%add3A, %dma_start3A_72, %dma_start3A_73, %dma_start3A_78] : memref<32x125x1x80xi32, #tpu.memory_space<hbm>> -> memref<1x1x1x80xi32, #tpu.memory_space<hbm>>
    %dma_start3A_80 = tpu.memref_squeeze %dma_start3A_79 : memref<1x1x1x80xi32, #tpu.memory_space<hbm>> -> memref<80xi32, #tpu.memory_space<hbm>>
    %dma_start3A_81 = arith.constant 0 : i32
    %dma_start3A_82 = tpu.memref_slice %arg7[%dma_start3A_74, %dma_start3A_81] : memref<64x80xi32, #tpu.memory_space<vmem>> -> memref<1x80xi32, #tpu.memory_space<vmem>>
    %dma_start3A_83 = tpu.memref_squeeze %dma_start3A_82 : memref<1x80xi32, #tpu.memory_space<vmem>> -> memref<80xi32, #tpu.memory_space<vmem>>
    %dma_start3A_84 = arith.constant 0 : i32
    %dma_start3A_85 = tpu.memref_slice %arg4[%add3A, %dma_start3A_72, %dma_start3A_73, %dma_start3A_84] : memref<32x125x1x80xi32, #tpu.memory_space<hbm>> -> memref<1x1x1x80xi32, #tpu.memory_space<hbm>>
    %dma_start3A_86 = tpu.memref_squeeze %dma_start3A_85 : memref<1x1x1x80xi32, #tpu.memory_space<hbm>> -> memref<80xi32, #tpu.memory_space<hbm>>
    tpu.enqueue_dma source(%dma_start3A_86 : memref<80xi32, #tpu.memory_space<hbm>>) target(%dma_start3A_83 : memref<80xi32, #tpu.memory_space<vmem>>) target_semaphore(%arg15 : memref<!tpu.dma_semaphore, #tpu.memory_space<semaphore_mem>>)
    %dma_wait3A = arith.constant 0 : i32
    %dma_wait3A_87 = arith.constant 0 : i32
    %dma_wait3A_88 = arith.constant 0 : i32
    %dma_wait3A_89 = tpu.memref_slice %arg6[%dma_wait3A_88] : memref<640xi32, #tpu.memory_space<vmem>> -> memref<80xi32, #tpu.memory_space<vmem>>
    %dma_wait3A_90 = arith.constant 0 : i32
    %dma_wait3A_91 = tpu.memref_slice %arg3[%add3A, %dma_wait3A, %dma_wait3A_87, %dma_wait3A_90] : memref<32x125x1x80xi32, #tpu.memory_space<hbm>> -> memref<1x1x1x80xi32, #tpu.memory_space<hbm>>
    %dma_wait3A_92 = tpu.memref_squeeze %dma_wait3A_91 : memref<1x1x1x80xi32, #tpu.memory_space<hbm>> -> memref<80xi32, #tpu.memory_space<hbm>>
    %dma_wait3A_93 = arith.constant 0 : i32
    %dma_wait3A_94 = tpu.memref_slice %arg6[%dma_wait3A_93] : memref<640xi32, #tpu.memory_space<vmem>> -> memref<80xi32, #tpu.memory_space<vmem>>
    %dma_wait3A_95 = arith.constant 0 : i32
    %dma_wait3A_96 = tpu.memref_slice %arg3[%add3A, %dma_wait3A, %dma_wait3A_87, %dma_wait3A_95] : memref<32x125x1x80xi32, #tpu.memory_space<hbm>> -> memref<1x1x1x80xi32, #tpu.memory_space<hbm>>
    %dma_wait3A_97 = tpu.memref_squeeze %dma_wait3A_96 : memref<1x1x1x80xi32, #tpu.memory_space<hbm>> -> memref<80xi32, #tpu.memory_space<hbm>>
    tpu.wait_dma2 semaphore(%arg13 : memref<!tpu.dma_semaphore, #tpu.memory_space<semaphore_mem>>) src(%dma_wait3A_97 : memref<80xi32, #tpu.memory_space<hbm>>) dst(%dma_wait3A_94 : memref<80xi32, #tpu.memory_space<vmem>>)
    %dma_wait3A_98 = arith.constant 0 : i32
    %dma_wait3A_99 = arith.constant 0 : i32
    %dma_wait3A_100 = arith.constant 0 : i32
    %dma_wait3A_101 = arith.constant 0 : i32
    %dma_wait3A_102 = tpu.memref_slice %arg7[%dma_wait3A_100, %dma_wait3A_101] : memref<64x80xi32, #tpu.memory_space<vmem>> -> memref<1x80xi32, #tpu.memory_space<vmem>>
    %dma_wait3A_103 = tpu.memref_squeeze %dma_wait3A_102 : memref<1x80xi32, #tpu.memory_space<vmem>> -> memref<80xi32, #tpu.memory_space<vmem>>
    %dma_wait3A_104 = arith.constant 0 : i32
    %dma_wait3A_105 = tpu.memref_slice %arg4[%add3A, %dma_wait3A_98, %dma_wait3A_99, %dma_wait3A_104] : memref<32x125x1x80xi32, #tpu.memory_space<hbm>> -> memref<1x1x1x80xi32, #tpu.memory_space<hbm>>
    %dma_wait3A_106 = tpu.memref_squeeze %dma_wait3A_105 : memref<1x1x1x80xi32, #tpu.memory_space<hbm>> -> memref<80xi32, #tpu.memory_space<hbm>>
    %dma_wait3A_107 = arith.constant 0 : i32
    %dma_wait3A_108 = tpu.memref_slice %arg7[%dma_wait3A_100, %dma_wait3A_107] : memref<64x80xi32, #tpu.memory_space<vmem>> -> memref<1x80xi32, #tpu.memory_space<vmem>>
    %dma_wait3A_109 = tpu.memref_squeeze %dma_wait3A_108 : memref<1x80xi32, #tpu.memory_space<vmem>> -> memref<80xi32, #tpu.memory_space<vmem>>
    %dma_wait3A_110 = arith.constant 0 : i32
    %dma_wait3A_111 = tpu.memref_slice %arg4[%add3A, %dma_wait3A_98, %dma_wait3A_99, %dma_wait3A_110] : memref<32x125x1x80xi32, #tpu.memory_space<hbm>> -> memref<1x1x1x80xi32, #tpu.memory_space<hbm>>
    %dma_wait3A_112 = tpu.memref_squeeze %dma_wait3A_111 : memref<1x1x1x80xi32, #tpu.memory_space<hbm>> -> memref<80xi32, #tpu.memory_space<hbm>>
    tpu.wait_dma2 semaphore(%arg13 : memref<!tpu.dma_semaphore, #tpu.memory_space<semaphore_mem>>) src(%dma_wait3A_112 : memref<80xi32, #tpu.memory_space<hbm>>) dst(%dma_wait3A_109 : memref<80xi32, #tpu.memory_space<vmem>>)
    %dma_start3A_113 = arith.constant 0 : i32
    %dma_start3A_114 = tpu.memref_slice %arg6[%dma_start3A_113] : memref<640xi32, #tpu.memory_space<vmem>> -> memref<80xi32, #tpu.memory_space<vmem>>
    %dma_start3A_115 = arith.constant 0 : i32
    %dma_start3A_116 = arith.constant 0 : i32
    %dma_start3A_117 = tpu.memref_slice %arg2[%dma_start3A_115, %dma_start3A_116] : memref<10000x128xf32, #tpu.memory_space<hbm>> -> memref<10000x128xf32, #tpu.memory_space<hbm>>
    tpu.enqueue_indirect_dma source(%dma_start3A_117 : memref<10000x128xf32, #tpu.memory_space<hbm>>) target(%arg8 : memref<80x128xf32, #tpu.memory_space<vmem>>) offsets(%dma_start3A_114 : memref<80xi32, #tpu.memory_space<vmem>>) semaphore(%arg21 : memref<!tpu.dma_semaphore, #tpu.memory_space<semaphore_mem>>)
    %dma_wait3A_118 = arith.constant 1 : i32
    %dma_wait3A_119 = arith.constant 0 : i32
    %dma_wait3A_120 = arith.constant 80 : i32
    %dma_wait3A_121 = tpu.memref_slice %arg6[%dma_wait3A_120] : memref<640xi32, #tpu.memory_space<vmem>> -> memref<80xi32, #tpu.memory_space<vmem>>
    %dma_wait3A_122 = arith.constant 0 : i32
    %dma_wait3A_123 = tpu.memref_slice %arg3[%add3A, %dma_wait3A_118, %dma_wait3A_119, %dma_wait3A_122] : memref<32x125x1x80xi32, #tpu.memory_space<hbm>> -> memref<1x1x1x80xi32, #tpu.memory_space<hbm>>
    %dma_wait3A_124 = tpu.memref_squeeze %dma_wait3A_123 : memref<1x1x1x80xi32, #tpu.memory_space<hbm>> -> memref<80xi32, #tpu.memory_space<hbm>>
    %dma_wait3A_125 = arith.constant 80 : i32
    %dma_wait3A_126 = tpu.memref_slice %arg6[%dma_wait3A_125] : memref<640xi32, #tpu.memory_space<vmem>> -> memref<80xi32, #tpu.memory_space<vmem>>
    %dma_wait3A_127 = arith.constant 0 : i32
    %dma_wait3A_128 = tpu.memref_slice %arg3[%add3A, %dma_wait3A_118, %dma_wait3A_119, %dma_wait3A_127] : memref<32x125x1x80xi32, #tpu.memory_space<hbm>> -> memref<1x1x1x80xi32, #tpu.memory_space<hbm>>
    %dma_wait3A_129 = tpu.memref_squeeze %dma_wait3A_128 : memref<1x1x1x80xi32, #tpu.memory_space<hbm>> -> memref<80xi32, #tpu.memory_space<hbm>>
    tpu.wait_dma2 semaphore(%arg14 : memref<!tpu.dma_semaphore, #tpu.memory_space<semaphore_mem>>) src(%dma_wait3A_129 : memref<80xi32, #tpu.memory_space<hbm>>) dst(%dma_wait3A_126 : memref<80xi32, #tpu.memory_space<vmem>>)
    %dma_wait3A_130 = arith.constant 1 : i32
    %dma_wait3A_131 = arith.constant 0 : i32
    %dma_wait3A_132 = arith.constant 8 : i32
    %dma_wait3A_133 = arith.constant 0 : i32
    %dma_wait3A_134 = tpu.memref_slice %arg7[%dma_wait3A_132, %dma_wait3A_133] : memref<64x80xi32, #tpu.memory_space<vmem>> -> memref<1x80xi32, #tpu.memory_space<vmem>>
    %dma_wait3A_135 = tpu.memref_squeeze %dma_wait3A_134 : memref<1x80xi32, #tpu.memory_space<vmem>> -> memref<80xi32, #tpu.memory_space<vmem>>
    %dma_wait3A_136 = arith.constant 0 : i32
    %dma_wait3A_137 = tpu.memref_slice %arg4[%add3A, %dma_wait3A_130, %dma_wait3A_131, %dma_wait3A_136] : memref<32x125x1x80xi32, #tpu.memory_space<hbm>> -> memref<1x1x1x80xi32, #tpu.memory_space<hbm>>
    %dma_wait3A_138 = tpu.memref_squeeze %dma_wait3A_137 : memref<1x1x1x80xi32, #tpu.memory_space<hbm>> -> memref<80xi32, #tpu.memory_space<hbm>>
    %dma_wait3A_139 = arith.constant 0 : i32
    %dma_wait3A_140 = tpu.memref_slice %arg7[%dma_wait3A_132, %dma_wait3A_139] : memref<64x80xi32, #tpu.memory_space<vmem>> -> memref<1x80xi32, #tpu.memory_space<vmem>>
    %dma_wait3A_141 = tpu.memref_squeeze %dma_wait3A_140 : memref<1x80xi32, #tpu.memory_space<vmem>> -> memref<80xi32, #tpu.memory_space<vmem>>
    %dma_wait3A_142 = arith.constant 0 : i32
    %dma_wait3A_143 = tpu.memref_slice %arg4[%add3A, %dma_wait3A_130, %dma_wait3A_131, %dma_wait3A_142] : memref<32x125x1x80xi32, #tpu.memory_space<hbm>> -> memref<1x1x1x80xi32, #tpu.memory_space<hbm>>
    %dma_wait3A_144 = tpu.memref_squeeze %dma_wait3A_143 : memref<1x1x1x80xi32, #tpu.memory_space<hbm>> -> memref<80xi32, #tpu.memory_space<hbm>>
    tpu.wait_dma2 semaphore(%arg14 : memref<!tpu.dma_semaphore, #tpu.memory_space<semaphore_mem>>) src(%dma_wait3A_144 : memref<80xi32, #tpu.memory_space<hbm>>) dst(%dma_wait3A_141 : memref<80xi32, #tpu.memory_space<vmem>>)
    %dma_start3A_145 = arith.constant 80 : i32
    %dma_start3A_146 = tpu.memref_slice %arg6[%dma_start3A_145] : memref<640xi32, #tpu.memory_space<vmem>> -> memref<80xi32, #tpu.memory_space<vmem>>
    %dma_start3A_147 = arith.constant 0 : i32
    %dma_start3A_148 = arith.constant 0 : i32
    %dma_start3A_149 = tpu.memref_slice %arg2[%dma_start3A_147, %dma_start3A_148] : memref<10000x128xf32, #tpu.memory_space<hbm>> -> memref<10000x128xf32, #tpu.memory_space<hbm>>
    tpu.enqueue_indirect_dma source(%dma_start3A_149 : memref<10000x128xf32, #tpu.memory_space<hbm>>) target(%arg9 : memref<80x128xf32, #tpu.memory_space<vmem>>) offsets(%dma_start3A_146 : memref<80xi32, #tpu.memory_space<vmem>>) semaphore(%arg22 : memref<!tpu.dma_semaphore, #tpu.memory_space<semaphore_mem>>)
    %lt3A = arith.constant 13 : i32
    %lt3A_150 = arith.cmpi slt, %arg1, %lt3A : i32
    %jit3A = arith.constant 8 : i32
    %jit3A_151 = arith.constant 7 : i32
    %select_n3A = arith.select %lt3A_150, %jit3A, %jit3A_151 : i32
    %while3A = arith.constant 0 : i32
    %while3A_152 = arith.constant 0 : i32
    %while3A_153 = arith.subi %select_n3A, %while3A_152 : i32
    %while3A_154 = arith.addi %while3A_152, %while3A_153 : i32
    %while3A_155 = arith.constant 1 : i32
    %while3A_156 = arith.divsi %while3A_153, %while3A_155 : i32
    %while3A_157 = arith.muli %while3A_156, %while3A_155 : i32
    %while3A_158 = arith.addi %while3A_152, %while3A_157 : i32
    %while3A_159 = arith.constant 1 : i32
    scf.for %while3A_423 = %while3A_152 to %while3A_158 step %while3A_159  : i32 {
      %mul3A_424 = arith.constant 16 : i32
      %mul3A_425 = arith.muli %while3A_423, %mul3A_424 : i32
      %add3A_426 = arith.addi %arg1, %mul3A_425 : i32
      %mul3A_427 = arith.constant 80 : i32
      %mul3A_428 = arith.muli %add3A_426, %mul3A_427 : i32
      "tpu.region"() ({
        %run_scoped3A = tpu.sem_alloc : memref<!tpu.dma_semaphore, #tpu.memory_space<semaphore_mem>>
        %dma_start3A_429 = arith.constant 0 : i32
        %dma_start3A_430 = tpu.memref_slice %arg12[%mul3A_428, %dma_start3A_429] : memref<10000x128xf32, #tpu.memory_space<vmem_shared>> -> memref<80x128xf32, #tpu.memory_space<vmem_shared>>
        %dma_start3A_431 = arith.constant 0 : i32
        %dma_start3A_432 = tpu.memref_slice %arg12[%mul3A_428, %dma_start3A_431] : memref<10000x128xf32, #tpu.memory_space<vmem_shared>> -> memref<80x128xf32, #tpu.memory_space<vmem_shared>>
        tpu.enqueue_dma source(%arg10 : memref<80x128xf32, #tpu.memory_space<vmem>>) target(%dma_start3A_432 : memref<80x128xf32, #tpu.memory_space<vmem_shared>>) target_semaphore(%run_scoped3A : memref<!tpu.dma_semaphore, #tpu.memory_space<semaphore_mem>>)
        %dma_wait3A_433 = arith.constant 0 : i32
        %dma_wait3A_434 = tpu.memref_slice %arg12[%mul3A_428, %dma_wait3A_433] : memref<10000x128xf32, #tpu.memory_space<vmem_shared>> -> memref<80x128xf32, #tpu.memory_space<vmem_shared>>
        %dma_wait3A_435 = arith.constant 0 : i32
        %dma_wait3A_436 = tpu.memref_slice %arg12[%mul3A_428, %dma_wait3A_435] : memref<10000x128xf32, #tpu.memory_space<vmem_shared>> -> memref<80x128xf32, #tpu.memory_space<vmem_shared>>
        tpu.wait_dma2 semaphore(%run_scoped3A : memref<!tpu.dma_semaphore, #tpu.memory_space<semaphore_mem>>) src(%arg10 : memref<80x128xf32, #tpu.memory_space<vmem>>) dst(%dma_wait3A_436 : memref<80x128xf32, #tpu.memory_space<vmem_shared>>)
        tpu.yield
      }) : () -> ()
    }
    %while3A_160 = arith.constant 1 : i32
    scf.for %while3A_423 = %while3A_158 to %while3A_154 step %while3A_160  : i32 {
      %mul3A_424 = arith.constant 16 : i32
      %mul3A_425 = arith.muli %while3A_423, %mul3A_424 : i32
      %add3A_426 = arith.addi %arg1, %mul3A_425 : i32
      %mul3A_427 = arith.constant 80 : i32
      %mul3A_428 = arith.muli %add3A_426, %mul3A_427 : i32
      "tpu.region"() ({
        %run_scoped3A = tpu.sem_alloc : memref<!tpu.dma_semaphore, #tpu.memory_space<semaphore_mem>>
        %dma_start3A_429 = arith.constant 0 : i32
        %dma_start3A_430 = tpu.memref_slice %arg12[%mul3A_428, %dma_start3A_429] : memref<10000x128xf32, #tpu.memory_space<vmem_shared>> -> memref<80x128xf32, #tpu.memory_space<vmem_shared>>
        %dma_start3A_431 = arith.constant 0 : i32
        %dma_start3A_432 = tpu.memref_slice %arg12[%mul3A_428, %dma_start3A_431] : memref<10000x128xf32, #tpu.memory_space<vmem_shared>> -> memref<80x128xf32, #tpu.memory_space<vmem_shared>>
        tpu.enqueue_dma source(%arg10 : memref<80x128xf32, #tpu.memory_space<vmem>>) target(%dma_start3A_432 : memref<80x128xf32, #tpu.memory_space<vmem_shared>>) target_semaphore(%run_scoped3A : memref<!tpu.dma_semaphore, #tpu.memory_space<semaphore_mem>>)
        %dma_wait3A_433 = arith.constant 0 : i32
        %dma_wait3A_434 = tpu.memref_slice %arg12[%mul3A_428, %dma_wait3A_433] : memref<10000x128xf32, #tpu.memory_space<vmem_shared>> -> memref<80x128xf32, #tpu.memory_space<vmem_shared>>
        %dma_wait3A_435 = arith.constant 0 : i32
        %dma_wait3A_436 = tpu.memref_slice %arg12[%mul3A_428, %dma_wait3A_435] : memref<10000x128xf32, #tpu.memory_space<vmem_shared>> -> memref<80x128xf32, #tpu.memory_space<vmem_shared>>
        tpu.wait_dma2 semaphore(%run_scoped3A : memref<!tpu.dma_semaphore, #tpu.memory_space<semaphore_mem>>) src(%arg10 : memref<80x128xf32, #tpu.memory_space<vmem>>) dst(%dma_wait3A_436 : memref<80x128xf32, #tpu.memory_space<vmem_shared>>)
        tpu.yield
      }) : () -> ()
    }
    %barrier3A = arith.constant 0 : index
    tpu.barrier barrier_id(%barrier3A)
    %dma_wait3A_161 = arith.constant 0 : i32
    %dma_wait3A_162 = tpu.memref_slice %arg6[%dma_wait3A_161] : memref<640xi32, #tpu.memory_space<vmem>> -> memref<80xi32, #tpu.memory_space<vmem>>
    %dma_wait3A_163 = arith.constant 0 : i32
    %dma_wait3A_164 = arith.constant 0 : i32
    %dma_wait3A_165 = tpu.memref_slice %arg2[%dma_wait3A_163, %dma_wait3A_164] : memref<10000x128xf32, #tpu.memory_space<hbm>> -> memref<10000x128xf32, #tpu.memory_space<hbm>>
    tpu.wait_indirect_dma semaphore(%arg21 : memref<!tpu.dma_semaphore, #tpu.memory_space<semaphore_mem>>) src(%dma_wait3A_165 : memref<10000x128xf32, #tpu.memory_space<hbm>>) dst(%arg8 : memref<80x128xf32, #tpu.memory_space<vmem>>)
    %dma_start3A_166 = arith.constant 0 : i32
    %dma_start3A_167 = arith.constant 0 : i32
    %dma_start3A_168 = tpu.memref_slice %arg7[%dma_start3A_166, %dma_start3A_167] : memref<64x80xi32, #tpu.memory_space<vmem>> -> memref<1x80xi32, #tpu.memory_space<vmem>>
    %dma_start3A_169 = tpu.memref_squeeze %dma_start3A_168 : memref<1x80xi32, #tpu.memory_space<vmem>> -> memref<80xi32, #tpu.memory_space<vmem>>
    %dma_start3A_170 = arith.constant 0 : i32
    %dma_start3A_171 = arith.constant 0 : i32
    %dma_start3A_172 = tpu.memref_slice %arg12[%dma_start3A_170, %dma_start3A_171] : memref<10000x128xf32, #tpu.memory_space<vmem_shared>> -> memref<10000x128xf32, #tpu.memory_space<vmem_shared>>
    tpu.enqueue_indirect_dma source(%arg8 : memref<80x128xf32, #tpu.memory_space<vmem>>) target(%dma_start3A_172 : memref<10000x128xf32, #tpu.memory_space<vmem_shared>>) offsets(%dma_start3A_169 : memref<80xi32, #tpu.memory_space<vmem>>) semaphore(%arg25 : memref<!tpu.dma_semaphore, #tpu.memory_space<semaphore_mem>>) {add = true}
    %dma_start3A_173 = arith.constant 3 : i32
    %dma_start3A_174 = arith.constant 0 : i32
    %dma_start3A_175 = arith.constant 240 : i32
    %dma_start3A_176 = tpu.memref_slice %arg6[%dma_start3A_175] : memref<640xi32, #tpu.memory_space<vmem>> -> memref<80xi32, #tpu.memory_space<vmem>>
    %dma_start3A_177 = arith.constant 0 : i32
    %dma_start3A_178 = tpu.memref_slice %arg3[%add3A, %dma_start3A_173, %dma_start3A_174, %dma_start3A_177] : memref<32x125x1x80xi32, #tpu.memory_space<hbm>> -> memref<1x1x1x80xi32, #tpu.memory_space<hbm>>
    %dma_start3A_179 = tpu.memref_squeeze %dma_start3A_178 : memref<1x1x1x80xi32, #tpu.memory_space<hbm>> -> memref<80xi32, #tpu.memory_space<hbm>>
    %dma_start3A_180 = arith.constant 240 : i32
    %dma_start3A_181 = tpu.memref_slice %arg6[%dma_start3A_180] : memref<640xi32, #tpu.memory_space<vmem>> -> memref<80xi32, #tpu.memory_space<vmem>>
    %dma_start3A_182 = arith.constant 0 : i32
    %dma_start3A_183 = tpu.memref_slice %arg3[%add3A, %dma_start3A_173, %dma_start3A_174, %dma_start3A_182] : memref<32x125x1x80xi32, #tpu.memory_space<hbm>> -> memref<1x1x1x80xi32, #tpu.memory_space<hbm>>
    %dma_start3A_184 = tpu.memref_squeeze %dma_start3A_183 : memref<1x1x1x80xi32, #tpu.memory_space<hbm>> -> memref<80xi32, #tpu.memory_space<hbm>>
    tpu.enqueue_dma source(%dma_start3A_184 : memref<80xi32, #tpu.memory_space<hbm>>) target(%dma_start3A_181 : memref<80xi32, #tpu.memory_space<vmem>>) target_semaphore(%arg16 : memref<!tpu.dma_semaphore, #tpu.memory_space<semaphore_mem>>)
    %dma_start3A_185 = arith.constant 3 : i32
    %dma_start3A_186 = arith.constant 0 : i32
    %dma_start3A_187 = arith.constant 24 : i32
    %dma_start3A_188 = arith.constant 0 : i32
    %dma_start3A_189 = tpu.memref_slice %arg7[%dma_start3A_187, %dma_start3A_188] : memref<64x80xi32, #tpu.memory_space<vmem>> -> memref<1x80xi32, #tpu.memory_space<vmem>>
    %dma_start3A_190 = tpu.memref_squeeze %dma_start3A_189 : memref<1x80xi32, #tpu.memory_space<vmem>> -> memref<80xi32, #tpu.memory_space<vmem>>
    %dma_start3A_191 = arith.constant 0 : i32
    %dma_start3A_192 = tpu.memref_slice %arg4[%add3A, %dma_start3A_185, %dma_start3A_186, %dma_start3A_191] : memref<32x125x1x80xi32, #tpu.memory_space<hbm>> -> memref<1x1x1x80xi32, #tpu.memory_space<hbm>>
    %dma_start3A_193 = tpu.memref_squeeze %dma_start3A_192 : memref<1x1x1x80xi32, #tpu.memory_space<hbm>> -> memref<80xi32, #tpu.memory_space<hbm>>
    %dma_start3A_194 = arith.constant 0 : i32
    %dma_start3A_195 = tpu.memref_slice %arg7[%dma_start3A_187, %dma_start3A_194] : memref<64x80xi32, #tpu.memory_space<vmem>> -> memref<1x80xi32, #tpu.memory_space<vmem>>
    %dma_start3A_196 = tpu.memref_squeeze %dma_start3A_195 : memref<1x80xi32, #tpu.memory_space<vmem>> -> memref<80xi32, #tpu.memory_space<vmem>>
    %dma_start3A_197 = arith.constant 0 : i32
    %dma_start3A_198 = tpu.memref_slice %arg4[%add3A, %dma_start3A_185, %dma_start3A_186, %dma_start3A_197] : memref<32x125x1x80xi32, #tpu.memory_space<hbm>> -> memref<1x1x1x80xi32, #tpu.memory_space<hbm>>
    %dma_start3A_199 = tpu.memref_squeeze %dma_start3A_198 : memref<1x1x1x80xi32, #tpu.memory_space<hbm>> -> memref<80xi32, #tpu.memory_space<hbm>>
    tpu.enqueue_dma source(%dma_start3A_199 : memref<80xi32, #tpu.memory_space<hbm>>) target(%dma_start3A_196 : memref<80xi32, #tpu.memory_space<vmem>>) target_semaphore(%arg16 : memref<!tpu.dma_semaphore, #tpu.memory_space<semaphore_mem>>)
    %dma_wait3A_200 = arith.constant 2 : i32
    %dma_wait3A_201 = arith.constant 0 : i32
    %dma_wait3A_202 = arith.constant 160 : i32
    %dma_wait3A_203 = tpu.memref_slice %arg6[%dma_wait3A_202] : memref<640xi32, #tpu.memory_space<vmem>> -> memref<80xi32, #tpu.memory_space<vmem>>
    %dma_wait3A_204 = arith.constant 0 : i32
    %dma_wait3A_205 = tpu.memref_slice %arg3[%add3A, %dma_wait3A_200, %dma_wait3A_201, %dma_wait3A_204] : memref<32x125x1x80xi32, #tpu.memory_space<hbm>> -> memref<1x1x1x80xi32, #tpu.memory_space<hbm>>
    %dma_wait3A_206 = tpu.memref_squeeze %dma_wait3A_205 : memref<1x1x1x80xi32, #tpu.memory_space<hbm>> -> memref<80xi32, #tpu.memory_space<hbm>>
    %dma_wait3A_207 = arith.constant 160 : i32
    %dma_wait3A_208 = tpu.memref_slice %arg6[%dma_wait3A_207] : memref<640xi32, #tpu.memory_space<vmem>> -> memref<80xi32, #tpu.memory_space<vmem>>
    %dma_wait3A_209 = arith.constant 0 : i32
    %dma_wait3A_210 = tpu.memref_slice %arg3[%add3A, %dma_wait3A_200, %dma_wait3A_201, %dma_wait3A_209] : memref<32x125x1x80xi32, #tpu.memory_space<hbm>> -> memref<1x1x1x80xi32, #tpu.memory_space<hbm>>
    %dma_wait3A_211 = tpu.memref_squeeze %dma_wait3A_210 : memref<1x1x1x80xi32, #tpu.memory_space<hbm>> -> memref<80xi32, #tpu.memory_space<hbm>>
    tpu.wait_dma2 semaphore(%arg15 : memref<!tpu.dma_semaphore, #tpu.memory_space<semaphore_mem>>) src(%dma_wait3A_211 : memref<80xi32, #tpu.memory_space<hbm>>) dst(%dma_wait3A_208 : memref<80xi32, #tpu.memory_space<vmem>>)
    %dma_wait3A_212 = arith.constant 2 : i32
    %dma_wait3A_213 = arith.constant 0 : i32
    %dma_wait3A_214 = arith.constant 16 : i32
    %dma_wait3A_215 = arith.constant 0 : i32
    %dma_wait3A_216 = tpu.memref_slice %arg7[%dma_wait3A_214, %dma_wait3A_215] : memref<64x80xi32, #tpu.memory_space<vmem>> -> memref<1x80xi32, #tpu.memory_space<vmem>>
    %dma_wait3A_217 = tpu.memref_squeeze %dma_wait3A_216 : memref<1x80xi32, #tpu.memory_space<vmem>> -> memref<80xi32, #tpu.memory_space<vmem>>
    %dma_wait3A_218 = arith.constant 0 : i32
    %dma_wait3A_219 = tpu.memref_slice %arg4[%add3A, %dma_wait3A_212, %dma_wait3A_213, %dma_wait3A_218] : memref<32x125x1x80xi32, #tpu.memory_space<hbm>> -> memref<1x1x1x80xi32, #tpu.memory_space<hbm>>
    %dma_wait3A_220 = tpu.memref_squeeze %dma_wait3A_219 : memref<1x1x1x80xi32, #tpu.memory_space<hbm>> -> memref<80xi32, #tpu.memory_space<hbm>>
    %dma_wait3A_221 = arith.constant 0 : i32
    %dma_wait3A_222 = tpu.memref_slice %arg7[%dma_wait3A_214, %dma_wait3A_221] : memref<64x80xi32, #tpu.memory_space<vmem>> -> memref<1x80xi32, #tpu.memory_space<vmem>>
    %dma_wait3A_223 = tpu.memref_squeeze %dma_wait3A_222 : memref<1x80xi32, #tpu.memory_space<vmem>> -> memref<80xi32, #tpu.memory_space<vmem>>
    %dma_wait3A_224 = arith.constant 0 : i32
    %dma_wait3A_225 = tpu.memref_slice %arg4[%add3A, %dma_wait3A_212, %dma_wait3A_213, %dma_wait3A_224] : memref<32x125x1x80xi32, #tpu.memory_space<hbm>> -> memref<1x1x1x80xi32, #tpu.memory_space<hbm>>
    %dma_wait3A_226 = tpu.memref_squeeze %dma_wait3A_225 : memref<1x1x1x80xi32, #tpu.memory_space<hbm>> -> memref<80xi32, #tpu.memory_space<hbm>>
    tpu.wait_dma2 semaphore(%arg15 : memref<!tpu.dma_semaphore, #tpu.memory_space<semaphore_mem>>) src(%dma_wait3A_226 : memref<80xi32, #tpu.memory_space<hbm>>) dst(%dma_wait3A_223 : memref<80xi32, #tpu.memory_space<vmem>>)
    %dma_start3A_227 = arith.constant 160 : i32
    %dma_start3A_228 = tpu.memref_slice %arg6[%dma_start3A_227] : memref<640xi32, #tpu.memory_space<vmem>> -> memref<80xi32, #tpu.memory_space<vmem>>
    %dma_start3A_229 = arith.constant 0 : i32
    %dma_start3A_230 = arith.constant 0 : i32
    %dma_start3A_231 = tpu.memref_slice %arg2[%dma_start3A_229, %dma_start3A_230] : memref<10000x128xf32, #tpu.memory_space<hbm>> -> memref<10000x128xf32, #tpu.memory_space<hbm>>
    tpu.enqueue_indirect_dma source(%dma_start3A_231 : memref<10000x128xf32, #tpu.memory_space<hbm>>) target(%arg10 : memref<80x128xf32, #tpu.memory_space<vmem>>) offsets(%dma_start3A_228 : memref<80xi32, #tpu.memory_space<vmem>>) semaphore(%arg23 : memref<!tpu.dma_semaphore, #tpu.memory_space<semaphore_mem>>)
    %dma_wait3A_232 = arith.constant 80 : i32
    %dma_wait3A_233 = tpu.memref_slice %arg6[%dma_wait3A_232] : memref<640xi32, #tpu.memory_space<vmem>> -> memref<80xi32, #tpu.memory_space<vmem>>
    %dma_wait3A_234 = arith.constant 0 : i32
    %dma_wait3A_235 = arith.constant 0 : i32
    %dma_wait3A_236 = tpu.memref_slice %arg2[%dma_wait3A_234, %dma_wait3A_235] : memref<10000x128xf32, #tpu.memory_space<hbm>> -> memref<10000x128xf32, #tpu.memory_space<hbm>>
    tpu.wait_indirect_dma semaphore(%arg22 : memref<!tpu.dma_semaphore, #tpu.memory_space<semaphore_mem>>) src(%dma_wait3A_236 : memref<10000x128xf32, #tpu.memory_space<hbm>>) dst(%arg9 : memref<80x128xf32, #tpu.memory_space<vmem>>)
    %dma_start3A_237 = arith.constant 8 : i32
    %dma_start3A_238 = arith.constant 0 : i32
    %dma_start3A_239 = tpu.memref_slice %arg7[%dma_start3A_237, %dma_start3A_238] : memref<64x80xi32, #tpu.memory_space<vmem>> -> memref<1x80xi32, #tpu.memory_space<vmem>>
    %dma_start3A_240 = tpu.memref_squeeze %dma_start3A_239 : memref<1x80xi32, #tpu.memory_space<vmem>> -> memref<80xi32, #tpu.memory_space<vmem>>
    %dma_start3A_241 = arith.constant 0 : i32
    %dma_start3A_242 = arith.constant 0 : i32
    %dma_start3A_243 = tpu.memref_slice %arg12[%dma_start3A_241, %dma_start3A_242] : memref<10000x128xf32, #tpu.memory_space<vmem_shared>> -> memref<10000x128xf32, #tpu.memory_space<vmem_shared>>
    tpu.enqueue_indirect_dma source(%arg9 : memref<80x128xf32, #tpu.memory_space<vmem>>) target(%dma_start3A_243 : memref<10000x128xf32, #tpu.memory_space<vmem_shared>>) offsets(%dma_start3A_240 : memref<80xi32, #tpu.memory_space<vmem>>) semaphore(%arg26 : memref<!tpu.dma_semaphore, #tpu.memory_space<semaphore_mem>>) {add = true}
    %dma_start3A_244 = arith.constant 4 : i32
    %dma_start3A_245 = arith.constant 0 : i32
    %dma_start3A_246 = arith.constant 320 : i32
    %dma_start3A_247 = tpu.memref_slice %arg6[%dma_start3A_246] : memref<640xi32, #tpu.memory_space<vmem>> -> memref<80xi32, #tpu.memory_space<vmem>>
    %dma_start3A_248 = arith.constant 0 : i32
    %dma_start3A_249 = tpu.memref_slice %arg3[%add3A, %dma_start3A_244, %dma_start3A_245, %dma_start3A_248] : memref<32x125x1x80xi32, #tpu.memory_space<hbm>> -> memref<1x1x1x80xi32, #tpu.memory_space<hbm>>
    %dma_start3A_250 = tpu.memref_squeeze %dma_start3A_249 : memref<1x1x1x80xi32, #tpu.memory_space<hbm>> -> memref<80xi32, #tpu.memory_space<hbm>>
    %dma_start3A_251 = arith.constant 320 : i32
    %dma_start3A_252 = tpu.memref_slice %arg6[%dma_start3A_251] : memref<640xi32, #tpu.memory_space<vmem>> -> memref<80xi32, #tpu.memory_space<vmem>>
    %dma_start3A_253 = arith.constant 0 : i32
    %dma_start3A_254 = tpu.memref_slice %arg3[%add3A, %dma_start3A_244, %dma_start3A_245, %dma_start3A_253] : memref<32x125x1x80xi32, #tpu.memory_space<hbm>> -> memref<1x1x1x80xi32, #tpu.memory_space<hbm>>
    %dma_start3A_255 = tpu.memref_squeeze %dma_start3A_254 : memref<1x1x1x80xi32, #tpu.memory_space<hbm>> -> memref<80xi32, #tpu.memory_space<hbm>>
    tpu.enqueue_dma source(%dma_start3A_255 : memref<80xi32, #tpu.memory_space<hbm>>) target(%dma_start3A_252 : memref<80xi32, #tpu.memory_space<vmem>>) target_semaphore(%arg17 : memref<!tpu.dma_semaphore, #tpu.memory_space<semaphore_mem>>)
    %dma_start3A_256 = arith.constant 4 : i32
    %dma_start3A_257 = arith.constant 0 : i32
    %dma_start3A_258 = arith.constant 32 : i32
    %dma_start3A_259 = arith.constant 0 : i32
    %dma_start3A_260 = tpu.memref_slice %arg7[%dma_start3A_258, %dma_start3A_259] : memref<64x80xi32, #tpu.memory_space<vmem>> -> memref<1x80xi32, #tpu.memory_space<vmem>>
    %dma_start3A_261 = tpu.memref_squeeze %dma_start3A_260 : memref<1x80xi32, #tpu.memory_space<vmem>> -> memref<80xi32, #tpu.memory_space<vmem>>
    %dma_start3A_262 = arith.constant 0 : i32
    %dma_start3A_263 = tpu.memref_slice %arg4[%add3A, %dma_start3A_256, %dma_start3A_257, %dma_start3A_262] : memref<32x125x1x80xi32, #tpu.memory_space<hbm>> -> memref<1x1x1x80xi32, #tpu.memory_space<hbm>>
    %dma_start3A_264 = tpu.memref_squeeze %dma_start3A_263 : memref<1x1x1x80xi32, #tpu.memory_space<hbm>> -> memref<80xi32, #tpu.memory_space<hbm>>
    %dma_start3A_265 = arith.constant 0 : i32
    %dma_start3A_266 = tpu.memref_slice %arg7[%dma_start3A_258, %dma_start3A_265] : memref<64x80xi32, #tpu.memory_space<vmem>> -> memref<1x80xi32, #tpu.memory_space<vmem>>
    %dma_start3A_267 = tpu.memref_squeeze %dma_start3A_266 : memref<1x80xi32, #tpu.memory_space<vmem>> -> memref<80xi32, #tpu.memory_space<vmem>>
    %dma_start3A_268 = arith.constant 0 : i32
    %dma_start3A_269 = tpu.memref_slice %arg4[%add3A, %dma_start3A_256, %dma_start3A_257, %dma_start3A_268] : memref<32x125x1x80xi32, #tpu.memory_space<hbm>> -> memref<1x1x1x80xi32, #tpu.memory_space<hbm>>
    %dma_start3A_270 = tpu.memref_squeeze %dma_start3A_269 : memref<1x1x1x80xi32, #tpu.memory_space<hbm>> -> memref<80xi32, #tpu.memory_space<hbm>>
    tpu.enqueue_dma source(%dma_start3A_270 : memref<80xi32, #tpu.memory_space<hbm>>) target(%dma_start3A_267 : memref<80xi32, #tpu.memory_space<vmem>>) target_semaphore(%arg17 : memref<!tpu.dma_semaphore, #tpu.memory_space<semaphore_mem>>)
    %dma_wait3A_271 = arith.constant 3 : i32
    %dma_wait3A_272 = arith.constant 0 : i32
    %dma_wait3A_273 = arith.constant 240 : i32
    %dma_wait3A_274 = tpu.memref_slice %arg6[%dma_wait3A_273] : memref<640xi32, #tpu.memory_space<vmem>> -> memref<80xi32, #tpu.memory_space<vmem>>
    %dma_wait3A_275 = arith.constant 0 : i32
    %dma_wait3A_276 = tpu.memref_slice %arg3[%add3A, %dma_wait3A_271, %dma_wait3A_272, %dma_wait3A_275] : memref<32x125x1x80xi32, #tpu.memory_space<hbm>> -> memref<1x1x1x80xi32, #tpu.memory_space<hbm>>
    %dma_wait3A_277 = tpu.memref_squeeze %dma_wait3A_276 : memref<1x1x1x80xi32, #tpu.memory_space<hbm>> -> memref<80xi32, #tpu.memory_space<hbm>>
    %dma_wait3A_278 = arith.constant 240 : i32
    %dma_wait3A_279 = tpu.memref_slice %arg6[%dma_wait3A_278] : memref<640xi32, #tpu.memory_space<vmem>> -> memref<80xi32, #tpu.memory_space<vmem>>
    %dma_wait3A_280 = arith.constant 0 : i32
    %dma_wait3A_281 = tpu.memref_slice %arg3[%add3A, %dma_wait3A_271, %dma_wait3A_272, %dma_wait3A_280] : memref<32x125x1x80xi32, #tpu.memory_space<hbm>> -> memref<1x1x1x80xi32, #tpu.memory_space<hbm>>
    %dma_wait3A_282 = tpu.memref_squeeze %dma_wait3A_281 : memref<1x1x1x80xi32, #tpu.memory_space<hbm>> -> memref<80xi32, #tpu.memory_space<hbm>>
    tpu.wait_dma2 semaphore(%arg16 : memref<!tpu.dma_semaphore, #tpu.memory_space<semaphore_mem>>) src(%dma_wait3A_282 : memref<80xi32, #tpu.memory_space<hbm>>) dst(%dma_wait3A_279 : memref<80xi32, #tpu.memory_space<vmem>>)
    %dma_wait3A_283 = arith.constant 3 : i32
    %dma_wait3A_284 = arith.constant 0 : i32
    %dma_wait3A_285 = arith.constant 24 : i32
    %dma_wait3A_286 = arith.constant 0 : i32
    %dma_wait3A_287 = tpu.memref_slice %arg7[%dma_wait3A_285, %dma_wait3A_286] : memref<64x80xi32, #tpu.memory_space<vmem>> -> memref<1x80xi32, #tpu.memory_space<vmem>>
    %dma_wait3A_288 = tpu.memref_squeeze %dma_wait3A_287 : memref<1x80xi32, #tpu.memory_space<vmem>> -> memref<80xi32, #tpu.memory_space<vmem>>
    %dma_wait3A_289 = arith.constant 0 : i32
    %dma_wait3A_290 = tpu.memref_slice %arg4[%add3A, %dma_wait3A_283, %dma_wait3A_284, %dma_wait3A_289] : memref<32x125x1x80xi32, #tpu.memory_space<hbm>> -> memref<1x1x1x80xi32, #tpu.memory_space<hbm>>
    %dma_wait3A_291 = tpu.memref_squeeze %dma_wait3A_290 : memref<1x1x1x80xi32, #tpu.memory_space<hbm>> -> memref<80xi32, #tpu.memory_space<hbm>>
    %dma_wait3A_292 = arith.constant 0 : i32
    %dma_wait3A_293 = tpu.memref_slice %arg7[%dma_wait3A_285, %dma_wait3A_292] : memref<64x80xi32, #tpu.memory_space<vmem>> -> memref<1x80xi32, #tpu.memory_space<vmem>>
    %dma_wait3A_294 = tpu.memref_squeeze %dma_wait3A_293 : memref<1x80xi32, #tpu.memory_space<vmem>> -> memref<80xi32, #tpu.memory_space<vmem>>
    %dma_wait3A_295 = arith.constant 0 : i32
    %dma_wait3A_296 = tpu.memref_slice %arg4[%add3A, %dma_wait3A_283, %dma_wait3A_284, %dma_wait3A_295] : memref<32x125x1x80xi32, #tpu.memory_space<hbm>> -> memref<1x1x1x80xi32, #tpu.memory_space<hbm>>
    %dma_wait3A_297 = tpu.memref_squeeze %dma_wait3A_296 : memref<1x1x1x80xi32, #tpu.memory_space<hbm>> -> memref<80xi32, #tpu.memory_space<hbm>>
    tpu.wait_dma2 semaphore(%arg16 : memref<!tpu.dma_semaphore, #tpu.memory_space<semaphore_mem>>) src(%dma_wait3A_297 : memref<80xi32, #tpu.memory_space<hbm>>) dst(%dma_wait3A_294 : memref<80xi32, #tpu.memory_space<vmem>>)
    %dma_start3A_298 = arith.constant 240 : i32
    %dma_start3A_299 = tpu.memref_slice %arg6[%dma_start3A_298] : memref<640xi32, #tpu.memory_space<vmem>> -> memref<80xi32, #tpu.memory_space<vmem>>
    %dma_start3A_300 = arith.constant 0 : i32
    %dma_start3A_301 = arith.constant 0 : i32
    %dma_start3A_302 = tpu.memref_slice %arg2[%dma_start3A_300, %dma_start3A_301] : memref<10000x128xf32, #tpu.memory_space<hbm>> -> memref<10000x128xf32, #tpu.memory_space<hbm>>
    tpu.enqueue_indirect_dma source(%dma_start3A_302 : memref<10000x128xf32, #tpu.memory_space<hbm>>) target(%arg11 : memref<80x128xf32, #tpu.memory_space<vmem>>) offsets(%dma_start3A_299 : memref<80xi32, #tpu.memory_space<vmem>>) semaphore(%arg24 : memref<!tpu.dma_semaphore, #tpu.memory_space<semaphore_mem>>)
    %scan3A_303 = arith.constant 0 : i32
    %scan3A_304 = arith.constant 0 : i32
    %scan3A_305 = arith.constant 15 : i32
    %scan3A_306 = arith.addi %scan3A_304, %scan3A_305 : i32
    %scan3A_307 = arith.constant 1 : i32
    scf.for %scan3A_423 = %scan3A_304 to %scan3A_306 step %scan3A_307  : i32 {
      %mul3A_424 = arith.constant 8 : i32
      %mul3A_425 = arith.muli %mul3A_424, %scan3A_423 : i32
      %add3A_426 = arith.constant 2 : i32
      %add3A_427 = arith.addi %add3A_426, %mul3A_425 : i32
      %add3A_428 = arith.constant 0 : i32
      %add3A_429 = arith.addi %add3A_427, %add3A_428 : i32
      %dma_wait3A_430 = arith.constant 160 : i32
      %dma_wait3A_431 = tpu.memref_slice %arg6[%dma_wait3A_430] : memref<640xi32, #tpu.memory_space<vmem>> -> memref<80xi32, #tpu.memory_space<vmem>>
      %dma_wait3A_432 = arith.constant 0 : i32
      %dma_wait3A_433 = arith.constant 0 : i32
      %dma_wait3A_434 = tpu.memref_slice %arg2[%dma_wait3A_432, %dma_wait3A_433] : memref<10000x128xf32, #tpu.memory_space<hbm>> -> memref<10000x128xf32, #tpu.memory_space<hbm>>
      tpu.wait_indirect_dma semaphore(%arg23 : memref<!tpu.dma_semaphore, #tpu.memory_space<semaphore_mem>>) src(%dma_wait3A_434 : memref<10000x128xf32, #tpu.memory_space<hbm>>) dst(%arg10 : memref<80x128xf32, #tpu.memory_space<vmem>>)
      %dma_start3A_435 = arith.constant 16 : i32
      %dma_start3A_436 = arith.constant 0 : i32
      %dma_start3A_437 = tpu.memref_slice %arg7[%dma_start3A_435, %dma_start3A_436] : memref<64x80xi32, #tpu.memory_space<vmem>> -> memref<1x80xi32, #tpu.memory_space<vmem>>
      %dma_start3A_438 = tpu.memref_squeeze %dma_start3A_437 : memref<1x80xi32, #tpu.memory_space<vmem>> -> memref<80xi32, #tpu.memory_space<vmem>>
      %dma_start3A_439 = arith.constant 0 : i32
      %dma_start3A_440 = arith.constant 0 : i32
      %dma_start3A_441 = tpu.memref_slice %arg12[%dma_start3A_439, %dma_start3A_440] : memref<10000x128xf32, #tpu.memory_space<vmem_shared>> -> memref<10000x128xf32, #tpu.memory_space<vmem_shared>>
      tpu.enqueue_indirect_dma source(%arg10 : memref<80x128xf32, #tpu.memory_space<vmem>>) target(%dma_start3A_441 : memref<10000x128xf32, #tpu.memory_space<vmem_shared>>) offsets(%dma_start3A_438 : memref<80xi32, #tpu.memory_space<vmem>>) semaphore(%arg27 : memref<!tpu.dma_semaphore, #tpu.memory_space<semaphore_mem>>) {add = true}
      %dma_wait3A_442 = arith.constant 0 : i32
      %dma_wait3A_443 = arith.constant 0 : i32
      %dma_wait3A_444 = tpu.memref_slice %arg7[%dma_wait3A_442, %dma_wait3A_443] : memref<64x80xi32, #tpu.memory_space<vmem>> -> memref<1x80xi32, #tpu.memory_space<vmem>>
      %dma_wait3A_445 = tpu.memref_squeeze %dma_wait3A_444 : memref<1x80xi32, #tpu.memory_space<vmem>> -> memref<80xi32, #tpu.memory_space<vmem>>
      %dma_wait3A_446 = arith.constant 0 : i32
      %dma_wait3A_447 = arith.constant 0 : i32
      %dma_wait3A_448 = tpu.memref_slice %arg12[%dma_wait3A_446, %dma_wait3A_447] : memref<10000x128xf32, #tpu.memory_space<vmem_shared>> -> memref<10000x128xf32, #tpu.memory_space<vmem_shared>>
      tpu.wait_indirect_dma semaphore(%arg25 : memref<!tpu.dma_semaphore, #tpu.memory_space<semaphore_mem>>) src(%arg8 : memref<80x128xf32, #tpu.memory_space<vmem>>) dst(%dma_wait3A_448 : memref<10000x128xf32, #tpu.memory_space<vmem_shared>>)
      %add3A_449 = arith.constant 3 : i32
      %add3A_450 = arith.addi %add3A_429, %add3A_449 : i32
      %dma_start3A_451 = arith.constant 0 : i32
      %dma_start3A_452 = arith.constant 400 : i32
      %dma_start3A_453 = tpu.memref_slice %arg6[%dma_start3A_452] : memref<640xi32, #tpu.memory_space<vmem>> -> memref<80xi32, #tpu.memory_space<vmem>>
      %dma_start3A_454 = arith.constant 0 : i32
      %dma_start3A_455 = tpu.memref_slice %arg3[%add3A, %add3A_450, %dma_start3A_451, %dma_start3A_454] : memref<32x125x1x80xi32, #tpu.memory_space<hbm>> -> memref<1x1x1x80xi32, #tpu.memory_space<hbm>>
      %dma_start3A_456 = tpu.memref_squeeze %dma_start3A_455 : memref<1x1x1x80xi32, #tpu.memory_space<hbm>> -> memref<80xi32, #tpu.memory_space<hbm>>
      %dma_start3A_457 = arith.constant 400 : i32
      %dma_start3A_458 = tpu.memref_slice %arg6[%dma_start3A_457] : memref<640xi32, #tpu.memory_space<vmem>> -> memref<80xi32, #tpu.memory_space<vmem>>
      %dma_start3A_459 = arith.constant 0 : i32
      %dma_start3A_460 = tpu.memref_slice %arg3[%add3A, %add3A_450, %dma_start3A_451, %dma_start3A_459] : memref<32x125x1x80xi32, #tpu.memory_space<hbm>> -> memref<1x1x1x80xi32, #tpu.memory_space<hbm>>
      %dma_start3A_461 = tpu.memref_squeeze %dma_start3A_460 : memref<1x1x1x80xi32, #tpu.memory_space<hbm>> -> memref<80xi32, #tpu.memory_space<hbm>>
      tpu.enqueue_dma source(%dma_start3A_461 : memref<80xi32, #tpu.memory_space<hbm>>) target(%dma_start3A_458 : memref<80xi32, #tpu.memory_space<vmem>>) target_semaphore(%arg18 : memref<!tpu.dma_semaphore, #tpu.memory_space<semaphore_mem>>)
      %dma_start3A_462 = arith.constant 0 : i32
      %dma_start3A_463 = arith.constant 40 : i32
      %dma_start3A_464 = arith.constant 0 : i32
      %dma_start3A_465 = tpu.memref_slice %arg7[%dma_start3A_463, %dma_start3A_464] : memref<64x80xi32, #tpu.memory_space<vmem>> -> memref<1x80xi32, #tpu.memory_space<vmem>>
      %dma_start3A_466 = tpu.memref_squeeze %dma_start3A_465 : memref<1x80xi32, #tpu.memory_space<vmem>> -> memref<80xi32, #tpu.memory_space<vmem>>
      %dma_start3A_467 = arith.constant 0 : i32
      %dma_start3A_468 = tpu.memref_slice %arg4[%add3A, %add3A_450, %dma_start3A_462, %dma_start3A_467] : memref<32x125x1x80xi32, #tpu.memory_space<hbm>> -> memref<1x1x1x80xi32, #tpu.memory_space<hbm>>
      %dma_start3A_469 = tpu.memref_squeeze %dma_start3A_468 : memref<1x1x1x80xi32, #tpu.memory_space<hbm>> -> memref<80xi32, #tpu.memory_space<hbm>>
      %dma_start3A_470 = arith.constant 0 : i32
      %dma_start3A_471 = tpu.memref_slice %arg7[%dma_start3A_463, %dma_start3A_470] : memref<64x80xi32, #tpu.memory_space<vmem>> -> memref<1x80xi32, #tpu.memory_space<vmem>>
      %dma_start3A_472 = tpu.memref_squeeze %dma_start3A_471 : memref<1x80xi32, #tpu.memory_space<vmem>> -> memref<80xi32, #tpu.memory_space<vmem>>
      %dma_start3A_473 = arith.constant 0 : i32
      %dma_start3A_474 = tpu.memref_slice %arg4[%add3A, %add3A_450, %dma_start3A_462, %dma_start3A_473] : memref<32x125x1x80xi32, #tpu.memory_space<hbm>> -> memref<1x1x1x80xi32, #tpu.memory_space<hbm>>
      %dma_start3A_475 = tpu.memref_squeeze %dma_start3A_474 : memref<1x1x1x80xi32, #tpu.memory_space<hbm>> -> memref<80xi32, #tpu.memory_space<hbm>>
      tpu.enqueue_dma source(%dma_start3A_475 : memref<80xi32, #tpu.memory_space<hbm>>) target(%dma_start3A_472 : memref<80xi32, #tpu.memory_space<vmem>>) target_semaphore(%arg18 : memref<!tpu.dma_semaphore, #tpu.memory_space<semaphore_mem>>)
      %add3A_476 = arith.constant 2 : i32
      %add3A_477 = arith.addi %add3A_429, %add3A_476 : i32
      %dma_wait3A_478 = arith.constant 0 : i32
      %dma_wait3A_479 = arith.constant 320 : i32
      %dma_wait3A_480 = tpu.memref_slice %arg6[%dma_wait3A_479] : memref<640xi32, #tpu.memory_space<vmem>> -> memref<80xi32, #tpu.memory_space<vmem>>
      %dma_wait3A_481 = arith.constant 0 : i32
      %dma_wait3A_482 = tpu.memref_slice %arg3[%add3A, %add3A_477, %dma_wait3A_478, %dma_wait3A_481] : memref<32x125x1x80xi32, #tpu.memory_space<hbm>> -> memref<1x1x1x80xi32, #tpu.memory_space<hbm>>
      %dma_wait3A_483 = tpu.memref_squeeze %dma_wait3A_482 : memref<1x1x1x80xi32, #tpu.memory_space<hbm>> -> memref<80xi32, #tpu.memory_space<hbm>>
      %dma_wait3A_484 = arith.constant 320 : i32
      %dma_wait3A_485 = tpu.memref_slice %arg6[%dma_wait3A_484] : memref<640xi32, #tpu.memory_space<vmem>> -> memref<80xi32, #tpu.memory_space<vmem>>
      %dma_wait3A_486 = arith.constant 0 : i32
      %dma_wait3A_487 = tpu.memref_slice %arg3[%add3A, %add3A_477, %dma_wait3A_478, %dma_wait3A_486] : memref<32x125x1x80xi32, #tpu.memory_space<hbm>> -> memref<1x1x1x80xi32, #tpu.memory_space<hbm>>
      %dma_wait3A_488 = tpu.memref_squeeze %dma_wait3A_487 : memref<1x1x1x80xi32, #tpu.memory_space<hbm>> -> memref<80xi32, #tpu.memory_space<hbm>>
      tpu.wait_dma2 semaphore(%arg17 : memref<!tpu.dma_semaphore, #tpu.memory_space<semaphore_mem>>) src(%dma_wait3A_488 : memref<80xi32, #tpu.memory_space<hbm>>) dst(%dma_wait3A_485 : memref<80xi32, #tpu.memory_space<vmem>>)
      %dma_wait3A_489 = arith.constant 0 : i32
      %dma_wait3A_490 = arith.constant 32 : i32
      %dma_wait3A_491 = arith.constant 0 : i32
      %dma_wait3A_492 = tpu.memref_slice %arg7[%dma_wait3A_490, %dma_wait3A_491] : memref<64x80xi32, #tpu.memory_space<vmem>> -> memref<1x80xi32, #tpu.memory_space<vmem>>
      %dma_wait3A_493 = tpu.memref_squeeze %dma_wait3A_492 : memref<1x80xi32, #tpu.memory_space<vmem>> -> memref<80xi32, #tpu.memory_space<vmem>>
      %dma_wait3A_494 = arith.constant 0 : i32
      %dma_wait3A_495 = tpu.memref_slice %arg4[%add3A, %add3A_477, %dma_wait3A_489, %dma_wait3A_494] : memref<32x125x1x80xi32, #tpu.memory_space<hbm>> -> memref<1x1x1x80xi32, #tpu.memory_space<hbm>>
      %dma_wait3A_496 = tpu.memref_squeeze %dma_wait3A_495 : memref<1x1x1x80xi32, #tpu.memory_space<hbm>> -> memref<80xi32, #tpu.memory_space<hbm>>
      %dma_wait3A_497 = arith.constant 0 : i32
      %dma_wait3A_498 = tpu.memref_slice %arg7[%dma_wait3A_490, %dma_wait3A_497] : memref<64x80xi32, #tpu.memory_space<vmem>> -> memref<1x80xi32, #tpu.memory_space<vmem>>
      %dma_wait3A_499 = tpu.memref_squeeze %dma_wait3A_498 : memref<1x80xi32, #tpu.memory_space<vmem>> -> memref<80xi32, #tpu.memory_space<vmem>>
      %dma_wait3A_500 = arith.constant 0 : i32
      %dma_wait3A_501 = tpu.memref_slice %arg4[%add3A, %add3A_477, %dma_wait3A_489, %dma_wait3A_500] : memref<32x125x1x80xi32, #tpu.memory_space<hbm>> -> memref<1x1x1x80xi32, #tpu.memory_space<hbm>>
      %dma_wait3A_502 = tpu.memref_squeeze %dma_wait3A_501 : memref<1x1x1x80xi32, #tpu.memory_space<hbm>> -> memref<80xi32, #tpu.memory_space<hbm>>
      tpu.wait_dma2 semaphore(%arg17 : memref<!tpu.dma_semaphore, #tpu.memory_space<semaphore_mem>>) src(%dma_wait3A_502 : memref<80xi32, #tpu.memory_space<hbm>>) dst(%dma_wait3A_499 : memref<80xi32, #tpu.memory_space<vmem>>)
      %dma_start3A_503 = arith.constant 320 : i32
      %dma_start3A_504 = tpu.memref_slice %arg6[%dma_start3A_503] : memref<640xi32, #tpu.memory_space<vmem>> -> memref<80xi32, #tpu.memory_space<vmem>>
      %dma_start3A_505 = arith.constant 0 : i32
      %dma_start3A_506 = arith.constant 0 : i32
      %dma_start3A_507 = tpu.memref_slice %arg2[%dma_start3A_505, %dma_start3A_506] : memref<10000x128xf32, #tpu.memory_space<hbm>> -> memref<10000x128xf32, #tpu.memory_space<hbm>>
      tpu.enqueue_indirect_dma source(%dma_start3A_507 : memref<10000x128xf32, #tpu.memory_space<hbm>>) target(%arg8 : memref<80x128xf32, #tpu.memory_space<vmem>>) offsets(%dma_start3A_504 : memref<80xi32, #tpu.memory_space<vmem>>) semaphore(%arg21 : memref<!tpu.dma_semaphore, #tpu.memory_space<semaphore_mem>>)
      %add3A_508 = arith.constant 1 : i32
      %add3A_509 = arith.addi %add3A_427, %add3A_508 : i32
      %dma_wait3A_510 = arith.constant 240 : i32
      %dma_wait3A_511 = tpu.memref_slice %arg6[%dma_wait3A_510] : memref<640xi32, #tpu.memory_space<vmem>> -> memref<80xi32, #tpu.memory_space<vmem>>
      %dma_wait3A_512 = arith.constant 0 : i32
      %dma_wait3A_513 = arith.constant 0 : i32
      %dma_wait3A_514 = tpu.memref_slice %arg2[%dma_wait3A_512, %dma_wait3A_513] : memref<10000x128xf32, #tpu.memory_space<hbm>> -> memref<10000x128xf32, #tpu.memory_space<hbm>>
      tpu.wait_indirect_dma semaphore(%arg24 : memref<!tpu.dma_semaphore, #tpu.memory_space<semaphore_mem>>) src(%dma_wait3A_514 : memref<10000x128xf32, #tpu.memory_space<hbm>>) dst(%arg11 : memref<80x128xf32, #tpu.memory_space<vmem>>)
      %dma_start3A_515 = arith.constant 24 : i32
      %dma_start3A_516 = arith.constant 0 : i32
      %dma_start3A_517 = tpu.memref_slice %arg7[%dma_start3A_515, %dma_start3A_516] : memref<64x80xi32, #tpu.memory_space<vmem>> -> memref<1x80xi32, #tpu.memory_space<vmem>>
      %dma_start3A_518 = tpu.memref_squeeze %dma_start3A_517 : memref<1x80xi32, #tpu.memory_space<vmem>> -> memref<80xi32, #tpu.memory_space<vmem>>
      %dma_start3A_519 = arith.constant 0 : i32
      %dma_start3A_520 = arith.constant 0 : i32
      %dma_start3A_521 = tpu.memref_slice %arg12[%dma_start3A_519, %dma_start3A_520] : memref<10000x128xf32, #tpu.memory_space<vmem_shared>> -> memref<10000x128xf32, #tpu.memory_space<vmem_shared>>
      tpu.enqueue_indirect_dma source(%arg11 : memref<80x128xf32, #tpu.memory_space<vmem>>) target(%dma_start3A_521 : memref<10000x128xf32, #tpu.memory_space<vmem_shared>>) offsets(%dma_start3A_518 : memref<80xi32, #tpu.memory_space<vmem>>) semaphore(%arg28 : memref<!tpu.dma_semaphore, #tpu.memory_space<semaphore_mem>>) {add = true}
      %dma_wait3A_522 = arith.constant 8 : i32
      %dma_wait3A_523 = arith.constant 0 : i32
      %dma_wait3A_524 = tpu.memref_slice %arg7[%dma_wait3A_522, %dma_wait3A_523] : memref<64x80xi32, #tpu.memory_space<vmem>> -> memref<1x80xi32, #tpu.memory_space<vmem>>
      %dma_wait3A_525 = tpu.memref_squeeze %dma_wait3A_524 : memref<1x80xi32, #tpu.memory_space<vmem>> -> memref<80xi32, #tpu.memory_space<vmem>>
      %dma_wait3A_526 = arith.constant 0 : i32
      %dma_wait3A_527 = arith.constant 0 : i32
      %dma_wait3A_528 = tpu.memref_slice %arg12[%dma_wait3A_526, %dma_wait3A_527] : memref<10000x128xf32, #tpu.memory_space<vmem_shared>> -> memref<10000x128xf32, #tpu.memory_space<vmem_shared>>
      tpu.wait_indirect_dma semaphore(%arg26 : memref<!tpu.dma_semaphore, #tpu.memory_space<semaphore_mem>>) src(%arg9 : memref<80x128xf32, #tpu.memory_space<vmem>>) dst(%dma_wait3A_528 : memref<10000x128xf32, #tpu.memory_space<vmem_shared>>)
      %add3A_529 = arith.constant 3 : i32
      %add3A_530 = arith.addi %add3A_509, %add3A_529 : i32
      %dma_start3A_531 = arith.constant 0 : i32
      %dma_start3A_532 = arith.constant 480 : i32
      %dma_start3A_533 = tpu.memref_slice %arg6[%dma_start3A_532] : memref<640xi32, #tpu.memory_space<vmem>> -> memref<80xi32, #tpu.memory_space<vmem>>
      %dma_start3A_534 = arith.constant 0 : i32
      %dma_start3A_535 = tpu.memref_slice %arg3[%add3A, %add3A_530, %dma_start3A_531, %dma_start3A_534] : memref<32x125x1x80xi32, #tpu.memory_space<hbm>> -> memref<1x1x1x80xi32, #tpu.memory_space<hbm>>
      %dma_start3A_536 = tpu.memref_squeeze %dma_start3A_535 : memref<1x1x1x80xi32, #tpu.memory_space<hbm>> -> memref<80xi32, #tpu.memory_space<hbm>>
      %dma_start3A_537 = arith.constant 480 : i32
      %dma_start3A_538 = tpu.memref_slice %arg6[%dma_start3A_537] : memref<640xi32, #tpu.memory_space<vmem>> -> memref<80xi32, #tpu.memory_space<vmem>>
      %dma_start3A_539 = arith.constant 0 : i32
      %dma_start3A_540 = tpu.memref_slice %arg3[%add3A, %add3A_530, %dma_start3A_531, %dma_start3A_539] : memref<32x125x1x80xi32, #tpu.memory_space<hbm>> -> memref<1x1x1x80xi32, #tpu.memory_space<hbm>>
      %dma_start3A_541 = tpu.memref_squeeze %dma_start3A_540 : memref<1x1x1x80xi32, #tpu.memory_space<hbm>> -> memref<80xi32, #tpu.memory_space<hbm>>
      tpu.enqueue_dma source(%dma_start3A_541 : memref<80xi32, #tpu.memory_space<hbm>>) target(%dma_start3A_538 : memref<80xi32, #tpu.memory_space<vmem>>) target_semaphore(%arg19 : memref<!tpu.dma_semaphore, #tpu.memory_space<semaphore_mem>>)
      %dma_start3A_542 = arith.constant 0 : i32
      %dma_start3A_543 = arith.constant 48 : i32
      %dma_start3A_544 = arith.constant 0 : i32
      %dma_start3A_545 = tpu.memref_slice %arg7[%dma_start3A_543, %dma_start3A_544] : memref<64x80xi32, #tpu.memory_space<vmem>> -> memref<1x80xi32, #tpu.memory_space<vmem>>
      %dma_start3A_546 = tpu.memref_squeeze %dma_start3A_545 : memref<1x80xi32, #tpu.memory_space<vmem>> -> memref<80xi32, #tpu.memory_space<vmem>>
      %dma_start3A_547 = arith.constant 0 : i32
      %dma_start3A_548 = tpu.memref_slice %arg4[%add3A, %add3A_530, %dma_start3A_542, %dma_start3A_547] : memref<32x125x1x80xi32, #tpu.memory_space<hbm>> -> memref<1x1x1x80xi32, #tpu.memory_space<hbm>>
      %dma_start3A_549 = tpu.memref_squeeze %dma_start3A_548 : memref<1x1x1x80xi32, #tpu.memory_space<hbm>> -> memref<80xi32, #tpu.memory_space<hbm>>
      %dma_start3A_550 = arith.constant 0 : i32
      %dma_start3A_551 = tpu.memref_slice %arg7[%dma_start3A_543, %dma_start3A_550] : memref<64x80xi32, #tpu.memory_space<vmem>> -> memref<1x80xi32, #tpu.memory_space<vmem>>
      %dma_start3A_552 = tpu.memref_squeeze %dma_start3A_551 : memref<1x80xi32, #tpu.memory_space<vmem>> -> memref<80xi32, #tpu.memory_space<vmem>>
      %dma_start3A_553 = arith.constant 0 : i32
      %dma_start3A_554 = tpu.memref_slice %arg4[%add3A, %add3A_530, %dma_start3A_542, %dma_start3A_553] : memref<32x125x1x80xi32, #tpu.memory_space<hbm>> -> memref<1x1x1x80xi32, #tpu.memory_space<hbm>>
      %dma_start3A_555 = tpu.memref_squeeze %dma_start3A_554 : memref<1x1x1x80xi32, #tpu.memory_space<hbm>> -> memref<80xi32, #tpu.memory_space<hbm>>
      tpu.enqueue_dma source(%dma_start3A_555 : memref<80xi32, #tpu.memory_space<hbm>>) target(%dma_start3A_552 : memref<80xi32, #tpu.memory_space<vmem>>) target_semaphore(%arg19 : memref<!tpu.dma_semaphore, #tpu.memory_space<semaphore_mem>>)
      %add3A_556 = arith.constant 2 : i32
      %add3A_557 = arith.addi %add3A_509, %add3A_556 : i32
      %dma_wait3A_558 = arith.constant 0 : i32
      %dma_wait3A_559 = arith.constant 400 : i32
      %dma_wait3A_560 = tpu.memref_slice %arg6[%dma_wait3A_559] : memref<640xi32, #tpu.memory_space<vmem>> -> memref<80xi32, #tpu.memory_space<vmem>>
      %dma_wait3A_561 = arith.constant 0 : i32
      %dma_wait3A_562 = tpu.memref_slice %arg3[%add3A, %add3A_557, %dma_wait3A_558, %dma_wait3A_561] : memref<32x125x1x80xi32, #tpu.memory_space<hbm>> -> memref<1x1x1x80xi32, #tpu.memory_space<hbm>>
      %dma_wait3A_563 = tpu.memref_squeeze %dma_wait3A_562 : memref<1x1x1x80xi32, #tpu.memory_space<hbm>> -> memref<80xi32, #tpu.memory_space<hbm>>
      %dma_wait3A_564 = arith.constant 400 : i32
      %dma_wait3A_565 = tpu.memref_slice %arg6[%dma_wait3A_564] : memref<640xi32, #tpu.memory_space<vmem>> -> memref<80xi32, #tpu.memory_space<vmem>>
      %dma_wait3A_566 = arith.constant 0 : i32
      %dma_wait3A_567 = tpu.memref_slice %arg3[%add3A, %add3A_557, %dma_wait3A_558, %dma_wait3A_566] : memref<32x125x1x80xi32, #tpu.memory_space<hbm>> -> memref<1x1x1x80xi32, #tpu.memory_space<hbm>>
      %dma_wait3A_568 = tpu.memref_squeeze %dma_wait3A_567 : memref<1x1x1x80xi32, #tpu.memory_space<hbm>> -> memref<80xi32, #tpu.memory_space<hbm>>
      tpu.wait_dma2 semaphore(%arg18 : memref<!tpu.dma_semaphore, #tpu.memory_space<semaphore_mem>>) src(%dma_wait3A_568 : memref<80xi32, #tpu.memory_space<hbm>>) dst(%dma_wait3A_565 : memref<80xi32, #tpu.memory_space<vmem>>)
      %dma_wait3A_569 = arith.constant 0 : i32
      %dma_wait3A_570 = arith.constant 40 : i32
      %dma_wait3A_571 = arith.constant 0 : i32
      %dma_wait3A_572 = tpu.memref_slice %arg7[%dma_wait3A_570, %dma_wait3A_571] : memref<64x80xi32, #tpu.memory_space<vmem>> -> memref<1x80xi32, #tpu.memory_space<vmem>>
      %dma_wait3A_573 = tpu.memref_squeeze %dma_wait3A_572 : memref<1x80xi32, #tpu.memory_space<vmem>> -> memref<80xi32, #tpu.memory_space<vmem>>
      %dma_wait3A_574 = arith.constant 0 : i32
      %dma_wait3A_575 = tpu.memref_slice %arg4[%add3A, %add3A_557, %dma_wait3A_569, %dma_wait3A_574] : memref<32x125x1x80xi32, #tpu.memory_space<hbm>> -> memref<1x1x1x80xi32, #tpu.memory_space<hbm>>
      %dma_wait3A_576 = tpu.memref_squeeze %dma_wait3A_575 : memref<1x1x1x80xi32, #tpu.memory_space<hbm>> -> memref<80xi32, #tpu.memory_space<hbm>>
      %dma_wait3A_577 = arith.constant 0 : i32
      %dma_wait3A_578 = tpu.memref_slice %arg7[%dma_wait3A_570, %dma_wait3A_577] : memref<64x80xi32, #tpu.memory_space<vmem>> -> memref<1x80xi32, #tpu.memory_space<vmem>>
      %dma_wait3A_579 = tpu.memref_squeeze %dma_wait3A_578 : memref<1x80xi32, #tpu.memory_space<vmem>> -> memref<80xi32, #tpu.memory_space<vmem>>
      %dma_wait3A_580 = arith.constant 0 : i32
      %dma_wait3A_581 = tpu.memref_slice %arg4[%add3A, %add3A_557, %dma_wait3A_569, %dma_wait3A_580] : memref<32x125x1x80xi32, #tpu.memory_space<hbm>> -> memref<1x1x1x80xi32, #tpu.memory_space<hbm>>
      %dma_wait3A_582 = tpu.memref_squeeze %dma_wait3A_581 : memref<1x1x1x80xi32, #tpu.memory_space<hbm>> -> memref<80xi32, #tpu.memory_space<hbm>>
      tpu.wait_dma2 semaphore(%arg18 : memref<!tpu.dma_semaphore, #tpu.memory_space<semaphore_mem>>) src(%dma_wait3A_582 : memref<80xi32, #tpu.memory_space<hbm>>) dst(%dma_wait3A_579 : memref<80xi32, #tpu.memory_space<vmem>>)
      %dma_start3A_583 = arith.constant 400 : i32
      %dma_start3A_584 = tpu.memref_slice %arg6[%dma_start3A_583] : memref<640xi32, #tpu.memory_space<vmem>> -> memref<80xi32, #tpu.memory_space<vmem>>
      %dma_start3A_585 = arith.constant 0 : i32
      %dma_start3A_586 = arith.constant 0 : i32
      %dma_start3A_587 = tpu.memref_slice %arg2[%dma_start3A_585, %dma_start3A_586] : memref<10000x128xf32, #tpu.memory_space<hbm>> -> memref<10000x128xf32, #tpu.memory_space<hbm>>
      tpu.enqueue_indirect_dma source(%dma_start3A_587 : memref<10000x128xf32, #tpu.memory_space<hbm>>) target(%arg9 : memref<80x128xf32, #tpu.memory_space<vmem>>) offsets(%dma_start3A_584 : memref<80xi32, #tpu.memory_space<vmem>>) semaphore(%arg22 : memref<!tpu.dma_semaphore, #tpu.memory_space<semaphore_mem>>)
      %add3A_588 = arith.constant 2 : i32
      %add3A_589 = arith.addi %add3A_427, %add3A_588 : i32
      %dma_wait3A_590 = arith.constant 320 : i32
      %dma_wait3A_591 = tpu.memref_slice %arg6[%dma_wait3A_590] : memref<640xi32, #tpu.memory_space<vmem>> -> memref<80xi32, #tpu.memory_space<vmem>>
      %dma_wait3A_592 = arith.constant 0 : i32
      %dma_wait3A_593 = arith.constant 0 : i32
      %dma_wait3A_594 = tpu.memref_slice %arg2[%dma_wait3A_592, %dma_wait3A_593] : memref<10000x128xf32, #tpu.memory_space<hbm>> -> memref<10000x128xf32, #tpu.memory_space<hbm>>
      tpu.wait_indirect_dma semaphore(%arg21 : memref<!tpu.dma_semaphore, #tpu.memory_space<semaphore_mem>>) src(%dma_wait3A_594 : memref<10000x128xf32, #tpu.memory_space<hbm>>) dst(%arg8 : memref<80x128xf32, #tpu.memory_space<vmem>>)
      %dma_start3A_595 = arith.constant 32 : i32
      %dma_start3A_596 = arith.constant 0 : i32
      %dma_start3A_597 = tpu.memref_slice %arg7[%dma_start3A_595, %dma_start3A_596] : memref<64x80xi32, #tpu.memory_space<vmem>> -> memref<1x80xi32, #tpu.memory_space<vmem>>
      %dma_start3A_598 = tpu.memref_squeeze %dma_start3A_597 : memref<1x80xi32, #tpu.memory_space<vmem>> -> memref<80xi32, #tpu.memory_space<vmem>>
      %dma_start3A_599 = arith.constant 0 : i32
      %dma_start3A_600 = arith.constant 0 : i32
      %dma_start3A_601 = tpu.memref_slice %arg12[%dma_start3A_599, %dma_start3A_600] : memref<10000x128xf32, #tpu.memory_space<vmem_shared>> -> memref<10000x128xf32, #tpu.memory_space<vmem_shared>>
      tpu.enqueue_indirect_dma source(%arg8 : memref<80x128xf32, #tpu.memory_space<vmem>>) target(%dma_start3A_601 : memref<10000x128xf32, #tpu.memory_space<vmem_shared>>) offsets(%dma_start3A_598 : memref<80xi32, #tpu.memory_space<vmem>>) semaphore(%arg25 : memref<!tpu.dma_semaphore, #tpu.memory_space<semaphore_mem>>) {add = true}
      %dma_wait3A_602 = arith.constant 16 : i32
      %dma_wait3A_603 = arith.constant 0 : i32
      %dma_wait3A_604 = tpu.memref_slice %arg7[%dma_wait3A_602, %dma_wait3A_603] : memref<64x80xi32, #tpu.memory_space<vmem>> -> memref<1x80xi32, #tpu.memory_space<vmem>>
      %dma_wait3A_605 = tpu.memref_squeeze %dma_wait3A_604 : memref<1x80xi32, #tpu.memory_space<vmem>> -> memref<80xi32, #tpu.memory_space<vmem>>
      %dma_wait3A_606 = arith.constant 0 : i32
      %dma_wait3A_607 = arith.constant 0 : i32
      %dma_wait3A_608 = tpu.memref_slice %arg12[%dma_wait3A_606, %dma_wait3A_607] : memref<10000x128xf32, #tpu.memory_space<vmem_shared>> -> memref<10000x128xf32, #tpu.memory_space<vmem_shared>>
      tpu.wait_indirect_dma semaphore(%arg27 : memref<!tpu.dma_semaphore, #tpu.memory_space<semaphore_mem>>) src(%arg10 : memref<80x128xf32, #tpu.memory_space<vmem>>) dst(%dma_wait3A_608 : memref<10000x128xf32, #tpu.memory_space<vmem_shared>>)
      %add3A_609 = arith.constant 3 : i32
      %add3A_610 = arith.addi %add3A_589, %add3A_609 : i32
      %dma_start3A_611 = arith.constant 0 : i32
      %dma_start3A_612 = arith.constant 560 : i32
      %dma_start3A_613 = tpu.memref_slice %arg6[%dma_start3A_612] : memref<640xi32, #tpu.memory_space<vmem>> -> memref<80xi32, #tpu.memory_space<vmem>>
      %dma_start3A_614 = arith.constant 0 : i32
      %dma_start3A_615 = tpu.memref_slice %arg3[%add3A, %add3A_610, %dma_start3A_611, %dma_start3A_614] : memref<32x125x1x80xi32, #tpu.memory_space<hbm>> -> memref<1x1x1x80xi32, #tpu.memory_space<hbm>>
      %dma_start3A_616 = tpu.memref_squeeze %dma_start3A_615 : memref<1x1x1x80xi32, #tpu.memory_space<hbm>> -> memref<80xi32, #tpu.memory_space<hbm>>
      %dma_start3A_617 = arith.constant 560 : i32
      %dma_start3A_618 = tpu.memref_slice %arg6[%dma_start3A_617] : memref<640xi32, #tpu.memory_space<vmem>> -> memref<80xi32, #tpu.memory_space<vmem>>
      %dma_start3A_619 = arith.constant 0 : i32
      %dma_start3A_620 = tpu.memref_slice %arg3[%add3A, %add3A_610, %dma_start3A_611, %dma_start3A_619] : memref<32x125x1x80xi32, #tpu.memory_space<hbm>> -> memref<1x1x1x80xi32, #tpu.memory_space<hbm>>
      %dma_start3A_621 = tpu.memref_squeeze %dma_start3A_620 : memref<1x1x1x80xi32, #tpu.memory_space<hbm>> -> memref<80xi32, #tpu.memory_space<hbm>>
      tpu.enqueue_dma source(%dma_start3A_621 : memref<80xi32, #tpu.memory_space<hbm>>) target(%dma_start3A_618 : memref<80xi32, #tpu.memory_space<vmem>>) target_semaphore(%arg20 : memref<!tpu.dma_semaphore, #tpu.memory_space<semaphore_mem>>)
      %dma_start3A_622 = arith.constant 0 : i32
      %dma_start3A_623 = arith.constant 56 : i32
      %dma_start3A_624 = arith.constant 0 : i32
      %dma_start3A_625 = tpu.memref_slice %arg7[%dma_start3A_623, %dma_start3A_624] : memref<64x80xi32, #tpu.memory_space<vmem>> -> memref<1x80xi32, #tpu.memory_space<vmem>>
      %dma_start3A_626 = tpu.memref_squeeze %dma_start3A_625 : memref<1x80xi32, #tpu.memory_space<vmem>> -> memref<80xi32, #tpu.memory_space<vmem>>
      %dma_start3A_627 = arith.constant 0 : i32
      %dma_start3A_628 = tpu.memref_slice %arg4[%add3A, %add3A_610, %dma_start3A_622, %dma_start3A_627] : memref<32x125x1x80xi32, #tpu.memory_space<hbm>> -> memref<1x1x1x80xi32, #tpu.memory_space<hbm>>
      %dma_start3A_629 = tpu.memref_squeeze %dma_start3A_628 : memref<1x1x1x80xi32, #tpu.memory_space<hbm>> -> memref<80xi32, #tpu.memory_space<hbm>>
      %dma_start3A_630 = arith.constant 0 : i32
      %dma_start3A_631 = tpu.memref_slice %arg7[%dma_start3A_623, %dma_start3A_630] : memref<64x80xi32, #tpu.memory_space<vmem>> -> memref<1x80xi32, #tpu.memory_space<vmem>>
      %dma_start3A_632 = tpu.memref_squeeze %dma_start3A_631 : memref<1x80xi32, #tpu.memory_space<vmem>> -> memref<80xi32, #tpu.memory_space<vmem>>
      %dma_start3A_633 = arith.constant 0 : i32
      %dma_start3A_634 = tpu.memref_slice %arg4[%add3A, %add3A_610, %dma_start3A_622, %dma_start3A_633] : memref<32x125x1x80xi32, #tpu.memory_space<hbm>> -> memref<1x1x1x80xi32, #tpu.memory_space<hbm>>
      %dma_start3A_635 = tpu.memref_squeeze %dma_start3A_634 : memref<1x1x1x80xi32, #tpu.memory_space<hbm>> -> memref<80xi32, #tpu.memory_space<hbm>>
      tpu.enqueue_dma source(%dma_start3A_635 : memref<80xi32, #tpu.memory_space<hbm>>) target(%dma_start3A_632 : memref<80xi32, #tpu.memory_space<vmem>>) target_semaphore(%arg20 : memref<!tpu.dma_semaphore, #tpu.memory_space<semaphore_mem>>)
      %add3A_636 = arith.constant 2 : i32
      %add3A_637 = arith.addi %add3A_589, %add3A_636 : i32
      %dma_wait3A_638 = arith.constant 0 : i32
      %dma_wait3A_639 = arith.constant 480 : i32
      %dma_wait3A_640 = tpu.memref_slice %arg6[%dma_wait3A_639] : memref<640xi32, #tpu.memory_space<vmem>> -> memref<80xi32, #tpu.memory_space<vmem>>
      %dma_wait3A_641 = arith.constant 0 : i32
      %dma_wait3A_642 = tpu.memref_slice %arg3[%add3A, %add3A_637, %dma_wait3A_638, %dma_wait3A_641] : memref<32x125x1x80xi32, #tpu.memory_space<hbm>> -> memref<1x1x1x80xi32, #tpu.memory_space<hbm>>
      %dma_wait3A_643 = tpu.memref_squeeze %dma_wait3A_642 : memref<1x1x1x80xi32, #tpu.memory_space<hbm>> -> memref<80xi32, #tpu.memory_space<hbm>>
      %dma_wait3A_644 = arith.constant 480 : i32
      %dma_wait3A_645 = tpu.memref_slice %arg6[%dma_wait3A_644] : memref<640xi32, #tpu.memory_space<vmem>> -> memref<80xi32, #tpu.memory_space<vmem>>
      %dma_wait3A_646 = arith.constant 0 : i32
      %dma_wait3A_647 = tpu.memref_slice %arg3[%add3A, %add3A_637, %dma_wait3A_638, %dma_wait3A_646] : memref<32x125x1x80xi32, #tpu.memory_space<hbm>> -> memref<1x1x1x80xi32, #tpu.memory_space<hbm>>
      %dma_wait3A_648 = tpu.memref_squeeze %dma_wait3A_647 : memref<1x1x1x80xi32, #tpu.memory_space<hbm>> -> memref<80xi32, #tpu.memory_space<hbm>>
      tpu.wait_dma2 semaphore(%arg19 : memref<!tpu.dma_semaphore, #tpu.memory_space<semaphore_mem>>) src(%dma_wait3A_648 : memref<80xi32, #tpu.memory_space<hbm>>) dst(%dma_wait3A_645 : memref<80xi32, #tpu.memory_space<vmem>>)
      %dma_wait3A_649 = arith.constant 0 : i32
      %dma_wait3A_650 = arith.constant 48 : i32
      %dma_wait3A_651 = arith.constant 0 : i32
      %dma_wait3A_652 = tpu.memref_slice %arg7[%dma_wait3A_650, %dma_wait3A_651] : memref<64x80xi32, #tpu.memory_space<vmem>> -> memref<1x80xi32, #tpu.memory_space<vmem>>
      %dma_wait3A_653 = tpu.memref_squeeze %dma_wait3A_652 : memref<1x80xi32, #tpu.memory_space<vmem>> -> memref<80xi32, #tpu.memory_space<vmem>>
      %dma_wait3A_654 = arith.constant 0 : i32
      %dma_wait3A_655 = tpu.memref_slice %arg4[%add3A, %add3A_637, %dma_wait3A_649, %dma_wait3A_654] : memref<32x125x1x80xi32, #tpu.memory_space<hbm>> -> memref<1x1x1x80xi32, #tpu.memory_space<hbm>>
      %dma_wait3A_656 = tpu.memref_squeeze %dma_wait3A_655 : memref<1x1x1x80xi32, #tpu.memory_space<hbm>> -> memref<80xi32, #tpu.memory_space<hbm>>
      %dma_wait3A_657 = arith.constant 0 : i32
      %dma_wait3A_658 = tpu.memref_slice %arg7[%dma_wait3A_650, %dma_wait3A_657] : memref<64x80xi32, #tpu.memory_space<vmem>> -> memref<1x80xi32, #tpu.memory_space<vmem>>
      %dma_wait3A_659 = tpu.memref_squeeze %dma_wait3A_658 : memref<1x80xi32, #tpu.memory_space<vmem>> -> memref<80xi32, #tpu.memory_space<vmem>>
      %dma_wait3A_660 = arith.constant 0 : i32
      %dma_wait3A_661 = tpu.memref_slice %arg4[%add3A, %add3A_637, %dma_wait3A_649, %dma_wait3A_660] : memref<32x125x1x80xi32, #tpu.memory_space<hbm>> -> memref<1x1x1x80xi32, #tpu.memory_space<hbm>>
      %dma_wait3A_662 = tpu.memref_squeeze %dma_wait3A_661 : memref<1x1x1x80xi32, #tpu.memory_space<hbm>> -> memref<80xi32, #tpu.memory_space<hbm>>
      tpu.wait_dma2 semaphore(%arg19 : memref<!tpu.dma_semaphore, #tpu.memory_space<semaphore_mem>>) src(%dma_wait3A_662 : memref<80xi32, #tpu.memory_space<hbm>>) dst(%dma_wait3A_659 : memref<80xi32, #tpu.memory_space<vmem>>)
      %dma_start3A_663 = arith.constant 480 : i32
      %dma_start3A_664 = tpu.memref_slice %arg6[%dma_start3A_663] : memref<640xi32, #tpu.memory_space<vmem>> -> memref<80xi32, #tpu.memory_space<vmem>>
      %dma_start3A_665 = arith.constant 0 : i32
      %dma_start3A_666 = arith.constant 0 : i32
      %dma_start3A_667 = tpu.memref_slice %arg2[%dma_start3A_665, %dma_start3A_666] : memref<10000x128xf32, #tpu.memory_space<hbm>> -> memref<10000x128xf32, #tpu.memory_space<hbm>>
      tpu.enqueue_indirect_dma source(%dma_start3A_667 : memref<10000x128xf32, #tpu.memory_space<hbm>>) target(%arg10 : memref<80x128xf32, #tpu.memory_space<vmem>>) offsets(%dma_start3A_664 : memref<80xi32, #tpu.memory_space<vmem>>) semaphore(%arg23 : memref<!tpu.dma_semaphore, #tpu.memory_space<semaphore_mem>>)
      %add3A_668 = arith.constant 3 : i32
      %add3A_669 = arith.addi %add3A_427, %add3A_668 : i32
      %dma_wait3A_670 = arith.constant 400 : i32
      %dma_wait3A_671 = tpu.memref_slice %arg6[%dma_wait3A_670] : memref<640xi32, #tpu.memory_space<vmem>> -> memref<80xi32, #tpu.memory_space<vmem>>
      %dma_wait3A_672 = arith.constant 0 : i32
      %dma_wait3A_673 = arith.constant 0 : i32
      %dma_wait3A_674 = tpu.memref_slice %arg2[%dma_wait3A_672, %dma_wait3A_673] : memref<10000x128xf32, #tpu.memory_space<hbm>> -> memref<10000x128xf32, #tpu.memory_space<hbm>>
      tpu.wait_indirect_dma semaphore(%arg22 : memref<!tpu.dma_semaphore, #tpu.memory_space<semaphore_mem>>) src(%dma_wait3A_674 : memref<10000x128xf32, #tpu.memory_space<hbm>>) dst(%arg9 : memref<80x128xf32, #tpu.memory_space<vmem>>)
      %dma_start3A_675 = arith.constant 40 : i32
      %dma_start3A_676 = arith.constant 0 : i32
      %dma_start3A_677 = tpu.memref_slice %arg7[%dma_start3A_675, %dma_start3A_676] : memref<64x80xi32, #tpu.memory_space<vmem>> -> memref<1x80xi32, #tpu.memory_space<vmem>>
      %dma_start3A_678 = tpu.memref_squeeze %dma_start3A_677 : memref<1x80xi32, #tpu.memory_space<vmem>> -> memref<80xi32, #tpu.memory_space<vmem>>
      %dma_start3A_679 = arith.constant 0 : i32
      %dma_start3A_680 = arith.constant 0 : i32
      %dma_start3A_681 = tpu.memref_slice %arg12[%dma_start3A_679, %dma_start3A_680] : memref<10000x128xf32, #tpu.memory_space<vmem_shared>> -> memref<10000x128xf32, #tpu.memory_space<vmem_shared>>
      tpu.enqueue_indirect_dma source(%arg9 : memref<80x128xf32, #tpu.memory_space<vmem>>) target(%dma_start3A_681 : memref<10000x128xf32, #tpu.memory_space<vmem_shared>>) offsets(%dma_start3A_678 : memref<80xi32, #tpu.memory_space<vmem>>) semaphore(%arg26 : memref<!tpu.dma_semaphore, #tpu.memory_space<semaphore_mem>>) {add = true}
      %dma_wait3A_682 = arith.constant 24 : i32
      %dma_wait3A_683 = arith.constant 0 : i32
      %dma_wait3A_684 = tpu.memref_slice %arg7[%dma_wait3A_682, %dma_wait3A_683] : memref<64x80xi32, #tpu.memory_space<vmem>> -> memref<1x80xi32, #tpu.memory_space<vmem>>
      %dma_wait3A_685 = tpu.memref_squeeze %dma_wait3A_684 : memref<1x80xi32, #tpu.memory_space<vmem>> -> memref<80xi32, #tpu.memory_space<vmem>>
      %dma_wait3A_686 = arith.constant 0 : i32
      %dma_wait3A_687 = arith.constant 0 : i32
      %dma_wait3A_688 = tpu.memref_slice %arg12[%dma_wait3A_686, %dma_wait3A_687] : memref<10000x128xf32, #tpu.memory_space<vmem_shared>> -> memref<10000x128xf32, #tpu.memory_space<vmem_shared>>
      tpu.wait_indirect_dma semaphore(%arg28 : memref<!tpu.dma_semaphore, #tpu.memory_space<semaphore_mem>>) src(%arg11 : memref<80x128xf32, #tpu.memory_space<vmem>>) dst(%dma_wait3A_688 : memref<10000x128xf32, #tpu.memory_space<vmem_shared>>)
      %add3A_689 = arith.constant 3 : i32
      %add3A_690 = arith.addi %add3A_669, %add3A_689 : i32
      %dma_start3A_691 = arith.constant 0 : i32
      %dma_start3A_692 = arith.constant 0 : i32
      %dma_start3A_693 = tpu.memref_slice %arg6[%dma_start3A_692] : memref<640xi32, #tpu.memory_space<vmem>> -> memref<80xi32, #tpu.memory_space<vmem>>
      %dma_start3A_694 = arith.constant 0 : i32
      %dma_start3A_695 = tpu.memref_slice %arg3[%add3A, %add3A_690, %dma_start3A_691, %dma_start3A_694] : memref<32x125x1x80xi32, #tpu.memory_space<hbm>> -> memref<1x1x1x80xi32, #tpu.memory_space<hbm>>
      %dma_start3A_696 = tpu.memref_squeeze %dma_start3A_695 : memref<1x1x1x80xi32, #tpu.memory_space<hbm>> -> memref<80xi32, #tpu.memory_space<hbm>>
      %dma_start3A_697 = arith.constant 0 : i32
      %dma_start3A_698 = tpu.memref_slice %arg6[%dma_start3A_697] : memref<640xi32, #tpu.memory_space<vmem>> -> memref<80xi32, #tpu.memory_space<vmem>>
      %dma_start3A_699 = arith.constant 0 : i32
      %dma_start3A_700 = tpu.memref_slice %arg3[%add3A, %add3A_690, %dma_start3A_691, %dma_start3A_699] : memref<32x125x1x80xi32, #tpu.memory_space<hbm>> -> memref<1x1x1x80xi32, #tpu.memory_space<hbm>>
      %dma_start3A_701 = tpu.memref_squeeze %dma_start3A_700 : memref<1x1x1x80xi32, #tpu.memory_space<hbm>> -> memref<80xi32, #tpu.memory_space<hbm>>
      tpu.enqueue_dma source(%dma_start3A_701 : memref<80xi32, #tpu.memory_space<hbm>>) target(%dma_start3A_698 : memref<80xi32, #tpu.memory_space<vmem>>) target_semaphore(%arg13 : memref<!tpu.dma_semaphore, #tpu.memory_space<semaphore_mem>>)
      %dma_start3A_702 = arith.constant 0 : i32
      %dma_start3A_703 = arith.constant 0 : i32
      %dma_start3A_704 = arith.constant 0 : i32
      %dma_start3A_705 = tpu.memref_slice %arg7[%dma_start3A_703, %dma_start3A_704] : memref<64x80xi32, #tpu.memory_space<vmem>> -> memref<1x80xi32, #tpu.memory_space<vmem>>
      %dma_start3A_706 = tpu.memref_squeeze %dma_start3A_705 : memref<1x80xi32, #tpu.memory_space<vmem>> -> memref<80xi32, #tpu.memory_space<vmem>>
      %dma_start3A_707 = arith.constant 0 : i32
      %dma_start3A_708 = tpu.memref_slice %arg4[%add3A, %add3A_690, %dma_start3A_702, %dma_start3A_707] : memref<32x125x1x80xi32, #tpu.memory_space<hbm>> -> memref<1x1x1x80xi32, #tpu.memory_space<hbm>>
      %dma_start3A_709 = tpu.memref_squeeze %dma_start3A_708 : memref<1x1x1x80xi32, #tpu.memory_space<hbm>> -> memref<80xi32, #tpu.memory_space<hbm>>
      %dma_start3A_710 = arith.constant 0 : i32
      %dma_start3A_711 = tpu.memref_slice %arg7[%dma_start3A_703, %dma_start3A_710] : memref<64x80xi32, #tpu.memory_space<vmem>> -> memref<1x80xi32, #tpu.memory_space<vmem>>
      %dma_start3A_712 = tpu.memref_squeeze %dma_start3A_711 : memref<1x80xi32, #tpu.memory_space<vmem>> -> memref<80xi32, #tpu.memory_space<vmem>>
      %dma_start3A_713 = arith.constant 0 : i32
      %dma_start3A_714 = tpu.memref_slice %arg4[%add3A, %add3A_690, %dma_start3A_702, %dma_start3A_713] : memref<32x125x1x80xi32, #tpu.memory_space<hbm>> -> memref<1x1x1x80xi32, #tpu.memory_space<hbm>>
      %dma_start3A_715 = tpu.memref_squeeze %dma_start3A_714 : memref<1x1x1x80xi32, #tpu.memory_space<hbm>> -> memref<80xi32, #tpu.memory_space<hbm>>
      tpu.enqueue_dma source(%dma_start3A_715 : memref<80xi32, #tpu.memory_space<hbm>>) target(%dma_start3A_712 : memref<80xi32, #tpu.memory_space<vmem>>) target_semaphore(%arg13 : memref<!tpu.dma_semaphore, #tpu.memory_space<semaphore_mem>>)
      %add3A_716 = arith.constant 2 : i32
      %add3A_717 = arith.addi %add3A_669, %add3A_716 : i32
      %dma_wait3A_718 = arith.constant 0 : i32
      %dma_wait3A_719 = arith.constant 560 : i32
      %dma_wait3A_720 = tpu.memref_slice %arg6[%dma_wait3A_719] : memref<640xi32, #tpu.memory_space<vmem>> -> memref<80xi32, #tpu.memory_space<vmem>>
      %dma_wait3A_721 = arith.constant 0 : i32
      %dma_wait3A_722 = tpu.memref_slice %arg3[%add3A, %add3A_717, %dma_wait3A_718, %dma_wait3A_721] : memref<32x125x1x80xi32, #tpu.memory_space<hbm>> -> memref<1x1x1x80xi32, #tpu.memory_space<hbm>>
      %dma_wait3A_723 = tpu.memref_squeeze %dma_wait3A_722 : memref<1x1x1x80xi32, #tpu.memory_space<hbm>> -> memref<80xi32, #tpu.memory_space<hbm>>
      %dma_wait3A_724 = arith.constant 560 : i32
      %dma_wait3A_725 = tpu.memref_slice %arg6[%dma_wait3A_724] : memref<640xi32, #tpu.memory_space<vmem>> -> memref<80xi32, #tpu.memory_space<vmem>>
      %dma_wait3A_726 = arith.constant 0 : i32
      %dma_wait3A_727 = tpu.memref_slice %arg3[%add3A, %add3A_717, %dma_wait3A_718, %dma_wait3A_726] : memref<32x125x1x80xi32, #tpu.memory_space<hbm>> -> memref<1x1x1x80xi32, #tpu.memory_space<hbm>>
      %dma_wait3A_728 = tpu.memref_squeeze %dma_wait3A_727 : memref<1x1x1x80xi32, #tpu.memory_space<hbm>> -> memref<80xi32, #tpu.memory_space<hbm>>
      tpu.wait_dma2 semaphore(%arg20 : memref<!tpu.dma_semaphore, #tpu.memory_space<semaphore_mem>>) src(%dma_wait3A_728 : memref<80xi32, #tpu.memory_space<hbm>>) dst(%dma_wait3A_725 : memref<80xi32, #tpu.memory_space<vmem>>)
      %dma_wait3A_729 = arith.constant 0 : i32
      %dma_wait3A_730 = arith.constant 56 : i32
      %dma_wait3A_731 = arith.constant 0 : i32
      %dma_wait3A_732 = tpu.memref_slice %arg7[%dma_wait3A_730, %dma_wait3A_731] : memref<64x80xi32, #tpu.memory_space<vmem>> -> memref<1x80xi32, #tpu.memory_space<vmem>>
      %dma_wait3A_733 = tpu.memref_squeeze %dma_wait3A_732 : memref<1x80xi32, #tpu.memory_space<vmem>> -> memref<80xi32, #tpu.memory_space<vmem>>
      %dma_wait3A_734 = arith.constant 0 : i32
      %dma_wait3A_735 = tpu.memref_slice %arg4[%add3A, %add3A_717, %dma_wait3A_729, %dma_wait3A_734] : memref<32x125x1x80xi32, #tpu.memory_space<hbm>> -> memref<1x1x1x80xi32, #tpu.memory_space<hbm>>
      %dma_wait3A_736 = tpu.memref_squeeze %dma_wait3A_735 : memref<1x1x1x80xi32, #tpu.memory_space<hbm>> -> memref<80xi32, #tpu.memory_space<hbm>>
      %dma_wait3A_737 = arith.constant 0 : i32
      %dma_wait3A_738 = tpu.memref_slice %arg7[%dma_wait3A_730, %dma_wait3A_737] : memref<64x80xi32, #tpu.memory_space<vmem>> -> memref<1x80xi32, #tpu.memory_space<vmem>>
      %dma_wait3A_739 = tpu.memref_squeeze %dma_wait3A_738 : memref<1x80xi32, #tpu.memory_space<vmem>> -> memref<80xi32, #tpu.memory_space<vmem>>
      %dma_wait3A_740 = arith.constant 0 : i32
      %dma_wait3A_741 = tpu.memref_slice %arg4[%add3A, %add3A_717, %dma_wait3A_729, %dma_wait3A_740] : memref<32x125x1x80xi32, #tpu.memory_space<hbm>> -> memref<1x1x1x80xi32, #tpu.memory_space<hbm>>
      %dma_wait3A_742 = tpu.memref_squeeze %dma_wait3A_741 : memref<1x1x1x80xi32, #tpu.memory_space<hbm>> -> memref<80xi32, #tpu.memory_space<hbm>>
      tpu.wait_dma2 semaphore(%arg20 : memref<!tpu.dma_semaphore, #tpu.memory_space<semaphore_mem>>) src(%dma_wait3A_742 : memref<80xi32, #tpu.memory_space<hbm>>) dst(%dma_wait3A_739 : memref<80xi32, #tpu.memory_space<vmem>>)
      %dma_start3A_743 = arith.constant 560 : i32
      %dma_start3A_744 = tpu.memref_slice %arg6[%dma_start3A_743] : memref<640xi32, #tpu.memory_space<vmem>> -> memref<80xi32, #tpu.memory_space<vmem>>
      %dma_start3A_745 = arith.constant 0 : i32
      %dma_start3A_746 = arith.constant 0 : i32
      %dma_start3A_747 = tpu.memref_slice %arg2[%dma_start3A_745, %dma_start3A_746] : memref<10000x128xf32, #tpu.memory_space<hbm>> -> memref<10000x128xf32, #tpu.memory_space<hbm>>
      tpu.enqueue_indirect_dma source(%dma_start3A_747 : memref<10000x128xf32, #tpu.memory_space<hbm>>) target(%arg11 : memref<80x128xf32, #tpu.memory_space<vmem>>) offsets(%dma_start3A_744 : memref<80xi32, #tpu.memory_space<vmem>>) semaphore(%arg24 : memref<!tpu.dma_semaphore, #tpu.memory_space<semaphore_mem>>)
      %add3A_748 = arith.constant 4 : i32
      %add3A_749 = arith.addi %add3A_427, %add3A_748 : i32
      %dma_wait3A_750 = arith.constant 480 : i32
      %dma_wait3A_751 = tpu.memref_slice %arg6[%dma_wait3A_750] : memref<640xi32, #tpu.memory_space<vmem>> -> memref<80xi32, #tpu.memory_space<vmem>>
      %dma_wait3A_752 = arith.constant 0 : i32
      %dma_wait3A_753 = arith.constant 0 : i32
      %dma_wait3A_754 = tpu.memref_slice %arg2[%dma_wait3A_752, %dma_wait3A_753] : memref<10000x128xf32, #tpu.memory_space<hbm>> -> memref<10000x128xf32, #tpu.memory_space<hbm>>
      tpu.wait_indirect_dma semaphore(%arg23 : memref<!tpu.dma_semaphore, #tpu.memory_space<semaphore_mem>>) src(%dma_wait3A_754 : memref<10000x128xf32, #tpu.memory_space<hbm>>) dst(%arg10 : memref<80x128xf32, #tpu.memory_space<vmem>>)
      %dma_start3A_755 = arith.constant 48 : i32
      %dma_start3A_756 = arith.constant 0 : i32
      %dma_start3A_757 = tpu.memref_slice %arg7[%dma_start3A_755, %dma_start3A_756] : memref<64x80xi32, #tpu.memory_space<vmem>> -> memref<1x80xi32, #tpu.memory_space<vmem>>
      %dma_start3A_758 = tpu.memref_squeeze %dma_start3A_757 : memref<1x80xi32, #tpu.memory_space<vmem>> -> memref<80xi32, #tpu.memory_space<vmem>>
      %dma_start3A_759 = arith.constant 0 : i32
      %dma_start3A_760 = arith.constant 0 : i32
      %dma_start3A_761 = tpu.memref_slice %arg12[%dma_start3A_759, %dma_start3A_760] : memref<10000x128xf32, #tpu.memory_space<vmem_shared>> -> memref<10000x128xf32, #tpu.memory_space<vmem_shared>>
      tpu.enqueue_indirect_dma source(%arg10 : memref<80x128xf32, #tpu.memory_space<vmem>>) target(%dma_start3A_761 : memref<10000x128xf32, #tpu.memory_space<vmem_shared>>) offsets(%dma_start3A_758 : memref<80xi32, #tpu.memory_space<vmem>>) semaphore(%arg27 : memref<!tpu.dma_semaphore, #tpu.memory_space<semaphore_mem>>) {add = true}
      %dma_wait3A_762 = arith.constant 32 : i32
      %dma_wait3A_763 = arith.constant 0 : i32
      %dma_wait3A_764 = tpu.memref_slice %arg7[%dma_wait3A_762, %dma_wait3A_763] : memref<64x80xi32, #tpu.memory_space<vmem>> -> memref<1x80xi32, #tpu.memory_space<vmem>>
      %dma_wait3A_765 = tpu.memref_squeeze %dma_wait3A_764 : memref<1x80xi32, #tpu.memory_space<vmem>> -> memref<80xi32, #tpu.memory_space<vmem>>
      %dma_wait3A_766 = arith.constant 0 : i32
      %dma_wait3A_767 = arith.constant 0 : i32
      %dma_wait3A_768 = tpu.memref_slice %arg12[%dma_wait3A_766, %dma_wait3A_767] : memref<10000x128xf32, #tpu.memory_space<vmem_shared>> -> memref<10000x128xf32, #tpu.memory_space<vmem_shared>>
      tpu.wait_indirect_dma semaphore(%arg25 : memref<!tpu.dma_semaphore, #tpu.memory_space<semaphore_mem>>) src(%arg8 : memref<80x128xf32, #tpu.memory_space<vmem>>) dst(%dma_wait3A_768 : memref<10000x128xf32, #tpu.memory_space<vmem_shared>>)
      %add3A_769 = arith.constant 3 : i32
      %add3A_770 = arith.addi %add3A_749, %add3A_769 : i32
      %dma_start3A_771 = arith.constant 0 : i32
      %dma_start3A_772 = arith.constant 80 : i32
      %dma_start3A_773 = tpu.memref_slice %arg6[%dma_start3A_772] : memref<640xi32, #tpu.memory_space<vmem>> -> memref<80xi32, #tpu.memory_space<vmem>>
      %dma_start3A_774 = arith.constant 0 : i32
      %dma_start3A_775 = tpu.memref_slice %arg3[%add3A, %add3A_770, %dma_start3A_771, %dma_start3A_774] : memref<32x125x1x80xi32, #tpu.memory_space<hbm>> -> memref<1x1x1x80xi32, #tpu.memory_space<hbm>>
      %dma_start3A_776 = tpu.memref_squeeze %dma_start3A_775 : memref<1x1x1x80xi32, #tpu.memory_space<hbm>> -> memref<80xi32, #tpu.memory_space<hbm>>
      %dma_start3A_777 = arith.constant 80 : i32
      %dma_start3A_778 = tpu.memref_slice %arg6[%dma_start3A_777] : memref<640xi32, #tpu.memory_space<vmem>> -> memref<80xi32, #tpu.memory_space<vmem>>
      %dma_start3A_779 = arith.constant 0 : i32
      %dma_start3A_780 = tpu.memref_slice %arg3[%add3A, %add3A_770, %dma_start3A_771, %dma_start3A_779] : memref<32x125x1x80xi32, #tpu.memory_space<hbm>> -> memref<1x1x1x80xi32, #tpu.memory_space<hbm>>
      %dma_start3A_781 = tpu.memref_squeeze %dma_start3A_780 : memref<1x1x1x80xi32, #tpu.memory_space<hbm>> -> memref<80xi32, #tpu.memory_space<hbm>>
      tpu.enqueue_dma source(%dma_start3A_781 : memref<80xi32, #tpu.memory_space<hbm>>) target(%dma_start3A_778 : memref<80xi32, #tpu.memory_space<vmem>>) target_semaphore(%arg14 : memref<!tpu.dma_semaphore, #tpu.memory_space<semaphore_mem>>)
      %dma_start3A_782 = arith.constant 0 : i32
      %dma_start3A_783 = arith.constant 8 : i32
      %dma_start3A_784 = arith.constant 0 : i32
      %dma_start3A_785 = tpu.memref_slice %arg7[%dma_start3A_783, %dma_start3A_784] : memref<64x80xi32, #tpu.memory_space<vmem>> -> memref<1x80xi32, #tpu.memory_space<vmem>>
      %dma_start3A_786 = tpu.memref_squeeze %dma_start3A_785 : memref<1x80xi32, #tpu.memory_space<vmem>> -> memref<80xi32, #tpu.memory_space<vmem>>
      %dma_start3A_787 = arith.constant 0 : i32
      %dma_start3A_788 = tpu.memref_slice %arg4[%add3A, %add3A_770, %dma_start3A_782, %dma_start3A_787] : memref<32x125x1x80xi32, #tpu.memory_space<hbm>> -> memref<1x1x1x80xi32, #tpu.memory_space<hbm>>
      %dma_start3A_789 = tpu.memref_squeeze %dma_start3A_788 : memref<1x1x1x80xi32, #tpu.memory_space<hbm>> -> memref<80xi32, #tpu.memory_space<hbm>>
      %dma_start3A_790 = arith.constant 0 : i32
      %dma_start3A_791 = tpu.memref_slice %arg7[%dma_start3A_783, %dma_start3A_790] : memref<64x80xi32, #tpu.memory_space<vmem>> -> memref<1x80xi32, #tpu.memory_space<vmem>>
      %dma_start3A_792 = tpu.memref_squeeze %dma_start3A_791 : memref<1x80xi32, #tpu.memory_space<vmem>> -> memref<80xi32, #tpu.memory_space<vmem>>
      %dma_start3A_793 = arith.constant 0 : i32
      %dma_start3A_794 = tpu.memref_slice %arg4[%add3A, %add3A_770, %dma_start3A_782, %dma_start3A_793] : memref<32x125x1x80xi32, #tpu.memory_space<hbm>> -> memref<1x1x1x80xi32, #tpu.memory_space<hbm>>
      %dma_start3A_795 = tpu.memref_squeeze %dma_start3A_794 : memref<1x1x1x80xi32, #tpu.memory_space<hbm>> -> memref<80xi32, #tpu.memory_space<hbm>>
      tpu.enqueue_dma source(%dma_start3A_795 : memref<80xi32, #tpu.memory_space<hbm>>) target(%dma_start3A_792 : memref<80xi32, #tpu.memory_space<vmem>>) target_semaphore(%arg14 : memref<!tpu.dma_semaphore, #tpu.memory_space<semaphore_mem>>)
      %add3A_796 = arith.constant 2 : i32
      %add3A_797 = arith.addi %add3A_749, %add3A_796 : i32
      %dma_wait3A_798 = arith.constant 0 : i32
      %dma_wait3A_799 = arith.constant 0 : i32
      %dma_wait3A_800 = tpu.memref_slice %arg6[%dma_wait3A_799] : memref<640xi32, #tpu.memory_space<vmem>> -> memref<80xi32, #tpu.memory_space<vmem>>
      %dma_wait3A_801 = arith.constant 0 : i32
      %dma_wait3A_802 = tpu.memref_slice %arg3[%add3A, %add3A_797, %dma_wait3A_798, %dma_wait3A_801] : memref<32x125x1x80xi32, #tpu.memory_space<hbm>> -> memref<1x1x1x80xi32, #tpu.memory_space<hbm>>
      %dma_wait3A_803 = tpu.memref_squeeze %dma_wait3A_802 : memref<1x1x1x80xi32, #tpu.memory_space<hbm>> -> memref<80xi32, #tpu.memory_space<hbm>>
      %dma_wait3A_804 = arith.constant 0 : i32
      %dma_wait3A_805 = tpu.memref_slice %arg6[%dma_wait3A_804] : memref<640xi32, #tpu.memory_space<vmem>> -> memref<80xi32, #tpu.memory_space<vmem>>
      %dma_wait3A_806 = arith.constant 0 : i32
      %dma_wait3A_807 = tpu.memref_slice %arg3[%add3A, %add3A_797, %dma_wait3A_798, %dma_wait3A_806] : memref<32x125x1x80xi32, #tpu.memory_space<hbm>> -> memref<1x1x1x80xi32, #tpu.memory_space<hbm>>
      %dma_wait3A_808 = tpu.memref_squeeze %dma_wait3A_807 : memref<1x1x1x80xi32, #tpu.memory_space<hbm>> -> memref<80xi32, #tpu.memory_space<hbm>>
      tpu.wait_dma2 semaphore(%arg13 : memref<!tpu.dma_semaphore, #tpu.memory_space<semaphore_mem>>) src(%dma_wait3A_808 : memref<80xi32, #tpu.memory_space<hbm>>) dst(%dma_wait3A_805 : memref<80xi32, #tpu.memory_space<vmem>>)
      %dma_wait3A_809 = arith.constant 0 : i32
      %dma_wait3A_810 = arith.constant 0 : i32
      %dma_wait3A_811 = arith.constant 0 : i32
      %dma_wait3A_812 = tpu.memref_slice %arg7[%dma_wait3A_810, %dma_wait3A_811] : memref<64x80xi32, #tpu.memory_space<vmem>> -> memref<1x80xi32, #tpu.memory_space<vmem>>
      %dma_wait3A_813 = tpu.memref_squeeze %dma_wait3A_812 : memref<1x80xi32, #tpu.memory_space<vmem>> -> memref<80xi32, #tpu.memory_space<vmem>>
      %dma_wait3A_814 = arith.constant 0 : i32
      %dma_wait3A_815 = tpu.memref_slice %arg4[%add3A, %add3A_797, %dma_wait3A_809, %dma_wait3A_814] : memref<32x125x1x80xi32, #tpu.memory_space<hbm>> -> memref<1x1x1x80xi32, #tpu.memory_space<hbm>>
      %dma_wait3A_816 = tpu.memref_squeeze %dma_wait3A_815 : memref<1x1x1x80xi32, #tpu.memory_space<hbm>> -> memref<80xi32, #tpu.memory_space<hbm>>
      %dma_wait3A_817 = arith.constant 0 : i32
      %dma_wait3A_818 = tpu.memref_slice %arg7[%dma_wait3A_810, %dma_wait3A_817] : memref<64x80xi32, #tpu.memory_space<vmem>> -> memref<1x80xi32, #tpu.memory_space<vmem>>
      %dma_wait3A_819 = tpu.memref_squeeze %dma_wait3A_818 : memref<1x80xi32, #tpu.memory_space<vmem>> -> memref<80xi32, #tpu.memory_space<vmem>>
      %dma_wait3A_820 = arith.constant 0 : i32
      %dma_wait3A_821 = tpu.memref_slice %arg4[%add3A, %add3A_797, %dma_wait3A_809, %dma_wait3A_820] : memref<32x125x1x80xi32, #tpu.memory_space<hbm>> -> memref<1x1x1x80xi32, #tpu.memory_space<hbm>>
      %dma_wait3A_822 = tpu.memref_squeeze %dma_wait3A_821 : memref<1x1x1x80xi32, #tpu.memory_space<hbm>> -> memref<80xi32, #tpu.memory_space<hbm>>
      tpu.wait_dma2 semaphore(%arg13 : memref<!tpu.dma_semaphore, #tpu.memory_space<semaphore_mem>>) src(%dma_wait3A_822 : memref<80xi32, #tpu.memory_space<hbm>>) dst(%dma_wait3A_819 : memref<80xi32, #tpu.memory_space<vmem>>)
      %dma_start3A_823 = arith.constant 0 : i32
      %dma_start3A_824 = tpu.memref_slice %arg6[%dma_start3A_823] : memref<640xi32, #tpu.memory_space<vmem>> -> memref<80xi32, #tpu.memory_space<vmem>>
      %dma_start3A_825 = arith.constant 0 : i32
      %dma_start3A_826 = arith.constant 0 : i32
      %dma_start3A_827 = tpu.memref_slice %arg2[%dma_start3A_825, %dma_start3A_826] : memref<10000x128xf32, #tpu.memory_space<hbm>> -> memref<10000x128xf32, #tpu.memory_space<hbm>>
      tpu.enqueue_indirect_dma source(%dma_start3A_827 : memref<10000x128xf32, #tpu.memory_space<hbm>>) target(%arg8 : memref<80x128xf32, #tpu.memory_space<vmem>>) offsets(%dma_start3A_824 : memref<80xi32, #tpu.memory_space<vmem>>) semaphore(%arg21 : memref<!tpu.dma_semaphore, #tpu.memory_space<semaphore_mem>>)
      %add3A_828 = arith.constant 5 : i32
      %add3A_829 = arith.addi %add3A_427, %add3A_828 : i32
      %dma_wait3A_830 = arith.constant 560 : i32
      %dma_wait3A_831 = tpu.memref_slice %arg6[%dma_wait3A_830] : memref<640xi32, #tpu.memory_space<vmem>> -> memref<80xi32, #tpu.memory_space<vmem>>
      %dma_wait3A_832 = arith.constant 0 : i32
      %dma_wait3A_833 = arith.constant 0 : i32
      %dma_wait3A_834 = tpu.memref_slice %arg2[%dma_wait3A_832, %dma_wait3A_833] : memref<10000x128xf32, #tpu.memory_space<hbm>> -> memref<10000x128xf32, #tpu.memory_space<hbm>>
      tpu.wait_indirect_dma semaphore(%arg24 : memref<!tpu.dma_semaphore, #tpu.memory_space<semaphore_mem>>) src(%dma_wait3A_834 : memref<10000x128xf32, #tpu.memory_space<hbm>>) dst(%arg11 : memref<80x128xf32, #tpu.memory_space<vmem>>)
      %dma_start3A_835 = arith.constant 56 : i32
      %dma_start3A_836 = arith.constant 0 : i32
      %dma_start3A_837 = tpu.memref_slice %arg7[%dma_start3A_835, %dma_start3A_836] : memref<64x80xi32, #tpu.memory_space<vmem>> -> memref<1x80xi32, #tpu.memory_space<vmem>>
      %dma_start3A_838 = tpu.memref_squeeze %dma_start3A_837 : memref<1x80xi32, #tpu.memory_space<vmem>> -> memref<80xi32, #tpu.memory_space<vmem>>
      %dma_start3A_839 = arith.constant 0 : i32
      %dma_start3A_840 = arith.constant 0 : i32
      %dma_start3A_841 = tpu.memref_slice %arg12[%dma_start3A_839, %dma_start3A_840] : memref<10000x128xf32, #tpu.memory_space<vmem_shared>> -> memref<10000x128xf32, #tpu.memory_space<vmem_shared>>
      tpu.enqueue_indirect_dma source(%arg11 : memref<80x128xf32, #tpu.memory_space<vmem>>) target(%dma_start3A_841 : memref<10000x128xf32, #tpu.memory_space<vmem_shared>>) offsets(%dma_start3A_838 : memref<80xi32, #tpu.memory_space<vmem>>) semaphore(%arg28 : memref<!tpu.dma_semaphore, #tpu.memory_space<semaphore_mem>>) {add = true}
      %dma_wait3A_842 = arith.constant 40 : i32
      %dma_wait3A_843 = arith.constant 0 : i32
      %dma_wait3A_844 = tpu.memref_slice %arg7[%dma_wait3A_842, %dma_wait3A_843] : memref<64x80xi32, #tpu.memory_space<vmem>> -> memref<1x80xi32, #tpu.memory_space<vmem>>
      %dma_wait3A_845 = tpu.memref_squeeze %dma_wait3A_844 : memref<1x80xi32, #tpu.memory_space<vmem>> -> memref<80xi32, #tpu.memory_space<vmem>>
      %dma_wait3A_846 = arith.constant 0 : i32
      %dma_wait3A_847 = arith.constant 0 : i32
      %dma_wait3A_848 = tpu.memref_slice %arg12[%dma_wait3A_846, %dma_wait3A_847] : memref<10000x128xf32, #tpu.memory_space<vmem_shared>> -> memref<10000x128xf32, #tpu.memory_space<vmem_shared>>
      tpu.wait_indirect_dma semaphore(%arg26 : memref<!tpu.dma_semaphore, #tpu.memory_space<semaphore_mem>>) src(%arg9 : memref<80x128xf32, #tpu.memory_space<vmem>>) dst(%dma_wait3A_848 : memref<10000x128xf32, #tpu.memory_space<vmem_shared>>)
      %add3A_849 = arith.constant 3 : i32
      %add3A_850 = arith.addi %add3A_829, %add3A_849 : i32
      %dma_start3A_851 = arith.constant 0 : i32
      %dma_start3A_852 = arith.constant 160 : i32
      %dma_start3A_853 = tpu.memref_slice %arg6[%dma_start3A_852] : memref<640xi32, #tpu.memory_space<vmem>> -> memref<80xi32, #tpu.memory_space<vmem>>
      %dma_start3A_854 = arith.constant 0 : i32
      %dma_start3A_855 = tpu.memref_slice %arg3[%add3A, %add3A_850, %dma_start3A_851, %dma_start3A_854] : memref<32x125x1x80xi32, #tpu.memory_space<hbm>> -> memref<1x1x1x80xi32, #tpu.memory_space<hbm>>
      %dma_start3A_856 = tpu.memref_squeeze %dma_start3A_855 : memref<1x1x1x80xi32, #tpu.memory_space<hbm>> -> memref<80xi32, #tpu.memory_space<hbm>>
      %dma_start3A_857 = arith.constant 160 : i32
      %dma_start3A_858 = tpu.memref_slice %arg6[%dma_start3A_857] : memref<640xi32, #tpu.memory_space<vmem>> -> memref<80xi32, #tpu.memory_space<vmem>>
      %dma_start3A_859 = arith.constant 0 : i32
      %dma_start3A_860 = tpu.memref_slice %arg3[%add3A, %add3A_850, %dma_start3A_851, %dma_start3A_859] : memref<32x125x1x80xi32, #tpu.memory_space<hbm>> -> memref<1x1x1x80xi32, #tpu.memory_space<hbm>>
      %dma_start3A_861 = tpu.memref_squeeze %dma_start3A_860 : memref<1x1x1x80xi32, #tpu.memory_space<hbm>> -> memref<80xi32, #tpu.memory_space<hbm>>
      tpu.enqueue_dma source(%dma_start3A_861 : memref<80xi32, #tpu.memory_space<hbm>>) target(%dma_start3A_858 : memref<80xi32, #tpu.memory_space<vmem>>) target_semaphore(%arg15 : memref<!tpu.dma_semaphore, #tpu.memory_space<semaphore_mem>>)
      %dma_start3A_862 = arith.constant 0 : i32
      %dma_start3A_863 = arith.constant 16 : i32
      %dma_start3A_864 = arith.constant 0 : i32
      %dma_start3A_865 = tpu.memref_slice %arg7[%dma_start3A_863, %dma_start3A_864] : memref<64x80xi32, #tpu.memory_space<vmem>> -> memref<1x80xi32, #tpu.memory_space<vmem>>
      %dma_start3A_866 = tpu.memref_squeeze %dma_start3A_865 : memref<1x80xi32, #tpu.memory_space<vmem>> -> memref<80xi32, #tpu.memory_space<vmem>>
      %dma_start3A_867 = arith.constant 0 : i32
      %dma_start3A_868 = tpu.memref_slice %arg4[%add3A, %add3A_850, %dma_start3A_862, %dma_start3A_867] : memref<32x125x1x80xi32, #tpu.memory_space<hbm>> -> memref<1x1x1x80xi32, #tpu.memory_space<hbm>>
      %dma_start3A_869 = tpu.memref_squeeze %dma_start3A_868 : memref<1x1x1x80xi32, #tpu.memory_space<hbm>> -> memref<80xi32, #tpu.memory_space<hbm>>
      %dma_start3A_870 = arith.constant 0 : i32
      %dma_start3A_871 = tpu.memref_slice %arg7[%dma_start3A_863, %dma_start3A_870] : memref<64x80xi32, #tpu.memory_space<vmem>> -> memref<1x80xi32, #tpu.memory_space<vmem>>
      %dma_start3A_872 = tpu.memref_squeeze %dma_start3A_871 : memref<1x80xi32, #tpu.memory_space<vmem>> -> memref<80xi32, #tpu.memory_space<vmem>>
      %dma_start3A_873 = arith.constant 0 : i32
      %dma_start3A_874 = tpu.memref_slice %arg4[%add3A, %add3A_850, %dma_start3A_862, %dma_start3A_873] : memref<32x125x1x80xi32, #tpu.memory_space<hbm>> -> memref<1x1x1x80xi32, #tpu.memory_space<hbm>>
      %dma_start3A_875 = tpu.memref_squeeze %dma_start3A_874 : memref<1x1x1x80xi32, #tpu.memory_space<hbm>> -> memref<80xi32, #tpu.memory_space<hbm>>
      tpu.enqueue_dma source(%dma_start3A_875 : memref<80xi32, #tpu.memory_space<hbm>>) target(%dma_start3A_872 : memref<80xi32, #tpu.memory_space<vmem>>) target_semaphore(%arg15 : memref<!tpu.dma_semaphore, #tpu.memory_space<semaphore_mem>>)
      %add3A_876 = arith.constant 2 : i32
      %add3A_877 = arith.addi %add3A_829, %add3A_876 : i32
      %dma_wait3A_878 = arith.constant 0 : i32
      %dma_wait3A_879 = arith.constant 80 : i32
      %dma_wait3A_880 = tpu.memref_slice %arg6[%dma_wait3A_879] : memref<640xi32, #tpu.memory_space<vmem>> -> memref<80xi32, #tpu.memory_space<vmem>>
      %dma_wait3A_881 = arith.constant 0 : i32
      %dma_wait3A_882 = tpu.memref_slice %arg3[%add3A, %add3A_877, %dma_wait3A_878, %dma_wait3A_881] : memref<32x125x1x80xi32, #tpu.memory_space<hbm>> -> memref<1x1x1x80xi32, #tpu.memory_space<hbm>>
      %dma_wait3A_883 = tpu.memref_squeeze %dma_wait3A_882 : memref<1x1x1x80xi32, #tpu.memory_space<hbm>> -> memref<80xi32, #tpu.memory_space<hbm>>
      %dma_wait3A_884 = arith.constant 80 : i32
      %dma_wait3A_885 = tpu.memref_slice %arg6[%dma_wait3A_884] : memref<640xi32, #tpu.memory_space<vmem>> -> memref<80xi32, #tpu.memory_space<vmem>>
      %dma_wait3A_886 = arith.constant 0 : i32
      %dma_wait3A_887 = tpu.memref_slice %arg3[%add3A, %add3A_877, %dma_wait3A_878, %dma_wait3A_886] : memref<32x125x1x80xi32, #tpu.memory_space<hbm>> -> memref<1x1x1x80xi32, #tpu.memory_space<hbm>>
      %dma_wait3A_888 = tpu.memref_squeeze %dma_wait3A_887 : memref<1x1x1x80xi32, #tpu.memory_space<hbm>> -> memref<80xi32, #tpu.memory_space<hbm>>
      tpu.wait_dma2 semaphore(%arg14 : memref<!tpu.dma_semaphore, #tpu.memory_space<semaphore_mem>>) src(%dma_wait3A_888 : memref<80xi32, #tpu.memory_space<hbm>>) dst(%dma_wait3A_885 : memref<80xi32, #tpu.memory_space<vmem>>)
      %dma_wait3A_889 = arith.constant 0 : i32
      %dma_wait3A_890 = arith.constant 8 : i32
      %dma_wait3A_891 = arith.constant 0 : i32
      %dma_wait3A_892 = tpu.memref_slice %arg7[%dma_wait3A_890, %dma_wait3A_891] : memref<64x80xi32, #tpu.memory_space<vmem>> -> memref<1x80xi32, #tpu.memory_space<vmem>>
      %dma_wait3A_893 = tpu.memref_squeeze %dma_wait3A_892 : memref<1x80xi32, #tpu.memory_space<vmem>> -> memref<80xi32, #tpu.memory_space<vmem>>
      %dma_wait3A_894 = arith.constant 0 : i32
      %dma_wait3A_895 = tpu.memref_slice %arg4[%add3A, %add3A_877, %dma_wait3A_889, %dma_wait3A_894] : memref<32x125x1x80xi32, #tpu.memory_space<hbm>> -> memref<1x1x1x80xi32, #tpu.memory_space<hbm>>
      %dma_wait3A_896 = tpu.memref_squeeze %dma_wait3A_895 : memref<1x1x1x80xi32, #tpu.memory_space<hbm>> -> memref<80xi32, #tpu.memory_space<hbm>>
      %dma_wait3A_897 = arith.constant 0 : i32
      %dma_wait3A_898 = tpu.memref_slice %arg7[%dma_wait3A_890, %dma_wait3A_897] : memref<64x80xi32, #tpu.memory_space<vmem>> -> memref<1x80xi32, #tpu.memory_space<vmem>>
      %dma_wait3A_899 = tpu.memref_squeeze %dma_wait3A_898 : memref<1x80xi32, #tpu.memory_space<vmem>> -> memref<80xi32, #tpu.memory_space<vmem>>
      %dma_wait3A_900 = arith.constant 0 : i32
      %dma_wait3A_901 = tpu.memref_slice %arg4[%add3A, %add3A_877, %dma_wait3A_889, %dma_wait3A_900] : memref<32x125x1x80xi32, #tpu.memory_space<hbm>> -> memref<1x1x1x80xi32, #tpu.memory_space<hbm>>
      %dma_wait3A_902 = tpu.memref_squeeze %dma_wait3A_901 : memref<1x1x1x80xi32, #tpu.memory_space<hbm>> -> memref<80xi32, #tpu.memory_space<hbm>>
      tpu.wait_dma2 semaphore(%arg14 : memref<!tpu.dma_semaphore, #tpu.memory_space<semaphore_mem>>) src(%dma_wait3A_902 : memref<80xi32, #tpu.memory_space<hbm>>) dst(%dma_wait3A_899 : memref<80xi32, #tpu.memory_space<vmem>>)
      %dma_start3A_903 = arith.constant 80 : i32
      %dma_start3A_904 = tpu.memref_slice %arg6[%dma_start3A_903] : memref<640xi32, #tpu.memory_space<vmem>> -> memref<80xi32, #tpu.memory_space<vmem>>
      %dma_start3A_905 = arith.constant 0 : i32
      %dma_start3A_906 = arith.constant 0 : i32
      %dma_start3A_907 = tpu.memref_slice %arg2[%dma_start3A_905, %dma_start3A_906] : memref<10000x128xf32, #tpu.memory_space<hbm>> -> memref<10000x128xf32, #tpu.memory_space<hbm>>
      tpu.enqueue_indirect_dma source(%dma_start3A_907 : memref<10000x128xf32, #tpu.memory_space<hbm>>) target(%arg9 : memref<80x128xf32, #tpu.memory_space<vmem>>) offsets(%dma_start3A_904 : memref<80xi32, #tpu.memory_space<vmem>>) semaphore(%arg22 : memref<!tpu.dma_semaphore, #tpu.memory_space<semaphore_mem>>)
      %add3A_908 = arith.constant 6 : i32
      %add3A_909 = arith.addi %add3A_427, %add3A_908 : i32
      %dma_wait3A_910 = arith.constant 0 : i32
      %dma_wait3A_911 = tpu.memref_slice %arg6[%dma_wait3A_910] : memref<640xi32, #tpu.memory_space<vmem>> -> memref<80xi32, #tpu.memory_space<vmem>>
      %dma_wait3A_912 = arith.constant 0 : i32
      %dma_wait3A_913 = arith.constant 0 : i32
      %dma_wait3A_914 = tpu.memref_slice %arg2[%dma_wait3A_912, %dma_wait3A_913] : memref<10000x128xf32, #tpu.memory_space<hbm>> -> memref<10000x128xf32, #tpu.memory_space<hbm>>
      tpu.wait_indirect_dma semaphore(%arg21 : memref<!tpu.dma_semaphore, #tpu.memory_space<semaphore_mem>>) src(%dma_wait3A_914 : memref<10000x128xf32, #tpu.memory_space<hbm>>) dst(%arg8 : memref<80x128xf32, #tpu.memory_space<vmem>>)
      %dma_start3A_915 = arith.constant 0 : i32
      %dma_start3A_916 = arith.constant 0 : i32
      %dma_start3A_917 = tpu.memref_slice %arg7[%dma_start3A_915, %dma_start3A_916] : memref<64x80xi32, #tpu.memory_space<vmem>> -> memref<1x80xi32, #tpu.memory_space<vmem>>
      %dma_start3A_918 = tpu.memref_squeeze %dma_start3A_917 : memref<1x80xi32, #tpu.memory_space<vmem>> -> memref<80xi32, #tpu.memory_space<vmem>>
      %dma_start3A_919 = arith.constant 0 : i32
      %dma_start3A_920 = arith.constant 0 : i32
      %dma_start3A_921 = tpu.memref_slice %arg12[%dma_start3A_919, %dma_start3A_920] : memref<10000x128xf32, #tpu.memory_space<vmem_shared>> -> memref<10000x128xf32, #tpu.memory_space<vmem_shared>>
      tpu.enqueue_indirect_dma source(%arg8 : memref<80x128xf32, #tpu.memory_space<vmem>>) target(%dma_start3A_921 : memref<10000x128xf32, #tpu.memory_space<vmem_shared>>) offsets(%dma_start3A_918 : memref<80xi32, #tpu.memory_space<vmem>>) semaphore(%arg25 : memref<!tpu.dma_semaphore, #tpu.memory_space<semaphore_mem>>) {add = true}
      %dma_wait3A_922 = arith.constant 48 : i32
      %dma_wait3A_923 = arith.constant 0 : i32
      %dma_wait3A_924 = tpu.memref_slice %arg7[%dma_wait3A_922, %dma_wait3A_923] : memref<64x80xi32, #tpu.memory_space<vmem>> -> memref<1x80xi32, #tpu.memory_space<vmem>>
      %dma_wait3A_925 = tpu.memref_squeeze %dma_wait3A_924 : memref<1x80xi32, #tpu.memory_space<vmem>> -> memref<80xi32, #tpu.memory_space<vmem>>
      %dma_wait3A_926 = arith.constant 0 : i32
      %dma_wait3A_927 = arith.constant 0 : i32
      %dma_wait3A_928 = tpu.memref_slice %arg12[%dma_wait3A_926, %dma_wait3A_927] : memref<10000x128xf32, #tpu.memory_space<vmem_shared>> -> memref<10000x128xf32, #tpu.memory_space<vmem_shared>>
      tpu.wait_indirect_dma semaphore(%arg27 : memref<!tpu.dma_semaphore, #tpu.memory_space<semaphore_mem>>) src(%arg10 : memref<80x128xf32, #tpu.memory_space<vmem>>) dst(%dma_wait3A_928 : memref<10000x128xf32, #tpu.memory_space<vmem_shared>>)
      %add3A_929 = arith.constant 3 : i32
      %add3A_930 = arith.addi %add3A_909, %add3A_929 : i32
      %dma_start3A_931 = arith.constant 0 : i32
      %dma_start3A_932 = arith.constant 240 : i32
      %dma_start3A_933 = tpu.memref_slice %arg6[%dma_start3A_932] : memref<640xi32, #tpu.memory_space<vmem>> -> memref<80xi32, #tpu.memory_space<vmem>>
      %dma_start3A_934 = arith.constant 0 : i32
      %dma_start3A_935 = tpu.memref_slice %arg3[%add3A, %add3A_930, %dma_start3A_931, %dma_start3A_934] : memref<32x125x1x80xi32, #tpu.memory_space<hbm>> -> memref<1x1x1x80xi32, #tpu.memory_space<hbm>>
      %dma_start3A_936 = tpu.memref_squeeze %dma_start3A_935 : memref<1x1x1x80xi32, #tpu.memory_space<hbm>> -> memref<80xi32, #tpu.memory_space<hbm>>
      %dma_start3A_937 = arith.constant 240 : i32
      %dma_start3A_938 = tpu.memref_slice %arg6[%dma_start3A_937] : memref<640xi32, #tpu.memory_space<vmem>> -> memref<80xi32, #tpu.memory_space<vmem>>
      %dma_start3A_939 = arith.constant 0 : i32
      %dma_start3A_940 = tpu.memref_slice %arg3[%add3A, %add3A_930, %dma_start3A_931, %dma_start3A_939] : memref<32x125x1x80xi32, #tpu.memory_space<hbm>> -> memref<1x1x1x80xi32, #tpu.memory_space<hbm>>
      %dma_start3A_941 = tpu.memref_squeeze %dma_start3A_940 : memref<1x1x1x80xi32, #tpu.memory_space<hbm>> -> memref<80xi32, #tpu.memory_space<hbm>>
      tpu.enqueue_dma source(%dma_start3A_941 : memref<80xi32, #tpu.memory_space<hbm>>) target(%dma_start3A_938 : memref<80xi32, #tpu.memory_space<vmem>>) target_semaphore(%arg16 : memref<!tpu.dma_semaphore, #tpu.memory_space<semaphore_mem>>)
      %dma_start3A_942 = arith.constant 0 : i32
      %dma_start3A_943 = arith.constant 24 : i32
      %dma_start3A_944 = arith.constant 0 : i32
      %dma_start3A_945 = tpu.memref_slice %arg7[%dma_start3A_943, %dma_start3A_944] : memref<64x80xi32, #tpu.memory_space<vmem>> -> memref<1x80xi32, #tpu.memory_space<vmem>>
      %dma_start3A_946 = tpu.memref_squeeze %dma_start3A_945 : memref<1x80xi32, #tpu.memory_space<vmem>> -> memref<80xi32, #tpu.memory_space<vmem>>
      %dma_start3A_947 = arith.constant 0 : i32
      %dma_start3A_948 = tpu.memref_slice %arg4[%add3A, %add3A_930, %dma_start3A_942, %dma_start3A_947] : memref<32x125x1x80xi32, #tpu.memory_space<hbm>> -> memref<1x1x1x80xi32, #tpu.memory_space<hbm>>
      %dma_start3A_949 = tpu.memref_squeeze %dma_start3A_948 : memref<1x1x1x80xi32, #tpu.memory_space<hbm>> -> memref<80xi32, #tpu.memory_space<hbm>>
      %dma_start3A_950 = arith.constant 0 : i32
      %dma_start3A_951 = tpu.memref_slice %arg7[%dma_start3A_943, %dma_start3A_950] : memref<64x80xi32, #tpu.memory_space<vmem>> -> memref<1x80xi32, #tpu.memory_space<vmem>>
      %dma_start3A_952 = tpu.memref_squeeze %dma_start3A_951 : memref<1x80xi32, #tpu.memory_space<vmem>> -> memref<80xi32, #tpu.memory_space<vmem>>
      %dma_start3A_953 = arith.constant 0 : i32
      %dma_start3A_954 = tpu.memref_slice %arg4[%add3A, %add3A_930, %dma_start3A_942, %dma_start3A_953] : memref<32x125x1x80xi32, #tpu.memory_space<hbm>> -> memref<1x1x1x80xi32, #tpu.memory_space<hbm>>
      %dma_start3A_955 = tpu.memref_squeeze %dma_start3A_954 : memref<1x1x1x80xi32, #tpu.memory_space<hbm>> -> memref<80xi32, #tpu.memory_space<hbm>>
      tpu.enqueue_dma source(%dma_start3A_955 : memref<80xi32, #tpu.memory_space<hbm>>) target(%dma_start3A_952 : memref<80xi32, #tpu.memory_space<vmem>>) target_semaphore(%arg16 : memref<!tpu.dma_semaphore, #tpu.memory_space<semaphore_mem>>)
      %add3A_956 = arith.constant 2 : i32
      %add3A_957 = arith.addi %add3A_909, %add3A_956 : i32
      %dma_wait3A_958 = arith.constant 0 : i32
      %dma_wait3A_959 = arith.constant 160 : i32
      %dma_wait3A_960 = tpu.memref_slice %arg6[%dma_wait3A_959] : memref<640xi32, #tpu.memory_space<vmem>> -> memref<80xi32, #tpu.memory_space<vmem>>
      %dma_wait3A_961 = arith.constant 0 : i32
      %dma_wait3A_962 = tpu.memref_slice %arg3[%add3A, %add3A_957, %dma_wait3A_958, %dma_wait3A_961] : memref<32x125x1x80xi32, #tpu.memory_space<hbm>> -> memref<1x1x1x80xi32, #tpu.memory_space<hbm>>
      %dma_wait3A_963 = tpu.memref_squeeze %dma_wait3A_962 : memref<1x1x1x80xi32, #tpu.memory_space<hbm>> -> memref<80xi32, #tpu.memory_space<hbm>>
      %dma_wait3A_964 = arith.constant 160 : i32
      %dma_wait3A_965 = tpu.memref_slice %arg6[%dma_wait3A_964] : memref<640xi32, #tpu.memory_space<vmem>> -> memref<80xi32, #tpu.memory_space<vmem>>
      %dma_wait3A_966 = arith.constant 0 : i32
      %dma_wait3A_967 = tpu.memref_slice %arg3[%add3A, %add3A_957, %dma_wait3A_958, %dma_wait3A_966] : memref<32x125x1x80xi32, #tpu.memory_space<hbm>> -> memref<1x1x1x80xi32, #tpu.memory_space<hbm>>
      %dma_wait3A_968 = tpu.memref_squeeze %dma_wait3A_967 : memref<1x1x1x80xi32, #tpu.memory_space<hbm>> -> memref<80xi32, #tpu.memory_space<hbm>>
      tpu.wait_dma2 semaphore(%arg15 : memref<!tpu.dma_semaphore, #tpu.memory_space<semaphore_mem>>) src(%dma_wait3A_968 : memref<80xi32, #tpu.memory_space<hbm>>) dst(%dma_wait3A_965 : memref<80xi32, #tpu.memory_space<vmem>>)
      %dma_wait3A_969 = arith.constant 0 : i32
      %dma_wait3A_970 = arith.constant 16 : i32
      %dma_wait3A_971 = arith.constant 0 : i32
      %dma_wait3A_972 = tpu.memref_slice %arg7[%dma_wait3A_970, %dma_wait3A_971] : memref<64x80xi32, #tpu.memory_space<vmem>> -> memref<1x80xi32, #tpu.memory_space<vmem>>
      %dma_wait3A_973 = tpu.memref_squeeze %dma_wait3A_972 : memref<1x80xi32, #tpu.memory_space<vmem>> -> memref<80xi32, #tpu.memory_space<vmem>>
      %dma_wait3A_974 = arith.constant 0 : i32
      %dma_wait3A_975 = tpu.memref_slice %arg4[%add3A, %add3A_957, %dma_wait3A_969, %dma_wait3A_974] : memref<32x125x1x80xi32, #tpu.memory_space<hbm>> -> memref<1x1x1x80xi32, #tpu.memory_space<hbm>>
      %dma_wait3A_976 = tpu.memref_squeeze %dma_wait3A_975 : memref<1x1x1x80xi32, #tpu.memory_space<hbm>> -> memref<80xi32, #tpu.memory_space<hbm>>
      %dma_wait3A_977 = arith.constant 0 : i32
      %dma_wait3A_978 = tpu.memref_slice %arg7[%dma_wait3A_970, %dma_wait3A_977] : memref<64x80xi32, #tpu.memory_space<vmem>> -> memref<1x80xi32, #tpu.memory_space<vmem>>
      %dma_wait3A_979 = tpu.memref_squeeze %dma_wait3A_978 : memref<1x80xi32, #tpu.memory_space<vmem>> -> memref<80xi32, #tpu.memory_space<vmem>>
      %dma_wait3A_980 = arith.constant 0 : i32
      %dma_wait3A_981 = tpu.memref_slice %arg4[%add3A, %add3A_957, %dma_wait3A_969, %dma_wait3A_980] : memref<32x125x1x80xi32, #tpu.memory_space<hbm>> -> memref<1x1x1x80xi32, #tpu.memory_space<hbm>>
      %dma_wait3A_982 = tpu.memref_squeeze %dma_wait3A_981 : memref<1x1x1x80xi32, #tpu.memory_space<hbm>> -> memref<80xi32, #tpu.memory_space<hbm>>
      tpu.wait_dma2 semaphore(%arg15 : memref<!tpu.dma_semaphore, #tpu.memory_space<semaphore_mem>>) src(%dma_wait3A_982 : memref<80xi32, #tpu.memory_space<hbm>>) dst(%dma_wait3A_979 : memref<80xi32, #tpu.memory_space<vmem>>)
      %dma_start3A_983 = arith.constant 160 : i32
      %dma_start3A_984 = tpu.memref_slice %arg6[%dma_start3A_983] : memref<640xi32, #tpu.memory_space<vmem>> -> memref<80xi32, #tpu.memory_space<vmem>>
      %dma_start3A_985 = arith.constant 0 : i32
      %dma_start3A_986 = arith.constant 0 : i32
      %dma_start3A_987 = tpu.memref_slice %arg2[%dma_start3A_985, %dma_start3A_986] : memref<10000x128xf32, #tpu.memory_space<hbm>> -> memref<10000x128xf32, #tpu.memory_space<hbm>>
      tpu.enqueue_indirect_dma source(%dma_start3A_987 : memref<10000x128xf32, #tpu.memory_space<hbm>>) target(%arg10 : memref<80x128xf32, #tpu.memory_space<vmem>>) offsets(%dma_start3A_984 : memref<80xi32, #tpu.memory_space<vmem>>) semaphore(%arg23 : memref<!tpu.dma_semaphore, #tpu.memory_space<semaphore_mem>>)
      %add3A_988 = arith.constant 7 : i32
      %add3A_989 = arith.addi %add3A_427, %add3A_988 : i32
      %dma_wait3A_990 = arith.constant 80 : i32
      %dma_wait3A_991 = tpu.memref_slice %arg6[%dma_wait3A_990] : memref<640xi32, #tpu.memory_space<vmem>> -> memref<80xi32, #tpu.memory_space<vmem>>
      %dma_wait3A_992 = arith.constant 0 : i32
      %dma_wait3A_993 = arith.constant 0 : i32
      %dma_wait3A_994 = tpu.memref_slice %arg2[%dma_wait3A_992, %dma_wait3A_993] : memref<10000x128xf32, #tpu.memory_space<hbm>> -> memref<10000x128xf32, #tpu.memory_space<hbm>>
      tpu.wait_indirect_dma semaphore(%arg22 : memref<!tpu.dma_semaphore, #tpu.memory_space<semaphore_mem>>) src(%dma_wait3A_994 : memref<10000x128xf32, #tpu.memory_space<hbm>>) dst(%arg9 : memref<80x128xf32, #tpu.memory_space<vmem>>)
      %dma_start3A_995 = arith.constant 8 : i32
      %dma_start3A_996 = arith.constant 0 : i32
      %dma_start3A_997 = tpu.memref_slice %arg7[%dma_start3A_995, %dma_start3A_996] : memref<64x80xi32, #tpu.memory_space<vmem>> -> memref<1x80xi32, #tpu.memory_space<vmem>>
      %dma_start3A_998 = tpu.memref_squeeze %dma_start3A_997 : memref<1x80xi32, #tpu.memory_space<vmem>> -> memref<80xi32, #tpu.memory_space<vmem>>
      %dma_start3A_999 = arith.constant 0 : i32
      %dma_start3A_1000 = arith.constant 0 : i32
      %dma_start3A_1001 = tpu.memref_slice %arg12[%dma_start3A_999, %dma_start3A_1000] : memref<10000x128xf32, #tpu.memory_space<vmem_shared>> -> memref<10000x128xf32, #tpu.memory_space<vmem_shared>>
      tpu.enqueue_indirect_dma source(%arg9 : memref<80x128xf32, #tpu.memory_space<vmem>>) target(%dma_start3A_1001 : memref<10000x128xf32, #tpu.memory_space<vmem_shared>>) offsets(%dma_start3A_998 : memref<80xi32, #tpu.memory_space<vmem>>) semaphore(%arg26 : memref<!tpu.dma_semaphore, #tpu.memory_space<semaphore_mem>>) {add = true}
      %dma_wait3A_1002 = arith.constant 56 : i32
      %dma_wait3A_1003 = arith.constant 0 : i32
      %dma_wait3A_1004 = tpu.memref_slice %arg7[%dma_wait3A_1002, %dma_wait3A_1003] : memref<64x80xi32, #tpu.memory_space<vmem>> -> memref<1x80xi32, #tpu.memory_space<vmem>>
      %dma_wait3A_1005 = tpu.memref_squeeze %dma_wait3A_1004 : memref<1x80xi32, #tpu.memory_space<vmem>> -> memref<80xi32, #tpu.memory_space<vmem>>
      %dma_wait3A_1006 = arith.constant 0 : i32
      %dma_wait3A_1007 = arith.constant 0 : i32
      %dma_wait3A_1008 = tpu.memref_slice %arg12[%dma_wait3A_1006, %dma_wait3A_1007] : memref<10000x128xf32, #tpu.memory_space<vmem_shared>> -> memref<10000x128xf32, #tpu.memory_space<vmem_shared>>
      tpu.wait_indirect_dma semaphore(%arg28 : memref<!tpu.dma_semaphore, #tpu.memory_space<semaphore_mem>>) src(%arg11 : memref<80x128xf32, #tpu.memory_space<vmem>>) dst(%dma_wait3A_1008 : memref<10000x128xf32, #tpu.memory_space<vmem_shared>>)
      %add3A_1009 = arith.constant 3 : i32
      %add3A_1010 = arith.addi %add3A_989, %add3A_1009 : i32
      %dma_start3A_1011 = arith.constant 0 : i32
      %dma_start3A_1012 = arith.constant 320 : i32
      %dma_start3A_1013 = tpu.memref_slice %arg6[%dma_start3A_1012] : memref<640xi32, #tpu.memory_space<vmem>> -> memref<80xi32, #tpu.memory_space<vmem>>
      %dma_start3A_1014 = arith.constant 0 : i32
      %dma_start3A_1015 = tpu.memref_slice %arg3[%add3A, %add3A_1010, %dma_start3A_1011, %dma_start3A_1014] : memref<32x125x1x80xi32, #tpu.memory_space<hbm>> -> memref<1x1x1x80xi32, #tpu.memory_space<hbm>>
      %dma_start3A_1016 = tpu.memref_squeeze %dma_start3A_1015 : memref<1x1x1x80xi32, #tpu.memory_space<hbm>> -> memref<80xi32, #tpu.memory_space<hbm>>
      %dma_start3A_1017 = arith.constant 320 : i32
      %dma_start3A_1018 = tpu.memref_slice %arg6[%dma_start3A_1017] : memref<640xi32, #tpu.memory_space<vmem>> -> memref<80xi32, #tpu.memory_space<vmem>>
      %dma_start3A_1019 = arith.constant 0 : i32
      %dma_start3A_1020 = tpu.memref_slice %arg3[%add3A, %add3A_1010, %dma_start3A_1011, %dma_start3A_1019] : memref<32x125x1x80xi32, #tpu.memory_space<hbm>> -> memref<1x1x1x80xi32, #tpu.memory_space<hbm>>
      %dma_start3A_1021 = tpu.memref_squeeze %dma_start3A_1020 : memref<1x1x1x80xi32, #tpu.memory_space<hbm>> -> memref<80xi32, #tpu.memory_space<hbm>>
      tpu.enqueue_dma source(%dma_start3A_1021 : memref<80xi32, #tpu.memory_space<hbm>>) target(%dma_start3A_1018 : memref<80xi32, #tpu.memory_space<vmem>>) target_semaphore(%arg17 : memref<!tpu.dma_semaphore, #tpu.memory_space<semaphore_mem>>)
      %dma_start3A_1022 = arith.constant 0 : i32
      %dma_start3A_1023 = arith.constant 32 : i32
      %dma_start3A_1024 = arith.constant 0 : i32
      %dma_start3A_1025 = tpu.memref_slice %arg7[%dma_start3A_1023, %dma_start3A_1024] : memref<64x80xi32, #tpu.memory_space<vmem>> -> memref<1x80xi32, #tpu.memory_space<vmem>>
      %dma_start3A_1026 = tpu.memref_squeeze %dma_start3A_1025 : memref<1x80xi32, #tpu.memory_space<vmem>> -> memref<80xi32, #tpu.memory_space<vmem>>
      %dma_start3A_1027 = arith.constant 0 : i32
      %dma_start3A_1028 = tpu.memref_slice %arg4[%add3A, %add3A_1010, %dma_start3A_1022, %dma_start3A_1027] : memref<32x125x1x80xi32, #tpu.memory_space<hbm>> -> memref<1x1x1x80xi32, #tpu.memory_space<hbm>>
      %dma_start3A_1029 = tpu.memref_squeeze %dma_start3A_1028 : memref<1x1x1x80xi32, #tpu.memory_space<hbm>> -> memref<80xi32, #tpu.memory_space<hbm>>
      %dma_start3A_1030 = arith.constant 0 : i32
      %dma_start3A_1031 = tpu.memref_slice %arg7[%dma_start3A_1023, %dma_start3A_1030] : memref<64x80xi32, #tpu.memory_space<vmem>> -> memref<1x80xi32, #tpu.memory_space<vmem>>
      %dma_start3A_1032 = tpu.memref_squeeze %dma_start3A_1031 : memref<1x80xi32, #tpu.memory_space<vmem>> -> memref<80xi32, #tpu.memory_space<vmem>>
      %dma_start3A_1033 = arith.constant 0 : i32
      %dma_start3A_1034 = tpu.memref_slice %arg4[%add3A, %add3A_1010, %dma_start3A_1022, %dma_start3A_1033] : memref<32x125x1x80xi32, #tpu.memory_space<hbm>> -> memref<1x1x1x80xi32, #tpu.memory_space<hbm>>
      %dma_start3A_1035 = tpu.memref_squeeze %dma_start3A_1034 : memref<1x1x1x80xi32, #tpu.memory_space<hbm>> -> memref<80xi32, #tpu.memory_space<hbm>>
      tpu.enqueue_dma source(%dma_start3A_1035 : memref<80xi32, #tpu.memory_space<hbm>>) target(%dma_start3A_1032 : memref<80xi32, #tpu.memory_space<vmem>>) target_semaphore(%arg17 : memref<!tpu.dma_semaphore, #tpu.memory_space<semaphore_mem>>)
      %add3A_1036 = arith.constant 2 : i32
      %add3A_1037 = arith.addi %add3A_989, %add3A_1036 : i32
      %dma_wait3A_1038 = arith.constant 0 : i32
      %dma_wait3A_1039 = arith.constant 240 : i32
      %dma_wait3A_1040 = tpu.memref_slice %arg6[%dma_wait3A_1039] : memref<640xi32, #tpu.memory_space<vmem>> -> memref<80xi32, #tpu.memory_space<vmem>>
      %dma_wait3A_1041 = arith.constant 0 : i32
      %dma_wait3A_1042 = tpu.memref_slice %arg3[%add3A, %add3A_1037, %dma_wait3A_1038, %dma_wait3A_1041] : memref<32x125x1x80xi32, #tpu.memory_space<hbm>> -> memref<1x1x1x80xi32, #tpu.memory_space<hbm>>
      %dma_wait3A_1043 = tpu.memref_squeeze %dma_wait3A_1042 : memref<1x1x1x80xi32, #tpu.memory_space<hbm>> -> memref<80xi32, #tpu.memory_space<hbm>>
      %dma_wait3A_1044 = arith.constant 240 : i32
      %dma_wait3A_1045 = tpu.memref_slice %arg6[%dma_wait3A_1044] : memref<640xi32, #tpu.memory_space<vmem>> -> memref<80xi32, #tpu.memory_space<vmem>>
      %dma_wait3A_1046 = arith.constant 0 : i32
      %dma_wait3A_1047 = tpu.memref_slice %arg3[%add3A, %add3A_1037, %dma_wait3A_1038, %dma_wait3A_1046] : memref<32x125x1x80xi32, #tpu.memory_space<hbm>> -> memref<1x1x1x80xi32, #tpu.memory_space<hbm>>
      %dma_wait3A_1048 = tpu.memref_squeeze %dma_wait3A_1047 : memref<1x1x1x80xi32, #tpu.memory_space<hbm>> -> memref<80xi32, #tpu.memory_space<hbm>>
      tpu.wait_dma2 semaphore(%arg16 : memref<!tpu.dma_semaphore, #tpu.memory_space<semaphore_mem>>) src(%dma_wait3A_1048 : memref<80xi32, #tpu.memory_space<hbm>>) dst(%dma_wait3A_1045 : memref<80xi32, #tpu.memory_space<vmem>>)
      %dma_wait3A_1049 = arith.constant 0 : i32
      %dma_wait3A_1050 = arith.constant 24 : i32
      %dma_wait3A_1051 = arith.constant 0 : i32
      %dma_wait3A_1052 = tpu.memref_slice %arg7[%dma_wait3A_1050, %dma_wait3A_1051] : memref<64x80xi32, #tpu.memory_space<vmem>> -> memref<1x80xi32, #tpu.memory_space<vmem>>
      %dma_wait3A_1053 = tpu.memref_squeeze %dma_wait3A_1052 : memref<1x80xi32, #tpu.memory_space<vmem>> -> memref<80xi32, #tpu.memory_space<vmem>>
      %dma_wait3A_1054 = arith.constant 0 : i32
      %dma_wait3A_1055 = tpu.memref_slice %arg4[%add3A, %add3A_1037, %dma_wait3A_1049, %dma_wait3A_1054] : memref<32x125x1x80xi32, #tpu.memory_space<hbm>> -> memref<1x1x1x80xi32, #tpu.memory_space<hbm>>
      %dma_wait3A_1056 = tpu.memref_squeeze %dma_wait3A_1055 : memref<1x1x1x80xi32, #tpu.memory_space<hbm>> -> memref<80xi32, #tpu.memory_space<hbm>>
      %dma_wait3A_1057 = arith.constant 0 : i32
      %dma_wait3A_1058 = tpu.memref_slice %arg7[%dma_wait3A_1050, %dma_wait3A_1057] : memref<64x80xi32, #tpu.memory_space<vmem>> -> memref<1x80xi32, #tpu.memory_space<vmem>>
      %dma_wait3A_1059 = tpu.memref_squeeze %dma_wait3A_1058 : memref<1x80xi32, #tpu.memory_space<vmem>> -> memref<80xi32, #tpu.memory_space<vmem>>
      %dma_wait3A_1060 = arith.constant 0 : i32
      %dma_wait3A_1061 = tpu.memref_slice %arg4[%add3A, %add3A_1037, %dma_wait3A_1049, %dma_wait3A_1060] : memref<32x125x1x80xi32, #tpu.memory_space<hbm>> -> memref<1x1x1x80xi32, #tpu.memory_space<hbm>>
      %dma_wait3A_1062 = tpu.memref_squeeze %dma_wait3A_1061 : memref<1x1x1x80xi32, #tpu.memory_space<hbm>> -> memref<80xi32, #tpu.memory_space<hbm>>
      tpu.wait_dma2 semaphore(%arg16 : memref<!tpu.dma_semaphore, #tpu.memory_space<semaphore_mem>>) src(%dma_wait3A_1062 : memref<80xi32, #tpu.memory_space<hbm>>) dst(%dma_wait3A_1059 : memref<80xi32, #tpu.memory_space<vmem>>)
      %dma_start3A_1063 = arith.constant 240 : i32
      %dma_start3A_1064 = tpu.memref_slice %arg6[%dma_start3A_1063] : memref<640xi32, #tpu.memory_space<vmem>> -> memref<80xi32, #tpu.memory_space<vmem>>
      %dma_start3A_1065 = arith.constant 0 : i32
      %dma_start3A_1066 = arith.constant 0 : i32
      %dma_start3A_1067 = tpu.memref_slice %arg2[%dma_start3A_1065, %dma_start3A_1066] : memref<10000x128xf32, #tpu.memory_space<hbm>> -> memref<10000x128xf32, #tpu.memory_space<hbm>>
      tpu.enqueue_indirect_dma source(%dma_start3A_1067 : memref<10000x128xf32, #tpu.memory_space<hbm>>) target(%arg11 : memref<80x128xf32, #tpu.memory_space<vmem>>) offsets(%dma_start3A_1064 : memref<80xi32, #tpu.memory_space<vmem>>) semaphore(%arg24 : memref<!tpu.dma_semaphore, #tpu.memory_space<semaphore_mem>>)
    }
    %scan3A_308 = arith.constant 15 : i32
    %dma_wait3A_309 = arith.constant 160 : i32
    %dma_wait3A_310 = tpu.memref_slice %arg6[%dma_wait3A_309] : memref<640xi32, #tpu.memory_space<vmem>> -> memref<80xi32, #tpu.memory_space<vmem>>
    %dma_wait3A_311 = arith.constant 0 : i32
    %dma_wait3A_312 = arith.constant 0 : i32
    %dma_wait3A_313 = tpu.memref_slice %arg2[%dma_wait3A_311, %dma_wait3A_312] : memref<10000x128xf32, #tpu.memory_space<hbm>> -> memref<10000x128xf32, #tpu.memory_space<hbm>>
    tpu.wait_indirect_dma semaphore(%arg23 : memref<!tpu.dma_semaphore, #tpu.memory_space<semaphore_mem>>) src(%dma_wait3A_313 : memref<10000x128xf32, #tpu.memory_space<hbm>>) dst(%arg10 : memref<80x128xf32, #tpu.memory_space<vmem>>)
    %dma_start3A_314 = arith.constant 16 : i32
    %dma_start3A_315 = arith.constant 0 : i32
    %dma_start3A_316 = tpu.memref_slice %arg7[%dma_start3A_314, %dma_start3A_315] : memref<64x80xi32, #tpu.memory_space<vmem>> -> memref<1x80xi32, #tpu.memory_space<vmem>>
    %dma_start3A_317 = tpu.memref_squeeze %dma_start3A_316 : memref<1x80xi32, #tpu.memory_space<vmem>> -> memref<80xi32, #tpu.memory_space<vmem>>
    %dma_start3A_318 = arith.constant 0 : i32
    %dma_start3A_319 = arith.constant 0 : i32
    %dma_start3A_320 = tpu.memref_slice %arg12[%dma_start3A_318, %dma_start3A_319] : memref<10000x128xf32, #tpu.memory_space<vmem_shared>> -> memref<10000x128xf32, #tpu.memory_space<vmem_shared>>
    tpu.enqueue_indirect_dma source(%arg10 : memref<80x128xf32, #tpu.memory_space<vmem>>) target(%dma_start3A_320 : memref<10000x128xf32, #tpu.memory_space<vmem_shared>>) offsets(%dma_start3A_317 : memref<80xi32, #tpu.memory_space<vmem>>) semaphore(%arg27 : memref<!tpu.dma_semaphore, #tpu.memory_space<semaphore_mem>>) {add = true}
    %dma_wait3A_321 = arith.constant 0 : i32
    %dma_wait3A_322 = arith.constant 0 : i32
    %dma_wait3A_323 = tpu.memref_slice %arg7[%dma_wait3A_321, %dma_wait3A_322] : memref<64x80xi32, #tpu.memory_space<vmem>> -> memref<1x80xi32, #tpu.memory_space<vmem>>
    %dma_wait3A_324 = tpu.memref_squeeze %dma_wait3A_323 : memref<1x80xi32, #tpu.memory_space<vmem>> -> memref<80xi32, #tpu.memory_space<vmem>>
    %dma_wait3A_325 = arith.constant 0 : i32
    %dma_wait3A_326 = arith.constant 0 : i32
    %dma_wait3A_327 = tpu.memref_slice %arg12[%dma_wait3A_325, %dma_wait3A_326] : memref<10000x128xf32, #tpu.memory_space<vmem_shared>> -> memref<10000x128xf32, #tpu.memory_space<vmem_shared>>
    tpu.wait_indirect_dma semaphore(%arg25 : memref<!tpu.dma_semaphore, #tpu.memory_space<semaphore_mem>>) src(%arg8 : memref<80x128xf32, #tpu.memory_space<vmem>>) dst(%dma_wait3A_327 : memref<10000x128xf32, #tpu.memory_space<vmem_shared>>)
    %dma_wait3A_328 = arith.constant 124 : i32
    %dma_wait3A_329 = arith.constant 0 : i32
    %dma_wait3A_330 = arith.constant 320 : i32
    %dma_wait3A_331 = tpu.memref_slice %arg6[%dma_wait3A_330] : memref<640xi32, #tpu.memory_space<vmem>> -> memref<80xi32, #tpu.memory_space<vmem>>
    %dma_wait3A_332 = arith.constant 0 : i32
    %dma_wait3A_333 = tpu.memref_slice %arg3[%add3A, %dma_wait3A_328, %dma_wait3A_329, %dma_wait3A_332] : memref<32x125x1x80xi32, #tpu.memory_space<hbm>> -> memref<1x1x1x80xi32, #tpu.memory_space<hbm>>
    %dma_wait3A_334 = tpu.memref_squeeze %dma_wait3A_333 : memref<1x1x1x80xi32, #tpu.memory_space<hbm>> -> memref<80xi32, #tpu.memory_space<hbm>>
    %dma_wait3A_335 = arith.constant 320 : i32
    %dma_wait3A_336 = tpu.memref_slice %arg6[%dma_wait3A_335] : memref<640xi32, #tpu.memory_space<vmem>> -> memref<80xi32, #tpu.memory_space<vmem>>
    %dma_wait3A_337 = arith.constant 0 : i32
    %dma_wait3A_338 = tpu.memref_slice %arg3[%add3A, %dma_wait3A_328, %dma_wait3A_329, %dma_wait3A_337] : memref<32x125x1x80xi32, #tpu.memory_space<hbm>> -> memref<1x1x1x80xi32, #tpu.memory_space<hbm>>
    %dma_wait3A_339 = tpu.memref_squeeze %dma_wait3A_338 : memref<1x1x1x80xi32, #tpu.memory_space<hbm>> -> memref<80xi32, #tpu.memory_space<hbm>>
    tpu.wait_dma2 semaphore(%arg17 : memref<!tpu.dma_semaphore, #tpu.memory_space<semaphore_mem>>) src(%dma_wait3A_339 : memref<80xi32, #tpu.memory_space<hbm>>) dst(%dma_wait3A_336 : memref<80xi32, #tpu.memory_space<vmem>>)
    %dma_wait3A_340 = arith.constant 124 : i32
    %dma_wait3A_341 = arith.constant 0 : i32
    %dma_wait3A_342 = arith.constant 32 : i32
    %dma_wait3A_343 = arith.constant 0 : i32
    %dma_wait3A_344 = tpu.memref_slice %arg7[%dma_wait3A_342, %dma_wait3A_343] : memref<64x80xi32, #tpu.memory_space<vmem>> -> memref<1x80xi32, #tpu.memory_space<vmem>>
    %dma_wait3A_345 = tpu.memref_squeeze %dma_wait3A_344 : memref<1x80xi32, #tpu.memory_space<vmem>> -> memref<80xi32, #tpu.memory_space<vmem>>
    %dma_wait3A_346 = arith.constant 0 : i32
    %dma_wait3A_347 = tpu.memref_slice %arg4[%add3A, %dma_wait3A_340, %dma_wait3A_341, %dma_wait3A_346] : memref<32x125x1x80xi32, #tpu.memory_space<hbm>> -> memref<1x1x1x80xi32, #tpu.memory_space<hbm>>
    %dma_wait3A_348 = tpu.memref_squeeze %dma_wait3A_347 : memref<1x1x1x80xi32, #tpu.memory_space<hbm>> -> memref<80xi32, #tpu.memory_space<hbm>>
    %dma_wait3A_349 = arith.constant 0 : i32
    %dma_wait3A_350 = tpu.memref_slice %arg7[%dma_wait3A_342, %dma_wait3A_349] : memref<64x80xi32, #tpu.memory_space<vmem>> -> memref<1x80xi32, #tpu.memory_space<vmem>>
    %dma_wait3A_351 = tpu.memref_squeeze %dma_wait3A_350 : memref<1x80xi32, #tpu.memory_space<vmem>> -> memref<80xi32, #tpu.memory_space<vmem>>
    %dma_wait3A_352 = arith.constant 0 : i32
    %dma_wait3A_353 = tpu.memref_slice %arg4[%add3A, %dma_wait3A_340, %dma_wait3A_341, %dma_wait3A_352] : memref<32x125x1x80xi32, #tpu.memory_space<hbm>> -> memref<1x1x1x80xi32, #tpu.memory_space<hbm>>
    %dma_wait3A_354 = tpu.memref_squeeze %dma_wait3A_353 : memref<1x1x1x80xi32, #tpu.memory_space<hbm>> -> memref<80xi32, #tpu.memory_space<hbm>>
    tpu.wait_dma2 semaphore(%arg17 : memref<!tpu.dma_semaphore, #tpu.memory_space<semaphore_mem>>) src(%dma_wait3A_354 : memref<80xi32, #tpu.memory_space<hbm>>) dst(%dma_wait3A_351 : memref<80xi32, #tpu.memory_space<vmem>>)
    %dma_start3A_355 = arith.constant 320 : i32
    %dma_start3A_356 = tpu.memref_slice %arg6[%dma_start3A_355] : memref<640xi32, #tpu.memory_space<vmem>> -> memref<80xi32, #tpu.memory_space<vmem>>
    %dma_start3A_357 = arith.constant 0 : i32
    %dma_start3A_358 = arith.constant 0 : i32
    %dma_start3A_359 = tpu.memref_slice %arg2[%dma_start3A_357, %dma_start3A_358] : memref<10000x128xf32, #tpu.memory_space<hbm>> -> memref<10000x128xf32, #tpu.memory_space<hbm>>
    tpu.enqueue_indirect_dma source(%dma_start3A_359 : memref<10000x128xf32, #tpu.memory_space<hbm>>) target(%arg8 : memref<80x128xf32, #tpu.memory_space<vmem>>) offsets(%dma_start3A_356 : memref<80xi32, #tpu.memory_space<vmem>>) semaphore(%arg21 : memref<!tpu.dma_semaphore, #tpu.memory_space<semaphore_mem>>)
    %dma_wait3A_360 = arith.constant 240 : i32
    %dma_wait3A_361 = tpu.memref_slice %arg6[%dma_wait3A_360] : memref<640xi32, #tpu.memory_space<vmem>> -> memref<80xi32, #tpu.memory_space<vmem>>
    %dma_wait3A_362 = arith.constant 0 : i32
    %dma_wait3A_363 = arith.constant 0 : i32
    %dma_wait3A_364 = tpu.memref_slice %arg2[%dma_wait3A_362, %dma_wait3A_363] : memref<10000x128xf32, #tpu.memory_space<hbm>> -> memref<10000x128xf32, #tpu.memory_space<hbm>>
    tpu.wait_indirect_dma semaphore(%arg24 : memref<!tpu.dma_semaphore, #tpu.memory_space<semaphore_mem>>) src(%dma_wait3A_364 : memref<10000x128xf32, #tpu.memory_space<hbm>>) dst(%arg11 : memref<80x128xf32, #tpu.memory_space<vmem>>)
    %dma_start3A_365 = arith.constant 24 : i32
    %dma_start3A_366 = arith.constant 0 : i32
    %dma_start3A_367 = tpu.memref_slice %arg7[%dma_start3A_365, %dma_start3A_366] : memref<64x80xi32, #tpu.memory_space<vmem>> -> memref<1x80xi32, #tpu.memory_space<vmem>>
    %dma_start3A_368 = tpu.memref_squeeze %dma_start3A_367 : memref<1x80xi32, #tpu.memory_space<vmem>> -> memref<80xi32, #tpu.memory_space<vmem>>
    %dma_start3A_369 = arith.constant 0 : i32
    %dma_start3A_370 = arith.constant 0 : i32
    %dma_start3A_371 = tpu.memref_slice %arg12[%dma_start3A_369, %dma_start3A_370] : memref<10000x128xf32, #tpu.memory_space<vmem_shared>> -> memref<10000x128xf32, #tpu.memory_space<vmem_shared>>
    tpu.enqueue_indirect_dma source(%arg11 : memref<80x128xf32, #tpu.memory_space<vmem>>) target(%dma_start3A_371 : memref<10000x128xf32, #tpu.memory_space<vmem_shared>>) offsets(%dma_start3A_368 : memref<80xi32, #tpu.memory_space<vmem>>) semaphore(%arg28 : memref<!tpu.dma_semaphore, #tpu.memory_space<semaphore_mem>>) {add = true}
    %dma_wait3A_372 = arith.constant 8 : i32
    %dma_wait3A_373 = arith.constant 0 : i32
    %dma_wait3A_374 = tpu.memref_slice %arg7[%dma_wait3A_372, %dma_wait3A_373] : memref<64x80xi32, #tpu.memory_space<vmem>> -> memref<1x80xi32, #tpu.memory_space<vmem>>
    %dma_wait3A_375 = tpu.memref_squeeze %dma_wait3A_374 : memref<1x80xi32, #tpu.memory_space<vmem>> -> memref<80xi32, #tpu.memory_space<vmem>>
    %dma_wait3A_376 = arith.constant 0 : i32
    %dma_wait3A_377 = arith.constant 0 : i32
    %dma_wait3A_378 = tpu.memref_slice %arg12[%dma_wait3A_376, %dma_wait3A_377] : memref<10000x128xf32, #tpu.memory_space<vmem_shared>> -> memref<10000x128xf32, #tpu.memory_space<vmem_shared>>
    tpu.wait_indirect_dma semaphore(%arg26 : memref<!tpu.dma_semaphore, #tpu.memory_space<semaphore_mem>>) src(%arg9 : memref<80x128xf32, #tpu.memory_space<vmem>>) dst(%dma_wait3A_378 : memref<10000x128xf32, #tpu.memory_space<vmem_shared>>)
    %dma_wait3A_379 = arith.constant 320 : i32
    %dma_wait3A_380 = tpu.memref_slice %arg6[%dma_wait3A_379] : memref<640xi32, #tpu.memory_space<vmem>> -> memref<80xi32, #tpu.memory_space<vmem>>
    %dma_wait3A_381 = arith.constant 0 : i32
    %dma_wait3A_382 = arith.constant 0 : i32
    %dma_wait3A_383 = tpu.memref_slice %arg2[%dma_wait3A_381, %dma_wait3A_382] : memref<10000x128xf32, #tpu.memory_space<hbm>> -> memref<10000x128xf32, #tpu.memory_space<hbm>>
    tpu.wait_indirect_dma semaphore(%arg21 : memref<!tpu.dma_semaphore, #tpu.memory_space<semaphore_mem>>) src(%dma_wait3A_383 : memref<10000x128xf32, #tpu.memory_space<hbm>>) dst(%arg8 : memref<80x128xf32, #tpu.memory_space<vmem>>)
    %dma_start3A_384 = arith.constant 32 : i32
    %dma_start3A_385 = arith.constant 0 : i32
    %dma_start3A_386 = tpu.memref_slice %arg7[%dma_start3A_384, %dma_start3A_385] : memref<64x80xi32, #tpu.memory_space<vmem>> -> memref<1x80xi32, #tpu.memory_space<vmem>>
    %dma_start3A_387 = tpu.memref_squeeze %dma_start3A_386 : memref<1x80xi32, #tpu.memory_space<vmem>> -> memref<80xi32, #tpu.memory_space<vmem>>
    %dma_start3A_388 = arith.constant 0 : i32
    %dma_start3A_389 = arith.constant 0 : i32
    %dma_start3A_390 = tpu.memref_slice %arg12[%dma_start3A_388, %dma_start3A_389] : memref<10000x128xf32, #tpu.memory_space<vmem_shared>> -> memref<10000x128xf32, #tpu.memory_space<vmem_shared>>
    tpu.enqueue_indirect_dma source(%arg8 : memref<80x128xf32, #tpu.memory_space<vmem>>) target(%dma_start3A_390 : memref<10000x128xf32, #tpu.memory_space<vmem_shared>>) offsets(%dma_start3A_387 : memref<80xi32, #tpu.memory_space<vmem>>) semaphore(%arg25 : memref<!tpu.dma_semaphore, #tpu.memory_space<semaphore_mem>>) {add = true}
    %dma_wait3A_391 = arith.constant 16 : i32
    %dma_wait3A_392 = arith.constant 0 : i32
    %dma_wait3A_393 = tpu.memref_slice %arg7[%dma_wait3A_391, %dma_wait3A_392] : memref<64x80xi32, #tpu.memory_space<vmem>> -> memref<1x80xi32, #tpu.memory_space<vmem>>
    %dma_wait3A_394 = tpu.memref_squeeze %dma_wait3A_393 : memref<1x80xi32, #tpu.memory_space<vmem>> -> memref<80xi32, #tpu.memory_space<vmem>>
    %dma_wait3A_395 = arith.constant 0 : i32
    %dma_wait3A_396 = arith.constant 0 : i32
    %dma_wait3A_397 = tpu.memref_slice %arg12[%dma_wait3A_395, %dma_wait3A_396] : memref<10000x128xf32, #tpu.memory_space<vmem_shared>> -> memref<10000x128xf32, #tpu.memory_space<vmem_shared>>
    tpu.wait_indirect_dma semaphore(%arg27 : memref<!tpu.dma_semaphore, #tpu.memory_space<semaphore_mem>>) src(%arg10 : memref<80x128xf32, #tpu.memory_space<vmem>>) dst(%dma_wait3A_397 : memref<10000x128xf32, #tpu.memory_space<vmem_shared>>)
    %dma_wait3A_398 = arith.constant 24 : i32
    %dma_wait3A_399 = arith.constant 0 : i32
    %dma_wait3A_400 = tpu.memref_slice %arg7[%dma_wait3A_398, %dma_wait3A_399] : memref<64x80xi32, #tpu.memory_space<vmem>> -> memref<1x80xi32, #tpu.memory_space<vmem>>
    %dma_wait3A_401 = tpu.memref_squeeze %dma_wait3A_400 : memref<1x80xi32, #tpu.memory_space<vmem>> -> memref<80xi32, #tpu.memory_space<vmem>>
    %dma_wait3A_402 = arith.constant 0 : i32
    %dma_wait3A_403 = arith.constant 0 : i32
    %dma_wait3A_404 = tpu.memref_slice %arg12[%dma_wait3A_402, %dma_wait3A_403] : memref<10000x128xf32, #tpu.memory_space<vmem_shared>> -> memref<10000x128xf32, #tpu.memory_space<vmem_shared>>
    tpu.wait_indirect_dma semaphore(%arg28 : memref<!tpu.dma_semaphore, #tpu.memory_space<semaphore_mem>>) src(%arg11 : memref<80x128xf32, #tpu.memory_space<vmem>>) dst(%dma_wait3A_404 : memref<10000x128xf32, #tpu.memory_space<vmem_shared>>)
    %dma_wait3A_405 = arith.constant 32 : i32
    %dma_wait3A_406 = arith.constant 0 : i32
    %dma_wait3A_407 = tpu.memref_slice %arg7[%dma_wait3A_405, %dma_wait3A_406] : memref<64x80xi32, #tpu.memory_space<vmem>> -> memref<1x80xi32, #tpu.memory_space<vmem>>
    %dma_wait3A_408 = tpu.memref_squeeze %dma_wait3A_407 : memref<1x80xi32, #tpu.memory_space<vmem>> -> memref<80xi32, #tpu.memory_space<vmem>>
    %dma_wait3A_409 = arith.constant 0 : i32
    %dma_wait3A_410 = arith.constant 0 : i32
    %dma_wait3A_411 = tpu.memref_slice %arg12[%dma_wait3A_409, %dma_wait3A_410] : memref<10000x128xf32, #tpu.memory_space<vmem_shared>> -> memref<10000x128xf32, #tpu.memory_space<vmem_shared>>
    tpu.wait_indirect_dma semaphore(%arg25 : memref<!tpu.dma_semaphore, #tpu.memory_space<semaphore_mem>>) src(%arg8 : memref<80x128xf32, #tpu.memory_space<vmem>>) dst(%dma_wait3A_411 : memref<10000x128xf32, #tpu.memory_space<vmem_shared>>)
    %barrier3A_412 = arith.constant 0 : index
    tpu.barrier barrier_id(%barrier3A_412)
    %while3A_413 = arith.constant 0 : i32
    %while3A_414 = arith.constant 0 : i32
    %while3A_415 = arith.subi %select_n3A, %while3A_414 : i32
    %while3A_416 = arith.addi %while3A_414, %while3A_415 : i32
    %while3A_417 = arith.constant 1 : i32
    %while3A_418 = arith.divsi %while3A_415, %while3A_417 : i32
    %while3A_419 = arith.muli %while3A_418, %while3A_417 : i32
    %while3A_420 = arith.addi %while3A_414, %while3A_419 : i32
    %while3A_421 = arith.constant 1 : i32
    scf.for %while3A_423 = %while3A_414 to %while3A_420 step %while3A_421  : i32 {
      %mul3A_424 = arith.constant 16 : i32
      %mul3A_425 = arith.muli %while3A_423, %mul3A_424 : i32
      %add3A_426 = arith.addi %arg1, %mul3A_425 : i32
      %mul3A_427 = arith.constant 80 : i32
      %mul3A_428 = arith.muli %add3A_426, %mul3A_427 : i32
      "tpu.region"() ({
        %run_scoped3A = tpu.sem_alloc : memref<!tpu.dma_semaphore, #tpu.memory_space<semaphore_mem>>
        %dma_start3A_429 = arith.constant 0 : i32
        %dma_start3A_430 = tpu.memref_slice %arg5[%arg0, %mul3A_428, %dma_start3A_429] : memref<2x10000x128xf32, #tpu.memory_space<hbm>> -> memref<1x80x128xf32, #tpu.memory_space<hbm>>
        %dma_start3A_431 = tpu.memref_squeeze %dma_start3A_430 : memref<1x80x128xf32, #tpu.memory_space<hbm>> -> memref<80x128xf32, #tpu.memory_space<hbm>>
        %dma_start3A_432 = arith.constant 0 : i32
        %dma_start3A_433 = tpu.memref_slice %arg12[%mul3A_428, %dma_start3A_432] : memref<10000x128xf32, #tpu.memory_space<vmem_shared>> -> memref<80x128xf32, #tpu.memory_space<vmem_shared>>
        tpu.enqueue_dma source(%dma_start3A_433 : memref<80x128xf32, #tpu.memory_space<vmem_shared>>) target(%dma_start3A_431 : memref<80x128xf32, #tpu.memory_space<hbm>>) target_semaphore(%run_scoped3A : memref<!tpu.dma_semaphore, #tpu.memory_space<semaphore_mem>>)
        %dma_wait3A_434 = arith.constant 0 : i32
        %dma_wait3A_435 = tpu.memref_slice %arg5[%arg0, %mul3A_428, %dma_wait3A_434] : memref<2x10000x128xf32, #tpu.memory_space<hbm>> -> memref<1x80x128xf32, #tpu.memory_space<hbm>>
        %dma_wait3A_436 = tpu.memref_squeeze %dma_wait3A_435 : memref<1x80x128xf32, #tpu.memory_space<hbm>> -> memref<80x128xf32, #tpu.memory_space<hbm>>
        %dma_wait3A_437 = arith.constant 0 : i32
        %dma_wait3A_438 = tpu.memref_slice %arg12[%mul3A_428, %dma_wait3A_437] : memref<10000x128xf32, #tpu.memory_space<vmem_shared>> -> memref<80x128xf32, #tpu.memory_space<vmem_shared>>
        tpu.wait_dma2 semaphore(%run_scoped3A : memref<!tpu.dma_semaphore, #tpu.memory_space<semaphore_mem>>) src(%dma_wait3A_438 : memref<80x128xf32, #tpu.memory_space<vmem_shared>>) dst(%dma_wait3A_436 : memref<80x128xf32, #tpu.memory_space<hbm>>)
        tpu.yield
      }) : () -> ()
    }
    %while3A_422 = arith.constant 1 : i32
    scf.for %while3A_423 = %while3A_420 to %while3A_416 step %while3A_422  : i32 {
      %mul3A_424 = arith.constant 16 : i32
      %mul3A_425 = arith.muli %while3A_423, %mul3A_424 : i32
      %add3A_426 = arith.addi %arg1, %mul3A_425 : i32
      %mul3A_427 = arith.constant 80 : i32
      %mul3A_428 = arith.muli %add3A_426, %mul3A_427 : i32
      "tpu.region"() ({
        %run_scoped3A = tpu.sem_alloc : memref<!tpu.dma_semaphore, #tpu.memory_space<semaphore_mem>>
        %dma_start3A_429 = arith.constant 0 : i32
        %dma_start3A_430 = tpu.memref_slice %arg5[%arg0, %mul3A_428, %dma_start3A_429] : memref<2x10000x128xf32, #tpu.memory_space<hbm>> -> memref<1x80x128xf32, #tpu.memory_space<hbm>>
        %dma_start3A_431 = tpu.memref_squeeze %dma_start3A_430 : memref<1x80x128xf32, #tpu.memory_space<hbm>> -> memref<80x128xf32, #tpu.memory_space<hbm>>
        %dma_start3A_432 = arith.constant 0 : i32
        %dma_start3A_433 = tpu.memref_slice %arg12[%mul3A_428, %dma_start3A_432] : memref<10000x128xf32, #tpu.memory_space<vmem_shared>> -> memref<80x128xf32, #tpu.memory_space<vmem_shared>>
        tpu.enqueue_dma source(%dma_start3A_433 : memref<80x128xf32, #tpu.memory_space<vmem_shared>>) target(%dma_start3A_431 : memref<80x128xf32, #tpu.memory_space<hbm>>) target_semaphore(%run_scoped3A : memref<!tpu.dma_semaphore, #tpu.memory_space<semaphore_mem>>)
        %dma_wait3A_434 = arith.constant 0 : i32
        %dma_wait3A_435 = tpu.memref_slice %arg5[%arg0, %mul3A_428, %dma_wait3A_434] : memref<2x10000x128xf32, #tpu.memory_space<hbm>> -> memref<1x80x128xf32, #tpu.memory_space<hbm>>
        %dma_wait3A_436 = tpu.memref_squeeze %dma_wait3A_435 : memref<1x80x128xf32, #tpu.memory_space<hbm>> -> memref<80x128xf32, #tpu.memory_space<hbm>>
        %dma_wait3A_437 = arith.constant 0 : i32
        %dma_wait3A_438 = tpu.memref_slice %arg12[%mul3A_428, %dma_wait3A_437] : memref<10000x128xf32, #tpu.memory_space<vmem_shared>> -> memref<80x128xf32, #tpu.memory_space<vmem_shared>>
        tpu.wait_dma2 semaphore(%run_scoped3A : memref<!tpu.dma_semaphore, #tpu.memory_space<semaphore_mem>>) src(%dma_wait3A_438 : memref<80x128xf32, #tpu.memory_space<vmem_shared>>) dst(%dma_wait3A_436 : memref<80x128xf32, #tpu.memory_space<hbm>>)
        tpu.yield
      }) : () -> ()
    }
    return
  }
}

module attributes {stable_mosaic.version = 14 : i64} {
  func.func @body(%arg0: i32, %arg1: memref<2000x128xf32, #tpu.memory_space<vmem>>, %arg2: memref<2x2000x128xf32, #tpu.memory_space<vmem>>, %arg3: memref<128x128xf32, #tpu.memory_space<vmem>>, %arg4: memref<128x128xf32, #tpu.memory_space<vmem>>, %arg5: memref<1x128xf32, #tpu.memory_space<vmem>>, %arg6: memref<2000x128xf32, #tpu.memory_space<vmem>>) attributes {dimension_semantics = [#tpu.dimension_semantics<arbitrary>], iteration_bounds = array<i64: 5>, scalar_prefetch = 0 : i64, scratch_operands = 0 : i64, tpu.core_type = #tpu.core_type<tc>, window_params = [{transform_indices = @transform_0, window_bounds = array<i64: 2000, 128>}, {transform_indices = @transform_1, window_bounds = array<i64: 2, 2000, 128>}, {pipeline_mode = #tpu.pipeline_mode<synchronous>, transform_indices = @transform_2, window_bounds = array<i64: 128, 128>}, {pipeline_mode = #tpu.pipeline_mode<synchronous>, transform_indices = @transform_3, window_bounds = array<i64: 128, 128>}, {pipeline_mode = #tpu.pipeline_mode<synchronous>, transform_indices = @transform_4, window_bounds = array<i64: 1, 128>}, {transform_indices = @transform_5, window_bounds = array<i64: 2000, 128>}]} {
    %get3A = arith.constant 0 : index
    %get3A_0 = arith.constant 0 : index
    %get3A_1 = arith.constant 0 : index
    %get3A_2 = vector.load %arg2[%get3A, %get3A_0, %get3A_1] : memref<2x2000x128xf32, #tpu.memory_space<vmem>>, vector<1x2000x128xf32>
    %get3A_3 = vector.shape_cast %get3A_2 : vector<1x2000x128xf32> to vector<2000x128xf32>
    %get3A_4 = arith.constant 1 : index
    %get3A_5 = arith.constant 0 : index
    %get3A_6 = arith.constant 0 : index
    %get3A_7 = vector.load %arg2[%get3A_4, %get3A_5, %get3A_6] : memref<2x2000x128xf32, #tpu.memory_space<vmem>>, vector<1x2000x128xf32>
    %get3A_8 = vector.shape_cast %get3A_7 : vector<1x2000x128xf32> to vector<2000x128xf32>
    %add3A = arith.addf %get3A_3, %get3A_8 : vector<2000x128xf32>
    %get3A_9 = arith.constant 0 : index
    %get3A_10 = arith.constant 0 : index
    %get3A_11 = vector.load %arg1[%get3A_9, %get3A_10] : memref<2000x128xf32, #tpu.memory_space<vmem>>, vector<2000x128xf32>
    %get3A_12 = arith.constant 0 : index
    %get3A_13 = arith.constant 0 : index
    %get3A_14 = vector.load %arg3[%get3A_12, %get3A_13] : memref<128x128xf32, #tpu.memory_space<vmem>>, vector<128x128xf32>
    %dot_general3A = arith.constant dense<0.000000e+00> : vector<2000x128xf32>
    %dot_general3A_15 = tpu.matmul %get3A_11, %get3A_14, %dot_general3A {dimension_numbers = #tpu.dot_dimension_numbers<[1], [0], [0], [1], [0, 0, 1, 1], [], []>, transpose_lhs_hint = false} : vector<2000x128xf32>, vector<128x128xf32>, vector<2000x128xf32> -> vector<2000x128xf32>
    %get3A_16 = arith.constant 0 : index
    %get3A_17 = arith.constant 0 : index
    %get3A_18 = vector.load %arg4[%get3A_16, %get3A_17] : memref<128x128xf32, #tpu.memory_space<vmem>>, vector<128x128xf32>
    %dot_general3A_19 = arith.constant dense<0.000000e+00> : vector<2000x128xf32>
    %dot_general3A_20 = tpu.matmul %add3A, %get3A_18, %dot_general3A_19 {dimension_numbers = #tpu.dot_dimension_numbers<[1], [0], [0], [1], [0, 0, 1, 1], [], []>, transpose_lhs_hint = false} : vector<2000x128xf32>, vector<128x128xf32>, vector<2000x128xf32> -> vector<2000x128xf32>
    %add3A_21 = arith.addf %dot_general3A_15, %dot_general3A_20 : vector<2000x128xf32>
    %get3A_22 = arith.constant 0 : index
    %get3A_23 = arith.constant 0 : index
    %get3A_24 = vector.load %arg5[%get3A_22, %get3A_23] : memref<1x128xf32, #tpu.memory_space<vmem>>, vector<1x128xf32>
    %add3A_25 = vector.broadcast %get3A_24 : vector<1x128xf32> to vector<2000x128xf32>
    %add3A_26 = arith.addf %add3A_21, %add3A_25 : vector<2000x128xf32>
    %max3A = arith.constant 0.000000e+00 : f32
    %max3A_27 = vector.broadcast %max3A : f32 to vector<2000x128xf32>
    %max3A_28 = arith.maximumf %add3A_26, %max3A_27 : vector<2000x128xf32>
    %swap3A = arith.constant 0 : index
    %swap3A_29 = arith.constant 0 : index
    %swap3A_30 = vector.load %arg6[%swap3A, %swap3A_29] : memref<2000x128xf32, #tpu.memory_space<vmem>>, vector<2000x128xf32>
    tpu.vector_store %arg6[%swap3A, %swap3A_29], %max3A_28 {strides = array<i32>} : memref<2000x128xf32, #tpu.memory_space<vmem>>, vector<2000x128xf32>,
    return
  }
  func.func @transform_0(%arg0: i32) -> (i32, i32) {
    %c0_i32 = arith.constant 0 : i32
    %c0_i32_0 = arith.constant 0 : i32
    return %arg0, %c0_i32 : i32, i32
  }
  func.func @transform_1(%arg0: i32) -> (i32, i32, i32) {
    %c0_i32 = arith.constant 0 : i32
    %c0_i32_0 = arith.constant 0 : i32
    %c0_i32_1 = arith.constant 0 : i32
    return %c0_i32, %arg0, %c0_i32_0 : i32, i32, i32
  }
  func.func @transform_2(%arg0: i32) -> (i32, i32) {
    %c0_i32 = arith.constant 0 : i32
    %c0_i32_0 = arith.constant 0 : i32
    %c0_i32_1 = arith.constant 0 : i32
    return %c0_i32, %c0_i32_0 : i32, i32
  }
  func.func @transform_3(%arg0: i32) -> (i32, i32) {
    %c0_i32 = arith.constant 0 : i32
    %c0_i32_0 = arith.constant 0 : i32
    %c0_i32_1 = arith.constant 0 : i32
    return %c0_i32, %c0_i32_0 : i32, i32
  }
  func.func @transform_4(%arg0: i32) -> (i32, i32) {
    %c0_i32 = arith.constant 0 : i32
    %c0_i32_0 = arith.constant 0 : i32
    %c0_i32_1 = arith.constant 0 : i32
    return %c0_i32, %c0_i32_0 : i32, i32
  }
  func.func @transform_5(%arg0: i32) -> (i32, i32) {
    %c0_i32 = arith.constant 0 : i32
    %c0_i32_0 = arith.constant 0 : i32
    return %arg0, %c0_i32 : i32, i32
  }
}

module attributes {stable_mosaic.version = 14 : i64} {
  func.func @body(%arg0: i32, %arg1: memref<2000x128xf32, #tpu.memory_space<vmem>>, %arg2: memref<2x2000x128xf32, #tpu.memory_space<vmem>>, %arg3: memref<128x128xf32, #tpu.memory_space<vmem>>, %arg4: memref<128x128xf32, #tpu.memory_space<vmem>>, %arg5: memref<1x128xf32, #tpu.memory_space<vmem>>, %arg6: memref<2000x1xi32, #tpu.memory_space<vmem>>, %arg7: memref<64x128xf32, #tpu.memory_space<vmem>>, %arg8: memref<64x128xf32, #tpu.memory_space<vmem>>, %arg9: memref<64x128xf32, #tpu.memory_space<vmem>>) attributes {dimension_semantics = [#tpu.dimension_semantics<arbitrary>], iteration_bounds = array<i64: 5>, scalar_prefetch = 0 : i64, scratch_operands = 2 : i64, tpu.core_type = #tpu.core_type<tc>, window_params = [{transform_indices = @transform_0, window_bounds = array<i64: 2000, 128>}, {transform_indices = @transform_1, window_bounds = array<i64: 2, 2000, 128>}, {pipeline_mode = #tpu.pipeline_mode<synchronous>, transform_indices = @transform_2, window_bounds = array<i64: 128, 128>}, {pipeline_mode = #tpu.pipeline_mode<synchronous>, transform_indices = @transform_3, window_bounds = array<i64: 128, 128>}, {pipeline_mode = #tpu.pipeline_mode<synchronous>, transform_indices = @transform_4, window_bounds = array<i64: 1, 128>}, {transform_indices = @transform_5, window_bounds = array<i64: 2000, 1>}, {pipeline_mode = #tpu.pipeline_mode<synchronous>, transform_indices = @transform_6, window_bounds = array<i64: 64, 128>}]} {
    %get3A = arith.constant 0 : index
    %get3A_0 = arith.constant 0 : index
    %get3A_1 = arith.constant 0 : index
    %get3A_2 = vector.load %arg2[%get3A, %get3A_0, %get3A_1] : memref<2x2000x128xf32, #tpu.memory_space<vmem>>, vector<1x2000x128xf32>
    %get3A_3 = vector.shape_cast %get3A_2 : vector<1x2000x128xf32> to vector<2000x128xf32>
    %get3A_4 = arith.constant 1 : index
    %get3A_5 = arith.constant 0 : index
    %get3A_6 = arith.constant 0 : index
    %get3A_7 = vector.load %arg2[%get3A_4, %get3A_5, %get3A_6] : memref<2x2000x128xf32, #tpu.memory_space<vmem>>, vector<1x2000x128xf32>
    %get3A_8 = vector.shape_cast %get3A_7 : vector<1x2000x128xf32> to vector<2000x128xf32>
    %add3A = arith.addf %get3A_3, %get3A_8 : vector<2000x128xf32>
    %get3A_9 = arith.constant 0 : index
    %get3A_10 = arith.constant 0 : index
    %get3A_11 = vector.load %arg1[%get3A_9, %get3A_10] : memref<2000x128xf32, #tpu.memory_space<vmem>>, vector<2000x128xf32>
    %get3A_12 = arith.constant 0 : index
    %get3A_13 = arith.constant 0 : index
    %get3A_14 = vector.load %arg3[%get3A_12, %get3A_13] : memref<128x128xf32, #tpu.memory_space<vmem>>, vector<128x128xf32>
    %dot_general3A = arith.constant dense<0.000000e+00> : vector<2000x128xf32>
    %dot_general3A_15 = tpu.matmul %get3A_11, %get3A_14, %dot_general3A {dimension_numbers = #tpu.dot_dimension_numbers<[1], [0], [0], [1], [0, 0, 1, 1], [], []>, transpose_lhs_hint = false} : vector<2000x128xf32>, vector<128x128xf32>, vector<2000x128xf32> -> vector<2000x128xf32>
    %get3A_16 = arith.constant 0 : index
    %get3A_17 = arith.constant 0 : index
    %get3A_18 = vector.load %arg4[%get3A_16, %get3A_17] : memref<128x128xf32, #tpu.memory_space<vmem>>, vector<128x128xf32>
    %dot_general3A_19 = arith.constant dense<0.000000e+00> : vector<2000x128xf32>
    %dot_general3A_20 = tpu.matmul %add3A, %get3A_18, %dot_general3A_19 {dimension_numbers = #tpu.dot_dimension_numbers<[1], [0], [0], [1], [0, 0, 1, 1], [], []>, transpose_lhs_hint = false} : vector<2000x128xf32>, vector<128x128xf32>, vector<2000x128xf32> -> vector<2000x128xf32>
    %add3A_21 = arith.addf %dot_general3A_15, %dot_general3A_20 : vector<2000x128xf32>
    %get3A_22 = arith.constant 0 : index
    %get3A_23 = arith.constant 0 : index
    %get3A_24 = vector.load %arg5[%get3A_22, %get3A_23] : memref<1x128xf32, #tpu.memory_space<vmem>>, vector<1x128xf32>
    %add3A_25 = vector.broadcast %get3A_24 : vector<1x128xf32> to vector<2000x128xf32>
    %add3A_26 = arith.addf %add3A_21, %add3A_25 : vector<2000x128xf32>
    %max3A = arith.constant 0.000000e+00 : f32
    %max3A_27 = vector.broadcast %max3A : f32 to vector<2000x128xf32>
    %max3A_28 = arith.maximumf %add3A_26, %max3A_27 : vector<2000x128xf32>
    %get3A_29 = arith.constant 0 : index
    %get3A_30 = arith.constant 0 : index
    %get3A_31 = vector.load %arg6[%get3A_29, %get3A_30] : memref<2000x1xi32, #tpu.memory_space<vmem>>, vector<2000x1xi32>
    %iota3A = tpu.iota {dimensions = array<i32: 1>} : vector<2000x64xi32>
    %eq3A = vector.broadcast %get3A_31 : vector<2000x1xi32> to vector<2000x64xi32>
    %eq3A_32 = arith.cmpi eq, %eq3A, %iota3A : vector<2000x64xi32>
    %convert_element_type3A = arith.extui %eq3A_32 : vector<2000x64xi1> to vector<2000x64xi32>
    %convert_element_type3A_33 = arith.sitofp %convert_element_type3A : vector<2000x64xi32> to vector<2000x64xf32>
    %dot_general3A_34 = arith.constant dense<0.000000e+00> : vector<64x128xf32>
    %dot_general3A_35 = tpu.matmul %convert_element_type3A_33, %max3A_28, %dot_general3A_34 {dimension_numbers = #tpu.dot_dimension_numbers<[0], [0], [1], [1], [0, 1, 1, 1], [], []>, transpose_lhs_hint = false} : vector<2000x64xf32>, vector<2000x128xf32>, vector<64x128xf32> -> vector<64x128xf32>
    %broadcast_in_dim3A = arith.constant 1.000000e+00 : f32
    %broadcast_in_dim3A_36 = vector.broadcast %broadcast_in_dim3A : f32 to vector<2000x128xf32>
    %dot_general3A_37 = arith.constant dense<0.000000e+00> : vector<64x128xf32>
    %dot_general3A_38 = tpu.matmul %convert_element_type3A_33, %broadcast_in_dim3A_36, %dot_general3A_37 {dimension_numbers = #tpu.dot_dimension_numbers<[0], [0], [1], [1], [0, 1, 1, 1], [], []>, transpose_lhs_hint = false} : vector<2000x64xf32>, vector<2000x128xf32>, vector<64x128xf32> -> vector<64x128xf32>
    %eq3A_39 = arith.constant 0 : i32
    %eq3A_40 = arith.cmpi eq, %arg0, %eq3A_39 : i32
    %convert_element_type3A_41 = arith.extui %eq3A_40 : i1 to i32
    %cond3A = arith.constant 0 : i32
    %cond3A_42 = arith.cmpi ne, %convert_element_type3A_41, %cond3A : i32
    scf.if %cond3A_42 {
      %broadcast_in_dim3A_61 = arith.constant 0.000000e+00 : f32
      %broadcast_in_dim3A_62 = vector.broadcast %broadcast_in_dim3A_61 : f32 to vector<64x128xf32>
      %swap3A_63 = arith.constant 0 : index
      %swap3A_64 = arith.constant 0 : index
      %swap3A_65 = vector.load %arg8[%swap3A_63, %swap3A_64] : memref<64x128xf32, #tpu.memory_space<vmem>>, vector<64x128xf32>
      tpu.vector_store %arg8[%swap3A_63, %swap3A_64], %broadcast_in_dim3A_62 {strides = array<i32>} : memref<64x128xf32, #tpu.memory_space<vmem>>, vector<64x128xf32>,
      %broadcast_in_dim3A_66 = arith.constant 0.000000e+00 : f32
      %broadcast_in_dim3A_67 = vector.broadcast %broadcast_in_dim3A_66 : f32 to vector<64x128xf32>
      %swap3A_68 = arith.constant 0 : index
      %swap3A_69 = arith.constant 0 : index
      %swap3A_70 = vector.load %arg9[%swap3A_68, %swap3A_69] : memref<64x128xf32, #tpu.memory_space<vmem>>, vector<64x128xf32>
      tpu.vector_store %arg9[%swap3A_68, %swap3A_69], %broadcast_in_dim3A_67 {strides = array<i32>} : memref<64x128xf32, #tpu.memory_space<vmem>>, vector<64x128xf32>,
    } else {
    }
    %get3A_43 = arith.constant 0 : index
    %get3A_44 = arith.constant 0 : index
    %get3A_45 = vector.load %arg8[%get3A_43, %get3A_44] : memref<64x128xf32, #tpu.memory_space<vmem>>, vector<64x128xf32>
    %add3A_46 = arith.addf %get3A_45, %dot_general3A_35 : vector<64x128xf32>
    %swap3A = arith.constant 0 : index
    %swap3A_47 = arith.constant 0 : index
    %swap3A_48 = vector.load %arg8[%swap3A, %swap3A_47] : memref<64x128xf32, #tpu.memory_space<vmem>>, vector<64x128xf32>
    tpu.vector_store %arg8[%swap3A, %swap3A_47], %add3A_46 {strides = array<i32>} : memref<64x128xf32, #tpu.memory_space<vmem>>, vector<64x128xf32>,
    %get3A_49 = arith.constant 0 : index
    %get3A_50 = arith.constant 0 : index
    %get3A_51 = vector.load %arg9[%get3A_49, %get3A_50] : memref<64x128xf32, #tpu.memory_space<vmem>>, vector<64x128xf32>
    %add3A_52 = arith.addf %get3A_51, %dot_general3A_38 : vector<64x128xf32>
    %swap3A_53 = arith.constant 0 : index
    %swap3A_54 = arith.constant 0 : index
    %swap3A_55 = vector.load %arg9[%swap3A_53, %swap3A_54] : memref<64x128xf32, #tpu.memory_space<vmem>>, vector<64x128xf32>
    tpu.vector_store %arg9[%swap3A_53, %swap3A_54], %add3A_52 {strides = array<i32>} : memref<64x128xf32, #tpu.memory_space<vmem>>, vector<64x128xf32>,
    %eq3A_56 = arith.constant 4 : i32
    %eq3A_57 = arith.cmpi eq, %arg0, %eq3A_56 : i32
    %convert_element_type3A_58 = arith.extui %eq3A_57 : i1 to i32
    %cond3A_59 = arith.constant 0 : i32
    %cond3A_60 = arith.cmpi ne, %convert_element_type3A_58, %cond3A_59 : i32
    scf.if %cond3A_60 {
      %get3A_61 = arith.constant 0 : index
      %get3A_62 = arith.constant 0 : index
      %get3A_63 = vector.load %arg8[%get3A_61, %get3A_62] : memref<64x128xf32, #tpu.memory_space<vmem>>, vector<64x128xf32>
      %get3A_64 = arith.constant 0 : index
      %get3A_65 = arith.constant 0 : index
      %get3A_66 = vector.load %arg9[%get3A_64, %get3A_65] : memref<64x128xf32, #tpu.memory_space<vmem>>, vector<64x128xf32>
      %max3A_67 = arith.constant 1.000000e+00 : f32
      %max3A_68 = vector.broadcast %max3A_67 : f32 to vector<64x128xf32>
      %max3A_69 = arith.maximumf %get3A_66, %max3A_68 : vector<64x128xf32>
      %div3A = arith.divf %get3A_63, %max3A_69 : vector<64x128xf32>
      %swap3A_70 = arith.constant 0 : index
      %swap3A_71 = arith.constant 0 : index
      %swap3A_72 = vector.load %arg7[%swap3A_70, %swap3A_71] : memref<64x128xf32, #tpu.memory_space<vmem>>, vector<64x128xf32>
      tpu.vector_store %arg7[%swap3A_70, %swap3A_71], %div3A {strides = array<i32>} : memref<64x128xf32, #tpu.memory_space<vmem>>, vector<64x128xf32>,
    } else {
    }
    return
  }
  func.func @transform_0(%arg0: i32) -> (i32, i32) {
    %c0_i32 = arith.constant 0 : i32
    %c0_i32_0 = arith.constant 0 : i32
    return %arg0, %c0_i32 : i32, i32
  }
  func.func @transform_1(%arg0: i32) -> (i32, i32, i32) {
    %c0_i32 = arith.constant 0 : i32
    %c0_i32_0 = arith.constant 0 : i32
    %c0_i32_1 = arith.constant 0 : i32
    return %c0_i32, %arg0, %c0_i32_0 : i32, i32, i32
  }
  func.func @transform_2(%arg0: i32) -> (i32, i32) {
    %c0_i32 = arith.constant 0 : i32
    %c0_i32_0 = arith.constant 0 : i32
    %c0_i32_1 = arith.constant 0 : i32
    return %c0_i32, %c0_i32_0 : i32, i32
  }
  func.func @transform_3(%arg0: i32) -> (i32, i32) {
    %c0_i32 = arith.constant 0 : i32
    %c0_i32_0 = arith.constant 0 : i32
    %c0_i32_1 = arith.constant 0 : i32
    return %c0_i32, %c0_i32_0 : i32, i32
  }
  func.func @transform_4(%arg0: i32) -> (i32, i32) {
    %c0_i32 = arith.constant 0 : i32
    %c0_i32_0 = arith.constant 0 : i32
    %c0_i32_1 = arith.constant 0 : i32
    return %c0_i32, %c0_i32_0 : i32, i32
  }
  func.func @transform_5(%arg0: i32) -> (i32, i32) {
    %c0_i32 = arith.constant 0 : i32
    %c0_i32_0 = arith.constant 0 : i32
    return %arg0, %c0_i32 : i32, i32
  }
  func.func @transform_6(%arg0: i32) -> (i32, i32) {
    %c0_i32 = arith.constant 0 : i32
    %c0_i32_0 = arith.constant 0 : i32
    %c0_i32_1 = arith.constant 0 : i32
    return %c0_i32, %c0_i32_0 : i32, i32
  }
}

</mosaic_0001>

<sc_bundles>
// kernel: kernel.6.cloned.1.call-start
scs
__scs_entry_jumppad:
0x0: {  	(pc) =	sbr.rel $0x88, $3  }
0x1: {  	(tag) =	ssettag $0x0;
	lr =	simm.s32 $0x1  }
0x2: {  	[smem:$0x3F98] =	sst lr;
	_ =	strace $0xD0000000  }
0x3: {  	_ = 	snop  }
0x4: {  	_ = 	snop  }
0x5: {  	_ = 	snop  }
0x6: {  	_ = 	snop  }
0x7: {  	_ = 	snop  }
__scs_overlays_trampoline_lowered:
0x8: {  	[smem:$0x3FA7] =	sst s0  }
0x9: {  	[smem:$0x3FA8] =	sst s1  }
0xa: {  	[smem:$0x3FA9] =	sst s2  }
0xb: {  	[smem:$0x3FAA] =	sst s3  }
0xc: {  	[smem:$0x3FAB] =	sst s4  }
0xd: {  	[smem:$0x3FAC] =	sst s5  }
0xe: {  	[smem:$0x3FAD] =	sst s6  }
0xf: {  	[smem:$0x3FAE] =	sst s7  }
0x10: {  	[smem:$0x3FAF] =	sst s8  }
0x11: {  	[smem:$0x3FB0] =	sst s9;
	s0 =	simm.s32 @!p0 $0x0  }
0x12: {  	s1 =	sld [smem:$0x3F96];
	s0 =	simm.s32 @p0 $0x1  }
0x13: {  	[smem:$0x3FB1] =	sst s0;
	s0 =	simm.s32 @!p1 $0x0  }
0x14: {  	s2 =	sld [smem:$0x3F95];
	s0 =	simm.s32 @p1 $0x1  }
0x15: {  	[smem:$0x3FB2] =	sst s0;
	s0 =	simm.s32 @!p2 $0x0  }
0x16: {  	s3 =	sld [smem:$0x3FDB];
	s0 =	simm.s32 @p2 $0x1  }
0x17: {  	s4 =	simm.s32 $0x1BF5;
	[smem:$0x3FB4] =	sst s0  }
0x18: {  	s0 =	sld [smem:$0x3F97];
	_ =	swait.ge [sflag:s4], $0x0  }
0x19: {  	s7 =	sld [smem:$0x3F98]  }
0x1a: {  	s8 =	sadd.s32 $0xFFFFE003, lr  }
0x1b: {  	s9 =	sadd.s32 $0xFFFFFEF7, lr;
	s5 =	simm.s32 $0xFFFFFFFF;
	p2 =	slt.u32 s8, $0xFFFFF086  }
0x1c: {  	p1 =	slt.u32 s9, $0xF7A;
	s5 =	simm.s32 @!p2 $0x0  }
0x1d: {  	s5 =	simm.s32 @p1 $0x1;
	p0 =	seq.s32 s7, s2  }
0x1e: {  	s7 =	smul.u32 @!p0 $0xF7A, s2;
	p2 =	seq.s32 @!p0 s5, $0x0  }
0x1f: {  	s9 =	smul.u32 $0xF7A, s1;
	s8 =	simm.s32 @!p0 $0x1BF5;
	p2 =	por !p2, p0  }
0x20: {  	[sflag:s8] =	ssyncset.s32 @!p0 $0xFFFFF086;
	s6 =	sadd.s32 @!p0 s3, s7;
	s7 =	simm.s32 @!p0 $0x108  }
0x21: {  	s3 =	sadd.s32 s3, s9;
	s6 =	sadd.s32 @!p0 $0x88, s6;
	s7 =	simm.s32 @p2 $0x1082  }
0x22: {  	[simem:s7], [sflag:s8] =	dma.local @!p0 [hbm:s6], $0xF7A  }
0x23: {  	s9 =	sor.u32 $0xD0000000, s2;
	s6 =	simm.s32 $0x108;
	_ =	swait.ge @!p0 [sflag:s8], $0x0  }
0x24: {  	s3 =	sadd.s32 $0x88, s3;
	s6 =	simm.s32 @!p1 $0x1082;
	[sflag:s4] =	ssyncset.s32 $0xFFFFF086  }
0x25: {  	[simem:s6], [sflag:s4] =	dma.local [hbm:s3], $0xF7A  }
0x26: {  	[smem:$0x3F98] =	sst s1;
	(tag) =	ssettag s2;
	_ =	strace s9  }
0x27: {  	s1 =	sld [smem:$0x3FA8]  }
0x28: {  	s2 =	sld [smem:$0x3FA9]  }
0x29: {  	s4 =	sld [smem:$0x3FAB]  }
0x2a: {  	p0 =	seq.s32 s5, $0x0;
	s5 =	sld [smem:$0x3FAC]  }
0x2b: {  	s6 =	sld [smem:$0x3FAD]  }
0x2c: {  	s7 =	sld [smem:$0x3FAE]  }
0x2d: {  	s3 =	simm.s32 $0x108;
	s8 =	sld [smem:$0x3FAF]  }
0x2e: {  	s3 =	simm.s32 @!p0 $0x1082;
	s9 =	sld [smem:$0x3FB0]  }
0x2f: {  	lr =	sadd.s32 s0, s3;
	s0 =	sld [smem:$0x3FA7]  }
0x30: {  	s3 =	sld [smem:$0x3FAA]  }
0x31: {  	[smem:$0x3FB3] =	sst s10  }
0x32: {  	s10 =	sld [smem:$0x3FB1];
	_ =	sdelay $0x3  }
0x33: {  	p0 =	seq.s32 s10, $0x1;
	s10 =	sld [smem:$0x3FB3];
	_ =	sdelay $0x3  }
0x34: {  	[smem:$0x3FB3] =	sst s10  }
0x35: {  	s10 =	sld [smem:$0x3FB2];
	_ =	sdelay $0x3  }
0x36: {  	p1 =	seq.s32 s10, $0x1;
	s10 =	sld [smem:$0x3FB3];
	_ =	sdelay $0x3  }
0x37: {  	[smem:$0x3FB3] =	sst s10  }
0x38: {  	s10 =	sld [smem:$0x3FB4]  }
0x39: {  	_ = 	snop;
	(pc) =	sbr.ind lr, $3  }
0x3a: {  	_ = 	snop  }
0x3b: {  	_ = 	snop  }
0x3c: {  	p2 =	seq.s32 s10, $0x1;
	s10 =	sld [smem:$0x3FB3]  }
0x3d: {  	_ =	shalt  }
0x3e: {  	_ =	shalt  }
0x3f: {  	_ =	shalt  }
0x40: {  	_ =	shalt  }
0x41: {  	_ =	shalt  }
0x42: {  	_ =	shalt  }
0x43: {  	_ =	shalt  }
0x44: {  	_ =	shalt  }
0x45: {  	_ =	shalt  }
0x46: {  	_ =	shalt  }
0x47: {  	_ =	shalt  }
0x48: {  	_ =	shalt  }
0x49: {  	_ =	shalt  }
0x4a: {  	_ =	shalt  }
0x4b: {  	_ =	shalt  }
0x4c: {  	_ =	shalt  }
0x4d: {  	_ =	shalt  }
0x4e: {  	_ =	shalt  }
0x4f: {  	_ =	shalt  }
0x50: {  	_ =	shalt  }
0x51: {  	_ =	shalt  }
0x52: {  	_ =	shalt  }
0x53: {  	_ =	shalt  }
0x54: {  	_ =	shalt  }
0x55: {  	_ =	shalt  }
0x56: {  	_ =	shalt  }
0x57: {  	_ =	shalt  }
0x58: {  	_ =	shalt  }
0x59: {  	_ =	shalt  }
0x5a: {  	_ =	shalt  }
0x5b: {  	_ =	shalt  }
0x5c: {  	_ =	shalt  }
0x5d: {  	_ =	shalt  }
0x5e: {  	_ =	shalt  }
0x5f: {  	_ =	shalt  }
0x60: {  	_ =	shalt  }
0x61: {  	_ =	shalt  }
0x62: {  	_ =	shalt  }
0x63: {  	_ =	shalt  }
0x64: {  	_ =	shalt  }
0x65: {  	_ =	shalt  }
0x66: {  	_ =	shalt  }
0x67: {  	_ =	shalt  }
0x68: {  	_ =	shalt  }
0x69: {  	_ =	shalt  }
0x6a: {  	_ =	shalt  }
0x6b: {  	_ =	shalt  }
0x6c: {  	_ =	shalt  }
0x6d: {  	_ =	shalt  }
0x6e: {  	_ =	shalt  }
0x6f: {  	_ =	shalt  }
0x70: {  	_ =	shalt  }
0x71: {  	_ =	shalt  }
0x72: {  	_ =	shalt  }
0x73: {  	_ =	shalt  }
0x74: {  	_ =	shalt  }
0x75: {  	_ =	shalt  }
0x76: {  	_ =	shalt  }
0x77: {  	_ =	shalt  }
0x78: {  	_ =	shalt  }
0x79: {  	_ =	shalt  }
0x7a: {  	_ =	shalt  }
0x7b: {  	_ =	shalt  }
0x7c: {  	_ =	shalt  }
0x7d: {  	_ =	shalt  }
0x7e: {  	_ =	shalt  }
0x7f: {  	_ =	shalt  }
0x80: {  	_ =	shalt  }
0x81: {  	_ =	shalt  }
0x82: {  	_ =	shalt  }
0x83: {  	_ =	shalt  }
0x84: {  	_ =	shalt  }
0x85: {  	_ =	shalt  }
0x86: {  	_ =	shalt  }
0x87: {  	_ =	shalt  }
.Lfunc_end0:
.L_simem_size_0:
called_computation_lowered:
.L_overlay_start_0:
0x88: {  	s2 =	sld [smem:$0x3FD9]  }
0x89: {  	s3 =	sld [smem:$0x3FFE];
	_ =	sdelay $0x1  }
0x8a: {  	s1 =	srdreg.scid  }
0x8b: {  	s0 =	sand.u32 $0x1, s1  }
0x8c: {  	s17 =	sshll.u32 s0, $0xA;
	s2 =	sadd.s32 s3, s2  }
0x8d: {  	s2 =	sadd.s32 s2, s17  }
0x8e: {  	[smem:$0x3FBF] =	sst s2  }
0x8f: {  	_ = 	snop  }
0x90: {  	s2 =	sld [smem:$0x3FC9];
	(tm) =	ssettm $0x1  }
0x91: {  	s18 =	sld [smem:$0x3FFB];
	_ =	sdelay $0x3  }
0x92: {  	_ =	strace s18  }
0x93: {  	s3 =	sld [smem:$0x3FFC];
	_ =	sdelay $0x3  }
0x94: {  	_ =	strace s3  }
0x95: {  	s3 =	sld [smem:$0x3FFD];
	_ =	sdelay $0x3  }
0x96: {  	_ =	strace s3  }
0x97: {  	_ =	strace $0x8FFFFFFF  }
0x98: {  	s19 =	sld [smem:$0x3FDB];
	_ =	sdelay $0x1  }
0x99: {  	s4 =	simm.s32 $_scs_section_size  }
0x9a: {  	s5 =	simm.s32 $_size__tile_overlayer_lowered;
	s6 =	simm.s32 $_tile_overlayer_lowered  }
0x9b: {  	s22 =	simm.s32 $0x1BFF;
	s21 =	sshll.u32 s6, $0x1;
	s3 =	sadd.s32 s4, s19  }
0x9c: {  	s7 =	simm.s32 $0x0;
	s20 =	sshll.u32 s5, $0x1;
	s5 =	sadd.s32 s21, s3  }
0x9d: {  	[timem:s7], [sflag:s22] =	dma.local [hbm:s5], s20  }
0x9e: {  	_ =	swait.ge [sflag:s22], s20  }
0x9f: {  	s4 =	ssub.s32 $0x0, s20;
	[sflag:s22] =	ssyncset.done $0x0  }
0xa0: {  	[sflag:s22] =	ssyncadd.s32 s4;
	_ =	sdelay $0x1  }
0xa1: {  	s23 =	simm.s32 $0x1B8B  }
0xa2: {  	_ =	swait.ge [sflag:s23], $0x1  }
0xa3: {  	[sflag:s23] =	ssyncset.done $0x0  }
0xa4: {  	s25 =	simm.s32 $0x1B8E;
	s24 =	sld [smem:$0x3FFE];
	[sflag:s23] =	ssyncadd.s32 $0xFFFFFFFF  }
0xa5: {  	s26 =	simm.s32 $execute0_lowered;
	[smem:$0x3FD2] =	sst s25  }
0xa6: {  	s5 =	sshll.u32 s26, $0x1;
	_ =	strace $0x80000046;
	[dreg:$0x1] =	wrdreg $0xFFFFFFFF  }
0xa7: {  	s28 =	simm.s32 $_size_execute0_lowered;
	s3 =	sadd.s32 s3, s5;
	[dreg:$0x0] =	wrdreg $0x0  }
0xa8: {  	s5 =	sshll.u32 s28, $0x1;
	[dreg:$0x2] =	wrdreg s3  }
0xa9: {  	[dreg:$0x3] =	wrdreg s5  }
0xaa: {  	[dreg:$0x4] =	wrdreg $0xC0  }
0xab: {  	_ =	task [dreg:s7], $0x5FFFF  }
0xac: {  	[dreg:$0x1] =	wrdreg $0xFFFFFFFF  }
0xad: {  	[dreg:$0x0] =	wrdreg $0x60  }
0xae: {  	[dreg:$0x2] =	wrdreg s2  }
0xaf: {  	[dreg:$0x3] =	wrdreg s24  }
0xb0: {  	[dreg:$0x4] =	wrdreg $0xC2800  }
0xb1: {  	[dreg:$0x5] =	wrdreg $0x9  }
0xb2: {  	_ =	task.clear_ibuf [dreg:s7], $0x6FFFF;
	_ =	strace $0x90000046  }
0xb3: {  	s29 =	simm.s32 $0x9;
	_ =	strace $0x80000048  }
0xb4: {  	_ =	swait.ge [sflag:s29], $0x1  }
0xb5: {  	[sflag:s29] =	ssyncadd.s32 $0xFFFFFFFF  }
0xb6: {  	_ =	strace $0x90000048  }
0xb7: {  	_ =	sfence  }
0xb8: {  	s30 =	sld [smem:$0x0];
	_ =	sdelay $0x2  }
0xb9: {  	s31 =	sshll.u32 s1, $0xD;
	s1 =	sshrl.u32 s1, $0x2  }
0xba: {  	s3 =	sand.u32 $0x4000, s31;
	s1 =	sadd.s32 s1, s30  }
0xbb: {  	s0 =	sor.u32 s3, s0;
	s1 =	sshll.u32 s1, $0x11  }
0xbc: {  	s0 =	sor.u32 s1, s0  }
0xbd: {  	s0 =	sadd.s32 $0x8F2B, s0  }
0xbe: {  	[sflag:s0] =	ssyncadd.remote.s32 $0x1  }
0xbf: {  	_ =	sfence.sel $0xFFFF  }
0xc0: {  	[dreg:$0x0] =	wrdreg $0xFFFFFFFF;
	(pc) =	sbr.abs _section_cstart, $3  }
0xc1: {  	[dreg:$0x1] =	wrdreg $0xFFFFFFFF  }
0xc2: {  	_ =	task.clear_ibuf [dreg:s7], $0x2FFFF;
	_ =	strace $0x9FFFFFFF  }
0xc3: {  	(tm) =	ssettm $0x7FFFFFFF  }
tec
execute0_lowered:
.L_overlay_start_1:
0x0: {  	(tag) =	ssettag $0x1  }
0x1: {  	s29 =	rddreg [dreg:$0x0]  }
0x2: {  	s3 =	rddreg [dreg:$0x1]  }
0x3: {  	s2 =	rddreg [dreg:$0x2];
	s0 =	srdreg.scid  }
0x4: {  	s4 =	simm.s32 $0x0;
	s10 =	stileid.u32;
	s14 =	simm.s32 $0x8  }
0x5: {  	s30 =	simm.s32 $0x680;
	s31 =	simm.s32 $0xA80;
	s28 =	simm.s32 $0x6  }
0x6: {  	s0 =	sand.u32 $0x1, s0;
	[smem:$0x7FF] =	sst s4;
	s13 =	sadd.s32 $0x1E00, s3  }
0x7: {  	s21 =	sadd.s32 $0x11800, s3;
	s12 =	sadd.s32 $0x21200, s3;
	s5 =	sshll.u32 s0, $0x4  }
0x8: {  	s8 =	smul.u32 $0x3E80, s10;
	s6 =	ssub.s32 $0x2, s0;
	s5 =	sor.u32 s10, s5  }
0x9: {  	p0 =	slt.u32 s10, $0xD;
	s17 =	sshrl.u32 s6, $0x1;
	s5 =	smul.u32 $0x3E80, s5  }
0xa: {  	_ =	strace $0x80000047;
	[dreg:$0x13] =	wrdreg s21;
	s3 =	ssub.s32 s6, s17  }
0xb: {  	[dreg:$0x14] =	wrdreg s12;
	s3 =	smax.u32 s3, $0x1;
	s5 =	sshrl.u32 s5, $0x3  }
0xc: {  	s22 =	smul.u32 $0x3E800, s0;
	[smem:$0x7FA] =	sst s3;
	s18 =	sadd.s32 s13, s5  }
0xd: {  	s19 =	sadd.s32 $0x10, s5;
	s7 =	sadd.s32 s21, s5;
	[dreg:$0x15] =	wrdreg s18  }
0xe: {  	s0 =	smul.u32 $0x138800, s0;
	[dreg:$0x16] =	wrdreg s7;
	s20 =	sadd.s32 s13, s19  }
0xf: {  	s23 =	sadd.s32 $0x20, s5;
	s6 =	sadd.s32 s21, s19;
	[dreg:$0x17] =	wrdreg s20  }
0x10: {  	s24 =	sadd.s32 $0x30, s5;
	s9 =	sadd.s32 s13, s23;
	[dreg:$0x18] =	wrdreg s6  }
0x11: {  	s3 =	simm.s32 $0x4A80;
	s25 =	sadd.s32 s13, s24;
	[dreg:$0x19] =	wrdreg s9  }
0x12: {  	s7 =	sadd.s32 s21, s24;
	s6 =	sadd.s32 s21, s23;
	[dreg:$0x1c] =	wrdreg s25  }
0x13: {  	s9 =	simm.s32 $0x8;
	[dreg:$0x1a] =	wrdreg s6;
	s6 =	sadd.s32 s8, s22  }
0x14: {  	[dreg:$0x1d] =	wrdreg s7;
	s9 =	simm.s32 @!p0 $0x7;
	s8 =	sadd.s32 $0x600, s6  }
0x15: {  	s5 =	sadd.s32 $0x40, s5;
	[dreg:$0x1b] =	wrdreg s9;
	s26 =	sshrl.u32 s8, $0x3  }
0x16: {  	s1 =	sadd.s32 $0x580, s6;
	s16 =	sadd.s32 $0x500, s6;
	s8 =	sadd.s32 s26, s21  }
0x17: {  	s11 =	sshrl.u32 s1, $0x3;
	s7 =	sadd.s32 s26, s13;
	[dreg:$0x4] =	wrdreg s8  }
0x18: {  	s20 =	sadd.s32 $0x480, s6;
	s15 =	sadd.s32 s11, s21;
	[dreg:$0x5] =	wrdreg s7  }
0x19: {  	s18 =	sshrl.u32 s16, $0x3;
	s17 =	sadd.s32 s11, s13;
	[dreg:$0x6] =	wrdreg s15  }
0x1a: {  	s25 =	sadd.s32 $0x380, s6;
	s19 =	sadd.s32 s18, s21;
	[dreg:$0x7] =	wrdreg s17  }
0x1b: {  	s23 =	sshrl.u32 s20, $0x3;
	s22 =	sadd.s32 s18, s13;
	[dreg:$0x8] =	wrdreg s19  }
0x1c: {  	s1 =	sshrl.u32 s25, $0x3;
	s24 =	sadd.s32 s23, s21;
	[dreg:$0x9] =	wrdreg s22  }
0x1d: {  	s20 =	smul.u32 $0xA000, s10;
	s26 =	sadd.s32 s23, s13;
	[dreg:$0xa] =	wrdreg s24  }
0x1e: {  	s9 =	sadd.s32 s1, s21;
	s11 =	sadd.s32 $0x300, s6;
	[dreg:$0xb] =	wrdreg s26  }
0x1f: {  	s23 =	smul.u32 $0x2800, s10;
	s10 =	simm.s32 $0x4;
	[dreg:$0xc] =	wrdreg s9  }
0x20: {  	s15 =	sadd.s32 s1, s13;
	s16 =	sshrl.u32 s11, $0x3;
	s17 =	sadd.s32 s13, s5  }
0x21: {  	s5 =	sadd.s32 s21, s5;
	s19 =	sadd.s32 $0x280, s6;
	s7 =	sshrl.u32 s20, $0x2  }
0x22: {  	s26 =	sadd.s32 $0x400, s6;
	s11 =	simm.s32 $0xA0;
	s9 =	simm.s32 $0x2  }
0x23: {  	s20 =	simm.s32 $0x11;
	s6 =	simm.s32 $0x5;
	[dreg:$0x1e] =	wrdreg s17  }
0x24: {  	s1 =	simm.s32 $0x10;
	[dreg:$0xd] =	wrdreg s15;
	s18 =	sadd.s32 s16, s21  }
0x25: {  	[dreg:$0x1f] =	wrdreg s5;
	s8 =	sadd.s32 s16, s13;
	s5 =	sshrl.u32 s19, $0x3  }
0x26: {  	s24 =	sadd.s32 s7, s2;
	[smem:$0x7FC] =	sst s26;
	s0 =	sadd.s32 s23, s0  }
0x27: {  	s26 =	simm.s32 $0x280;
	s16 =	simm.s32 $0x3;
	s19 =	simm.s32 $0xA  }
0x28: {  	s7 =	simm.s32 $0xC;
	s23 =	simm.s32 $0xE;
	[dreg:$0xe] =	wrdreg s18  }
0x29: {  	s17 =	simm.s32 $0xF;
	s15 =	simm.s32 $0x0;
	[dreg:$0xf] =	wrdreg s8  }
0x2a: {  	s22 =	sadd.s32 s5, s21;
	[smem:$0x7FB] =	sst s24;
	s24 =	smov.u32 s13  }
0x2b: {  	s25 =	sadd.s32 s5, s13;
	[smem:$0x7FD] =	sst s0;
	s0 =	simm.s32 $0x1  }
0x2c: {  	s8 =	simm.s32 $0x7280;
	s13 =	simm.s32 $0x9;
	[dreg:$0x10] =	wrdreg s22  }
0x2d: {  	s5 =	simm.s32 $0xD;
	s18 =	simm.s32 $0x7;
	[dreg:$0x11] =	wrdreg s25  }
0x2e: {  	v0 =	vimm.f32 $0.0e+00;
	s25 =	simm.s32 $0x50;
	s22 =	simm.s32 $0xB;
	[dreg:$0x12] =	wrdreg s24  }
.LBB2_1:
0x2f: {  	[smem:$0x7F9] =	sst s15;
	s15 =	simm.s32 $0x0;
	s21 =	simm.s32 $0x200  }
.LBB2_2:
0x30: {  	p0 =	sne.s32 s21, $0x9E00;
	[tilespmem:s15+$0x72F0] =	vst v0  }
0x31: {  	[tilespmem:s15+$0x7280] =	vst v0  }
0x32: {  	[tilespmem:s15+$0x7290] =	vst v0  }
.Ltmp0:
0x33: {  	[tilespmem:s15+$0x72A0] =	vst v0;
	(pc) =	sbr.rel @p0 .LBB2_2-.Ltmp0, $4  }
0x34: {  	[tilespmem:s15+$0x72B0] =	vst v0  }
0x35: {  	[tilespmem:s15+$0x72C0] =	vst v0  }
0x36: {  	[tilespmem:s15+$0x72D0] =	vst v0  }
0x37: {  	[tilespmem:s15+$0x72E0] =	vst v0;
	s15 =	sshra.s32 s21, $0x2;
	s21 =	sadd.s32 $0x200, s21  }
0x38: {  	[tilespmem:s15+$0x72F0] =	vst v0  }
0x39: {  	[tilespmem:s15+$0x7280] =	vst v0  }
0x3a: {  	[tilespmem:s15+$0x7290] =	vst v0  }
0x3b: {  	[tilespmem:s15+$0x72A0] =	vst v0  }
0x3c: {  	[tilespmem:s15+$0x72B0] =	vst v0  }
0x3d: {  	[tilespmem:s15+$0x72C0] =	vst v0  }
0x3e: {  	[tilespmem:s15+$0x72D0] =	vst v0  }
0x3f: {  	[tilespmem:s15+$0x72E0] =	vst v0;
	s12 =	rddreg [dreg:$0x15]  }
0x40: {  	[tilespmem:s4], [sflag:$0x1] =	stream.linear.gather [hbm4b:s12+s4], $0x50, $0x38;
	[tilespmem:$0x1FB00] =	vst v63  }
0x41: {  	s15 =	rddreg [dreg:$0x16]  }
0x42: {  	[tilespmem:s26], [sflag:$0x1] =	stream.linear.gather [hbm4b:s15+s4], $0x80, $0x38;
	[tilespmem:$0x1FB00] =	vst v63  }
0x43: {  	s21 =	rddreg [dreg:$0x17]  }
0x44: {  	[tilespmem:s25], [sflag:$0x2] =	stream.linear.gather [hbm4b:s21+s4], $0x50, $0x38;
	[tilespmem:$0x1FB00] =	vst v63  }
0x45: {  	s24 =	rddreg [dreg:$0x18]  }
0x46: {  	[tilespmem:s30], [sflag:$0x2] =	stream.linear.gather [hbm4b:s24+s4], $0x80, $0x38;
	[tilespmem:$0x1FB00] =	vst v63  }
0x47: {  	s15 =	rddreg [dreg:$0x19]  }
0x48: {  	[tilespmem:s11], [sflag:$0x3] =	stream.linear.gather [hbm4b:s15+s4], $0x50, $0x38;
	[tilespmem:$0x1FB00] =	vst v63  }
0x49: {  	s21 =	rddreg [dreg:$0x1a]  }
0x4a: {  	[tilespmem:s31], [sflag:$0x3] =	stream.linear.gather [hbm4b:s21+s4], $0x80, $0x38;
	[tilespmem:$0x1FB00] =	vst v63  }
0x4b: {  	_ =	swait.ge [sflag:s0], $0x50  }
0x4c: {  	[sflag:s0] =	ssyncset.done $0x0  }
0x4d: {  	[sflag:s0] =	ssyncadd.s32 $0xFFFFFFB0  }
0x4e: {  	_ =	swait.ge [sflag:s0], $0x80  }
0x4f: {  	[sflag:s0] =	ssyncset.done $0x0  }
0x50: {  	s24 =	simm.s32 $0x2280;
	[sflag:s0] =	ssyncadd.s32 $0xFFFFFF80  }
0x51: {  	[tilespmem:s24], [sflag:$0x9] =	stream.indirect.gather [hbm4b:s29+s25], $0x80, s4, s25, $0xb8;
	[tilespmem:$0x1FB00] =	vst v63  }
0x52: {  	_ =	swait.ge [sflag:s9], $0x50  }
0x53: {  	[sflag:s9] =	ssyncset.done $0x0  }
0x54: {  	[sflag:s9] =	ssyncadd.s32 $0xFFFFFFB0  }
0x55: {  	_ =	swait.ge [sflag:s9], $0x80  }
0x56: {  	[sflag:s9] =	ssyncset.done $0x0;
	s31 =	rddreg [dreg:$0x1b]  }
0x57: {  	s21 =	sld [smem:$0x7FB];
	[sflag:s9] =	ssyncadd.s32 $0xFFFFFF80;
	p0 =	sne.s32 s31, $0x1  }
0x58: {  	[tilespmem:s3], [sflag:$0xA] =	stream.indirect.gather [hbm4b:s29+s25], $0x80, s25, s25, $0xb8;
	[tilespmem:$0x1FB00] =	vst v63  }
.Ltmp1:
0x59: {  	_ = 	snop;
	(pc) =	sbr.rel @!p0 .LBB2_5-.Ltmp1, $4  }
0x5a: {  	_ = 	snop  }
0x5b: {  	[spmem:s21] =	stream.linear.scatter [tilespmem:s8], [sflag:$0x11], $0x2800, $0x38;
	[tilespmem:$0x1FB00] =	vst v63  }
0x5c: {  	_ =	swait.ge [sflag:s20], $0x2800  }
0x5d: {  	s15 =	sadd.s32 $0xFFFFFFFF, s31;
	[sflag:s20] =	ssyncset.done $0x0  }
.LBB2_4:
0x5e: {  	p1 =	sne.s32 s15, $0x1;
	[sflag:s20] =	ssyncadd.s32 $0xFFFFD800;
	s21 =	sadd.s32 $0x28000, s21  }
.Ltmp2:
0x5f: {  	s15 =	sadd.s32 $0xFFFFFFFF, s15;
	(pc) =	sbr.rel @p1 .LBB2_4-.Ltmp2, $4  }
0x60: {  	_ = 	snop  }
0x61: {  	[spmem:s21] =	stream.linear.scatter [tilespmem:s8], [sflag:$0x11], $0x2800, $0x38;
	[tilespmem:$0x1FB00] =	vst v63  }
0x62: {  	_ =	swait.ge [sflag:s20], $0x2800  }
0x63: {  	[sflag:s20] =	ssyncset.done $0x0  }
.LBB2_5:
0x64: {  	[sflag:s20] =	ssyncadd.s32 $0xFFFFD800  }
0x65: {  	[bflag:$0x0] =	sbarrier.arrive $0xFFFF  }
0x66: {  	_ =	swait.ge [sflag:s13], $0x2800  }
0x67: {  	[sflag:s13] =	ssyncset.done $0x0  }
0x68: {  	s24 =	simm.s32 $0x2280;
	[sflag:s13] =	ssyncadd.s32 $0xFFFFD800  }
0x69: {  	[spmem:s2] =	stream.indirect.scatter.add.f32 [tilespmem:s24], [sflag:$0xD], $0x80, s26, s25, $0xb8;
	[tilespmem:$0x1FB00] =	vst v63  }
0x6a: {  	s15 =	simm.s32 $0x0;
	s3 =	simm.s32 $0xF0;
	s12 =	rddreg [dreg:$0x1c]  }
0x6b: {  	[tilespmem:s3], [sflag:$0x4] =	stream.linear.gather [hbm4b:s12+s15], $0x50, $0x38;
	[tilespmem:$0x1FB00] =	vst v63  }
0x6c: {  	s31 =	simm.s32 $0xE80;
	s20 =	rddreg [dreg:$0x1d]  }
0x6d: {  	[tilespmem:s31], [sflag:$0x4] =	stream.linear.gather [hbm4b:s20+s15], $0x80, $0x38;
	[tilespmem:$0x1FB00] =	vst v63  }
0x6e: {  	_ =	swait.ge [sflag:s16], $0x50  }
0x6f: {  	[sflag:s16] =	ssyncset.done $0x0  }
0x70: {  	[sflag:s16] =	ssyncadd.s32 $0xFFFFFFB0  }
0x71: {  	_ =	swait.ge [sflag:s16], $0x80  }
0x72: {  	[sflag:s16] =	ssyncset.done $0x0  }
0x73: {  	[sflag:s16] =	ssyncadd.s32 $0xFFFFFF80  }
0x74: {  	[tilespmem:s8], [sflag:$0xB] =	stream.indirect.gather [hbm4b:s29+s25], $0x80, s11, s25, $0xb8;
	[tilespmem:$0x1FB00] =	vst v63  }
0x75: {  	_ =	swait.ge [sflag:s19], $0x2800  }
0x76: {  	[sflag:s19] =	ssyncset.done $0x0  }
0x77: {  	s31 =	simm.s32 $0x4A80;
	[sflag:s19] =	ssyncadd.s32 $0xFFFFD800  }
0x78: {  	[spmem:s2] =	stream.indirect.scatter.add.f32 [tilespmem:s31], [sflag:$0xE], $0x80, s30, s25, $0xb8;
	[tilespmem:$0x1FB00] =	vst v63  }
0x79: {  	s20 =	simm.s32 $0x140;
	s8 =	rddreg [dreg:$0x1e]  }
0x7a: {  	[tilespmem:s20], [sflag:$0x5] =	stream.linear.gather [hbm4b:s8+s15], $0x50, $0x38;
	[tilespmem:$0x1FB00] =	vst v63  }
0x7b: {  	s3 =	rddreg [dreg:$0x1f];
	s20 =	simm.s32 $0x1280  }
0x7c: {  	[tilespmem:s20], [sflag:$0x5] =	stream.linear.gather [hbm4b:s3+s15], $0x80, $0x38;
	[tilespmem:$0x1FB00] =	vst v63  }
0x7d: {  	_ =	swait.ge [sflag:s10], $0x50  }
0x7e: {  	[sflag:s10] =	ssyncset.done $0x0  }
0x7f: {  	[sflag:s10] =	ssyncadd.s32 $0xFFFFFFB0  }
0x80: {  	_ =	swait.ge [sflag:s10], $0x80  }
0x81: {  	[sflag:s10] =	ssyncset.done $0x0  }
0x82: {  	s21 =	simm.s32 $0xF0;
	s30 =	simm.s32 $0x9A80;
	[sflag:s10] =	ssyncadd.s32 $0xFFFFFF80  }
0x83: {  	[tilespmem:s30], [sflag:$0xC] =	stream.indirect.gather [hbm4b:s29+s25], $0x80, s21, s25, $0xb8;
	[tilespmem:$0x1FB00] =	vst v63  }
0x84: {  	_ =	swait.ge [sflag:s22], $0x2800  }
0x85: {  	[sflag:s22] =	ssyncset.done $0x0  }
0x86: {  	s20 =	simm.s32 $0x7280;
	s21 =	simm.s32 $0xA80;
	[sflag:s22] =	ssyncadd.s32 $0xFFFFD800  }
0x87: {  	[spmem:s2] =	stream.indirect.scatter.add.f32 [tilespmem:s20], [sflag:$0xF], $0x80, s21, s25, $0xb8;
	[tilespmem:$0x1FB00] =	vst v63  }
0x88: {  	_ =	swait.ge [sflag:s5], $0x2800  }
0x89: {  	s12 =	simm.s32 $0x190;
	s3 =	rddreg [dreg:$0x11];
	[sflag:s5] =	ssyncset.done $0x0  }
0x8a: {  	s10 =	rddreg [dreg:$0x10];
	[sflag:s5] =	ssyncadd.s32 $0xFFFFD800;
	s15 =	sadd.s32 $0x0, s3  }
0x8b: {  	[tilespmem:s12], [sflag:$0x6] =	stream.linear.gather [hbm4b:s15+s4], $0x50, $0x38;
	[tilespmem:$0x1FB00] =	vst v63  }
0x8c: {  	s3 =	sadd.s32 $0x0, s10;
	s10 =	simm.s32 $0x1680  }
0x8d: {  	[tilespmem:s10], [sflag:$0x6] =	stream.linear.gather [hbm4b:s3+s4], $0x80, $0x38;
	[tilespmem:$0x1FB00] =	vst v63  }
0x8e: {  	_ =	swait.ge [sflag:s6], $0x50  }
0x8f: {  	[sflag:s6] =	ssyncset.done $0x0  }
0x90: {  	[sflag:s6] =	ssyncadd.s32 $0xFFFFFFB0  }
0x91: {  	_ =	swait.ge [sflag:s6], $0x80  }
0x92: {  	[sflag:s6] =	ssyncset.done $0x0  }
0x93: {  	s8 =	simm.s32 $0x140;
	[sflag:s6] =	ssyncadd.s32 $0xFFFFFF80  }
0x94: {  	[tilespmem:s24], [sflag:$0x9] =	stream.indirect.gather [hbm4b:s29+s25], $0x80, s8, s25, $0xb8;
	[tilespmem:$0x1FB00] =	vst v63  }
0x95: {  	_ =	swait.ge [sflag:s7], $0x2800  }
0x96: {  	[sflag:s7] =	ssyncset.done $0x0  }
0x97: {  	s21 =	simm.s32 $0xE80;
	[sflag:s7] =	ssyncadd.s32 $0xFFFFD800  }
0x98: {  	[spmem:s2] =	stream.indirect.scatter.add.f32 [tilespmem:s30], [sflag:$0x10], $0x80, s21, s25, $0xb8;
	[tilespmem:$0x1FB00] =	vst v63  }
0x99: {  	_ =	swait.ge [sflag:s23], $0x2800  }
0x9a: {  	s6 =	rddreg [dreg:$0xf]  }
0x9b: {  	[sflag:s23] =	ssyncset.done $0x0;
	s8 =	rddreg [dreg:$0xe]  }
0x9c: {  	[sflag:s23] =	ssyncadd.s32 $0xFFFFD800;
	s15 =	sadd.s32 $0x0, s6;
	s6 =	simm.s32 $0x1E0  }
0x9d: {  	[tilespmem:s6], [sflag:$0x7] =	stream.linear.gather [hbm4b:s15+s4], $0x50, $0x38;
	[tilespmem:$0x1FB00] =	vst v63  }
0x9e: {  	s3 =	simm.s32 $0x1A80;
	s21 =	sadd.s32 $0x0, s8  }
0x9f: {  	[tilespmem:s3], [sflag:$0x7] =	stream.linear.gather [hbm4b:s21+s4], $0x80, $0x38;
	[tilespmem:$0x1FB00] =	vst v63  }
0xa0: {  	_ =	swait.ge [sflag:s28], $0x50  }
0xa1: {  	[sflag:s28] =	ssyncset.done $0x0  }
0xa2: {  	[sflag:s28] =	ssyncadd.s32 $0xFFFFFFB0  }
0xa3: {  	_ =	swait.ge [sflag:s28], $0x80  }
0xa4: {  	[sflag:s28] =	ssyncset.done $0x0  }
0xa5: {  	[sflag:s28] =	ssyncadd.s32 $0xFFFFFF80  }
0xa6: {  	[tilespmem:s31], [sflag:$0xA] =	stream.indirect.gather [hbm4b:s29+s25], $0x80, s12, s25, $0xb8;
	[tilespmem:$0x1FB00] =	vst v63  }
0xa7: {  	_ =	swait.ge [sflag:s13], $0x2800  }
0xa8: {  	[sflag:s13] =	ssyncset.done $0x0  }
0xa9: {  	s28 =	simm.s32 $0x1280;
	[sflag:s13] =	ssyncadd.s32 $0xFFFFD800  }
0xaa: {  	[spmem:s2] =	stream.indirect.scatter.add.f32 [tilespmem:s24], [sflag:$0xD], $0x80, s28, s25, $0xb8;
	[tilespmem:$0x1FB00] =	vst v63  }
0xab: {  	_ =	swait.ge [sflag:s17], $0x2800  }
0xac: {  	s28 =	simm.s32 $0x230;
	s8 =	rddreg [dreg:$0xd];
	[sflag:s17] =	ssyncset.done $0x0  }
0xad: {  	s12 =	rddreg [dreg:$0xc];
	[sflag:s17] =	ssyncadd.s32 $0xFFFFD800;
	s15 =	sadd.s32 $0x0, s8  }
0xae: {  	[tilespmem:s28], [sflag:$0x8] =	stream.linear.gather [hbm4b:s15+s4], $0x50, $0x38;
	[tilespmem:$0x1FB00] =	vst v63  }
0xaf: {  	s21 =	sadd.s32 $0x0, s12;
	s8 =	simm.s32 $0x1E80  }
0xb0: {  	[tilespmem:s8], [sflag:$0x8] =	stream.linear.gather [hbm4b:s21+s4], $0x80, $0x38;
	[tilespmem:$0x1FB00] =	vst v63  }
0xb1: {  	_ =	swait.ge [sflag:s18], $0x50  }
0xb2: {  	[sflag:s18] =	ssyncset.done $0x0  }
0xb3: {  	[sflag:s18] =	ssyncadd.s32 $0xFFFFFFB0  }
0xb4: {  	_ =	swait.ge [sflag:s18], $0x80  }
0xb5: {  	[sflag:s18] =	ssyncset.done $0x0  }
0xb6: {  	[sflag:s18] =	ssyncadd.s32 $0xFFFFFF80  }
0xb7: {  	[tilespmem:s20], [sflag:$0xB] =	stream.indirect.gather [hbm4b:s29+s25], $0x80, s6, s25, $0xb8;
	[tilespmem:$0x1FB00] =	vst v63  }
0xb8: {  	_ =	swait.ge [sflag:s19], $0x2800  }
0xb9: {  	[sflag:s19] =	ssyncset.done $0x0  }
0xba: {  	[sflag:s19] =	ssyncadd.s32 $0xFFFFD800  }
0xbb: {  	[spmem:s2] =	stream.indirect.scatter.add.f32 [tilespmem:s31], [sflag:$0xE], $0x80, s10, s25, $0xb8;
	[tilespmem:$0x1FB00] =	vst v63  }
0xbc: {  	_ =	swait.ge [sflag:s1], $0x2800  }
0xbd: {  	s12 =	sld [smem:$0x7FC];
	_ =	sdelay $0x2  }
0xbe: {  	[sflag:s1] =	ssyncset.done $0x0;
	s6 =	rddreg [dreg:$0x12];
	s15 =	sshrl.u32 s12, $0x3  }
0xbf: {  	s21 =	rddreg [dreg:$0x13];
	[sflag:s1] =	ssyncadd.s32 $0xFFFFD800;
	s18 =	sadd.s32 s6, s15  }
0xc0: {  	[tilespmem:s4], [sflag:$0x1] =	stream.linear.gather [hbm4b:s18+s4], $0x50, $0x38;
	[tilespmem:$0x1FB00] =	vst v63  }
0xc1: {  	s15 =	sadd.s32 s21, s15  }
0xc2: {  	[tilespmem:s26], [sflag:$0x1] =	stream.linear.gather [hbm4b:s15+s4], $0x80, $0x38;
	[tilespmem:$0x1FB00] =	vst v63  }
0xc3: {  	_ =	swait.ge [sflag:s14], $0x50  }
0xc4: {  	[sflag:s14] =	ssyncset.done $0x0  }
0xc5: {  	[sflag:s14] =	ssyncadd.s32 $0xFFFFFFB0  }
0xc6: {  	_ =	swait.ge [sflag:s14], $0x80  }
0xc7: {  	[sflag:s14] =	ssyncset.done $0x0  }
0xc8: {  	[sflag:s14] =	ssyncadd.s32 $0xFFFFFF80  }
0xc9: {  	[tilespmem:s30], [sflag:$0xC] =	stream.indirect.gather [hbm4b:s29+s25], $0x80, s28, s25, $0xb8;
	[tilespmem:$0x1FB00] =	vst v63  }
0xca: {  	_ =	swait.ge [sflag:s22], $0x2800  }
0xcb: {  	[sflag:s22] =	ssyncset.done $0x0  }
0xcc: {  	[sflag:s22] =	ssyncadd.s32 $0xFFFFD800  }
0xcd: {  	[spmem:s2] =	stream.indirect.scatter.add.f32 [tilespmem:s20], [sflag:$0xF], $0x80, s3, s25, $0xb8;
	[tilespmem:$0x1FB00] =	vst v63  }
0xce: {  	_ =	swait.ge [sflag:s5], $0x2800  }
0xcf: {  	s22 =	rddreg [dreg:$0xb];
	[sflag:s5] =	ssyncset.done $0x0  }
0xd0: {  	s28 =	rddreg [dreg:$0xa];
	[sflag:s5] =	ssyncadd.s32 $0xFFFFD800;
	s15 =	sadd.s32 $0x0, s22  }
0xd1: {  	[tilespmem:s25], [sflag:$0x2] =	stream.linear.gather [hbm4b:s15+s4], $0x50, $0x38;
	[tilespmem:$0x1FB00] =	vst v63  }
0xd2: {  	s3 =	sadd.s32 $0x0, s28;
	s5 =	simm.s32 $0x680  }
0xd3: {  	[tilespmem:s5], [sflag:$0x2] =	stream.linear.gather [hbm4b:s3+s4], $0x80, $0x38;
	[tilespmem:$0x1FB00] =	vst v63  }
0xd4: {  	_ =	swait.ge [sflag:s0], $0x50  }
0xd5: {  	[sflag:s0] =	ssyncset.done $0x0  }
0xd6: {  	[sflag:s0] =	ssyncadd.s32 $0xFFFFFFB0  }
0xd7: {  	_ =	swait.ge [sflag:s0], $0x80  }
0xd8: {  	[sflag:s0] =	ssyncset.done $0x0  }
0xd9: {  	[sflag:s0] =	ssyncadd.s32 $0xFFFFFF80  }
0xda: {  	[tilespmem:s24], [sflag:$0x9] =	stream.indirect.gather [hbm4b:s29+s25], $0x80, s4, s25, $0xb8;
	[tilespmem:$0x1FB00] =	vst v63  }
0xdb: {  	_ =	swait.ge [sflag:s7], $0x2800  }
0xdc: {  	[sflag:s7] =	ssyncset.done $0x0  }
0xdd: {  	[sflag:s7] =	ssyncadd.s32 $0xFFFFD800  }
0xde: {  	[spmem:s2] =	stream.indirect.scatter.add.f32 [tilespmem:s30], [sflag:$0x10], $0x80, s8, s25, $0xb8;
	[tilespmem:$0x1FB00] =	vst v63  }
0xdf: {  	_ =	swait.ge [sflag:s23], $0x2800  }
0xe0: {  	s6 =	rddreg [dreg:$0x9];
	[sflag:s23] =	ssyncset.done $0x0  }
0xe1: {  	s7 =	rddreg [dreg:$0x8];
	[sflag:s23] =	ssyncadd.s32 $0xFFFFD800;
	s15 =	sadd.s32 $0x0, s6  }
0xe2: {  	[tilespmem:s11], [sflag:$0x3] =	stream.linear.gather [hbm4b:s15+s4], $0x50, $0x38;
	[tilespmem:$0x1FB00] =	vst v63  }
0xe3: {  	s10 =	simm.s32 $0xA80;
	s8 =	sadd.s32 $0x0, s7  }
0xe4: {  	[tilespmem:s10], [sflag:$0x3] =	stream.linear.gather [hbm4b:s8+s4], $0x80, $0x38;
	[tilespmem:$0x1FB00] =	vst v63  }
0xe5: {  	_ =	swait.ge [sflag:s9], $0x50  }
0xe6: {  	[sflag:s9] =	ssyncset.done $0x0  }
0xe7: {  	[sflag:s9] =	ssyncadd.s32 $0xFFFFFFB0  }
0xe8: {  	_ =	swait.ge [sflag:s9], $0x80  }
0xe9: {  	[sflag:s9] =	ssyncset.done $0x0  }
0xea: {  	[sflag:s9] =	ssyncadd.s32 $0xFFFFFF80  }
0xeb: {  	[tilespmem:s31], [sflag:$0xA] =	stream.indirect.gather [hbm4b:s29+s25], $0x80, s25, s25, $0xb8;
	[tilespmem:$0x1FB00] =	vst v63  }
0xec: {  	_ =	swait.ge [sflag:s13], $0x2800  }
0xed: {  	[sflag:s13] =	ssyncset.done $0x0  }
0xee: {  	[sflag:s13] =	ssyncadd.s32 $0xFFFFD800  }
0xef: {  	[spmem:s2] =	stream.indirect.scatter.add.f32 [tilespmem:s24], [sflag:$0xD], $0x80, s26, s25, $0xb8;
	[tilespmem:$0x1FB00] =	vst v63  }
0xf0: {  	_ =	swait.ge [sflag:s17], $0x2800  }
0xf1: {  	s13 =	rddreg [dreg:$0x7]  }
0xf2: {  	[sflag:s17] =	ssyncset.done $0x0;
	s14 =	rddreg [dreg:$0x6]  }
0xf3: {  	[sflag:s17] =	ssyncadd.s32 $0xFFFFD800;
	s15 =	sadd.s32 $0x0, s13;
	s17 =	simm.s32 $0xF0  }
0xf4: {  	[tilespmem:s17], [sflag:$0x4] =	stream.linear.gather [hbm4b:s15+s4], $0x50, $0x38;
	[tilespmem:$0x1FB00] =	vst v63  }
0xf5: {  	s21 =	simm.s32 $0xE80;
	s18 =	sadd.s32 $0x0, s14  }
0xf6: {  	[tilespmem:s21], [sflag:$0x4] =	stream.linear.gather [hbm4b:s18+s4], $0x80, $0x38;
	[tilespmem:$0x1FB00] =	vst v63  }
0xf7: {  	_ =	swait.ge [sflag:s16], $0x50  }
0xf8: {  	[sflag:s16] =	ssyncset.done $0x0  }
0xf9: {  	[sflag:s16] =	ssyncadd.s32 $0xFFFFFFB0  }
0xfa: {  	_ =	swait.ge [sflag:s16], $0x80  }
0xfb: {  	[sflag:s16] =	ssyncset.done $0x0  }
0xfc: {  	[sflag:s16] =	ssyncadd.s32 $0xFFFFFF80  }
0xfd: {  	[tilespmem:s20], [sflag:$0xB] =	stream.indirect.gather [hbm4b:s29+s25], $0x80, s11, s25, $0xb8;
	[tilespmem:$0x1FB00] =	vst v63  }
0xfe: {  	_ =	swait.ge [sflag:s19], $0x2800  }
0xff: {  	[sflag:s19] =	ssyncset.done $0x0  }
0x100: {  	[sflag:s19] =	ssyncadd.s32 $0xFFFFD800  }
0x101: {  	[spmem:s2] =	stream.indirect.scatter.add.f32 [tilespmem:s31], [sflag:$0xE], $0x80, s5, s25, $0xb8;
	[tilespmem:$0x1FB00] =	vst v63  }
0x102: {  	_ =	swait.ge [sflag:s1], $0x2800  }
0x103: {  	s26 =	simm.s32 $0x140;
	s23 =	rddreg [dreg:$0x5];
	[sflag:s1] =	ssyncset.done $0x0  }
0x104: {  	s24 =	rddreg [dreg:$0x4];
	[sflag:s1] =	ssyncadd.s32 $0xFFFFD800;
	s15 =	sadd.s32 $0x0, s23  }
0x105: {  	[tilespmem:s26], [sflag:$0x5] =	stream.linear.gather [hbm4b:s15+s4], $0x50, $0x38;
	[tilespmem:$0x1FB00] =	vst v63  }
0x106: {  	s22 =	simm.s32 $0x4;
	s31 =	simm.s32 $0x1280;
	s28 =	sadd.s32 $0x0, s24  }
0x107: {  	[tilespmem:s31], [sflag:$0x5] =	stream.linear.gather [hbm4b:s28+s4], $0x80, $0x38;
	[tilespmem:$0x1FB00] =	vst v63  }
0x108: {  	_ =	swait.ge [sflag:s22], $0x50  }
0x109: {  	[sflag:s22] =	ssyncset.done $0x0  }
0x10a: {  	[sflag:s22] =	ssyncadd.s32 $0xFFFFFFB0  }
0x10b: {  	_ =	swait.ge [sflag:s22], $0x80  }
0x10c: {  	s30 =	simm.s32 $0x6;
	s21 =	sadd.s32 $0x400, s12;
	[sflag:s22] =	ssyncset.done $0x0  }
0x10d: {  	s18 =	simm.s32 $0x7;
	s15 =	simm.s32 $0x80;
	[sflag:s22] =	ssyncadd.s32 $0xFFFFFF80  }
.LBB2_6:
0x10e: {  	s0 =	simm.s32 $0xF0;
	s3 =	simm.s32 $0x9A80;
	s9 =	simm.s32 $0xB  }
0x10f: {  	[tilespmem:s3], [sflag:$0xC] =	stream.indirect.gather [hbm4b:s29+s25], $0x80, s0, s25, $0xb8;
	[tilespmem:$0x1FB00] =	vst v63  }
0x110: {  	_ =	swait.ge [sflag:s9], $0x2800  }
0x111: {  	s10 =	simm.s32 $0x7280;
	[sflag:s9] =	ssyncset.done $0x0  }
0x112: {  	s12 =	simm.s32 $0xA80;
	s7 =	simm.s32 $0xD;
	[sflag:s9] =	ssyncadd.s32 $0xFFFFD800  }
0x113: {  	[spmem:s2] =	stream.indirect.scatter.add.f32 [tilespmem:s10], [sflag:$0xF], $0x80, s12, s25, $0xb8;
	[tilespmem:$0x1FB00] =	vst v63  }
0x114: {  	s24 =	smov.u32 s15;
	_ =	swait.ge [sflag:s7], $0x2800  }
0x115: {  	s14 =	simm.s32 $0x190;
	s26 =	rddreg [dreg:$0x11];
	[sflag:s7] =	ssyncset.done $0x0  }
0x116: {  	s11 =	rddreg [dreg:$0x10];
	[sflag:s7] =	ssyncadd.s32 $0xFFFFD800;
	s26 =	sadd.s32 s24, s26  }
0x117: {  	[tilespmem:s14], [sflag:$0x6] =	stream.linear.gather [hbm4b:s26+s4], $0x50, $0x38;
	[tilespmem:$0x1FB00] =	vst v63  }
0x118: {  	s5 =	simm.s32 $0x1680;
	s23 =	simm.s32 $0x5;
	s11 =	sadd.s32 s24, s11  }
0x119: {  	[tilespmem:s5], [sflag:$0x6] =	stream.linear.gather [hbm4b:s11+s4], $0x80, $0x38;
	[tilespmem:$0x1FB00] =	vst v63  }
0x11a: {  	_ =	swait.ge [sflag:s23], $0x50  }
0x11b: {  	[sflag:s23] =	ssyncset.done $0x0  }
0x11c: {  	[sflag:s23] =	ssyncadd.s32 $0xFFFFFFB0  }
0x11d: {  	_ =	swait.ge [sflag:s23], $0x80  }
0x11e: {  	s8 =	simm.s32 $0x2280;
	[sflag:s23] =	ssyncset.done $0x0  }
0x11f: {  	s26 =	simm.s32 $0x140;
	[sflag:s23] =	ssyncadd.s32 $0xFFFFFF80;
	s23 =	simm.s32 $0xC  }
0x120: {  	[tilespmem:s8], [sflag:$0x9] =	stream.indirect.gather [hbm4b:s29+s25], $0x80, s26, s25, $0xb8;
	[tilespmem:$0x1FB00] =	vst v63  }
0x121: {  	_ =	swait.ge [sflag:s23], $0x2800  }
0x122: {  	[sflag:s23] =	ssyncset.done $0x0  }
0x123: {  	s13 =	simm.s32 $0xE80;
	s20 =	simm.s32 $0xE;
	[sflag:s23] =	ssyncadd.s32 $0xFFFFD800  }
0x124: {  	[spmem:s2] =	stream.indirect.scatter.add.f32 [tilespmem:s3], [sflag:$0x10], $0x80, s13, s25, $0xb8;
	[tilespmem:$0x1FB00] =	vst v63  }
0x125: {  	_ =	swait.ge [sflag:s20], $0x2800  }
0x126: {  	s1 =	simm.s32 $0x1E0;
	s28 =	rddreg [dreg:$0xf];
	[sflag:s20] =	ssyncset.done $0x0  }
0x127: {  	s0 =	rddreg [dreg:$0xe];
	[sflag:s20] =	ssyncadd.s32 $0xFFFFD800;
	s11 =	sadd.s32 s24, s28  }
0x128: {  	[tilespmem:s1], [sflag:$0x7] =	stream.linear.gather [hbm4b:s11+s4], $0x50, $0x38;
	[tilespmem:$0x1FB00] =	vst v63  }
0x129: {  	s17 =	simm.s32 $0x1A80;
	s6 =	sadd.s32 s24, s0  }
0x12a: {  	[tilespmem:s17], [sflag:$0x7] =	stream.linear.gather [hbm4b:s6+s4], $0x80, $0x38;
	[tilespmem:$0x1FB00] =	vst v63  }
0x12b: {  	_ =	swait.ge [sflag:s30], $0x50  }
0x12c: {  	[sflag:s30] =	ssyncset.done $0x0  }
0x12d: {  	[sflag:s30] =	ssyncadd.s32 $0xFFFFFFB0  }
0x12e: {  	_ =	swait.ge [sflag:s30], $0x80  }
0x12f: {  	[sflag:s30] =	ssyncset.done $0x0  }
0x130: {  	s31 =	simm.s32 $0x4A80;
	s0 =	simm.s32 $0x9;
	[sflag:s30] =	ssyncadd.s32 $0xFFFFFF80  }
0x131: {  	[tilespmem:s31], [sflag:$0xA] =	stream.indirect.gather [hbm4b:s29+s25], $0x80, s14, s25, $0xb8;
	[tilespmem:$0x1FB00] =	vst v63  }
0x132: {  	_ =	swait.ge [sflag:s0], $0x2800  }
0x133: {  	[sflag:s0] =	ssyncset.done $0x0  }
0x134: {  	s6 =	simm.s32 $0xF;
	s14 =	simm.s32 $0x1280;
	[sflag:s0] =	ssyncadd.s32 $0xFFFFD800  }
0x135: {  	[spmem:s2] =	stream.indirect.scatter.add.f32 [tilespmem:s8], [sflag:$0xD], $0x80, s14, s25, $0xb8;
	[tilespmem:$0x1FB00] =	vst v63  }
0x136: {  	_ =	swait.ge [sflag:s6], $0x2800  }
0x137: {  	s16 =	rddreg [dreg:$0xd]  }
0x138: {  	[sflag:s6] =	ssyncset.done $0x0;
	s19 =	rddreg [dreg:$0xc]  }
0x139: {  	[sflag:s6] =	ssyncadd.s32 $0xFFFFD800;
	s11 =	sadd.s32 s24, s16;
	s16 =	simm.s32 $0x230  }
0x13a: {  	[tilespmem:s16], [sflag:$0x8] =	stream.linear.gather [hbm4b:s11+s4], $0x50, $0x38;
	[tilespmem:$0x1FB00] =	vst v63  }
0x13b: {  	s28 =	simm.s32 $0x1E80;
	s22 =	sadd.s32 s24, s19  }
0x13c: {  	[tilespmem:s28], [sflag:$0x8] =	stream.linear.gather [hbm4b:s22+s4], $0x80, $0x38;
	[tilespmem:$0x1FB00] =	vst v63  }
0x13d: {  	_ =	swait.ge [sflag:s18], $0x50  }
0x13e: {  	[sflag:s18] =	ssyncset.done $0x0  }
0x13f: {  	[sflag:s18] =	ssyncadd.s32 $0xFFFFFFB0  }
0x140: {  	_ =	swait.ge [sflag:s18], $0x80  }
0x141: {  	[sflag:s18] =	ssyncset.done $0x0  }
0x142: {  	s19 =	simm.s32 $0xA;
	[sflag:s18] =	ssyncadd.s32 $0xFFFFFF80  }
0x143: {  	[tilespmem:s10], [sflag:$0xB] =	stream.indirect.gather [hbm4b:s29+s25], $0x80, s1, s25, $0xb8;
	[tilespmem:$0x1FB00] =	vst v63  }
0x144: {  	_ =	swait.ge [sflag:s19], $0x2800  }
0x145: {  	[sflag:s19] =	ssyncset.done $0x0  }
0x146: {  	s1 =	simm.s32 $0x10;
	[sflag:s19] =	ssyncadd.s32 $0xFFFFD800  }
0x147: {  	[spmem:s2] =	stream.indirect.scatter.add.f32 [tilespmem:s31], [sflag:$0xE], $0x80, s5, s25, $0xb8;
	[tilespmem:$0x1FB00] =	vst v63  }
0x148: {  	_ =	swait.ge [sflag:s1], $0x2800  }
0x149: {  	s11 =	sshrl.u32 s21, $0x3;
	[sflag:s1] =	ssyncset.done $0x0;
	s26 =	rddreg [dreg:$0x12]  }
0x14a: {  	[sflag:s1] =	ssyncadd.s32 $0xFFFFD800;
	s22 =	sadd.s32 s26, s11;
	s26 =	rddreg [dreg:$0x13]  }
0x14b: {  	[tilespmem:s4], [sflag:$0x1] =	stream.linear.gather [hbm4b:s22+s4], $0x50, $0x38;
	[tilespmem:$0x1FB00] =	vst v63  }
0x14c: {  	s11 =	sadd.s32 s26, s11;
	s22 =	simm.s32 $0x280  }
0x14d: {  	[tilespmem:s22], [sflag:$0x1] =	stream.linear.gather [hbm4b:s11+s4], $0x80, $0x38;
	[tilespmem:$0x1FB00] =	vst v63  }
0x14e: {  	s11 =	simm.s32 $0x8  }
0x14f: {  	_ =	swait.ge [sflag:s11], $0x50  }
0x150: {  	[sflag:s11] =	ssyncset.done $0x0  }
0x151: {  	[sflag:s11] =	ssyncadd.s32 $0xFFFFFFB0  }
0x152: {  	_ =	swait.ge [sflag:s11], $0x80  }
0x153: {  	[sflag:s11] =	ssyncset.done $0x0  }
0x154: {  	[sflag:s11] =	ssyncadd.s32 $0xFFFFFF80  }
0x155: {  	[tilespmem:s3], [sflag:$0xC] =	stream.indirect.gather [hbm4b:s29+s25], $0x80, s16, s25, $0xb8;
	[tilespmem:$0x1FB00] =	vst v63  }
0x156: {  	_ =	swait.ge [sflag:s9], $0x2800  }
0x157: {  	[sflag:s9] =	ssyncset.done $0x0  }
0x158: {  	[sflag:s9] =	ssyncadd.s32 $0xFFFFD800  }
0x159: {  	[spmem:s2] =	stream.indirect.scatter.add.f32 [tilespmem:s10], [sflag:$0xF], $0x80, s17, s25, $0xb8;
	[tilespmem:$0x1FB00] =	vst v63  }
0x15a: {  	_ =	swait.ge [sflag:s7], $0x2800  }
0x15b: {  	s26 =	rddreg [dreg:$0xb];
	[sflag:s7] =	ssyncset.done $0x0  }
0x15c: {  	s5 =	rddreg [dreg:$0xa];
	[sflag:s7] =	ssyncadd.s32 $0xFFFFD800;
	s11 =	sadd.s32 s24, s26  }
0x15d: {  	[tilespmem:s25], [sflag:$0x2] =	stream.linear.gather [hbm4b:s11+s4], $0x50, $0x38;
	[tilespmem:$0x1FB00] =	vst v63  }
0x15e: {  	s9 =	sadd.s32 s24, s5;
	s7 =	simm.s32 $0x680;
	s11 =	simm.s32 $0x1  }
0x15f: {  	[tilespmem:s7], [sflag:$0x2] =	stream.linear.gather [hbm4b:s9+s4], $0x80, $0x38;
	[tilespmem:$0x1FB00] =	vst v63  }
0x160: {  	_ =	swait.ge [sflag:s11], $0x50  }
0x161: {  	[sflag:s11] =	ssyncset.done $0x0  }
0x162: {  	[sflag:s11] =	ssyncadd.s32 $0xFFFFFFB0  }
0x163: {  	_ =	swait.ge [sflag:s11], $0x80  }
0x164: {  	[sflag:s11] =	ssyncset.done $0x0  }
0x165: {  	[sflag:s11] =	ssyncadd.s32 $0xFFFFFF80  }
0x166: {  	[tilespmem:s8], [sflag:$0x9] =	stream.indirect.gather [hbm4b:s29+s25], $0x80, s4, s25, $0xb8;
	[tilespmem:$0x1FB00] =	vst v63  }
0x167: {  	_ =	swait.ge [sflag:s23], $0x2800  }
0x168: {  	[sflag:s23] =	ssyncset.done $0x0  }
0x169: {  	[sflag:s23] =	ssyncadd.s32 $0xFFFFD800  }
0x16a: {  	[spmem:s2] =	stream.indirect.scatter.add.f32 [tilespmem:s3], [sflag:$0x10], $0x80, s28, s25, $0xb8;
	[tilespmem:$0x1FB00] =	vst v63  }
0x16b: {  	_ =	swait.ge [sflag:s20], $0x2800  }
0x16c: {  	s23 =	simm.s32 $0xA0;
	s16 =	rddreg [dreg:$0x9];
	[sflag:s20] =	ssyncset.done $0x0  }
0x16d: {  	s17 =	rddreg [dreg:$0x8];
	[sflag:s20] =	ssyncadd.s32 $0xFFFFD800;
	s11 =	sadd.s32 s24, s16  }
0x16e: {  	[tilespmem:s23], [sflag:$0x3] =	stream.linear.gather [hbm4b:s11+s4], $0x50, $0x38;
	[tilespmem:$0x1FB00] =	vst v63  }
0x16f: {  	s28 =	simm.s32 $0x2;
	s26 =	sadd.s32 s24, s17  }
0x170: {  	[tilespmem:s12], [sflag:$0x3] =	stream.linear.gather [hbm4b:s26+s4], $0x80, $0x38;
	[tilespmem:$0x1FB00] =	vst v63  }
0x171: {  	_ =	swait.ge [sflag:s28], $0x50  }
0x172: {  	[sflag:s28] =	ssyncset.done $0x0  }
0x173: {  	[sflag:s28] =	ssyncadd.s32 $0xFFFFFFB0  }
0x174: {  	_ =	swait.ge [sflag:s28], $0x80  }
0x175: {  	[sflag:s28] =	ssyncset.done $0x0  }
0x176: {  	[sflag:s28] =	ssyncadd.s32 $0xFFFFFF80  }
0x177: {  	[tilespmem:s31], [sflag:$0xA] =	stream.indirect.gather [hbm4b:s29+s25], $0x80, s25, s25, $0xb8;
	[tilespmem:$0x1FB00] =	vst v63  }
0x178: {  	_ =	swait.ge [sflag:s0], $0x2800  }
0x179: {  	[sflag:s0] =	ssyncset.done $0x0  }
0x17a: {  	[sflag:s0] =	ssyncadd.s32 $0xFFFFD800  }
0x17b: {  	[spmem:s2] =	stream.indirect.scatter.add.f32 [tilespmem:s8], [sflag:$0xD], $0x80, s22, s25, $0xb8;
	[tilespmem:$0x1FB00] =	vst v63  }
0x17c: {  	_ =	swait.ge [sflag:s6], $0x2800  }
0x17d: {  	s12 =	simm.s32 $0xF0;
	s3 =	rddreg [dreg:$0x7];
	[sflag:s6] =	ssyncset.done $0x0  }
0x17e: {  	s8 =	rddreg [dreg:$0x6];
	[sflag:s6] =	ssyncadd.s32 $0xFFFFD800;
	s11 =	sadd.s32 s24, s3  }
0x17f: {  	[tilespmem:s12], [sflag:$0x4] =	stream.linear.gather [hbm4b:s11+s4], $0x50, $0x38;
	[tilespmem:$0x1FB00] =	vst v63  }
0x180: {  	s17 =	simm.s32 $0x3;
	s16 =	sadd.s32 s24, s8  }
0x181: {  	[tilespmem:s13], [sflag:$0x4] =	stream.linear.gather [hbm4b:s16+s4], $0x80, $0x38;
	[tilespmem:$0x1FB00] =	vst v63  }
0x182: {  	_ =	swait.ge [sflag:s17], $0x50  }
0x183: {  	[sflag:s17] =	ssyncset.done $0x0  }
0x184: {  	[sflag:s17] =	ssyncadd.s32 $0xFFFFFFB0  }
0x185: {  	_ =	swait.ge [sflag:s17], $0x80  }
0x186: {  	[sflag:s17] =	ssyncset.done $0x0  }
0x187: {  	[sflag:s17] =	ssyncadd.s32 $0xFFFFFF80  }
0x188: {  	[tilespmem:s10], [sflag:$0xB] =	stream.indirect.gather [hbm4b:s29+s25], $0x80, s23, s25, $0xb8;
	[tilespmem:$0x1FB00] =	vst v63  }
0x189: {  	_ =	swait.ge [sflag:s19], $0x2800  }
0x18a: {  	[sflag:s19] =	ssyncset.done $0x0  }
0x18b: {  	[sflag:s19] =	ssyncadd.s32 $0xFFFFD800  }
0x18c: {  	[spmem:s2] =	stream.indirect.scatter.add.f32 [tilespmem:s31], [sflag:$0xE], $0x80, s7, s25, $0xb8;
	[tilespmem:$0x1FB00] =	vst v63  }
0x18d: {  	_ =	swait.ge [sflag:s1], $0x2800  }
0x18e: {  	s23 =	simm.s32 $0x140;
	s20 =	rddreg [dreg:$0x5];
	[sflag:s1] =	ssyncset.done $0x0  }
0x18f: {  	s22 =	rddreg [dreg:$0x4];
	[sflag:s1] =	ssyncadd.s32 $0xFFFFD800;
	s11 =	sadd.s32 s24, s20  }
0x190: {  	[tilespmem:s23], [sflag:$0x5] =	stream.linear.gather [hbm4b:s11+s4], $0x50, $0x38;
	[tilespmem:$0x1FB00] =	vst v63  }
0x191: {  	s10 =	simm.s32 $0x4;
	s28 =	sadd.s32 s24, s22  }
0x192: {  	[tilespmem:s14], [sflag:$0x5] =	stream.linear.gather [hbm4b:s28+s4], $0x80, $0x38;
	[tilespmem:$0x1FB00] =	vst v63  }
0x193: {  	p1 =	sne.s32 s15, $0x700;
	_ =	swait.ge [sflag:s10], $0x50  }
.Ltmp3:
0x194: {  	[sflag:s10] =	ssyncset.done $0x0;
	(pc) =	sbr.rel @p1 .LBB2_6-.Ltmp3, $4  }
0x195: {  	s15 =	sadd.s32 $0x80, s15;
	s21 =	sadd.s32 $0x400, s21;
	[sflag:s10] =	ssyncadd.s32 $0xFFFFFFB0  }
0x196: {  	s5 =	simm.s32 $0xA80;
	s3 =	simm.s32 $0xF0;
	_ =	swait.ge [sflag:s10], $0x80  }
0x197: {  	s8 =	simm.s32 $0xE80;
	s12 =	simm.s32 $0x1280;
	[sflag:s10] =	ssyncset.done $0x0  }
0x198: {  	s13 =	simm.s32 $0x7280;
	s31 =	simm.s32 $0x140;
	[sflag:s10] =	ssyncadd.s32 $0xFFFFFF80  }
0x199: {  	s0 =	simm.s32 $0x9A80;
	s1 =	simm.s32 $0xB  }
0x19a: {  	[tilespmem:s0], [sflag:$0xC] =	stream.indirect.gather [hbm4b:s29+s25], $0x80, s3, s25, $0xb8;
	[tilespmem:$0x1FB00] =	vst v63  }
0x19b: {  	_ =	swait.ge [sflag:s1], $0x2800  }
0x19c: {  	[sflag:s1] =	ssyncset.done $0x0  }
0x19d: {  	s18 =	simm.s32 $0xD;
	[sflag:s1] =	ssyncadd.s32 $0xFFFFD800  }
0x19e: {  	[spmem:s2] =	stream.indirect.scatter.add.f32 [tilespmem:s13], [sflag:$0xF], $0x80, s5, s25, $0xb8;
	[tilespmem:$0x1FB00] =	vst v63  }
0x19f: {  	_ =	swait.ge [sflag:s18], $0x2800  }
0x1a0: {  	[sflag:s18] =	ssyncset.done $0x0  }
0x1a1: {  	s19 =	simm.s32 $0x5;
	[sflag:s18] =	ssyncadd.s32 $0xFFFFD800  }
0x1a2: {  	_ =	swait.ge [sflag:s19], $0x50  }
0x1a3: {  	[sflag:s19] =	ssyncset.done $0x0  }
0x1a4: {  	[sflag:s19] =	ssyncadd.s32 $0xFFFFFFB0  }
0x1a5: {  	_ =	swait.ge [sflag:s19], $0x80  }
0x1a6: {  	[sflag:s19] =	ssyncset.done $0x0  }
0x1a7: {  	s20 =	simm.s32 $0x2280;
	s21 =	simm.s32 $0xC;
	[sflag:s19] =	ssyncadd.s32 $0xFFFFFF80  }
0x1a8: {  	[tilespmem:s20], [sflag:$0x9] =	stream.indirect.gather [hbm4b:s29+s25], $0x80, s31, s25, $0xb8;
	[tilespmem:$0x1FB00] =	vst v63  }
0x1a9: {  	_ =	swait.ge [sflag:s21], $0x2800  }
0x1aa: {  	[sflag:s21] =	ssyncset.done $0x0  }
0x1ab: {  	s22 =	simm.s32 $0xE;
	[sflag:s21] =	ssyncadd.s32 $0xFFFFD800  }
0x1ac: {  	[spmem:s2] =	stream.indirect.scatter.add.f32 [tilespmem:s0], [sflag:$0x10], $0x80, s8, s25, $0xb8;
	[tilespmem:$0x1FB00] =	vst v63  }
0x1ad: {  	_ =	swait.ge [sflag:s22], $0x2800  }
0x1ae: {  	[sflag:s22] =	ssyncset.done $0x0  }
0x1af: {  	s23 =	simm.s32 $0x9;
	[sflag:s22] =	ssyncadd.s32 $0xFFFFD800  }
0x1b0: {  	_ =	swait.ge [sflag:s23], $0x2800  }
0x1b1: {  	[sflag:s23] =	ssyncset.done $0x0  }
0x1b2: {  	s24 =	simm.s32 $0xF;
	[sflag:s23] =	ssyncadd.s32 $0xFFFFD800  }
0x1b3: {  	[spmem:s2] =	stream.indirect.scatter.add.f32 [tilespmem:s20], [sflag:$0xD], $0x80, s12, s25, $0xb8;
	[tilespmem:$0x1FB00] =	vst v63  }
0x1b4: {  	_ =	swait.ge [sflag:s24], $0x2800  }
0x1b5: {  	[sflag:s24] =	ssyncset.done $0x0  }
0x1b6: {  	s26 =	simm.s32 $0x10;
	[sflag:s24] =	ssyncadd.s32 $0xFFFFD800  }
0x1b7: {  	_ =	swait.ge [sflag:s26], $0x2800  }
0x1b8: {  	[sflag:s26] =	ssyncset.done $0x0  }
0x1b9: {  	[sflag:s26] =	ssyncadd.s32 $0xFFFFD800  }
0x1ba: {  	_ =	swait.ge [sflag:s18], $0x2800  }
0x1bb: {  	[sflag:s18] =	ssyncset.done $0x0  }
0x1bc: {  	[sflag:s18] =	ssyncadd.s32 $0xFFFFD800  }
0x1bd: {  	s11 =	stileid.u32;
	[bflag:$0x0] =	sbarrier.arrive $0xFFFF  }
0x1be: {  	s6 =	simm.s32 $0x5;
	s7 =	simm.s32 $0xC;
	s28 =	sld [smem:$0x7FD]  }
0x1bf: {  	s17 =	simm.s32 $0xF;
	s11 =	sshll.u32 s11, $0x6;
	s26 =	sld [smem:$0x7FB]  }
0x1c0: {  	s1 =	simm.s32 $0x10;
	s13 =	simm.s32 $0x9;
	s5 =	simm.s32 $0xD  }
.Ltmp4:
0x1c1: {  	s31 =	rddreg [dreg:$0x14];
	s15 =	sshrl.u32 s28, $0x3;
	(pc) =	sbr.rel @!p0 .LBB2_9-.Ltmp4, $4  }
0x1c2: {  	s21 =	sshrl.u32 s26, $0x3;
	s24 =	sadd.s32 s31, s15;
	s15 =	sor.u32 $0x1C11, s11  }
0x1c3: {  	[hbm:s24], [sflag:s15] =	dma.local [spmem:s21], $0x500  }
0x1c4: {  	s22 =	simm.s32 $0xB;
	s23 =	simm.s32 $0xE;
	s30 =	rddreg [dreg:$0x1b]  }
0x1c5: {  	s20 =	simm.s32 $0x11;
	s24 =	sadd.s32 $0x28000, s28;
	s21 =	sadd.s32 $0xFFFFFFFF, s30  }
.LBB2_8:
0x1c6: {  	_ =	swait.ge [sflag:s20], $0x500  }
0x1c7: {  	s26 =	sadd.s32 $0x28000, s26;
	s11 =	sshrl.u32 s24, $0x3;
	p0 =	sne.s32 s21, $0x1  }
.Ltmp5:
0x1c8: {  	s12 =	sshrl.u32 s26, $0x3;
	[sflag:s20] =	ssyncset.done $0x0;
	(pc) =	sbr.rel @p0 .LBB2_8-.Ltmp5, $4  }
0x1c9: {  	s11 =	sadd.s32 s31, s11;
	[sflag:s20] =	ssyncadd.s32 $0xFFFFFB00  }
0x1ca: {  	[hbm:s11], [sflag:s15] =	dma.local [spmem:s12], $0x500  }
0x1cb: {  	s21 =	sadd.s32 $0xFFFFFFFF, s21  }
0x1cc: {  	s24 =	sadd.s32 $0x28000, s24  }
.LBB2_9:
0x1cd: {  	_ =	swait.ge [sflag:s20], $0x500  }
0x1ce: {  	s15 =	sld [smem:$0x7F9]  }
0x1cf: {  	s11 =	sld [smem:$0x7FA];
	_ =	sdelay $0x1  }
0x1d0: {  	s15 =	sadd.s32 $0x1, s15  }
0x1d1: {  	s26 =	simm.s32 $0x280;
	p0 =	sne.s32 s15, s11  }
.Ltmp6:
0x1d2: {  	s30 =	simm.s32 $0x680;
	s31 =	simm.s32 $0xA80;
	(pc) =	sbr.rel @p0 .LBB2_1-.Ltmp6, $4  }
0x1d3: {  	s3 =	simm.s32 $0x4A80;
	s8 =	simm.s32 $0x7280;
	s14 =	simm.s32 $0x8  }
0x1d4: {  	s0 =	simm.s32 $0x1;
	s9 =	simm.s32 $0x2;
	s16 =	simm.s32 $0x3  }
0x1d5: {  	s19 =	simm.s32 $0xA;
	s28 =	simm.s32 $0x6;
	[sflag:s20] =	ssyncset.done $0x0  }
0x1d6: {  	s18 =	simm.s32 $0x7;
	[sflag:s20] =	ssyncadd.s32 $0xFFFFFB00;
	s11 =	simm.s32 $0xA0  }
0x1d7: {  	_ =	sfence.sel $0x180000  }
0x1d8: {  	[bflag:$0x0] =	sbarrier.arrive $0xFFFF  }
0x1d9: {  	_ =	strace $0x90000047  }
0x1da: {  	s0 =	stileid.u32;
	[bflag:$0x2] =	sbarrier.arrive $0xFFFF  }
0x1db: {  	p0 =	sne.s32 s0, $0x0;
	s0 =	rddreg [dreg:$0x3]  }
0x1dc: {  	s0 =	sadd.s32 @!p0 $0x100000, s0  }
0x1dd: {  	[sflag:s0] =	ssyncadd.tile.s32 @!p0 $0x1;
	_ =	shalt  }
.Lfunc_end2:
_tile_overlayer_lowered:
.L_overlay_start_2:
0x1de: {  	(tag) =	ssettag $0x2  }
0x1df: {  	s0 =	rddreg [dreg:$0x0];
	s2 =	stileid.u32  }
0x1e0: {  	s1 =	rddreg [dreg:$0x1];
	p0 =	sne.s32 s2, $0x0  }
0x1e1: {  	s3 =	rddreg [dreg:$0x2];
	[bflag:$0x3] =	sbarrier.arrive $0xFFFF;
	s2 =	simm.s32 @!p0 $0x1C11  }
0x1e2: {  	[timem:s3], [sflag:s2] =	dma.local @!p0 [hbm:s0], s1  }
0x1e3: {  	s0 =	simm.s32 @!p0 $0x11  }
0x1e4: {  	_ =	swait.ge @!p0 [sflag:s0], s1  }
0x1e5: {  	s1 =	ssub.s32 @!p0 $0x0, s1;
	[sflag:s0] =	ssyncset.done @!p0 $0x0  }
0x1e6: {  	[sflag:s0] =	ssyncadd.s32 @!p0 s1  }
0x1e7: {  	[bflag:$0x3] =	sbarrier.arrive $0xFFFF  }
0x1e8: {  	_ =	shalt  }

// kernel: kernel.9.cloned.1.call-start
scs
__scs_entry_jumppad:
0x0: {  	(pc) =	sbr.rel $0x88, $3  }
0x1: {  	(tag) =	ssettag $0x0;
	lr =	simm.s32 $0x1  }
0x2: {  	[smem:$0x3F98] =	sst lr;
	_ =	strace $0xD0000000  }
0x3: {  	_ = 	snop  }
0x4: {  	_ = 	snop  }
0x5: {  	_ = 	snop  }
0x6: {  	_ = 	snop  }
0x7: {  	_ = 	snop  }
__scs_overlays_trampoline_lowered:
0x8: {  	[smem:$0x3FA7] =	sst s0  }
0x9: {  	[smem:$0x3FA8] =	sst s1  }
0xa: {  	[smem:$0x3FA9] =	sst s2  }
0xb: {  	[smem:$0x3FAA] =	sst s3  }
0xc: {  	[smem:$0x3FAB] =	sst s4  }
0xd: {  	[smem:$0x3FAC] =	sst s5  }
0xe: {  	[smem:$0x3FAD] =	sst s6  }
0xf: {  	[smem:$0x3FAE] =	sst s7  }
0x10: {  	[smem:$0x3FAF] =	sst s8  }
0x11: {  	[smem:$0x3FB0] =	sst s9;
	s0 =	simm.s32 @!p0 $0x0  }
0x12: {  	s1 =	sld [smem:$0x3F96];
	s0 =	simm.s32 @p0 $0x1  }
0x13: {  	[smem:$0x3FB1] =	sst s0;
	s0 =	simm.s32 @!p1 $0x0  }
0x14: {  	s2 =	sld [smem:$0x3F95];
	s0 =	simm.s32 @p1 $0x1  }
0x15: {  	[smem:$0x3FB2] =	sst s0;
	s0 =	simm.s32 @!p2 $0x0  }
0x16: {  	s3 =	sld [smem:$0x3FDB];
	s0 =	simm.s32 @p2 $0x1  }
0x17: {  	s4 =	simm.s32 $0x1BF5;
	[smem:$0x3FB4] =	sst s0  }
0x18: {  	s0 =	sld [smem:$0x3F97];
	_ =	swait.ge [sflag:s4], $0x0  }
0x19: {  	s7 =	sld [smem:$0x3F98]  }
0x1a: {  	s8 =	sadd.s32 $0xFFFFE003, lr  }
0x1b: {  	s9 =	sadd.s32 $0xFFFFFEF7, lr;
	s5 =	simm.s32 $0xFFFFFFFF;
	p2 =	slt.u32 s8, $0xFFFFF086  }
0x1c: {  	p1 =	slt.u32 s9, $0xF7A;
	s5 =	simm.s32 @!p2 $0x0  }
0x1d: {  	s5 =	simm.s32 @p1 $0x1;
	p0 =	seq.s32 s7, s2  }
0x1e: {  	s7 =	smul.u32 @!p0 $0xF7A, s2;
	p2 =	seq.s32 @!p0 s5, $0x0  }
0x1f: {  	s9 =	smul.u32 $0xF7A, s1;
	s8 =	simm.s32 @!p0 $0x1BF5;
	p2 =	por !p2, p0  }
0x20: {  	[sflag:s8] =	ssyncset.s32 @!p0 $0xFFFFF086;
	s6 =	sadd.s32 @!p0 s3, s7;
	s7 =	simm.s32 @!p0 $0x108  }
0x21: {  	s3 =	sadd.s32 s3, s9;
	s6 =	sadd.s32 @!p0 $0x88, s6;
	s7 =	simm.s32 @p2 $0x1082  }
0x22: {  	[simem:s7], [sflag:s8] =	dma.local @!p0 [hbm:s6], $0xF7A  }
0x23: {  	s9 =	sor.u32 $0xD0000000, s2;
	s6 =	simm.s32 $0x108;
	_ =	swait.ge @!p0 [sflag:s8], $0x0  }
0x24: {  	s3 =	sadd.s32 $0x88, s3;
	s6 =	simm.s32 @!p1 $0x1082;
	[sflag:s4] =	ssyncset.s32 $0xFFFFF086  }
0x25: {  	[simem:s6], [sflag:s4] =	dma.local [hbm:s3], $0xF7A  }
0x26: {  	[smem:$0x3F98] =	sst s1;
	(tag) =	ssettag s2;
	_ =	strace s9  }
0x27: {  	s1 =	sld [smem:$0x3FA8]  }
0x28: {  	s2 =	sld [smem:$0x3FA9]  }
0x29: {  	s4 =	sld [smem:$0x3FAB]  }
0x2a: {  	p0 =	seq.s32 s5, $0x0;
	s5 =	sld [smem:$0x3FAC]  }
0x2b: {  	s6 =	sld [smem:$0x3FAD]  }
0x2c: {  	s7 =	sld [smem:$0x3FAE]  }
0x2d: {  	s3 =	simm.s32 $0x108;
	s8 =	sld [smem:$0x3FAF]  }
0x2e: {  	s3 =	simm.s32 @!p0 $0x1082;
	s9 =	sld [smem:$0x3FB0]  }
0x2f: {  	lr =	sadd.s32 s0, s3;
	s0 =	sld [smem:$0x3FA7]  }
0x30: {  	s3 =	sld [smem:$0x3FAA]  }
0x31: {  	[smem:$0x3FB3] =	sst s10  }
0x32: {  	s10 =	sld [smem:$0x3FB1];
	_ =	sdelay $0x3  }
0x33: {  	p0 =	seq.s32 s10, $0x1;
	s10 =	sld [smem:$0x3FB3];
	_ =	sdelay $0x3  }
0x34: {  	[smem:$0x3FB3] =	sst s10  }
0x35: {  	s10 =	sld [smem:$0x3FB2];
	_ =	sdelay $0x3  }
0x36: {  	p1 =	seq.s32 s10, $0x1;
	s10 =	sld [smem:$0x3FB3];
	_ =	sdelay $0x3  }
0x37: {  	[smem:$0x3FB3] =	sst s10  }
0x38: {  	s10 =	sld [smem:$0x3FB4]  }
0x39: {  	_ = 	snop;
	(pc) =	sbr.ind lr, $3  }
0x3a: {  	_ = 	snop  }
0x3b: {  	_ = 	snop  }
0x3c: {  	p2 =	seq.s32 s10, $0x1;
	s10 =	sld [smem:$0x3FB3]  }
0x3d: {  	_ =	shalt  }
0x3e: {  	_ =	shalt  }
0x3f: {  	_ =	shalt  }
0x40: {  	_ =	shalt  }
0x41: {  	_ =	shalt  }
0x42: {  	_ =	shalt  }
0x43: {  	_ =	shalt  }
0x44: {  	_ =	shalt  }
0x45: {  	_ =	shalt  }
0x46: {  	_ =	shalt  }
0x47: {  	_ =	shalt  }
0x48: {  	_ =	shalt  }
0x49: {  	_ =	shalt  }
0x4a: {  	_ =	shalt  }
0x4b: {  	_ =	shalt  }
0x4c: {  	_ =	shalt  }
0x4d: {  	_ =	shalt  }
0x4e: {  	_ =	shalt  }
0x4f: {  	_ =	shalt  }
0x50: {  	_ =	shalt  }
0x51: {  	_ =	shalt  }
0x52: {  	_ =	shalt  }
0x53: {  	_ =	shalt  }
0x54: {  	_ =	shalt  }
0x55: {  	_ =	shalt  }
0x56: {  	_ =	shalt  }
0x57: {  	_ =	shalt  }
0x58: {  	_ =	shalt  }
0x59: {  	_ =	shalt  }
0x5a: {  	_ =	shalt  }
0x5b: {  	_ =	shalt  }
0x5c: {  	_ =	shalt  }
0x5d: {  	_ =	shalt  }
0x5e: {  	_ =	shalt  }
0x5f: {  	_ =	shalt  }
0x60: {  	_ =	shalt  }
0x61: {  	_ =	shalt  }
0x62: {  	_ =	shalt  }
0x63: {  	_ =	shalt  }
0x64: {  	_ =	shalt  }
0x65: {  	_ =	shalt  }
0x66: {  	_ =	shalt  }
0x67: {  	_ =	shalt  }
0x68: {  	_ =	shalt  }
0x69: {  	_ =	shalt  }
0x6a: {  	_ =	shalt  }
0x6b: {  	_ =	shalt  }
0x6c: {  	_ =	shalt  }
0x6d: {  	_ =	shalt  }
0x6e: {  	_ =	shalt  }
0x6f: {  	_ =	shalt  }
0x70: {  	_ =	shalt  }
0x71: {  	_ =	shalt  }
0x72: {  	_ =	shalt  }
0x73: {  	_ =	shalt  }
0x74: {  	_ =	shalt  }
0x75: {  	_ =	shalt  }
0x76: {  	_ =	shalt  }
0x77: {  	_ =	shalt  }
0x78: {  	_ =	shalt  }
0x79: {  	_ =	shalt  }
0x7a: {  	_ =	shalt  }
0x7b: {  	_ =	shalt  }
0x7c: {  	_ =	shalt  }
0x7d: {  	_ =	shalt  }
0x7e: {  	_ =	shalt  }
0x7f: {  	_ =	shalt  }
0x80: {  	_ =	shalt  }
0x81: {  	_ =	shalt  }
0x82: {  	_ =	shalt  }
0x83: {  	_ =	shalt  }
0x84: {  	_ =	shalt  }
0x85: {  	_ =	shalt  }
0x86: {  	_ =	shalt  }
0x87: {  	_ =	shalt  }
.Lfunc_end0:
.L_simem_size_0:
called_computation.1_lowered:
.L_overlay_start_0:
0x88: {  	s2 =	sld [smem:$0x3FD9]  }
0x89: {  	s3 =	sld [smem:$0x3FFE];
	_ =	sdelay $0x1  }
0x8a: {  	s1 =	srdreg.scid  }
0x8b: {  	s0 =	sand.u32 $0x1, s1  }
0x8c: {  	s16 =	sshll.u32 s0, $0xA;
	s2 =	sadd.s32 s3, s2  }
0x8d: {  	s2 =	sadd.s32 s2, s16  }
0x8e: {  	[smem:$0x3FBF] =	sst s2  }
0x8f: {  	_ = 	snop  }
0x90: {  	(tm) =	ssettm $0x1  }
0x91: {  	s17 =	sld [smem:$0x3FFB];
	_ =	sdelay $0x3  }
0x92: {  	_ =	strace s17  }
0x93: {  	s2 =	sld [smem:$0x3FFC];
	_ =	sdelay $0x3  }
0x94: {  	_ =	strace s2  }
0x95: {  	s2 =	sld [smem:$0x3FFD];
	_ =	sdelay $0x3  }
0x96: {  	_ =	strace s2  }
0x97: {  	_ =	strace $0x8FFFFFFF  }
0x98: {  	s18 =	sld [smem:$0x3FDB];
	_ =	sdelay $0x1  }
0x99: {  	s19 =	simm.s32 $_scs_section_size  }
0x9a: {  	s4 =	simm.s32 $_size__tile_overlayer_lowered;
	s5 =	simm.s32 $_tile_overlayer_lowered  }
0x9b: {  	s22 =	simm.s32 $0x1BFF;
	s21 =	sshll.u32 s5, $0x1;
	s2 =	sadd.s32 s19, s18  }
0x9c: {  	s6 =	simm.s32 $0x0;
	s20 =	sshll.u32 s4, $0x1;
	s4 =	sadd.s32 s21, s2  }
0x9d: {  	[timem:s6], [sflag:s22] =	dma.local [hbm:s4], s20  }
0x9e: {  	_ =	swait.ge [sflag:s22], s20  }
0x9f: {  	s3 =	ssub.s32 $0x0, s20;
	[sflag:s22] =	ssyncset.done $0x0  }
0xa0: {  	[sflag:s22] =	ssyncadd.s32 s3;
	_ =	sdelay $0x1  }
0xa1: {  	s23 =	simm.s32 $0x1B8B  }
0xa2: {  	_ =	swait.ge [sflag:s23], $0x1  }
0xa3: {  	[sflag:s23] =	ssyncset.done $0x0  }
0xa4: {  	s25 =	simm.s32 $0x1B8E;
	s24 =	sld [smem:$0x3FFE];
	[sflag:s23] =	ssyncadd.s32 $0xFFFFFFFF  }
0xa5: {  	s26 =	simm.s32 $execute0_lowered;
	[smem:$0x3FD2] =	sst s25  }
0xa6: {  	s4 =	sshll.u32 s26, $0x1;
	_ =	strace $0x80000049;
	[dreg:$0x1] =	wrdreg $0xFFFFFFFF  }
0xa7: {  	s28 =	simm.s32 $_size_execute0_lowered;
	s2 =	sadd.s32 s2, s4;
	[dreg:$0x0] =	wrdreg $0x0  }
0xa8: {  	s4 =	sshll.u32 s28, $0x1;
	[dreg:$0x2] =	wrdreg s2  }
0xa9: {  	[dreg:$0x3] =	wrdreg s4  }
0xaa: {  	[dreg:$0x4] =	wrdreg $0xC0  }
0xab: {  	_ =	task [dreg:s6], $0x5FFFF  }
0xac: {  	[dreg:$0x1] =	wrdreg $0xFFFFFFFF  }
0xad: {  	[dreg:$0x0] =	wrdreg $0x60  }
0xae: {  	[dreg:$0x2] =	wrdreg s24  }
0xaf: {  	[dreg:$0x3] =	wrdreg $0xC2800  }
0xb0: {  	[dreg:$0x4] =	wrdreg $0x9  }
0xb1: {  	_ =	task.clear_ibuf [dreg:s6], $0x5FFFF;
	_ =	strace $0x90000049  }
0xb2: {  	s29 =	simm.s32 $0x9;
	_ =	strace $0x8000004B  }
0xb3: {  	_ =	swait.ge [sflag:s29], $0x1  }
0xb4: {  	[sflag:s29] =	ssyncadd.s32 $0xFFFFFFFF  }
0xb5: {  	_ =	strace $0x9000004B  }
0xb6: {  	_ =	sfence  }
0xb7: {  	s30 =	sld [smem:$0x0];
	_ =	sdelay $0x2  }
0xb8: {  	s31 =	sshll.u32 s1, $0xD;
	s1 =	sshrl.u32 s1, $0x2  }
0xb9: {  	s3 =	sand.u32 $0x4000, s31;
	s1 =	sadd.s32 s1, s30  }
0xba: {  	s0 =	sor.u32 s3, s0;
	s1 =	sshll.u32 s1, $0x11  }
0xbb: {  	s0 =	sor.u32 s1, s0  }
0xbc: {  	s0 =	sadd.s32 $0x8F2B, s0  }
0xbd: {  	[sflag:s0] =	ssyncadd.remote.s32 $0x1  }
0xbe: {  	_ =	sfence.sel $0xFFFF  }
0xbf: {  	[dreg:$0x0] =	wrdreg $0xFFFFFFFF;
	(pc) =	sbr.abs _section_cstart, $3  }
0xc0: {  	[dreg:$0x1] =	wrdreg $0xFFFFFFFF  }
0xc1: {  	_ =	task.clear_ibuf [dreg:s6], $0x2FFFF;
	_ =	strace $0x9FFFFFFF  }
0xc2: {  	(tm) =	ssettm $0x7FFFFFFF  }
0xc3: {  	_ =	shalt  }
tec
execute0_lowered:
.L_overlay_start_1:
0x0: {  	(tag) =	ssettag $0x1  }
0x1: {  	s2 =	rddreg [dreg:$0x0]  }
0x2: {  	s29 =	rddreg [dreg:$0x1];
	s0 =	srdreg.scid;
	s3 =	simm.s32 $0x0  }
0x3: {  	s10 =	stileid.u32;
	s14 =	simm.s32 $0x8;
	s30 =	simm.s32 $0x680  }
0x4: {  	s31 =	simm.s32 $0xA80;
	s28 =	simm.s32 $0x6;
	s0 =	sand.u32 $0x1, s0  }
0x5: {  	[smem:$0x7FF] =	sst s3;
	s13 =	sadd.s32 $0x1E00, s2;
	s21 =	sadd.s32 $0x11800, s2  }
0x6: {  	s12 =	sadd.s32 $0x48400, s2;
	s8 =	smul.u32 $0x3E80, s10;
	s4 =	sshll.u32 s0, $0x4  }
0x7: {  	p0 =	slt.u32 s10, $0xD;
	s6 =	ssub.s32 $0x2, s0;
	s5 =	sor.u32 s10, s4  }
0x8: {  	_ =	strace $0x8000004A;
	s17 =	sshrl.u32 s6, $0x1;
	s5 =	smul.u32 $0x3E80, s5  }
0x9: {  	[dreg:$0x12] =	wrdreg s21;
	s4 =	sadd.s32 $0x21200, s2;
	s2 =	ssub.s32 s6, s17  }
0xa: {  	[dreg:$0x13] =	wrdreg s12;
	s2 =	smax.u32 s2, $0x1;
	s5 =	sshrl.u32 s5, $0x3  }
0xb: {  	s22 =	smul.u32 $0x3E800, s0;
	[dreg:$0x1f] =	wrdreg s2;
	s18 =	sadd.s32 s13, s5  }
0xc: {  	s19 =	sadd.s32 $0x10, s5;
	s7 =	sadd.s32 s21, s5;
	[dreg:$0x14] =	wrdreg s18  }
0xd: {  	s0 =	smul.u32 $0x138800, s0;
	[dreg:$0x15] =	wrdreg s7;
	s20 =	sadd.s32 s13, s19  }
0xe: {  	s23 =	sadd.s32 $0x20, s5;
	s6 =	sadd.s32 s21, s19;
	[dreg:$0x16] =	wrdreg s20  }
0xf: {  	s24 =	sadd.s32 $0x30, s5;
	s9 =	sadd.s32 s13, s23;
	[dreg:$0x17] =	wrdreg s6  }
0x10: {  	s2 =	simm.s32 $0x4A80;
	s25 =	sadd.s32 s13, s24;
	[dreg:$0x18] =	wrdreg s9  }
0x11: {  	s7 =	sadd.s32 s21, s24;
	s6 =	sadd.s32 s21, s23;
	[dreg:$0x1b] =	wrdreg s25  }
0x12: {  	s9 =	simm.s32 $0x8;
	[dreg:$0x19] =	wrdreg s6;
	s6 =	sadd.s32 s8, s22  }
0x13: {  	[dreg:$0x1c] =	wrdreg s7;
	s9 =	simm.s32 @!p0 $0x7;
	s8 =	sadd.s32 $0x600, s6  }
0x14: {  	s5 =	sadd.s32 $0x40, s5;
	[dreg:$0x1a] =	wrdreg s9;
	s26 =	sshrl.u32 s8, $0x3  }
0x15: {  	s1 =	sadd.s32 $0x580, s6;
	s16 =	sadd.s32 $0x500, s6;
	s8 =	sadd.s32 s26, s21  }
0x16: {  	s11 =	sshrl.u32 s1, $0x3;
	s7 =	sadd.s32 s26, s13;
	[dreg:$0x3] =	wrdreg s8  }
0x17: {  	s20 =	sadd.s32 $0x480, s6;
	s15 =	sadd.s32 s11, s21;
	[dreg:$0x4] =	wrdreg s7  }
0x18: {  	s18 =	sshrl.u32 s16, $0x3;
	s17 =	sadd.s32 s11, s13;
	[dreg:$0x5] =	wrdreg s15  }
0x19: {  	s25 =	sadd.s32 $0x380, s6;
	s19 =	sadd.s32 s18, s21;
	[dreg:$0x6] =	wrdreg s17  }
0x1a: {  	s23 =	sshrl.u32 s20, $0x3;
	s22 =	sadd.s32 s18, s13;
	[dreg:$0x7] =	wrdreg s19  }
0x1b: {  	s1 =	sshrl.u32 s25, $0x3;
	s24 =	sadd.s32 s23, s21;
	[dreg:$0x8] =	wrdreg s22  }
0x1c: {  	s20 =	smul.u32 $0xA000, s10;
	s26 =	sadd.s32 s23, s13;
	[dreg:$0x9] =	wrdreg s24  }
0x1d: {  	s9 =	sadd.s32 s1, s21;
	s11 =	sadd.s32 $0x300, s6;
	[dreg:$0xa] =	wrdreg s26  }
0x1e: {  	s23 =	smul.u32 $0x2800, s10;
	s10 =	simm.s32 $0x4;
	[dreg:$0xb] =	wrdreg s9  }
0x1f: {  	s15 =	sadd.s32 s1, s13;
	s16 =	sshrl.u32 s11, $0x3;
	s17 =	sadd.s32 s13, s5  }
0x20: {  	s5 =	sadd.s32 s21, s5;
	s19 =	sadd.s32 $0x280, s6;
	s7 =	sshrl.u32 s20, $0x2  }
0x21: {  	s26 =	sadd.s32 $0x400, s6;
	s11 =	simm.s32 $0xA0;
	s9 =	simm.s32 $0x2  }
0x22: {  	s20 =	simm.s32 $0x11;
	s6 =	simm.s32 $0x5;
	[dreg:$0x1d] =	wrdreg s17  }
0x23: {  	s1 =	simm.s32 $0x10;
	[dreg:$0xc] =	wrdreg s15;
	s18 =	sadd.s32 s16, s21  }
0x24: {  	[dreg:$0x1e] =	wrdreg s5;
	s8 =	sadd.s32 s16, s13;
	s5 =	sshrl.u32 s19, $0x3  }
0x25: {  	s24 =	sadd.s32 s7, s29;
	[smem:$0x7FC] =	sst s26;
	s0 =	sadd.s32 s23, s0  }
0x26: {  	s26 =	simm.s32 $0x280;
	s16 =	simm.s32 $0x3;
	s19 =	simm.s32 $0xA  }
0x27: {  	s7 =	simm.s32 $0xC;
	s23 =	simm.s32 $0xE;
	[dreg:$0xd] =	wrdreg s18  }
0x28: {  	s17 =	simm.s32 $0xF;
	s15 =	simm.s32 $0x0;
	[dreg:$0xe] =	wrdreg s8  }
0x29: {  	s22 =	sadd.s32 s5, s21;
	[smem:$0x7FB] =	sst s24;
	s24 =	smov.u32 s13  }
0x2a: {  	s25 =	sadd.s32 s5, s13;
	[smem:$0x7FD] =	sst s0;
	s0 =	simm.s32 $0x1  }
0x2b: {  	s8 =	simm.s32 $0x7280;
	s13 =	simm.s32 $0x9;
	[dreg:$0xf] =	wrdreg s22  }
0x2c: {  	s5 =	simm.s32 $0xD;
	s18 =	simm.s32 $0x7;
	[dreg:$0x10] =	wrdreg s25  }
0x2d: {  	v0 =	vimm.f32 $0.0e+00;
	s25 =	simm.s32 $0x50;
	s22 =	simm.s32 $0xB;
	[dreg:$0x11] =	wrdreg s24  }
.LBB2_1:
0x2e: {  	[smem:$0x7FA] =	sst s15;
	s15 =	simm.s32 $0x0;
	s21 =	simm.s32 $0x200  }
.LBB2_2:
0x2f: {  	p0 =	sne.s32 s21, $0x9E00;
	[tilespmem:s15+$0x72F0] =	vst v0  }
0x30: {  	[tilespmem:s15+$0x7280] =	vst v0  }
0x31: {  	[tilespmem:s15+$0x7290] =	vst v0  }
.Ltmp0:
0x32: {  	[tilespmem:s15+$0x72A0] =	vst v0;
	(pc) =	sbr.rel @p0 .LBB2_2-.Ltmp0, $4  }
0x33: {  	[tilespmem:s15+$0x72B0] =	vst v0  }
0x34: {  	[tilespmem:s15+$0x72C0] =	vst v0  }
0x35: {  	[tilespmem:s15+$0x72D0] =	vst v0  }
0x36: {  	[tilespmem:s15+$0x72E0] =	vst v0;
	s15 =	sshra.s32 s21, $0x2;
	s21 =	sadd.s32 $0x200, s21  }
0x37: {  	[tilespmem:s15+$0x72F0] =	vst v0  }
0x38: {  	[tilespmem:s15+$0x7280] =	vst v0  }
0x39: {  	[tilespmem:s15+$0x7290] =	vst v0  }
0x3a: {  	[tilespmem:s15+$0x72A0] =	vst v0  }
0x3b: {  	[tilespmem:s15+$0x72B0] =	vst v0  }
0x3c: {  	[tilespmem:s15+$0x72C0] =	vst v0  }
0x3d: {  	[tilespmem:s15+$0x72D0] =	vst v0  }
0x3e: {  	[tilespmem:s15+$0x72E0] =	vst v0;
	s12 =	rddreg [dreg:$0x14]  }
0x3f: {  	[tilespmem:s3], [sflag:$0x1] =	stream.linear.gather [hbm4b:s12+s3], $0x50, $0x38;
	[tilespmem:$0x1FB00] =	vst v63  }
0x40: {  	s15 =	rddreg [dreg:$0x15]  }
0x41: {  	[tilespmem:s26], [sflag:$0x1] =	stream.linear.gather [hbm4b:s15+s3], $0x80, $0x38;
	[tilespmem:$0x1FB00] =	vst v63  }
0x42: {  	s21 =	rddreg [dreg:$0x16]  }
0x43: {  	[tilespmem:s25], [sflag:$0x2] =	stream.linear.gather [hbm4b:s21+s3], $0x50, $0x38;
	[tilespmem:$0x1FB00] =	vst v63  }
0x44: {  	s24 =	rddreg [dreg:$0x17]  }
0x45: {  	[tilespmem:s30], [sflag:$0x2] =	stream.linear.gather [hbm4b:s24+s3], $0x80, $0x38;
	[tilespmem:$0x1FB00] =	vst v63  }
0x46: {  	s15 =	rddreg [dreg:$0x18]  }
0x47: {  	[tilespmem:s11], [sflag:$0x3] =	stream.linear.gather [hbm4b:s15+s3], $0x50, $0x38;
	[tilespmem:$0x1FB00] =	vst v63  }
0x48: {  	s21 =	rddreg [dreg:$0x19]  }
0x49: {  	[tilespmem:s31], [sflag:$0x3] =	stream.linear.gather [hbm4b:s21+s3], $0x80, $0x38;
	[tilespmem:$0x1FB00] =	vst v63  }
0x4a: {  	_ =	swait.ge [sflag:s0], $0x50  }
0x4b: {  	[sflag:s0] =	ssyncset.done $0x0  }
0x4c: {  	[sflag:s0] =	ssyncadd.s32 $0xFFFFFFB0  }
0x4d: {  	_ =	swait.ge [sflag:s0], $0x80  }
0x4e: {  	[sflag:s0] =	ssyncset.done $0x0  }
0x4f: {  	s24 =	simm.s32 $0x2280;
	[sflag:s0] =	ssyncadd.s32 $0xFFFFFF80  }
0x50: {  	[tilespmem:s24], [sflag:$0x9] =	stream.indirect.gather [hbm4b:s4+s25], $0x80, s3, s25, $0xb8;
	[tilespmem:$0x1FB00] =	vst v63  }
0x51: {  	_ =	swait.ge [sflag:s9], $0x50  }
0x52: {  	[sflag:s9] =	ssyncset.done $0x0  }
0x53: {  	[sflag:s9] =	ssyncadd.s32 $0xFFFFFFB0  }
0x54: {  	_ =	swait.ge [sflag:s9], $0x80  }
0x55: {  	[sflag:s9] =	ssyncset.done $0x0;
	s31 =	rddreg [dreg:$0x1a]  }
0x56: {  	s21 =	sld [smem:$0x7FB];
	[sflag:s9] =	ssyncadd.s32 $0xFFFFFF80;
	p0 =	sne.s32 s31, $0x1  }
0x57: {  	[tilespmem:s2], [sflag:$0xA] =	stream.indirect.gather [hbm4b:s4+s25], $0x80, s25, s25, $0xb8;
	[tilespmem:$0x1FB00] =	vst v63  }
.Ltmp1:
0x58: {  	_ = 	snop;
	(pc) =	sbr.rel @!p0 .LBB2_5-.Ltmp1, $4  }
0x59: {  	_ = 	snop  }
0x5a: {  	[spmem:s21] =	stream.linear.scatter [tilespmem:s8], [sflag:$0x11], $0x2800, $0x38;
	[tilespmem:$0x1FB00] =	vst v63  }
0x5b: {  	_ =	swait.ge [sflag:s20], $0x2800  }
0x5c: {  	s15 =	sadd.s32 $0xFFFFFFFF, s31;
	[sflag:s20] =	ssyncset.done $0x0  }
.LBB2_4:
0x5d: {  	p1 =	sne.s32 s15, $0x1;
	[sflag:s20] =	ssyncadd.s32 $0xFFFFD800;
	s21 =	sadd.s32 $0x28000, s21  }
.Ltmp2:
0x5e: {  	s15 =	sadd.s32 $0xFFFFFFFF, s15;
	(pc) =	sbr.rel @p1 .LBB2_4-.Ltmp2, $4  }
0x5f: {  	_ = 	snop  }
0x60: {  	[spmem:s21] =	stream.linear.scatter [tilespmem:s8], [sflag:$0x11], $0x2800, $0x38;
	[tilespmem:$0x1FB00] =	vst v63  }
0x61: {  	_ =	swait.ge [sflag:s20], $0x2800  }
0x62: {  	[sflag:s20] =	ssyncset.done $0x0  }
.LBB2_5:
0x63: {  	[sflag:s20] =	ssyncadd.s32 $0xFFFFD800  }
0x64: {  	[bflag:$0x0] =	sbarrier.arrive $0xFFFF  }
0x65: {  	_ =	swait.ge [sflag:s13], $0x2800  }
0x66: {  	[sflag:s13] =	ssyncset.done $0x0  }
0x67: {  	s24 =	simm.s32 $0x2280;
	[sflag:s13] =	ssyncadd.s32 $0xFFFFD800  }
0x68: {  	[spmem:s29] =	stream.indirect.scatter.add.f32 [tilespmem:s24], [sflag:$0xD], $0x80, s26, s25, $0xb8;
	[tilespmem:$0x1FB00] =	vst v63  }
0x69: {  	s15 =	simm.s32 $0x0;
	s2 =	simm.s32 $0xF0;
	s12 =	rddreg [dreg:$0x1b]  }
0x6a: {  	[tilespmem:s2], [sflag:$0x4] =	stream.linear.gather [hbm4b:s12+s15], $0x50, $0x38;
	[tilespmem:$0x1FB00] =	vst v63  }
0x6b: {  	s31 =	simm.s32 $0xE80;
	s20 =	rddreg [dreg:$0x1c]  }
0x6c: {  	[tilespmem:s31], [sflag:$0x4] =	stream.linear.gather [hbm4b:s20+s15], $0x80, $0x38;
	[tilespmem:$0x1FB00] =	vst v63  }
0x6d: {  	_ =	swait.ge [sflag:s16], $0x50  }
0x6e: {  	[sflag:s16] =	ssyncset.done $0x0  }
0x6f: {  	[sflag:s16] =	ssyncadd.s32 $0xFFFFFFB0  }
0x70: {  	_ =	swait.ge [sflag:s16], $0x80  }
0x71: {  	[sflag:s16] =	ssyncset.done $0x0  }
0x72: {  	[sflag:s16] =	ssyncadd.s32 $0xFFFFFF80  }
0x73: {  	[tilespmem:s8], [sflag:$0xB] =	stream.indirect.gather [hbm4b:s4+s25], $0x80, s11, s25, $0xb8;
	[tilespmem:$0x1FB00] =	vst v63  }
0x74: {  	_ =	swait.ge [sflag:s19], $0x2800  }
0x75: {  	[sflag:s19] =	ssyncset.done $0x0  }
0x76: {  	s31 =	simm.s32 $0x4A80;
	[sflag:s19] =	ssyncadd.s32 $0xFFFFD800  }
0x77: {  	[spmem:s29] =	stream.indirect.scatter.add.f32 [tilespmem:s31], [sflag:$0xE], $0x80, s30, s25, $0xb8;
	[tilespmem:$0x1FB00] =	vst v63  }
0x78: {  	s20 =	simm.s32 $0x140;
	s8 =	rddreg [dreg:$0x1d]  }
0x79: {  	[tilespmem:s20], [sflag:$0x5] =	stream.linear.gather [hbm4b:s8+s15], $0x50, $0x38;
	[tilespmem:$0x1FB00] =	vst v63  }
0x7a: {  	s2 =	rddreg [dreg:$0x1e];
	s20 =	simm.s32 $0x1280  }
0x7b: {  	[tilespmem:s20], [sflag:$0x5] =	stream.linear.gather [hbm4b:s2+s15], $0x80, $0x38;
	[tilespmem:$0x1FB00] =	vst v63  }
0x7c: {  	_ =	swait.ge [sflag:s10], $0x50  }
0x7d: {  	[sflag:s10] =	ssyncset.done $0x0  }
0x7e: {  	[sflag:s10] =	ssyncadd.s32 $0xFFFFFFB0  }
0x7f: {  	_ =	swait.ge [sflag:s10], $0x80  }
0x80: {  	[sflag:s10] =	ssyncset.done $0x0  }
0x81: {  	s21 =	simm.s32 $0xF0;
	s30 =	simm.s32 $0x9A80;
	[sflag:s10] =	ssyncadd.s32 $0xFFFFFF80  }
0x82: {  	[tilespmem:s30], [sflag:$0xC] =	stream.indirect.gather [hbm4b:s4+s25], $0x80, s21, s25, $0xb8;
	[tilespmem:$0x1FB00] =	vst v63  }
0x83: {  	_ =	swait.ge [sflag:s22], $0x2800  }
0x84: {  	[sflag:s22] =	ssyncset.done $0x0  }
0x85: {  	s20 =	simm.s32 $0x7280;
	s21 =	simm.s32 $0xA80;
	[sflag:s22] =	ssyncadd.s32 $0xFFFFD800  }
0x86: {  	[spmem:s29] =	stream.indirect.scatter.add.f32 [tilespmem:s20], [sflag:$0xF], $0x80, s21, s25, $0xb8;
	[tilespmem:$0x1FB00] =	vst v63  }
0x87: {  	_ =	swait.ge [sflag:s5], $0x2800  }
0x88: {  	s12 =	simm.s32 $0x190;
	s2 =	rddreg [dreg:$0x10];
	[sflag:s5] =	ssyncset.done $0x0  }
0x89: {  	s10 =	rddreg [dreg:$0xf];
	[sflag:s5] =	ssyncadd.s32 $0xFFFFD800;
	s15 =	sadd.s32 $0x0, s2  }
0x8a: {  	[tilespmem:s12], [sflag:$0x6] =	stream.linear.gather [hbm4b:s15+s3], $0x50, $0x38;
	[tilespmem:$0x1FB00] =	vst v63  }
0x8b: {  	s2 =	sadd.s32 $0x0, s10;
	s10 =	simm.s32 $0x1680  }
0x8c: {  	[tilespmem:s10], [sflag:$0x6] =	stream.linear.gather [hbm4b:s2+s3], $0x80, $0x38;
	[tilespmem:$0x1FB00] =	vst v63  }
0x8d: {  	_ =	swait.ge [sflag:s6], $0x50  }
0x8e: {  	[sflag:s6] =	ssyncset.done $0x0  }
0x8f: {  	[sflag:s6] =	ssyncadd.s32 $0xFFFFFFB0  }
0x90: {  	_ =	swait.ge [sflag:s6], $0x80  }
0x91: {  	[sflag:s6] =	ssyncset.done $0x0  }
0x92: {  	s8 =	simm.s32 $0x140;
	[sflag:s6] =	ssyncadd.s32 $0xFFFFFF80  }
0x93: {  	[tilespmem:s24], [sflag:$0x9] =	stream.indirect.gather [hbm4b:s4+s25], $0x80, s8, s25, $0xb8;
	[tilespmem:$0x1FB00] =	vst v63  }
0x94: {  	_ =	swait.ge [sflag:s7], $0x2800  }
0x95: {  	[sflag:s7] =	ssyncset.done $0x0  }
0x96: {  	s21 =	simm.s32 $0xE80;
	[sflag:s7] =	ssyncadd.s32 $0xFFFFD800  }
0x97: {  	[spmem:s29] =	stream.indirect.scatter.add.f32 [tilespmem:s30], [sflag:$0x10], $0x80, s21, s25, $0xb8;
	[tilespmem:$0x1FB00] =	vst v63  }
0x98: {  	_ =	swait.ge [sflag:s23], $0x2800  }
0x99: {  	s6 =	rddreg [dreg:$0xe]  }
0x9a: {  	[sflag:s23] =	ssyncset.done $0x0;
	s8 =	rddreg [dreg:$0xd]  }
0x9b: {  	[sflag:s23] =	ssyncadd.s32 $0xFFFFD800;
	s15 =	sadd.s32 $0x0, s6;
	s6 =	simm.s32 $0x1E0  }
0x9c: {  	[tilespmem:s6], [sflag:$0x7] =	stream.linear.gather [hbm4b:s15+s3], $0x50, $0x38;
	[tilespmem:$0x1FB00] =	vst v63  }
0x9d: {  	s2 =	simm.s32 $0x1A80;
	s21 =	sadd.s32 $0x0, s8  }
0x9e: {  	[tilespmem:s2], [sflag:$0x7] =	stream.linear.gather [hbm4b:s21+s3], $0x80, $0x38;
	[tilespmem:$0x1FB00] =	vst v63  }
0x9f: {  	_ =	swait.ge [sflag:s28], $0x50  }
0xa0: {  	[sflag:s28] =	ssyncset.done $0x0  }
0xa1: {  	[sflag:s28] =	ssyncadd.s32 $0xFFFFFFB0  }
0xa2: {  	_ =	swait.ge [sflag:s28], $0x80  }
0xa3: {  	[sflag:s28] =	ssyncset.done $0x0  }
0xa4: {  	[sflag:s28] =	ssyncadd.s32 $0xFFFFFF80  }
0xa5: {  	[tilespmem:s31], [sflag:$0xA] =	stream.indirect.gather [hbm4b:s4+s25], $0x80, s12, s25, $0xb8;
	[tilespmem:$0x1FB00] =	vst v63  }
0xa6: {  	_ =	swait.ge [sflag:s13], $0x2800  }
0xa7: {  	[sflag:s13] =	ssyncset.done $0x0  }
0xa8: {  	s28 =	simm.s32 $0x1280;
	[sflag:s13] =	ssyncadd.s32 $0xFFFFD800  }
0xa9: {  	[spmem:s29] =	stream.indirect.scatter.add.f32 [tilespmem:s24], [sflag:$0xD], $0x80, s28, s25, $0xb8;
	[tilespmem:$0x1FB00] =	vst v63  }
0xaa: {  	_ =	swait.ge [sflag:s17], $0x2800  }
0xab: {  	s28 =	simm.s32 $0x230;
	s8 =	rddreg [dreg:$0xc];
	[sflag:s17] =	ssyncset.done $0x0  }
0xac: {  	s12 =	rddreg [dreg:$0xb];
	[sflag:s17] =	ssyncadd.s32 $0xFFFFD800;
	s15 =	sadd.s32 $0x0, s8  }
0xad: {  	[tilespmem:s28], [sflag:$0x8] =	stream.linear.gather [hbm4b:s15+s3], $0x50, $0x38;
	[tilespmem:$0x1FB00] =	vst v63  }
0xae: {  	s21 =	sadd.s32 $0x0, s12;
	s8 =	simm.s32 $0x1E80  }
0xaf: {  	[tilespmem:s8], [sflag:$0x8] =	stream.linear.gather [hbm4b:s21+s3], $0x80, $0x38;
	[tilespmem:$0x1FB00] =	vst v63  }
0xb0: {  	_ =	swait.ge [sflag:s18], $0x50  }
0xb1: {  	[sflag:s18] =	ssyncset.done $0x0  }
0xb2: {  	[sflag:s18] =	ssyncadd.s32 $0xFFFFFFB0  }
0xb3: {  	_ =	swait.ge [sflag:s18], $0x80  }
0xb4: {  	[sflag:s18] =	ssyncset.done $0x0  }
0xb5: {  	[sflag:s18] =	ssyncadd.s32 $0xFFFFFF80  }
0xb6: {  	[tilespmem:s20], [sflag:$0xB] =	stream.indirect.gather [hbm4b:s4+s25], $0x80, s6, s25, $0xb8;
	[tilespmem:$0x1FB00] =	vst v63  }
0xb7: {  	_ =	swait.ge [sflag:s19], $0x2800  }
0xb8: {  	[sflag:s19] =	ssyncset.done $0x0  }
0xb9: {  	[sflag:s19] =	ssyncadd.s32 $0xFFFFD800  }
0xba: {  	[spmem:s29] =	stream.indirect.scatter.add.f32 [tilespmem:s31], [sflag:$0xE], $0x80, s10, s25, $0xb8;
	[tilespmem:$0x1FB00] =	vst v63  }
0xbb: {  	_ =	swait.ge [sflag:s1], $0x2800  }
0xbc: {  	s12 =	sld [smem:$0x7FC];
	_ =	sdelay $0x2  }
0xbd: {  	[sflag:s1] =	ssyncset.done $0x0;
	s6 =	rddreg [dreg:$0x11];
	s15 =	sshrl.u32 s12, $0x3  }
0xbe: {  	s21 =	rddreg [dreg:$0x12];
	[sflag:s1] =	ssyncadd.s32 $0xFFFFD800;
	s18 =	sadd.s32 s6, s15  }
0xbf: {  	[tilespmem:s3], [sflag:$0x1] =	stream.linear.gather [hbm4b:s18+s3], $0x50, $0x38;
	[tilespmem:$0x1FB00] =	vst v63  }
0xc0: {  	s15 =	sadd.s32 s21, s15  }
0xc1: {  	[tilespmem:s26], [sflag:$0x1] =	stream.linear.gather [hbm4b:s15+s3], $0x80, $0x38;
	[tilespmem:$0x1FB00] =	vst v63  }
0xc2: {  	_ =	swait.ge [sflag:s14], $0x50  }
0xc3: {  	[sflag:s14] =	ssyncset.done $0x0  }
0xc4: {  	[sflag:s14] =	ssyncadd.s32 $0xFFFFFFB0  }
0xc5: {  	_ =	swait.ge [sflag:s14], $0x80  }
0xc6: {  	[sflag:s14] =	ssyncset.done $0x0  }
0xc7: {  	[sflag:s14] =	ssyncadd.s32 $0xFFFFFF80  }
0xc8: {  	[tilespmem:s30], [sflag:$0xC] =	stream.indirect.gather [hbm4b:s4+s25], $0x80, s28, s25, $0xb8;
	[tilespmem:$0x1FB00] =	vst v63  }
0xc9: {  	_ =	swait.ge [sflag:s22], $0x2800  }
0xca: {  	[sflag:s22] =	ssyncset.done $0x0  }
0xcb: {  	[sflag:s22] =	ssyncadd.s32 $0xFFFFD800  }
0xcc: {  	[spmem:s29] =	stream.indirect.scatter.add.f32 [tilespmem:s20], [sflag:$0xF], $0x80, s2, s25, $0xb8;
	[tilespmem:$0x1FB00] =	vst v63  }
0xcd: {  	_ =	swait.ge [sflag:s5], $0x2800  }
0xce: {  	s22 =	rddreg [dreg:$0xa];
	[sflag:s5] =	ssyncset.done $0x0  }
0xcf: {  	s28 =	rddreg [dreg:$0x9];
	[sflag:s5] =	ssyncadd.s32 $0xFFFFD800;
	s15 =	sadd.s32 $0x0, s22  }
0xd0: {  	[tilespmem:s25], [sflag:$0x2] =	stream.linear.gather [hbm4b:s15+s3], $0x50, $0x38;
	[tilespmem:$0x1FB00] =	vst v63  }
0xd1: {  	s2 =	sadd.s32 $0x0, s28;
	s5 =	simm.s32 $0x680  }
0xd2: {  	[tilespmem:s5], [sflag:$0x2] =	stream.linear.gather [hbm4b:s2+s3], $0x80, $0x38;
	[tilespmem:$0x1FB00] =	vst v63  }
0xd3: {  	_ =	swait.ge [sflag:s0], $0x50  }
0xd4: {  	[sflag:s0] =	ssyncset.done $0x0  }
0xd5: {  	[sflag:s0] =	ssyncadd.s32 $0xFFFFFFB0  }
0xd6: {  	_ =	swait.ge [sflag:s0], $0x80  }
0xd7: {  	[sflag:s0] =	ssyncset.done $0x0  }
0xd8: {  	[sflag:s0] =	ssyncadd.s32 $0xFFFFFF80  }
0xd9: {  	[tilespmem:s24], [sflag:$0x9] =	stream.indirect.gather [hbm4b:s4+s25], $0x80, s3, s25, $0xb8;
	[tilespmem:$0x1FB00] =	vst v63  }
0xda: {  	_ =	swait.ge [sflag:s7], $0x2800  }
0xdb: {  	[sflag:s7] =	ssyncset.done $0x0  }
0xdc: {  	[sflag:s7] =	ssyncadd.s32 $0xFFFFD800  }
0xdd: {  	[spmem:s29] =	stream.indirect.scatter.add.f32 [tilespmem:s30], [sflag:$0x10], $0x80, s8, s25, $0xb8;
	[tilespmem:$0x1FB00] =	vst v63  }
0xde: {  	_ =	swait.ge [sflag:s23], $0x2800  }
0xdf: {  	s6 =	rddreg [dreg:$0x8];
	[sflag:s23] =	ssyncset.done $0x0  }
0xe0: {  	s7 =	rddreg [dreg:$0x7];
	[sflag:s23] =	ssyncadd.s32 $0xFFFFD800;
	s15 =	sadd.s32 $0x0, s6  }
0xe1: {  	[tilespmem:s11], [sflag:$0x3] =	stream.linear.gather [hbm4b:s15+s3], $0x50, $0x38;
	[tilespmem:$0x1FB00] =	vst v63  }
0xe2: {  	s10 =	simm.s32 $0xA80;
	s8 =	sadd.s32 $0x0, s7  }
0xe3: {  	[tilespmem:s10], [sflag:$0x3] =	stream.linear.gather [hbm4b:s8+s3], $0x80, $0x38;
	[tilespmem:$0x1FB00] =	vst v63  }
0xe4: {  	_ =	swait.ge [sflag:s9], $0x50  }
0xe5: {  	[sflag:s9] =	ssyncset.done $0x0  }
0xe6: {  	[sflag:s9] =	ssyncadd.s32 $0xFFFFFFB0  }
0xe7: {  	_ =	swait.ge [sflag:s9], $0x80  }
0xe8: {  	[sflag:s9] =	ssyncset.done $0x0  }
0xe9: {  	[sflag:s9] =	ssyncadd.s32 $0xFFFFFF80  }
0xea: {  	[tilespmem:s31], [sflag:$0xA] =	stream.indirect.gather [hbm4b:s4+s25], $0x80, s25, s25, $0xb8;
	[tilespmem:$0x1FB00] =	vst v63  }
0xeb: {  	_ =	swait.ge [sflag:s13], $0x2800  }
0xec: {  	[sflag:s13] =	ssyncset.done $0x0  }
0xed: {  	[sflag:s13] =	ssyncadd.s32 $0xFFFFD800  }
0xee: {  	[spmem:s29] =	stream.indirect.scatter.add.f32 [tilespmem:s24], [sflag:$0xD], $0x80, s26, s25, $0xb8;
	[tilespmem:$0x1FB00] =	vst v63  }
0xef: {  	_ =	swait.ge [sflag:s17], $0x2800  }
0xf0: {  	s13 =	rddreg [dreg:$0x6]  }
0xf1: {  	[sflag:s17] =	ssyncset.done $0x0;
	s14 =	rddreg [dreg:$0x5]  }
0xf2: {  	[sflag:s17] =	ssyncadd.s32 $0xFFFFD800;
	s15 =	sadd.s32 $0x0, s13;
	s17 =	simm.s32 $0xF0  }
0xf3: {  	[tilespmem:s17], [sflag:$0x4] =	stream.linear.gather [hbm4b:s15+s3], $0x50, $0x38;
	[tilespmem:$0x1FB00] =	vst v63  }
0xf4: {  	s21 =	simm.s32 $0xE80;
	s18 =	sadd.s32 $0x0, s14  }
0xf5: {  	[tilespmem:s21], [sflag:$0x4] =	stream.linear.gather [hbm4b:s18+s3], $0x80, $0x38;
	[tilespmem:$0x1FB00] =	vst v63  }
0xf6: {  	_ =	swait.ge [sflag:s16], $0x50  }
0xf7: {  	[sflag:s16] =	ssyncset.done $0x0  }
0xf8: {  	[sflag:s16] =	ssyncadd.s32 $0xFFFFFFB0  }
0xf9: {  	_ =	swait.ge [sflag:s16], $0x80  }
0xfa: {  	[sflag:s16] =	ssyncset.done $0x0  }
0xfb: {  	[sflag:s16] =	ssyncadd.s32 $0xFFFFFF80  }
0xfc: {  	[tilespmem:s20], [sflag:$0xB] =	stream.indirect.gather [hbm4b:s4+s25], $0x80, s11, s25, $0xb8;
	[tilespmem:$0x1FB00] =	vst v63  }
0xfd: {  	_ =	swait.ge [sflag:s19], $0x2800  }
0xfe: {  	[sflag:s19] =	ssyncset.done $0x0  }
0xff: {  	[sflag:s19] =	ssyncadd.s32 $0xFFFFD800  }
0x100: {  	[spmem:s29] =	stream.indirect.scatter.add.f32 [tilespmem:s31], [sflag:$0xE], $0x80, s5, s25, $0xb8;
	[tilespmem:$0x1FB00] =	vst v63  }
0x101: {  	_ =	swait.ge [sflag:s1], $0x2800  }
0x102: {  	s26 =	simm.s32 $0x140;
	s23 =	rddreg [dreg:$0x4];
	[sflag:s1] =	ssyncset.done $0x0  }
0x103: {  	s24 =	rddreg [dreg:$0x3];
	[sflag:s1] =	ssyncadd.s32 $0xFFFFD800;
	s15 =	sadd.s32 $0x0, s23  }
0x104: {  	[tilespmem:s26], [sflag:$0x5] =	stream.linear.gather [hbm4b:s15+s3], $0x50, $0x38;
	[tilespmem:$0x1FB00] =	vst v63  }
0x105: {  	s22 =	simm.s32 $0x4;
	s31 =	simm.s32 $0x1280;
	s28 =	sadd.s32 $0x0, s24  }
0x106: {  	[tilespmem:s31], [sflag:$0x5] =	stream.linear.gather [hbm4b:s28+s3], $0x80, $0x38;
	[tilespmem:$0x1FB00] =	vst v63  }
0x107: {  	_ =	swait.ge [sflag:s22], $0x50  }
0x108: {  	[sflag:s22] =	ssyncset.done $0x0  }
0x109: {  	[sflag:s22] =	ssyncadd.s32 $0xFFFFFFB0  }
0x10a: {  	_ =	swait.ge [sflag:s22], $0x80  }
0x10b: {  	s30 =	simm.s32 $0x6;
	s21 =	sadd.s32 $0x400, s12;
	[sflag:s22] =	ssyncset.done $0x0  }
0x10c: {  	s18 =	simm.s32 $0x7;
	s15 =	simm.s32 $0x80;
	[sflag:s22] =	ssyncadd.s32 $0xFFFFFF80  }
.LBB2_6:
0x10d: {  	s0 =	simm.s32 $0xF0;
	s2 =	simm.s32 $0x9A80;
	s9 =	simm.s32 $0xB  }
0x10e: {  	[tilespmem:s2], [sflag:$0xC] =	stream.indirect.gather [hbm4b:s4+s25], $0x80, s0, s25, $0xb8;
	[tilespmem:$0x1FB00] =	vst v63  }
0x10f: {  	_ =	swait.ge [sflag:s9], $0x2800  }
0x110: {  	s10 =	simm.s32 $0x7280;
	[sflag:s9] =	ssyncset.done $0x0  }
0x111: {  	s12 =	simm.s32 $0xA80;
	s7 =	simm.s32 $0xD;
	[sflag:s9] =	ssyncadd.s32 $0xFFFFD800  }
0x112: {  	[spmem:s29] =	stream.indirect.scatter.add.f32 [tilespmem:s10], [sflag:$0xF], $0x80, s12, s25, $0xb8;
	[tilespmem:$0x1FB00] =	vst v63  }
0x113: {  	s24 =	smov.u32 s15;
	_ =	swait.ge [sflag:s7], $0x2800  }
0x114: {  	s14 =	simm.s32 $0x190;
	s26 =	rddreg [dreg:$0x10];
	[sflag:s7] =	ssyncset.done $0x0  }
0x115: {  	s11 =	rddreg [dreg:$0xf];
	[sflag:s7] =	ssyncadd.s32 $0xFFFFD800;
	s26 =	sadd.s32 s24, s26  }
0x116: {  	[tilespmem:s14], [sflag:$0x6] =	stream.linear.gather [hbm4b:s26+s3], $0x50, $0x38;
	[tilespmem:$0x1FB00] =	vst v63  }
0x117: {  	s5 =	simm.s32 $0x1680;
	s22 =	simm.s32 $0x5;
	s11 =	sadd.s32 s24, s11  }
0x118: {  	[tilespmem:s5], [sflag:$0x6] =	stream.linear.gather [hbm4b:s11+s3], $0x80, $0x38;
	[tilespmem:$0x1FB00] =	vst v63  }
0x119: {  	_ =	swait.ge [sflag:s22], $0x50  }
0x11a: {  	[sflag:s22] =	ssyncset.done $0x0  }
0x11b: {  	[sflag:s22] =	ssyncadd.s32 $0xFFFFFFB0  }
0x11c: {  	_ =	swait.ge [sflag:s22], $0x80  }
0x11d: {  	s8 =	simm.s32 $0x2280;
	[sflag:s22] =	ssyncset.done $0x0  }
0x11e: {  	s23 =	simm.s32 $0x140;
	s0 =	simm.s32 $0xC;
	[sflag:s22] =	ssyncadd.s32 $0xFFFFFF80  }
0x11f: {  	[tilespmem:s8], [sflag:$0x9] =	stream.indirect.gather [hbm4b:s4+s25], $0x80, s23, s25, $0xb8;
	[tilespmem:$0x1FB00] =	vst v63  }
0x120: {  	_ =	swait.ge [sflag:s0], $0x2800  }
0x121: {  	[sflag:s0] =	ssyncset.done $0x0  }
0x122: {  	s13 =	simm.s32 $0xE80;
	s23 =	simm.s32 $0xE;
	[sflag:s0] =	ssyncadd.s32 $0xFFFFD800  }
0x123: {  	[spmem:s29] =	stream.indirect.scatter.add.f32 [tilespmem:s2], [sflag:$0x10], $0x80, s13, s25, $0xb8;
	[tilespmem:$0x1FB00] =	vst v63  }
0x124: {  	_ =	swait.ge [sflag:s23], $0x2800  }
0x125: {  	s1 =	simm.s32 $0x1E0;
	s26 =	rddreg [dreg:$0xe];
	[sflag:s23] =	ssyncset.done $0x0  }
0x126: {  	s28 =	rddreg [dreg:$0xd];
	[sflag:s23] =	ssyncadd.s32 $0xFFFFD800;
	s11 =	sadd.s32 s24, s26  }
0x127: {  	[tilespmem:s1], [sflag:$0x7] =	stream.linear.gather [hbm4b:s11+s3], $0x50, $0x38;
	[tilespmem:$0x1FB00] =	vst v63  }
0x128: {  	s17 =	simm.s32 $0x1A80;
	s6 =	sadd.s32 s24, s28  }
0x129: {  	[tilespmem:s17], [sflag:$0x7] =	stream.linear.gather [hbm4b:s6+s3], $0x80, $0x38;
	[tilespmem:$0x1FB00] =	vst v63  }
0x12a: {  	_ =	swait.ge [sflag:s30], $0x50  }
0x12b: {  	[sflag:s30] =	ssyncset.done $0x0  }
0x12c: {  	[sflag:s30] =	ssyncadd.s32 $0xFFFFFFB0  }
0x12d: {  	_ =	swait.ge [sflag:s30], $0x80  }
0x12e: {  	[sflag:s30] =	ssyncset.done $0x0  }
0x12f: {  	s31 =	simm.s32 $0x4A80;
	s20 =	simm.s32 $0x9;
	[sflag:s30] =	ssyncadd.s32 $0xFFFFFF80  }
0x130: {  	[tilespmem:s31], [sflag:$0xA] =	stream.indirect.gather [hbm4b:s4+s25], $0x80, s14, s25, $0xb8;
	[tilespmem:$0x1FB00] =	vst v63  }
0x131: {  	_ =	swait.ge [sflag:s20], $0x2800  }
0x132: {  	[sflag:s20] =	ssyncset.done $0x0  }
0x133: {  	s6 =	simm.s32 $0xF;
	s14 =	simm.s32 $0x1280;
	[sflag:s20] =	ssyncadd.s32 $0xFFFFD800  }
0x134: {  	[spmem:s29] =	stream.indirect.scatter.add.f32 [tilespmem:s8], [sflag:$0xD], $0x80, s14, s25, $0xb8;
	[tilespmem:$0x1FB00] =	vst v63  }
0x135: {  	_ =	swait.ge [sflag:s6], $0x2800  }
0x136: {  	s16 =	rddreg [dreg:$0xc]  }
0x137: {  	[sflag:s6] =	ssyncset.done $0x0;
	s19 =	rddreg [dreg:$0xb]  }
0x138: {  	[sflag:s6] =	ssyncadd.s32 $0xFFFFD800;
	s11 =	sadd.s32 s24, s16;
	s16 =	simm.s32 $0x230  }
0x139: {  	[tilespmem:s16], [sflag:$0x8] =	stream.linear.gather [hbm4b:s11+s3], $0x50, $0x38;
	[tilespmem:$0x1FB00] =	vst v63  }
0x13a: {  	s28 =	simm.s32 $0x1E80;
	s22 =	sadd.s32 s24, s19  }
0x13b: {  	[tilespmem:s28], [sflag:$0x8] =	stream.linear.gather [hbm4b:s22+s3], $0x80, $0x38;
	[tilespmem:$0x1FB00] =	vst v63  }
0x13c: {  	_ =	swait.ge [sflag:s18], $0x50  }
0x13d: {  	[sflag:s18] =	ssyncset.done $0x0  }
0x13e: {  	[sflag:s18] =	ssyncadd.s32 $0xFFFFFFB0  }
0x13f: {  	_ =	swait.ge [sflag:s18], $0x80  }
0x140: {  	[sflag:s18] =	ssyncset.done $0x0  }
0x141: {  	s19 =	simm.s32 $0xA;
	[sflag:s18] =	ssyncadd.s32 $0xFFFFFF80  }
0x142: {  	[tilespmem:s10], [sflag:$0xB] =	stream.indirect.gather [hbm4b:s4+s25], $0x80, s1, s25, $0xb8;
	[tilespmem:$0x1FB00] =	vst v63  }
0x143: {  	_ =	swait.ge [sflag:s19], $0x2800  }
0x144: {  	[sflag:s19] =	ssyncset.done $0x0  }
0x145: {  	s1 =	simm.s32 $0x10;
	[sflag:s19] =	ssyncadd.s32 $0xFFFFD800  }
0x146: {  	[spmem:s29] =	stream.indirect.scatter.add.f32 [tilespmem:s31], [sflag:$0xE], $0x80, s5, s25, $0xb8;
	[tilespmem:$0x1FB00] =	vst v63  }
0x147: {  	_ =	swait.ge [sflag:s1], $0x2800  }
0x148: {  	s11 =	sshrl.u32 s21, $0x3;
	[sflag:s1] =	ssyncset.done $0x0;
	s26 =	rddreg [dreg:$0x11]  }
0x149: {  	[sflag:s1] =	ssyncadd.s32 $0xFFFFD800;
	s22 =	sadd.s32 s26, s11;
	s26 =	rddreg [dreg:$0x12]  }
0x14a: {  	[tilespmem:s3], [sflag:$0x1] =	stream.linear.gather [hbm4b:s22+s3], $0x50, $0x38;
	[tilespmem:$0x1FB00] =	vst v63  }
0x14b: {  	s11 =	sadd.s32 s26, s11;
	s22 =	simm.s32 $0x280  }
0x14c: {  	[tilespmem:s22], [sflag:$0x1] =	stream.linear.gather [hbm4b:s11+s3], $0x80, $0x38;
	[tilespmem:$0x1FB00] =	vst v63  }
0x14d: {  	s11 =	simm.s32 $0x8  }
0x14e: {  	_ =	swait.ge [sflag:s11], $0x50  }
0x14f: {  	[sflag:s11] =	ssyncset.done $0x0  }
0x150: {  	[sflag:s11] =	ssyncadd.s32 $0xFFFFFFB0  }
0x151: {  	_ =	swait.ge [sflag:s11], $0x80  }
0x152: {  	[sflag:s11] =	ssyncset.done $0x0  }
0x153: {  	[sflag:s11] =	ssyncadd.s32 $0xFFFFFF80  }
0x154: {  	[tilespmem:s2], [sflag:$0xC] =	stream.indirect.gather [hbm4b:s4+s25], $0x80, s16, s25, $0xb8;
	[tilespmem:$0x1FB00] =	vst v63  }
0x155: {  	_ =	swait.ge [sflag:s9], $0x2800  }
0x156: {  	[sflag:s9] =	ssyncset.done $0x0  }
0x157: {  	[sflag:s9] =	ssyncadd.s32 $0xFFFFD800  }
0x158: {  	[spmem:s29] =	stream.indirect.scatter.add.f32 [tilespmem:s10], [sflag:$0xF], $0x80, s17, s25, $0xb8;
	[tilespmem:$0x1FB00] =	vst v63  }
0x159: {  	_ =	swait.ge [sflag:s7], $0x2800  }
0x15a: {  	s26 =	rddreg [dreg:$0xa];
	[sflag:s7] =	ssyncset.done $0x0  }
0x15b: {  	s5 =	rddreg [dreg:$0x9];
	[sflag:s7] =	ssyncadd.s32 $0xFFFFD800;
	s11 =	sadd.s32 s24, s26  }
0x15c: {  	[tilespmem:s25], [sflag:$0x2] =	stream.linear.gather [hbm4b:s11+s3], $0x50, $0x38;
	[tilespmem:$0x1FB00] =	vst v63  }
0x15d: {  	s9 =	sadd.s32 s24, s5;
	s7 =	simm.s32 $0x680;
	s11 =	simm.s32 $0x1  }
0x15e: {  	[tilespmem:s7], [sflag:$0x2] =	stream.linear.gather [hbm4b:s9+s3], $0x80, $0x38;
	[tilespmem:$0x1FB00] =	vst v63  }
0x15f: {  	_ =	swait.ge [sflag:s11], $0x50  }
0x160: {  	[sflag:s11] =	ssyncset.done $0x0  }
0x161: {  	[sflag:s11] =	ssyncadd.s32 $0xFFFFFFB0  }
0x162: {  	_ =	swait.ge [sflag:s11], $0x80  }
0x163: {  	[sflag:s11] =	ssyncset.done $0x0  }
0x164: {  	[sflag:s11] =	ssyncadd.s32 $0xFFFFFF80  }
0x165: {  	[tilespmem:s8], [sflag:$0x9] =	stream.indirect.gather [hbm4b:s4+s25], $0x80, s3, s25, $0xb8;
	[tilespmem:$0x1FB00] =	vst v63  }
0x166: {  	_ =	swait.ge [sflag:s0], $0x2800  }
0x167: {  	[sflag:s0] =	ssyncset.done $0x0  }
0x168: {  	[sflag:s0] =	ssyncadd.s32 $0xFFFFD800  }
0x169: {  	[spmem:s29] =	stream.indirect.scatter.add.f32 [tilespmem:s2], [sflag:$0x10], $0x80, s28, s25, $0xb8;
	[tilespmem:$0x1FB00] =	vst v63  }
0x16a: {  	_ =	swait.ge [sflag:s23], $0x2800  }
0x16b: {  	s16 =	rddreg [dreg:$0x8]  }
0x16c: {  	[sflag:s23] =	ssyncset.done $0x0;
	s17 =	rddreg [dreg:$0x7]  }
0x16d: {  	[sflag:s23] =	ssyncadd.s32 $0xFFFFD800;
	s11 =	sadd.s32 s24, s16;
	s23 =	simm.s32 $0xA0  }
0x16e: {  	[tilespmem:s23], [sflag:$0x3] =	stream.linear.gather [hbm4b:s11+s3], $0x50, $0x38;
	[tilespmem:$0x1FB00] =	vst v63  }
0x16f: {  	s28 =	simm.s32 $0x2;
	s26 =	sadd.s32 s24, s17  }
0x170: {  	[tilespmem:s12], [sflag:$0x3] =	stream.linear.gather [hbm4b:s26+s3], $0x80, $0x38;
	[tilespmem:$0x1FB00] =	vst v63  }
0x171: {  	_ =	swait.ge [sflag:s28], $0x50  }
0x172: {  	[sflag:s28] =	ssyncset.done $0x0  }
0x173: {  	[sflag:s28] =	ssyncadd.s32 $0xFFFFFFB0  }
0x174: {  	_ =	swait.ge [sflag:s28], $0x80  }
0x175: {  	[sflag:s28] =	ssyncset.done $0x0  }
0x176: {  	[sflag:s28] =	ssyncadd.s32 $0xFFFFFF80  }
0x177: {  	[tilespmem:s31], [sflag:$0xA] =	stream.indirect.gather [hbm4b:s4+s25], $0x80, s25, s25, $0xb8;
	[tilespmem:$0x1FB00] =	vst v63  }
0x178: {  	_ =	swait.ge [sflag:s20], $0x2800  }
0x179: {  	[sflag:s20] =	ssyncset.done $0x0  }
0x17a: {  	[sflag:s20] =	ssyncadd.s32 $0xFFFFD800  }
0x17b: {  	[spmem:s29] =	stream.indirect.scatter.add.f32 [tilespmem:s8], [sflag:$0xD], $0x80, s22, s25, $0xb8;
	[tilespmem:$0x1FB00] =	vst v63  }
0x17c: {  	_ =	swait.ge [sflag:s6], $0x2800  }
0x17d: {  	s12 =	simm.s32 $0xF0;
	s8 =	rddreg [dreg:$0x6];
	[sflag:s6] =	ssyncset.done $0x0  }
0x17e: {  	s9 =	rddreg [dreg:$0x5];
	[sflag:s6] =	ssyncadd.s32 $0xFFFFD800;
	s11 =	sadd.s32 s24, s8  }
0x17f: {  	[tilespmem:s12], [sflag:$0x4] =	stream.linear.gather [hbm4b:s11+s3], $0x50, $0x38;
	[tilespmem:$0x1FB00] =	vst v63  }
0x180: {  	s17 =	simm.s32 $0x3;
	s16 =	sadd.s32 s24, s9  }
0x181: {  	[tilespmem:s13], [sflag:$0x4] =	stream.linear.gather [hbm4b:s16+s3], $0x80, $0x38;
	[tilespmem:$0x1FB00] =	vst v63  }
0x182: {  	_ =	swait.ge [sflag:s17], $0x50  }
0x183: {  	[sflag:s17] =	ssyncset.done $0x0  }
0x184: {  	[sflag:s17] =	ssyncadd.s32 $0xFFFFFFB0  }
0x185: {  	_ =	swait.ge [sflag:s17], $0x80  }
0x186: {  	[sflag:s17] =	ssyncset.done $0x0  }
0x187: {  	[sflag:s17] =	ssyncadd.s32 $0xFFFFFF80  }
0x188: {  	[tilespmem:s10], [sflag:$0xB] =	stream.indirect.gather [hbm4b:s4+s25], $0x80, s23, s25, $0xb8;
	[tilespmem:$0x1FB00] =	vst v63  }
0x189: {  	_ =	swait.ge [sflag:s19], $0x2800  }
0x18a: {  	[sflag:s19] =	ssyncset.done $0x0  }
0x18b: {  	[sflag:s19] =	ssyncadd.s32 $0xFFFFD800  }
0x18c: {  	[spmem:s29] =	stream.indirect.scatter.add.f32 [tilespmem:s31], [sflag:$0xE], $0x80, s7, s25, $0xb8;
	[tilespmem:$0x1FB00] =	vst v63  }
0x18d: {  	_ =	swait.ge [sflag:s1], $0x2800  }
0x18e: {  	s23 =	simm.s32 $0x140;
	s20 =	rddreg [dreg:$0x4];
	[sflag:s1] =	ssyncset.done $0x0  }
0x18f: {  	s22 =	rddreg [dreg:$0x3];
	[sflag:s1] =	ssyncadd.s32 $0xFFFFD800;
	s11 =	sadd.s32 s24, s20  }
0x190: {  	[tilespmem:s23], [sflag:$0x5] =	stream.linear.gather [hbm4b:s11+s3], $0x50, $0x38;
	[tilespmem:$0x1FB00] =	vst v63  }
0x191: {  	s10 =	simm.s32 $0x4;
	s28 =	sadd.s32 s24, s22  }
0x192: {  	[tilespmem:s14], [sflag:$0x5] =	stream.linear.gather [hbm4b:s28+s3], $0x80, $0x38;
	[tilespmem:$0x1FB00] =	vst v63  }
0x193: {  	p1 =	sne.s32 s15, $0x700;
	_ =	swait.ge [sflag:s10], $0x50  }
.Ltmp3:
0x194: {  	[sflag:s10] =	ssyncset.done $0x0;
	(pc) =	sbr.rel @p1 .LBB2_6-.Ltmp3, $4  }
0x195: {  	s15 =	sadd.s32 $0x80, s15;
	s21 =	sadd.s32 $0x400, s21;
	[sflag:s10] =	ssyncadd.s32 $0xFFFFFFB0  }
0x196: {  	s5 =	simm.s32 $0xA80;
	s2 =	simm.s32 $0xF0;
	_ =	swait.ge [sflag:s10], $0x80  }
0x197: {  	s8 =	simm.s32 $0xE80;
	s12 =	simm.s32 $0x1280;
	[sflag:s10] =	ssyncset.done $0x0  }
0x198: {  	s13 =	simm.s32 $0x7280;
	s31 =	simm.s32 $0x140;
	[sflag:s10] =	ssyncadd.s32 $0xFFFFFF80  }
0x199: {  	s0 =	simm.s32 $0x9A80;
	s1 =	simm.s32 $0xB  }
0x19a: {  	[tilespmem:s0], [sflag:$0xC] =	stream.indirect.gather [hbm4b:s4+s25], $0x80, s2, s25, $0xb8;
	[tilespmem:$0x1FB00] =	vst v63  }
0x19b: {  	_ =	swait.ge [sflag:s1], $0x2800  }
0x19c: {  	[sflag:s1] =	ssyncset.done $0x0  }
0x19d: {  	s18 =	simm.s32 $0xD;
	[sflag:s1] =	ssyncadd.s32 $0xFFFFD800  }
0x19e: {  	[spmem:s29] =	stream.indirect.scatter.add.f32 [tilespmem:s13], [sflag:$0xF], $0x80, s5, s25, $0xb8;
	[tilespmem:$0x1FB00] =	vst v63  }
0x19f: {  	_ =	swait.ge [sflag:s18], $0x2800  }
0x1a0: {  	[sflag:s18] =	ssyncset.done $0x0  }
0x1a1: {  	s19 =	simm.s32 $0x5;
	[sflag:s18] =	ssyncadd.s32 $0xFFFFD800  }
0x1a2: {  	_ =	swait.ge [sflag:s19], $0x50  }
0x1a3: {  	[sflag:s19] =	ssyncset.done $0x0  }
0x1a4: {  	[sflag:s19] =	ssyncadd.s32 $0xFFFFFFB0  }
0x1a5: {  	_ =	swait.ge [sflag:s19], $0x80  }
0x1a6: {  	[sflag:s19] =	ssyncset.done $0x0  }
0x1a7: {  	s20 =	simm.s32 $0x2280;
	s21 =	simm.s32 $0xC;
	[sflag:s19] =	ssyncadd.s32 $0xFFFFFF80  }
0x1a8: {  	[tilespmem:s20], [sflag:$0x9] =	stream.indirect.gather [hbm4b:s4+s25], $0x80, s31, s25, $0xb8;
	[tilespmem:$0x1FB00] =	vst v63  }
0x1a9: {  	_ =	swait.ge [sflag:s21], $0x2800  }
0x1aa: {  	[sflag:s21] =	ssyncset.done $0x0  }
0x1ab: {  	s22 =	simm.s32 $0xE;
	[sflag:s21] =	ssyncadd.s32 $0xFFFFD800  }
0x1ac: {  	[spmem:s29] =	stream.indirect.scatter.add.f32 [tilespmem:s0], [sflag:$0x10], $0x80, s8, s25, $0xb8;
	[tilespmem:$0x1FB00] =	vst v63  }
0x1ad: {  	_ =	swait.ge [sflag:s22], $0x2800  }
0x1ae: {  	[sflag:s22] =	ssyncset.done $0x0  }
0x1af: {  	s23 =	simm.s32 $0x9;
	[sflag:s22] =	ssyncadd.s32 $0xFFFFD800  }
0x1b0: {  	_ =	swait.ge [sflag:s23], $0x2800  }
0x1b1: {  	[sflag:s23] =	ssyncset.done $0x0  }
0x1b2: {  	s24 =	simm.s32 $0xF;
	[sflag:s23] =	ssyncadd.s32 $0xFFFFD800  }
0x1b3: {  	[spmem:s29] =	stream.indirect.scatter.add.f32 [tilespmem:s20], [sflag:$0xD], $0x80, s12, s25, $0xb8;
	[tilespmem:$0x1FB00] =	vst v63  }
0x1b4: {  	_ =	swait.ge [sflag:s24], $0x2800  }
0x1b5: {  	[sflag:s24] =	ssyncset.done $0x0  }
0x1b6: {  	s26 =	simm.s32 $0x10;
	[sflag:s24] =	ssyncadd.s32 $0xFFFFD800  }
0x1b7: {  	_ =	swait.ge [sflag:s26], $0x2800  }
0x1b8: {  	[sflag:s26] =	ssyncset.done $0x0  }
0x1b9: {  	[sflag:s26] =	ssyncadd.s32 $0xFFFFD800  }
0x1ba: {  	_ =	swait.ge [sflag:s18], $0x2800  }
0x1bb: {  	[sflag:s18] =	ssyncset.done $0x0  }
0x1bc: {  	[sflag:s18] =	ssyncadd.s32 $0xFFFFD800  }
0x1bd: {  	s11 =	stileid.u32;
	[bflag:$0x0] =	sbarrier.arrive $0xFFFF  }
0x1be: {  	s6 =	simm.s32 $0x5;
	s7 =	simm.s32 $0xC;
	s28 =	sld [smem:$0x7FD]  }
0x1bf: {  	s17 =	simm.s32 $0xF;
	s11 =	sshll.u32 s11, $0x6;
	s26 =	sld [smem:$0x7FB]  }
0x1c0: {  	s1 =	simm.s32 $0x10;
	s13 =	simm.s32 $0x9;
	s5 =	simm.s32 $0xD  }
.Ltmp4:
0x1c1: {  	s31 =	rddreg [dreg:$0x13];
	s15 =	sshrl.u32 s28, $0x3;
	(pc) =	sbr.rel @!p0 .LBB2_9-.Ltmp4, $4  }
0x1c2: {  	s21 =	sshrl.u32 s26, $0x3;
	s24 =	sadd.s32 s31, s15;
	s15 =	sor.u32 $0x1C11, s11  }
0x1c3: {  	[hbm:s24], [sflag:s15] =	dma.local [spmem:s21], $0x500  }
0x1c4: {  	s22 =	simm.s32 $0xB;
	s23 =	simm.s32 $0xE;
	s30 =	rddreg [dreg:$0x1a]  }
0x1c5: {  	s20 =	simm.s32 $0x11;
	s24 =	sadd.s32 $0x28000, s28;
	s21 =	sadd.s32 $0xFFFFFFFF, s30  }
.LBB2_8:
0x1c6: {  	_ =	swait.ge [sflag:s20], $0x500  }
0x1c7: {  	s26 =	sadd.s32 $0x28000, s26;
	s11 =	sshrl.u32 s24, $0x3;
	p0 =	sne.s32 s21, $0x1  }
.Ltmp5:
0x1c8: {  	s12 =	sshrl.u32 s26, $0x3;
	[sflag:s20] =	ssyncset.done $0x0;
	(pc) =	sbr.rel @p0 .LBB2_8-.Ltmp5, $4  }
0x1c9: {  	s11 =	sadd.s32 s31, s11;
	[sflag:s20] =	ssyncadd.s32 $0xFFFFFB00  }
0x1ca: {  	[hbm:s11], [sflag:s15] =	dma.local [spmem:s12], $0x500  }
0x1cb: {  	s21 =	sadd.s32 $0xFFFFFFFF, s21  }
0x1cc: {  	s24 =	sadd.s32 $0x28000, s24  }
.LBB2_9:
0x1cd: {  	_ =	swait.ge [sflag:s20], $0x500  }
0x1ce: {  	s15 =	sld [smem:$0x7FA];
	_ =	sdelay $0x2  }
0x1cf: {  	s11 =	rddreg [dreg:$0x1f];
	s15 =	sadd.s32 $0x1, s15  }
0x1d0: {  	s26 =	simm.s32 $0x280;
	p0 =	sne.s32 s15, s11  }
.Ltmp6:
0x1d1: {  	s30 =	simm.s32 $0x680;
	s31 =	simm.s32 $0xA80;
	(pc) =	sbr.rel @p0 .LBB2_1-.Ltmp6, $4  }
0x1d2: {  	s2 =	simm.s32 $0x4A80;
	s8 =	simm.s32 $0x7280;
	s14 =	simm.s32 $0x8  }
0x1d3: {  	s0 =	simm.s32 $0x1;
	s9 =	simm.s32 $0x2;
	s16 =	simm.s32 $0x3  }
0x1d4: {  	s19 =	simm.s32 $0xA;
	s28 =	simm.s32 $0x6;
	[sflag:s20] =	ssyncset.done $0x0  }
0x1d5: {  	s18 =	simm.s32 $0x7;
	[sflag:s20] =	ssyncadd.s32 $0xFFFFFB00;
	s11 =	simm.s32 $0xA0  }
0x1d6: {  	_ =	sfence.sel $0x180000  }
0x1d7: {  	[bflag:$0x0] =	sbarrier.arrive $0xFFFF  }
0x1d8: {  	_ =	strace $0x9000004A  }
0x1d9: {  	s0 =	stileid.u32;
	[bflag:$0x2] =	sbarrier.arrive $0xFFFF  }
0x1da: {  	p0 =	sne.s32 s0, $0x0;
	s0 =	rddreg [dreg:$0x2]  }
0x1db: {  	s0 =	sadd.s32 @!p0 $0x100000, s0  }
0x1dc: {  	[sflag:s0] =	ssyncadd.tile.s32 @!p0 $0x1;
	_ =	shalt  }
.Lfunc_end2:
_tile_overlayer_lowered:
.L_overlay_start_2:
0x1dd: {  	(tag) =	ssettag $0x2  }
0x1de: {  	s0 =	rddreg [dreg:$0x0];
	s2 =	stileid.u32  }
0x1df: {  	s1 =	rddreg [dreg:$0x1];
	p0 =	sne.s32 s2, $0x0  }
0x1e0: {  	s3 =	rddreg [dreg:$0x2];
	[bflag:$0x3] =	sbarrier.arrive $0xFFFF;
	s2 =	simm.s32 @!p0 $0x1C11  }
0x1e1: {  	[timem:s3], [sflag:s2] =	dma.local @!p0 [hbm:s0], s1  }
0x1e2: {  	s0 =	simm.s32 @!p0 $0x11  }
0x1e3: {  	_ =	swait.ge @!p0 [sflag:s0], s1  }
0x1e4: {  	s1 =	ssub.s32 @!p0 $0x0, s1;
	[sflag:s0] =	ssyncset.done @!p0 $0x0  }
0x1e5: {  	[sflag:s0] =	ssyncadd.s32 @!p0 s1  }
0x1e6: {  	[bflag:$0x3] =	sbarrier.arrive $0xFFFF  }
0x1e7: {  	_ =	shalt  }

</sc_bundles>
